<compile_context>
chip_gen: v7x
topology: tpu7x:2x2x1
jax: 0.10.2.dev20260603
libtpu: 0.0.44.dev20260713+nightly
codegen_flags: <defaults>
</compile_context>

<pallas_src>
import jax
import jax.numpy as jnp
from jax import lax
from jax.experimental import pallas as pl
from jax.experimental.pallas import tpu as pltpu
from jax.experimental.pallas import tpu_sc as plsc

B, TG, M = 16, 2048, 4
E2 = 128
IN = M * 2 * E2
H = IN // 2
K_OUT = 1024
NC, NS = 2, 16
NW = NC * NS
R = B * TG * M * 2
RPW = R // NW
CH = 128
NCHUNK = RPW // CH
SEL = B * K_OUT
SPW = SEL // NW
PW = 16

def _vmesh():
    return plsc.VectorSubcoreMesh(core_axis_name="c", subcore_axis_name="s",
                                  num_cores=NC, num_subcores=NS)


def _worker_id():
    return lax.axis_index("s") * NC + lax.axis_index("c")


NCK = 4
RC = R // NCK
NCH_C = RC // NW // CH


def _sc_gather_body(table_hbm, idx_hbm, out_hbm, idx_v, rows_v, sem):
    wid = _worker_id()
    base = wid * NCH_C
    pltpu.sync_copy(idx_hbm.at[pl.ds(base, NCH_C)], idx_v)
    pltpu.async_copy(table_hbm.at[idx_v.at[0]], rows_v.at[0], sem)

    def body(j, carry):
        cur = lax.rem(j, 2)
        pltpu.make_async_copy(
            table_hbm.at[idx_v.at[0]], rows_v.at[cur], sem).wait()

        @pl.when(j + 1 < NCH_C)
        def _():
            pltpu.async_copy(
                table_hbm.at[idx_v.at[j + 1]], rows_v.at[1 - cur], sem)

        pltpu.sync_copy(rows_v.at[cur], out_hbm.at[pl.ds((base + j) * CH, CH)])
        return carry

    lax.fori_loop(0, NCH_C, body, 0)


def _sc_gather(table, idx2d):
    k = pl.kernel(
        _sc_gather_body,
        out_type=jax.ShapeDtypeStruct((RC, E2), jnp.float32),
        mesh=_vmesh(),
        scratch_types=[
            pltpu.VMEM((NCH_C, CH), jnp.int32),
            pltpu.VMEM((4, CH, E2), jnp.float32),
            pltpu.SemaphoreType.DMA,
        ],
    )
    return k(table, idx2d)


def _mlp_body(flat_ref, body0_ref, maskf_ref, w1_ref, b1_ref, w2_ref, b2_ref,
              out_ref):
    a = (body0_ref[...] != 0).astype(jnp.float32)
    x = jnp.concatenate(
        [flat_ref[s] * a[:, s // 2:s // 2 + 1] for s in range(2 * M)],
        axis=1)
    acc = jnp.dot(x, w1_ref[...],
                  preferred_element_type=jnp.float32) + b1_ref[...]
    h = jnp.maximum(acc, 0.0)
    s = jnp.dot(h.astype(jnp.bfloat16), w2_ref[...].astype(jnp.bfloat16),
                preferred_element_type=jnp.float32)
    s = s + b2_ref[...]
    s = s + (maskf_ref[...] - 1.0) * 1000000000.0
    out_ref[...] = s.reshape(1, 1, TG)


def _mlp(flat_s, body0, maskf, W1, b1, W2, b2, k):
    bc = B // NCK
    return pl.pallas_call(
        _mlp_body,
        grid=(bc,),
        in_specs=[
            pl.BlockSpec((2 * M, TG, E2), lambda i: (0, i, 0)),
            pl.BlockSpec((TG, M), lambda i, k=k: (bc * k + i, 0)),
            pl.BlockSpec((TG, 1), lambda i, k=k: (bc * k + i, 0)),
            pl.BlockSpec((IN, H), lambda i: (0, 0)),
            pl.BlockSpec((1, H), lambda i: (0, 0)),
            pl.BlockSpec((H, 1), lambda i: (0, 0)),
            pl.BlockSpec((1, 1), lambda i: (0, 0)),
        ],
        out_specs=pl.BlockSpec((1, 1, TG), lambda i: (i, 0, 0)),
        out_shape=jax.ShapeDtypeStruct((bc, 1, TG), jnp.float32),
    )(flat_s, body0, maskf, W1, b1, W2, b2)


def _cmp_exchange(key, idx, l, d, n, keep_max):
    partner_hi = (l & d) != 0
    pk = jnp.where(partner_hi, pltpu.roll(key, d, 1),
                   pltpu.roll(key, n - d, 1))
    pi = jnp.where(partner_hi, pltpu.roll(idx, d, 1),
                   pltpu.roll(idx, n - d, 1))
    km = jnp.logical_xor(keep_max, partner_hi)
    i_larger = (key > pk) | ((key == pk) & (idx < pi))
    take_self = km == i_larger
    return jnp.where(take_self, key, pk), jnp.where(take_self, idx, pi)


def _topk_body(s_ref, score_ref, gidx_ref):
    key = s_ref[...]
    l = lax.broadcasted_iota(jnp.int32, (B, TG), 1)
    idx = l
    true2 = jnp.full((B, TG), True)
    for k in range(1, 11):
        for j in range(k - 1, -1, -1):
            key, idx = _cmp_exchange(key, idx, l, 1 << j, TG,
                                     (l & (1 << k)) == 0)
    key, idx = _cmp_exchange(key, idx, l, K_OUT, TG, true2)
    key, idx, l = key[:, :K_OUT], idx[:, :K_OUT], l[:, :K_OUT]
    true1 = jnp.full((B, K_OUT), True)
    for j in range(9, -1, -1):
        key, idx = _cmp_exchange(key, idx, l, 1 << j, K_OUT, true1)
    row = lax.broadcasted_iota(jnp.int32, (B, K_OUT), 0)
    score_ref[...] = key
    gidx_ref[...] = idx + TG * row


def _topk(scores):
    return pl.pallas_call(
        _topk_body,
        out_shape=(
            jax.ShapeDtypeStruct((B, K_OUT), jnp.float32),
            jax.ShapeDtypeStruct((B, K_OUT), jnp.int32),
        ),
    )(scores)


NF = 14


def _sc_select_body(pay_hbm, idx_hbm, out_hbm, idx_v, planes_v, sem):
    wid = _worker_id()
    nch = SPW // CH
    base = wid * nch
    pltpu.sync_copy(idx_hbm.at[pl.ds(base, nch)], idx_v)

    for j in range(nch):
        for f in range(NF):
            pltpu.async_copy(pay_hbm.at[f].at[idx_v.at[j]],
                             planes_v.at[f, pl.ds(j * CH, CH)], sem)
        pltpu.make_async_copy(pay_hbm.at[:, pl.ds(0, CH)],
                              planes_v.at[:, pl.ds(j * CH, CH)], sem).wait()

    pltpu.sync_copy(planes_v, out_hbm.at[:, pl.ds(wid * SPW, SPW)])


def _sc_select(pay_soa, idx2d):
    k = pl.kernel(
        _sc_select_body,
        out_type=jax.ShapeDtypeStruct((NF, SEL), jnp.int32),
        mesh=_vmesh(),
        scratch_types=[
            pltpu.VMEM((SPW // CH, CH), jnp.int32),
            pltpu.VMEM((NF, SPW), jnp.int32),
            pltpu.SemaphoreType.DMA,
        ],
        compiler_params=pltpu.CompilerParams(use_tc_tiling_on_sc=False),
    )
    return k(pay_soa, idx2d)


def kernel(body, mask, rule_idx, ent_table, W1, b1, W2, b2):
    gidx = jnp.transpose(body[..., 1:3], (2, 3, 0, 1))
    gidx = gidx.reshape(2 * M, NCK, RC // (2 * M))
    gidx = gidx.transpose(1, 0, 2).reshape(NCK, RC // CH, CH)

    body0 = body[..., 0].reshape(B * TG, M)
    maskf = mask.astype(jnp.float32).reshape(B * TG, 1)
    b1r, b2r = b1.reshape(1, H), b2.reshape(1, 1)

    score_chunks = []
    for k in range(NCK):
        flat = _sc_gather(ent_table, gidx[k])
        flat_s = flat.reshape(2 * M, RC // (2 * M), E2)
        score_chunks.append(
            _mlp(flat_s, body0, maskf, W1, b1r, W2, b2r, k))
    scores = jnp.concatenate(score_chunks, axis=0)

    top_scores, sel_idx = _topk(scores.reshape(B, TG))

    pay_soa = jnp.concatenate(
        [jnp.transpose(body, (2, 3, 0, 1)).reshape(12, B * TG),
         rule_idx.reshape(1, B * TG),
         mask.astype(jnp.int32).reshape(1, B * TG)], axis=0)
    sel = _sc_select(pay_soa, sel_idx.reshape(SEL // CH, CH))

    body_out = sel[:12].reshape(M, 3, B, K_OUT).transpose(2, 3, 0, 1)
    rule_out = sel[12].reshape(B, K_OUT)
    mask_out = sel[13].reshape(B, K_OUT).astype(jnp.bool_)
    return body_out, mask_out, rule_out, top_scores

# --- scband reference (transcript-rebuilt; emitter-appended) ---
"""Pipeline reference for scband-neural-scorer-66786741453010 (READ-ONLY COPY).

The authoritative reference and input builder live on the scoring server;
editing this copy changes nothing except your own understanding.
"""

import jax, jax.numpy as jnp
import numpy as np

B, TG, M, E = 16, 2048, 4, 256
V = 100000
OUTPUT_BUDGET = 1024
PADDING_IDX = 0
IN = M * E
H = IN // 2


def setup_inputs(seed: int = 0) -> dict:
    key = jax.random.key(seed)
    ks = jax.random.split(key, 8)
    body = jax.random.randint(ks[0], (B, TG, M, 3), 0, V, dtype=jnp.int32)
    mask = jax.random.randint(ks[1], (B, TG), 0, 2, dtype=jnp.int32).astype(jnp.bool_)
    rule_idx = jax.random.randint(ks[2], (B, TG), 0, 100, dtype=jnp.int32)
    # kge_model: entity table, embed_atoms(subjs, objs) = concat(ent[subjs], ent[objs]) -> [N, E]
    ent_table = jax.random.normal(ks[3], (V, E // 2), dtype=jnp.float32) * 0.02
    # GroundingAttention MLP: Linear(IN, H) -> ReLU -> Linear(H, 1)
    W1 = jax.random.normal(ks[4], (IN, H), dtype=jnp.float32) * (1.0 / np.sqrt(IN))
    b1 = jnp.zeros((H,), dtype=jnp.float32)
    W2 = jax.random.normal(ks[5], (H, 1), dtype=jnp.float32) * (1.0 / np.sqrt(H))
    b2 = jnp.zeros((1,), dtype=jnp.float32)
    return {"body": body, "mask": mask, "rule_idx": rule_idx,
            "ent_table": ent_table, "W1": W1, "b1": b1, "W2": W2, "b2": b2}


def reference(body, mask, rule_idx, ent_table, W1, b1, W2, b2):
    # body[..., 0] = predicate id (padding check), body[..., 1] = subj, body[..., 2] = obj
    body_active = (body[..., 0] != PADDING_IDX)
    subj = body[..., 1].reshape(-1)
    obj = body[..., 2].reshape(-1)
    e_s = jnp.take(ent_table, subj, axis=0)
    e_o = jnp.take(ent_table, obj, axis=0)
    emb = jnp.concatenate([e_s, e_o], axis=-1).reshape(B, TG, M, E)
    emb = emb * body_active[..., None].astype(jnp.float32)
    flat = emb.reshape(B * TG, IN)
    h = jax.nn.relu(flat @ W1 + b1)
    scores = (h @ W2 + b2).reshape(B, TG)
    scores = scores + (mask.astype(jnp.float32) - 1.0) * 1000000000.0
    # _topk_select: keep top output_budget groundings per batch row
    top_scores, top_idx = jax.lax.top_k(scores, OUTPUT_BUDGET)
    body_out = jnp.take_along_axis(body, top_idx[:, :, None, None], axis=1)
    mask_out = jnp.take_along_axis(mask, top_idx, axis=1)
    rule_out = jnp.take_along_axis(rule_idx, top_idx, axis=1)
    return body_out, mask_out, rule_out, top_scores

if __name__ == "__main__":
    import jax
    _d = setup_inputs()
    print(jax.jit(kernel)(*tuple(_d.values())))

</pallas_src>

<mosaic_0001>
#map = affine_map<(d0, d1) -> (0, 0)>
module attributes {stable_mosaic.version = 14 : i64} {
  func.func @_sc_gather_body(%arg0: i32, %arg1: i32, %arg2: memref<100000x128xf32, #tpu.memory_space<hbm>>, %arg3: memref<512x128xi32, #tpu.memory_space<hbm>>, %arg4: memref<65536x128xf32, #tpu.memory_space<hbm>>, %arg5: memref<16x128xi32, #tpu.memory_space<vmem>>, %arg6: memref<4x128x128xf32, #tpu.memory_space<vmem>>, %arg7: memref<!tpu.dma_semaphore, #tpu.memory_space<semaphore_mem>>) attributes {dimension_semantics = [#tpu.dimension_semantics<core_parallel>, #tpu.dimension_semantics<subcore_parallel>], iteration_bounds = array<i64: 2, 16>, scalar_prefetch = 0 : i64, scratch_operands = 3 : i64, tpu.core_type = #tpu.core_type<sc_vector_subcore>, window_params = [{transform_indices = #map}, {transform_indices = #map}, {transform_indices = #map}]} {
    %mul3A = arith.constant 2 : i32
    %mul3A_0 = arith.muli %arg1, %mul3A : i32
    %add3A = arith.addi %mul3A_0, %arg0 : i32
    %mul3A_1 = arith.constant 16 : i32
    %mul3A_2 = arith.muli %add3A, %mul3A_1 : i32
    "tpu.region"() ({
      %run_scoped3A = tpu.sem_alloc : memref<!tpu.dma_semaphore, #tpu.memory_space<semaphore_mem>>
      %dma_start3A_19 = arith.constant 0 : i32
      %dma_start3A_20 = tpu.memref_slice %arg3[%mul3A_2, %dma_start3A_19] : memref<512x128xi32, #tpu.memory_space<hbm>> -> memref<16x128xi32, #tpu.memory_space<hbm>>
      %dma_start3A_21 = arith.constant 0 : i32
      %dma_start3A_22 = tpu.memref_slice %arg3[%mul3A_2, %dma_start3A_21] : memref<512x128xi32, #tpu.memory_space<hbm>> -> memref<16x128xi32, #tpu.memory_space<hbm>>
      tpu.enqueue_dma source(%dma_start3A_22 : memref<16x128xi32, #tpu.memory_space<hbm>>) target(%arg5 : memref<16x128xi32, #tpu.memory_space<vmem>>) target_semaphore(%run_scoped3A : memref<!tpu.dma_semaphore, #tpu.memory_space<semaphore_mem>>)
      %dma_wait3A = arith.constant 0 : i32
      %dma_wait3A_23 = tpu.memref_slice %arg3[%mul3A_2, %dma_wait3A] : memref<512x128xi32, #tpu.memory_space<hbm>> -> memref<16x128xi32, #tpu.memory_space<hbm>>
      %dma_wait3A_24 = arith.constant 0 : i32
      %dma_wait3A_25 = tpu.memref_slice %arg3[%mul3A_2, %dma_wait3A_24] : memref<512x128xi32, #tpu.memory_space<hbm>> -> memref<16x128xi32, #tpu.memory_space<hbm>>
      tpu.wait_dma2 semaphore(%run_scoped3A : memref<!tpu.dma_semaphore, #tpu.memory_space<semaphore_mem>>) src(%dma_wait3A_25 : memref<16x128xi32, #tpu.memory_space<hbm>>) dst(%arg5 : memref<16x128xi32, #tpu.memory_space<vmem>>)
      tpu.yield
    }) : () -> ()
    %dma_start3A = arith.constant 0 : i32
    %dma_start3A_3 = arith.constant 0 : i32
    %dma_start3A_4 = arith.constant 0 : i32
    %dma_start3A_5 = arith.constant 0 : i32
    %dma_start3A_6 = tpu.memref_slice %arg6[%dma_start3A_3, %dma_start3A_4, %dma_start3A_5] : memref<4x128x128xf32, #tpu.memory_space<vmem>> -> memref<1x128x128xf32, #tpu.memory_space<vmem>>
    %dma_start3A_7 = tpu.memref_squeeze %dma_start3A_6 : memref<1x128x128xf32, #tpu.memory_space<vmem>> -> memref<128x128xf32, #tpu.memory_space<vmem>>
    %dma_start3A_8 = arith.constant 0 : i32
    %dma_start3A_9 = tpu.memref_slice %arg5[%dma_start3A, %dma_start3A_8] : memref<16x128xi32, #tpu.memory_space<vmem>> -> memref<1x128xi32, #tpu.memory_space<vmem>>
    %dma_start3A_10 = tpu.memref_squeeze %dma_start3A_9 : memref<1x128xi32, #tpu.memory_space<vmem>> -> memref<128xi32, #tpu.memory_space<vmem>>
    %dma_start3A_11 = arith.constant 0 : i32
    %dma_start3A_12 = arith.constant 0 : i32
    %dma_start3A_13 = tpu.memref_slice %arg2[%dma_start3A_11, %dma_start3A_12] : memref<100000x128xf32, #tpu.memory_space<hbm>> -> memref<100000x128xf32, #tpu.memory_space<hbm>>
    tpu.enqueue_indirect_dma source(%dma_start3A_13 : memref<100000x128xf32, #tpu.memory_space<hbm>>) target(%dma_start3A_7 : memref<128x128xf32, #tpu.memory_space<vmem>>) offsets(%dma_start3A_10 : memref<128xi32, #tpu.memory_space<vmem>>) semaphore(%arg7 : memref<!tpu.dma_semaphore, #tpu.memory_space<semaphore_mem>>)
    %scan3A = arith.constant 0 : i32
    %scan3A_14 = arith.constant 0 : i32
    %scan3A_15 = arith.constant 16 : i32
    %scan3A_16 = arith.addi %scan3A_14, %scan3A_15 : i32
    %scan3A_17 = arith.constant 1 : i32
    scf.for %scan3A_19 = %scan3A_14 to %scan3A_16 step %scan3A_17  : i32 {
      %rem3A = arith.constant 2 : i32
      %rem3A_20 = arith.remsi %scan3A_19, %rem3A : i32
      %dma_wait3A = arith.constant 0 : i32
      %dma_wait3A_21 = arith.constant 0 : i32
      %dma_wait3A_22 = arith.constant 0 : i32
      %dma_wait3A_23 = tpu.memref_slice %arg6[%rem3A_20, %dma_wait3A_21, %dma_wait3A_22] : memref<4x128x128xf32, #tpu.memory_space<vmem>> -> memref<1x128x128xf32, #tpu.memory_space<vmem>>
      %dma_wait3A_24 = tpu.memref_squeeze %dma_wait3A_23 : memref<1x128x128xf32, #tpu.memory_space<vmem>> -> memref<128x128xf32, #tpu.memory_space<vmem>>
      %dma_wait3A_25 = arith.constant 0 : i32
      %dma_wait3A_26 = tpu.memref_slice %arg5[%dma_wait3A, %dma_wait3A_25] : memref<16x128xi32, #tpu.memory_space<vmem>> -> memref<1x128xi32, #tpu.memory_space<vmem>>
      %dma_wait3A_27 = tpu.memref_squeeze %dma_wait3A_26 : memref<1x128xi32, #tpu.memory_space<vmem>> -> memref<128xi32, #tpu.memory_space<vmem>>
      %dma_wait3A_28 = arith.constant 0 : i32
      %dma_wait3A_29 = arith.constant 0 : i32
      %dma_wait3A_30 = tpu.memref_slice %arg2[%dma_wait3A_28, %dma_wait3A_29] : memref<100000x128xf32, #tpu.memory_space<hbm>> -> memref<100000x128xf32, #tpu.memory_space<hbm>>
      tpu.wait_indirect_dma semaphore(%arg7 : memref<!tpu.dma_semaphore, #tpu.memory_space<semaphore_mem>>) src(%dma_wait3A_30 : memref<100000x128xf32, #tpu.memory_space<hbm>>) dst(%dma_wait3A_24 : memref<128x128xf32, #tpu.memory_space<vmem>>)
      %add3A_31 = arith.constant 1 : i32
      %add3A_32 = arith.addi %scan3A_19, %add3A_31 : i32
      %lt3A = arith.constant 16 : i32
      %lt3A_33 = arith.cmpi slt, %add3A_32, %lt3A : i32
      %convert_element_type3A = arith.extui %lt3A_33 : i1 to i32
      %cond3A = arith.constant 0 : i32
      %cond3A_34 = arith.cmpi ne, %convert_element_type3A, %cond3A : i32
      scf.if %cond3A_34 {
        %add3A_38 = arith.constant 1 : i32
        %add3A_39 = arith.addi %scan3A_19, %add3A_38 : i32
        %sub3A = arith.constant 1 : i32
        %sub3A_40 = arith.subi %sub3A, %rem3A_20 : i32
        %dma_start3A_41 = arith.constant 0 : i32
        %dma_start3A_42 = arith.constant 0 : i32
        %dma_start3A_43 = tpu.memref_slice %arg6[%sub3A_40, %dma_start3A_41, %dma_start3A_42] : memref<4x128x128xf32, #tpu.memory_space<vmem>> -> memref<1x128x128xf32, #tpu.memory_space<vmem>>
        %dma_start3A_44 = tpu.memref_squeeze %dma_start3A_43 : memref<1x128x128xf32, #tpu.memory_space<vmem>> -> memref<128x128xf32, #tpu.memory_space<vmem>>
        %dma_start3A_45 = arith.constant 0 : i32
        %dma_start3A_46 = tpu.memref_slice %arg5[%add3A_39, %dma_start3A_45] : memref<16x128xi32, #tpu.memory_space<vmem>> -> memref<1x128xi32, #tpu.memory_space<vmem>>
        %dma_start3A_47 = tpu.memref_squeeze %dma_start3A_46 : memref<1x128xi32, #tpu.memory_space<vmem>> -> memref<128xi32, #tpu.memory_space<vmem>>
        %dma_start3A_48 = arith.constant 0 : i32
        %dma_start3A_49 = arith.constant 0 : i32
        %dma_start3A_50 = tpu.memref_slice %arg2[%dma_start3A_48, %dma_start3A_49] : memref<100000x128xf32, #tpu.memory_space<hbm>> -> memref<100000x128xf32, #tpu.memory_space<hbm>>
        tpu.enqueue_indirect_dma source(%dma_start3A_50 : memref<100000x128xf32, #tpu.memory_space<hbm>>) target(%dma_start3A_44 : memref<128x128xf32, #tpu.memory_space<vmem>>) offsets(%dma_start3A_47 : memref<128xi32, #tpu.memory_space<vmem>>) semaphore(%arg7 : memref<!tpu.dma_semaphore, #tpu.memory_space<semaphore_mem>>)
      } else {
      }
      %add3A_35 = arith.addi %mul3A_2, %scan3A_19 : i32
      %mul3A_36 = arith.constant 128 : i32
      %mul3A_37 = arith.muli %add3A_35, %mul3A_36 : i32
      "tpu.region"() ({
        %run_scoped3A = tpu.sem_alloc : memref<!tpu.dma_semaphore, #tpu.memory_space<semaphore_mem>>
        %dma_start3A_38 = arith.constant 0 : i32
        %dma_start3A_39 = arith.constant 0 : i32
        %dma_start3A_40 = tpu.memref_slice %arg6[%rem3A_20, %dma_start3A_38, %dma_start3A_39] : memref<4x128x128xf32, #tpu.memory_space<vmem>> -> memref<1x128x128xf32, #tpu.memory_space<vmem>>
        %dma_start3A_41 = tpu.memref_squeeze %dma_start3A_40 : memref<1x128x128xf32, #tpu.memory_space<vmem>> -> memref<128x128xf32, #tpu.memory_space<vmem>>
        %dma_start3A_42 = arith.constant 0 : i32
        %dma_start3A_43 = tpu.memref_slice %arg4[%mul3A_37, %dma_start3A_42] : memref<65536x128xf32, #tpu.memory_space<hbm>> -> memref<128x128xf32, #tpu.memory_space<hbm>>
        %dma_start3A_44 = arith.constant 0 : i32
        %dma_start3A_45 = tpu.memref_slice %arg4[%mul3A_37, %dma_start3A_44] : memref<65536x128xf32, #tpu.memory_space<hbm>> -> memref<128x128xf32, #tpu.memory_space<hbm>>
        %dma_start3A_46 = arith.constant 0 : i32
        %dma_start3A_47 = arith.constant 0 : i32
        %dma_start3A_48 = tpu.memref_slice %arg6[%rem3A_20, %dma_start3A_46, %dma_start3A_47] : memref<4x128x128xf32, #tpu.memory_space<vmem>> -> memref<1x128x128xf32, #tpu.memory_space<vmem>>
        %dma_start3A_49 = tpu.memref_squeeze %dma_start3A_48 : memref<1x128x128xf32, #tpu.memory_space<vmem>> -> memref<128x128xf32, #tpu.memory_space<vmem>>
        tpu.enqueue_dma source(%dma_start3A_49 : memref<128x128xf32, #tpu.memory_space<vmem>>) target(%dma_start3A_45 : memref<128x128xf32, #tpu.memory_space<hbm>>) target_semaphore(%run_scoped3A : memref<!tpu.dma_semaphore, #tpu.memory_space<semaphore_mem>>)
        %dma_wait3A_50 = arith.constant 0 : i32
        %dma_wait3A_51 = arith.constant 0 : i32
        %dma_wait3A_52 = tpu.memref_slice %arg6[%rem3A_20, %dma_wait3A_50, %dma_wait3A_51] : memref<4x128x128xf32, #tpu.memory_space<vmem>> -> memref<1x128x128xf32, #tpu.memory_space<vmem>>
        %dma_wait3A_53 = tpu.memref_squeeze %dma_wait3A_52 : memref<1x128x128xf32, #tpu.memory_space<vmem>> -> memref<128x128xf32, #tpu.memory_space<vmem>>
        %dma_wait3A_54 = arith.constant 0 : i32
        %dma_wait3A_55 = tpu.memref_slice %arg4[%mul3A_37, %dma_wait3A_54] : memref<65536x128xf32, #tpu.memory_space<hbm>> -> memref<128x128xf32, #tpu.memory_space<hbm>>
        %dma_wait3A_56 = arith.constant 0 : i32
        %dma_wait3A_57 = tpu.memref_slice %arg4[%mul3A_37, %dma_wait3A_56] : memref<65536x128xf32, #tpu.memory_space<hbm>> -> memref<128x128xf32, #tpu.memory_space<hbm>>
        %dma_wait3A_58 = arith.constant 0 : i32
        %dma_wait3A_59 = arith.constant 0 : i32
        %dma_wait3A_60 = tpu.memref_slice %arg6[%rem3A_20, %dma_wait3A_58, %dma_wait3A_59] : memref<4x128x128xf32, #tpu.memory_space<vmem>> -> memref<1x128x128xf32, #tpu.memory_space<vmem>>
        %dma_wait3A_61 = tpu.memref_squeeze %dma_wait3A_60 : memref<1x128x128xf32, #tpu.memory_space<vmem>> -> memref<128x128xf32, #tpu.memory_space<vmem>>
        tpu.wait_dma2 semaphore(%run_scoped3A : memref<!tpu.dma_semaphore, #tpu.memory_space<semaphore_mem>>) src(%dma_wait3A_61 : memref<128x128xf32, #tpu.memory_space<vmem>>) dst(%dma_wait3A_57 : memref<128x128xf32, #tpu.memory_space<hbm>>)
        tpu.yield
      }) : () -> ()
    }
    %scan3A_18 = arith.constant 16 : i32
    return
  }
}

#map = affine_map<(d0, d1) -> (0, 0)>
module attributes {stable_mosaic.version = 14 : i64} {
  func.func @_sc_gather_body(%arg0: i32, %arg1: i32, %arg2: memref<100000x128xf32, #tpu.memory_space<hbm>>, %arg3: memref<512x128xi32, #tpu.memory_space<hbm>>, %arg4: memref<65536x128xf32, #tpu.memory_space<hbm>>, %arg5: memref<16x128xi32, #tpu.memory_space<vmem>>, %arg6: memref<4x128x128xf32, #tpu.memory_space<vmem>>, %arg7: memref<!tpu.dma_semaphore, #tpu.memory_space<semaphore_mem>>) attributes {dimension_semantics = [#tpu.dimension_semantics<core_parallel>, #tpu.dimension_semantics<subcore_parallel>], iteration_bounds = array<i64: 2, 16>, scalar_prefetch = 0 : i64, scratch_operands = 3 : i64, tpu.core_type = #tpu.core_type<sc_vector_subcore>, window_params = [{transform_indices = #map}, {transform_indices = #map}, {transform_indices = #map}]} {
    %mul3A = arith.constant 2 : i32
    %mul3A_0 = arith.muli %arg1, %mul3A : i32
    %add3A = arith.addi %mul3A_0, %arg0 : i32
    %mul3A_1 = arith.constant 16 : i32
    %mul3A_2 = arith.muli %add3A, %mul3A_1 : i32
    "tpu.region"() ({
      %run_scoped3A = tpu.sem_alloc : memref<!tpu.dma_semaphore, #tpu.memory_space<semaphore_mem>>
      %dma_start3A_19 = arith.constant 0 : i32
      %dma_start3A_20 = tpu.memref_slice %arg3[%mul3A_2, %dma_start3A_19] : memref<512x128xi32, #tpu.memory_space<hbm>> -> memref<16x128xi32, #tpu.memory_space<hbm>>
      %dma_start3A_21 = arith.constant 0 : i32
      %dma_start3A_22 = tpu.memref_slice %arg3[%mul3A_2, %dma_start3A_21] : memref<512x128xi32, #tpu.memory_space<hbm>> -> memref<16x128xi32, #tpu.memory_space<hbm>>
      tpu.enqueue_dma source(%dma_start3A_22 : memref<16x128xi32, #tpu.memory_space<hbm>>) target(%arg5 : memref<16x128xi32, #tpu.memory_space<vmem>>) target_semaphore(%run_scoped3A : memref<!tpu.dma_semaphore, #tpu.memory_space<semaphore_mem>>)
      %dma_wait3A = arith.constant 0 : i32
      %dma_wait3A_23 = tpu.memref_slice %arg3[%mul3A_2, %dma_wait3A] : memref<512x128xi32, #tpu.memory_space<hbm>> -> memref<16x128xi32, #tpu.memory_space<hbm>>
      %dma_wait3A_24 = arith.constant 0 : i32
      %dma_wait3A_25 = tpu.memref_slice %arg3[%mul3A_2, %dma_wait3A_24] : memref<512x128xi32, #tpu.memory_space<hbm>> -> memref<16x128xi32, #tpu.memory_space<hbm>>
      tpu.wait_dma2 semaphore(%run_scoped3A : memref<!tpu.dma_semaphore, #tpu.memory_space<semaphore_mem>>) src(%dma_wait3A_25 : memref<16x128xi32, #tpu.memory_space<hbm>>) dst(%arg5 : memref<16x128xi32, #tpu.memory_space<vmem>>)
      tpu.yield
    }) : () -> ()
    %dma_start3A = arith.constant 0 : i32
    %dma_start3A_3 = arith.constant 0 : i32
    %dma_start3A_4 = arith.constant 0 : i32
    %dma_start3A_5 = arith.constant 0 : i32
    %dma_start3A_6 = tpu.memref_slice %arg6[%dma_start3A_3, %dma_start3A_4, %dma_start3A_5] : memref<4x128x128xf32, #tpu.memory_space<vmem>> -> memref<1x128x128xf32, #tpu.memory_space<vmem>>
    %dma_start3A_7 = tpu.memref_squeeze %dma_start3A_6 : memref<1x128x128xf32, #tpu.memory_space<vmem>> -> memref<128x128xf32, #tpu.memory_space<vmem>>
    %dma_start3A_8 = arith.constant 0 : i32
    %dma_start3A_9 = tpu.memref_slice %arg5[%dma_start3A, %dma_start3A_8] : memref<16x128xi32, #tpu.memory_space<vmem>> -> memref<1x128xi32, #tpu.memory_space<vmem>>
    %dma_start3A_10 = tpu.memref_squeeze %dma_start3A_9 : memref<1x128xi32, #tpu.memory_space<vmem>> -> memref<128xi32, #tpu.memory_space<vmem>>
    %dma_start3A_11 = arith.constant 0 : i32
    %dma_start3A_12 = arith.constant 0 : i32
    %dma_start3A_13 = tpu.memref_slice %arg2[%dma_start3A_11, %dma_start3A_12] : memref<100000x128xf32, #tpu.memory_space<hbm>> -> memref<100000x128xf32, #tpu.memory_space<hbm>>
    tpu.enqueue_indirect_dma source(%dma_start3A_13 : memref<100000x128xf32, #tpu.memory_space<hbm>>) target(%dma_start3A_7 : memref<128x128xf32, #tpu.memory_space<vmem>>) offsets(%dma_start3A_10 : memref<128xi32, #tpu.memory_space<vmem>>) semaphore(%arg7 : memref<!tpu.dma_semaphore, #tpu.memory_space<semaphore_mem>>)
    %scan3A = arith.constant 0 : i32
    %scan3A_14 = arith.constant 0 : i32
    %scan3A_15 = arith.constant 16 : i32
    %scan3A_16 = arith.addi %scan3A_14, %scan3A_15 : i32
    %scan3A_17 = arith.constant 1 : i32
    scf.for %scan3A_19 = %scan3A_14 to %scan3A_16 step %scan3A_17  : i32 {
      %rem3A = arith.constant 2 : i32
      %rem3A_20 = arith.remsi %scan3A_19, %rem3A : i32
      %dma_wait3A = arith.constant 0 : i32
      %dma_wait3A_21 = arith.constant 0 : i32
      %dma_wait3A_22 = arith.constant 0 : i32
      %dma_wait3A_23 = tpu.memref_slice %arg6[%rem3A_20, %dma_wait3A_21, %dma_wait3A_22] : memref<4x128x128xf32, #tpu.memory_space<vmem>> -> memref<1x128x128xf32, #tpu.memory_space<vmem>>
      %dma_wait3A_24 = tpu.memref_squeeze %dma_wait3A_23 : memref<1x128x128xf32, #tpu.memory_space<vmem>> -> memref<128x128xf32, #tpu.memory_space<vmem>>
      %dma_wait3A_25 = arith.constant 0 : i32
      %dma_wait3A_26 = tpu.memref_slice %arg5[%dma_wait3A, %dma_wait3A_25] : memref<16x128xi32, #tpu.memory_space<vmem>> -> memref<1x128xi32, #tpu.memory_space<vmem>>
      %dma_wait3A_27 = tpu.memref_squeeze %dma_wait3A_26 : memref<1x128xi32, #tpu.memory_space<vmem>> -> memref<128xi32, #tpu.memory_space<vmem>>
      %dma_wait3A_28 = arith.constant 0 : i32
      %dma_wait3A_29 = arith.constant 0 : i32
      %dma_wait3A_30 = tpu.memref_slice %arg2[%dma_wait3A_28, %dma_wait3A_29] : memref<100000x128xf32, #tpu.memory_space<hbm>> -> memref<100000x128xf32, #tpu.memory_space<hbm>>
      tpu.wait_indirect_dma semaphore(%arg7 : memref<!tpu.dma_semaphore, #tpu.memory_space<semaphore_mem>>) src(%dma_wait3A_30 : memref<100000x128xf32, #tpu.memory_space<hbm>>) dst(%dma_wait3A_24 : memref<128x128xf32, #tpu.memory_space<vmem>>)
      %add3A_31 = arith.constant 1 : i32
      %add3A_32 = arith.addi %scan3A_19, %add3A_31 : i32
      %lt3A = arith.constant 16 : i32
      %lt3A_33 = arith.cmpi slt, %add3A_32, %lt3A : i32
      %convert_element_type3A = arith.extui %lt3A_33 : i1 to i32
      %cond3A = arith.constant 0 : i32
      %cond3A_34 = arith.cmpi ne, %convert_element_type3A, %cond3A : i32
      scf.if %cond3A_34 {
        %add3A_38 = arith.constant 1 : i32
        %add3A_39 = arith.addi %scan3A_19, %add3A_38 : i32
        %sub3A = arith.constant 1 : i32
        %sub3A_40 = arith.subi %sub3A, %rem3A_20 : i32
        %dma_start3A_41 = arith.constant 0 : i32
        %dma_start3A_42 = arith.constant 0 : i32
        %dma_start3A_43 = tpu.memref_slice %arg6[%sub3A_40, %dma_start3A_41, %dma_start3A_42] : memref<4x128x128xf32, #tpu.memory_space<vmem>> -> memref<1x128x128xf32, #tpu.memory_space<vmem>>
        %dma_start3A_44 = tpu.memref_squeeze %dma_start3A_43 : memref<1x128x128xf32, #tpu.memory_space<vmem>> -> memref<128x128xf32, #tpu.memory_space<vmem>>
        %dma_start3A_45 = arith.constant 0 : i32
        %dma_start3A_46 = tpu.memref_slice %arg5[%add3A_39, %dma_start3A_45] : memref<16x128xi32, #tpu.memory_space<vmem>> -> memref<1x128xi32, #tpu.memory_space<vmem>>
        %dma_start3A_47 = tpu.memref_squeeze %dma_start3A_46 : memref<1x128xi32, #tpu.memory_space<vmem>> -> memref<128xi32, #tpu.memory_space<vmem>>
        %dma_start3A_48 = arith.constant 0 : i32
        %dma_start3A_49 = arith.constant 0 : i32
        %dma_start3A_50 = tpu.memref_slice %arg2[%dma_start3A_48, %dma_start3A_49] : memref<100000x128xf32, #tpu.memory_space<hbm>> -> memref<100000x128xf32, #tpu.memory_space<hbm>>
        tpu.enqueue_indirect_dma source(%dma_start3A_50 : memref<100000x128xf32, #tpu.memory_space<hbm>>) target(%dma_start3A_44 : memref<128x128xf32, #tpu.memory_space<vmem>>) offsets(%dma_start3A_47 : memref<128xi32, #tpu.memory_space<vmem>>) semaphore(%arg7 : memref<!tpu.dma_semaphore, #tpu.memory_space<semaphore_mem>>)
      } else {
      }
      %add3A_35 = arith.addi %mul3A_2, %scan3A_19 : i32
      %mul3A_36 = arith.constant 128 : i32
      %mul3A_37 = arith.muli %add3A_35, %mul3A_36 : i32
      "tpu.region"() ({
        %run_scoped3A = tpu.sem_alloc : memref<!tpu.dma_semaphore, #tpu.memory_space<semaphore_mem>>
        %dma_start3A_38 = arith.constant 0 : i32
        %dma_start3A_39 = arith.constant 0 : i32
        %dma_start3A_40 = tpu.memref_slice %arg6[%rem3A_20, %dma_start3A_38, %dma_start3A_39] : memref<4x128x128xf32, #tpu.memory_space<vmem>> -> memref<1x128x128xf32, #tpu.memory_space<vmem>>
        %dma_start3A_41 = tpu.memref_squeeze %dma_start3A_40 : memref<1x128x128xf32, #tpu.memory_space<vmem>> -> memref<128x128xf32, #tpu.memory_space<vmem>>
        %dma_start3A_42 = arith.constant 0 : i32
        %dma_start3A_43 = tpu.memref_slice %arg4[%mul3A_37, %dma_start3A_42] : memref<65536x128xf32, #tpu.memory_space<hbm>> -> memref<128x128xf32, #tpu.memory_space<hbm>>
        %dma_start3A_44 = arith.constant 0 : i32
        %dma_start3A_45 = tpu.memref_slice %arg4[%mul3A_37, %dma_start3A_44] : memref<65536x128xf32, #tpu.memory_space<hbm>> -> memref<128x128xf32, #tpu.memory_space<hbm>>
        %dma_start3A_46 = arith.constant 0 : i32
        %dma_start3A_47 = arith.constant 0 : i32
        %dma_start3A_48 = tpu.memref_slice %arg6[%rem3A_20, %dma_start3A_46, %dma_start3A_47] : memref<4x128x128xf32, #tpu.memory_space<vmem>> -> memref<1x128x128xf32, #tpu.memory_space<vmem>>
        %dma_start3A_49 = tpu.memref_squeeze %dma_start3A_48 : memref<1x128x128xf32, #tpu.memory_space<vmem>> -> memref<128x128xf32, #tpu.memory_space<vmem>>
        tpu.enqueue_dma source(%dma_start3A_49 : memref<128x128xf32, #tpu.memory_space<vmem>>) target(%dma_start3A_45 : memref<128x128xf32, #tpu.memory_space<hbm>>) target_semaphore(%run_scoped3A : memref<!tpu.dma_semaphore, #tpu.memory_space<semaphore_mem>>)
        %dma_wait3A_50 = arith.constant 0 : i32
        %dma_wait3A_51 = arith.constant 0 : i32
        %dma_wait3A_52 = tpu.memref_slice %arg6[%rem3A_20, %dma_wait3A_50, %dma_wait3A_51] : memref<4x128x128xf32, #tpu.memory_space<vmem>> -> memref<1x128x128xf32, #tpu.memory_space<vmem>>
        %dma_wait3A_53 = tpu.memref_squeeze %dma_wait3A_52 : memref<1x128x128xf32, #tpu.memory_space<vmem>> -> memref<128x128xf32, #tpu.memory_space<vmem>>
        %dma_wait3A_54 = arith.constant 0 : i32
        %dma_wait3A_55 = tpu.memref_slice %arg4[%mul3A_37, %dma_wait3A_54] : memref<65536x128xf32, #tpu.memory_space<hbm>> -> memref<128x128xf32, #tpu.memory_space<hbm>>
        %dma_wait3A_56 = arith.constant 0 : i32
        %dma_wait3A_57 = tpu.memref_slice %arg4[%mul3A_37, %dma_wait3A_56] : memref<65536x128xf32, #tpu.memory_space<hbm>> -> memref<128x128xf32, #tpu.memory_space<hbm>>
        %dma_wait3A_58 = arith.constant 0 : i32
        %dma_wait3A_59 = arith.constant 0 : i32
        %dma_wait3A_60 = tpu.memref_slice %arg6[%rem3A_20, %dma_wait3A_58, %dma_wait3A_59] : memref<4x128x128xf32, #tpu.memory_space<vmem>> -> memref<1x128x128xf32, #tpu.memory_space<vmem>>
        %dma_wait3A_61 = tpu.memref_squeeze %dma_wait3A_60 : memref<1x128x128xf32, #tpu.memory_space<vmem>> -> memref<128x128xf32, #tpu.memory_space<vmem>>
        tpu.wait_dma2 semaphore(%run_scoped3A : memref<!tpu.dma_semaphore, #tpu.memory_space<semaphore_mem>>) src(%dma_wait3A_61 : memref<128x128xf32, #tpu.memory_space<vmem>>) dst(%dma_wait3A_57 : memref<128x128xf32, #tpu.memory_space<hbm>>)
        tpu.yield
      }) : () -> ()
    }
    %scan3A_18 = arith.constant 16 : i32
    return
  }
}

#map = affine_map<(d0, d1) -> (0, 0)>
module attributes {stable_mosaic.version = 14 : i64} {
  func.func @_sc_gather_body(%arg0: i32, %arg1: i32, %arg2: memref<100000x128xf32, #tpu.memory_space<hbm>>, %arg3: memref<512x128xi32, #tpu.memory_space<hbm>>, %arg4: memref<65536x128xf32, #tpu.memory_space<hbm>>, %arg5: memref<16x128xi32, #tpu.memory_space<vmem>>, %arg6: memref<4x128x128xf32, #tpu.memory_space<vmem>>, %arg7: memref<!tpu.dma_semaphore, #tpu.memory_space<semaphore_mem>>) attributes {dimension_semantics = [#tpu.dimension_semantics<core_parallel>, #tpu.dimension_semantics<subcore_parallel>], iteration_bounds = array<i64: 2, 16>, scalar_prefetch = 0 : i64, scratch_operands = 3 : i64, tpu.core_type = #tpu.core_type<sc_vector_subcore>, window_params = [{transform_indices = #map}, {transform_indices = #map}, {transform_indices = #map}]} {
    %mul3A = arith.constant 2 : i32
    %mul3A_0 = arith.muli %arg1, %mul3A : i32
    %add3A = arith.addi %mul3A_0, %arg0 : i32
    %mul3A_1 = arith.constant 16 : i32
    %mul3A_2 = arith.muli %add3A, %mul3A_1 : i32
    "tpu.region"() ({
      %run_scoped3A = tpu.sem_alloc : memref<!tpu.dma_semaphore, #tpu.memory_space<semaphore_mem>>
      %dma_start3A_19 = arith.constant 0 : i32
      %dma_start3A_20 = tpu.memref_slice %arg3[%mul3A_2, %dma_start3A_19] : memref<512x128xi32, #tpu.memory_space<hbm>> -> memref<16x128xi32, #tpu.memory_space<hbm>>
      %dma_start3A_21 = arith.constant 0 : i32
      %dma_start3A_22 = tpu.memref_slice %arg3[%mul3A_2, %dma_start3A_21] : memref<512x128xi32, #tpu.memory_space<hbm>> -> memref<16x128xi32, #tpu.memory_space<hbm>>
      tpu.enqueue_dma source(%dma_start3A_22 : memref<16x128xi32, #tpu.memory_space<hbm>>) target(%arg5 : memref<16x128xi32, #tpu.memory_space<vmem>>) target_semaphore(%run_scoped3A : memref<!tpu.dma_semaphore, #tpu.memory_space<semaphore_mem>>)
      %dma_wait3A = arith.constant 0 : i32
      %dma_wait3A_23 = tpu.memref_slice %arg3[%mul3A_2, %dma_wait3A] : memref<512x128xi32, #tpu.memory_space<hbm>> -> memref<16x128xi32, #tpu.memory_space<hbm>>
      %dma_wait3A_24 = arith.constant 0 : i32
      %dma_wait3A_25 = tpu.memref_slice %arg3[%mul3A_2, %dma_wait3A_24] : memref<512x128xi32, #tpu.memory_space<hbm>> -> memref<16x128xi32, #tpu.memory_space<hbm>>
      tpu.wait_dma2 semaphore(%run_scoped3A : memref<!tpu.dma_semaphore, #tpu.memory_space<semaphore_mem>>) src(%dma_wait3A_25 : memref<16x128xi32, #tpu.memory_space<hbm>>) dst(%arg5 : memref<16x128xi32, #tpu.memory_space<vmem>>)
      tpu.yield
    }) : () -> ()
    %dma_start3A = arith.constant 0 : i32
    %dma_start3A_3 = arith.constant 0 : i32
    %dma_start3A_4 = arith.constant 0 : i32
    %dma_start3A_5 = arith.constant 0 : i32
    %dma_start3A_6 = tpu.memref_slice %arg6[%dma_start3A_3, %dma_start3A_4, %dma_start3A_5] : memref<4x128x128xf32, #tpu.memory_space<vmem>> -> memref<1x128x128xf32, #tpu.memory_space<vmem>>
    %dma_start3A_7 = tpu.memref_squeeze %dma_start3A_6 : memref<1x128x128xf32, #tpu.memory_space<vmem>> -> memref<128x128xf32, #tpu.memory_space<vmem>>
    %dma_start3A_8 = arith.constant 0 : i32
    %dma_start3A_9 = tpu.memref_slice %arg5[%dma_start3A, %dma_start3A_8] : memref<16x128xi32, #tpu.memory_space<vmem>> -> memref<1x128xi32, #tpu.memory_space<vmem>>
    %dma_start3A_10 = tpu.memref_squeeze %dma_start3A_9 : memref<1x128xi32, #tpu.memory_space<vmem>> -> memref<128xi32, #tpu.memory_space<vmem>>
    %dma_start3A_11 = arith.constant 0 : i32
    %dma_start3A_12 = arith.constant 0 : i32
    %dma_start3A_13 = tpu.memref_slice %arg2[%dma_start3A_11, %dma_start3A_12] : memref<100000x128xf32, #tpu.memory_space<hbm>> -> memref<100000x128xf32, #tpu.memory_space<hbm>>
    tpu.enqueue_indirect_dma source(%dma_start3A_13 : memref<100000x128xf32, #tpu.memory_space<hbm>>) target(%dma_start3A_7 : memref<128x128xf32, #tpu.memory_space<vmem>>) offsets(%dma_start3A_10 : memref<128xi32, #tpu.memory_space<vmem>>) semaphore(%arg7 : memref<!tpu.dma_semaphore, #tpu.memory_space<semaphore_mem>>)
    %scan3A = arith.constant 0 : i32
    %scan3A_14 = arith.constant 0 : i32
    %scan3A_15 = arith.constant 16 : i32
    %scan3A_16 = arith.addi %scan3A_14, %scan3A_15 : i32
    %scan3A_17 = arith.constant 1 : i32
    scf.for %scan3A_19 = %scan3A_14 to %scan3A_16 step %scan3A_17  : i32 {
      %rem3A = arith.constant 2 : i32
      %rem3A_20 = arith.remsi %scan3A_19, %rem3A : i32
      %dma_wait3A = arith.constant 0 : i32
      %dma_wait3A_21 = arith.constant 0 : i32
      %dma_wait3A_22 = arith.constant 0 : i32
      %dma_wait3A_23 = tpu.memref_slice %arg6[%rem3A_20, %dma_wait3A_21, %dma_wait3A_22] : memref<4x128x128xf32, #tpu.memory_space<vmem>> -> memref<1x128x128xf32, #tpu.memory_space<vmem>>
      %dma_wait3A_24 = tpu.memref_squeeze %dma_wait3A_23 : memref<1x128x128xf32, #tpu.memory_space<vmem>> -> memref<128x128xf32, #tpu.memory_space<vmem>>
      %dma_wait3A_25 = arith.constant 0 : i32
      %dma_wait3A_26 = tpu.memref_slice %arg5[%dma_wait3A, %dma_wait3A_25] : memref<16x128xi32, #tpu.memory_space<vmem>> -> memref<1x128xi32, #tpu.memory_space<vmem>>
      %dma_wait3A_27 = tpu.memref_squeeze %dma_wait3A_26 : memref<1x128xi32, #tpu.memory_space<vmem>> -> memref<128xi32, #tpu.memory_space<vmem>>
      %dma_wait3A_28 = arith.constant 0 : i32
      %dma_wait3A_29 = arith.constant 0 : i32
      %dma_wait3A_30 = tpu.memref_slice %arg2[%dma_wait3A_28, %dma_wait3A_29] : memref<100000x128xf32, #tpu.memory_space<hbm>> -> memref<100000x128xf32, #tpu.memory_space<hbm>>
      tpu.wait_indirect_dma semaphore(%arg7 : memref<!tpu.dma_semaphore, #tpu.memory_space<semaphore_mem>>) src(%dma_wait3A_30 : memref<100000x128xf32, #tpu.memory_space<hbm>>) dst(%dma_wait3A_24 : memref<128x128xf32, #tpu.memory_space<vmem>>)
      %add3A_31 = arith.constant 1 : i32
      %add3A_32 = arith.addi %scan3A_19, %add3A_31 : i32
      %lt3A = arith.constant 16 : i32
      %lt3A_33 = arith.cmpi slt, %add3A_32, %lt3A : i32
      %convert_element_type3A = arith.extui %lt3A_33 : i1 to i32
      %cond3A = arith.constant 0 : i32
      %cond3A_34 = arith.cmpi ne, %convert_element_type3A, %cond3A : i32
      scf.if %cond3A_34 {
        %add3A_38 = arith.constant 1 : i32
        %add3A_39 = arith.addi %scan3A_19, %add3A_38 : i32
        %sub3A = arith.constant 1 : i32
        %sub3A_40 = arith.subi %sub3A, %rem3A_20 : i32
        %dma_start3A_41 = arith.constant 0 : i32
        %dma_start3A_42 = arith.constant 0 : i32
        %dma_start3A_43 = tpu.memref_slice %arg6[%sub3A_40, %dma_start3A_41, %dma_start3A_42] : memref<4x128x128xf32, #tpu.memory_space<vmem>> -> memref<1x128x128xf32, #tpu.memory_space<vmem>>
        %dma_start3A_44 = tpu.memref_squeeze %dma_start3A_43 : memref<1x128x128xf32, #tpu.memory_space<vmem>> -> memref<128x128xf32, #tpu.memory_space<vmem>>
        %dma_start3A_45 = arith.constant 0 : i32
        %dma_start3A_46 = tpu.memref_slice %arg5[%add3A_39, %dma_start3A_45] : memref<16x128xi32, #tpu.memory_space<vmem>> -> memref<1x128xi32, #tpu.memory_space<vmem>>
        %dma_start3A_47 = tpu.memref_squeeze %dma_start3A_46 : memref<1x128xi32, #tpu.memory_space<vmem>> -> memref<128xi32, #tpu.memory_space<vmem>>
        %dma_start3A_48 = arith.constant 0 : i32
        %dma_start3A_49 = arith.constant 0 : i32
        %dma_start3A_50 = tpu.memref_slice %arg2[%dma_start3A_48, %dma_start3A_49] : memref<100000x128xf32, #tpu.memory_space<hbm>> -> memref<100000x128xf32, #tpu.memory_space<hbm>>
        tpu.enqueue_indirect_dma source(%dma_start3A_50 : memref<100000x128xf32, #tpu.memory_space<hbm>>) target(%dma_start3A_44 : memref<128x128xf32, #tpu.memory_space<vmem>>) offsets(%dma_start3A_47 : memref<128xi32, #tpu.memory_space<vmem>>) semaphore(%arg7 : memref<!tpu.dma_semaphore, #tpu.memory_space<semaphore_mem>>)
      } else {
      }
      %add3A_35 = arith.addi %mul3A_2, %scan3A_19 : i32
      %mul3A_36 = arith.constant 128 : i32
      %mul3A_37 = arith.muli %add3A_35, %mul3A_36 : i32
      "tpu.region"() ({
        %run_scoped3A = tpu.sem_alloc : memref<!tpu.dma_semaphore, #tpu.memory_space<semaphore_mem>>
        %dma_start3A_38 = arith.constant 0 : i32
        %dma_start3A_39 = arith.constant 0 : i32
        %dma_start3A_40 = tpu.memref_slice %arg6[%rem3A_20, %dma_start3A_38, %dma_start3A_39] : memref<4x128x128xf32, #tpu.memory_space<vmem>> -> memref<1x128x128xf32, #tpu.memory_space<vmem>>
        %dma_start3A_41 = tpu.memref_squeeze %dma_start3A_40 : memref<1x128x128xf32, #tpu.memory_space<vmem>> -> memref<128x128xf32, #tpu.memory_space<vmem>>
        %dma_start3A_42 = arith.constant 0 : i32
        %dma_start3A_43 = tpu.memref_slice %arg4[%mul3A_37, %dma_start3A_42] : memref<65536x128xf32, #tpu.memory_space<hbm>> -> memref<128x128xf32, #tpu.memory_space<hbm>>
        %dma_start3A_44 = arith.constant 0 : i32
        %dma_start3A_45 = tpu.memref_slice %arg4[%mul3A_37, %dma_start3A_44] : memref<65536x128xf32, #tpu.memory_space<hbm>> -> memref<128x128xf32, #tpu.memory_space<hbm>>
        %dma_start3A_46 = arith.constant 0 : i32
        %dma_start3A_47 = arith.constant 0 : i32
        %dma_start3A_48 = tpu.memref_slice %arg6[%rem3A_20, %dma_start3A_46, %dma_start3A_47] : memref<4x128x128xf32, #tpu.memory_space<vmem>> -> memref<1x128x128xf32, #tpu.memory_space<vmem>>
        %dma_start3A_49 = tpu.memref_squeeze %dma_start3A_48 : memref<1x128x128xf32, #tpu.memory_space<vmem>> -> memref<128x128xf32, #tpu.memory_space<vmem>>
        tpu.enqueue_dma source(%dma_start3A_49 : memref<128x128xf32, #tpu.memory_space<vmem>>) target(%dma_start3A_45 : memref<128x128xf32, #tpu.memory_space<hbm>>) target_semaphore(%run_scoped3A : memref<!tpu.dma_semaphore, #tpu.memory_space<semaphore_mem>>)
        %dma_wait3A_50 = arith.constant 0 : i32
        %dma_wait3A_51 = arith.constant 0 : i32
        %dma_wait3A_52 = tpu.memref_slice %arg6[%rem3A_20, %dma_wait3A_50, %dma_wait3A_51] : memref<4x128x128xf32, #tpu.memory_space<vmem>> -> memref<1x128x128xf32, #tpu.memory_space<vmem>>
        %dma_wait3A_53 = tpu.memref_squeeze %dma_wait3A_52 : memref<1x128x128xf32, #tpu.memory_space<vmem>> -> memref<128x128xf32, #tpu.memory_space<vmem>>
        %dma_wait3A_54 = arith.constant 0 : i32
        %dma_wait3A_55 = tpu.memref_slice %arg4[%mul3A_37, %dma_wait3A_54] : memref<65536x128xf32, #tpu.memory_space<hbm>> -> memref<128x128xf32, #tpu.memory_space<hbm>>
        %dma_wait3A_56 = arith.constant 0 : i32
        %dma_wait3A_57 = tpu.memref_slice %arg4[%mul3A_37, %dma_wait3A_56] : memref<65536x128xf32, #tpu.memory_space<hbm>> -> memref<128x128xf32, #tpu.memory_space<hbm>>
        %dma_wait3A_58 = arith.constant 0 : i32
        %dma_wait3A_59 = arith.constant 0 : i32
        %dma_wait3A_60 = tpu.memref_slice %arg6[%rem3A_20, %dma_wait3A_58, %dma_wait3A_59] : memref<4x128x128xf32, #tpu.memory_space<vmem>> -> memref<1x128x128xf32, #tpu.memory_space<vmem>>
        %dma_wait3A_61 = tpu.memref_squeeze %dma_wait3A_60 : memref<1x128x128xf32, #tpu.memory_space<vmem>> -> memref<128x128xf32, #tpu.memory_space<vmem>>
        tpu.wait_dma2 semaphore(%run_scoped3A : memref<!tpu.dma_semaphore, #tpu.memory_space<semaphore_mem>>) src(%dma_wait3A_61 : memref<128x128xf32, #tpu.memory_space<vmem>>) dst(%dma_wait3A_57 : memref<128x128xf32, #tpu.memory_space<hbm>>)
        tpu.yield
      }) : () -> ()
    }
    %scan3A_18 = arith.constant 16 : i32
    return
  }
}

#map = affine_map<(d0, d1) -> (0, 0)>
module attributes {stable_mosaic.version = 14 : i64} {
  func.func @_sc_gather_body(%arg0: i32, %arg1: i32, %arg2: memref<100000x128xf32, #tpu.memory_space<hbm>>, %arg3: memref<512x128xi32, #tpu.memory_space<hbm>>, %arg4: memref<65536x128xf32, #tpu.memory_space<hbm>>, %arg5: memref<16x128xi32, #tpu.memory_space<vmem>>, %arg6: memref<4x128x128xf32, #tpu.memory_space<vmem>>, %arg7: memref<!tpu.dma_semaphore, #tpu.memory_space<semaphore_mem>>) attributes {dimension_semantics = [#tpu.dimension_semantics<core_parallel>, #tpu.dimension_semantics<subcore_parallel>], iteration_bounds = array<i64: 2, 16>, scalar_prefetch = 0 : i64, scratch_operands = 3 : i64, tpu.core_type = #tpu.core_type<sc_vector_subcore>, window_params = [{transform_indices = #map}, {transform_indices = #map}, {transform_indices = #map}]} {
    %mul3A = arith.constant 2 : i32
    %mul3A_0 = arith.muli %arg1, %mul3A : i32
    %add3A = arith.addi %mul3A_0, %arg0 : i32
    %mul3A_1 = arith.constant 16 : i32
    %mul3A_2 = arith.muli %add3A, %mul3A_1 : i32
    "tpu.region"() ({
      %run_scoped3A = tpu.sem_alloc : memref<!tpu.dma_semaphore, #tpu.memory_space<semaphore_mem>>
      %dma_start3A_19 = arith.constant 0 : i32
      %dma_start3A_20 = tpu.memref_slice %arg3[%mul3A_2, %dma_start3A_19] : memref<512x128xi32, #tpu.memory_space<hbm>> -> memref<16x128xi32, #tpu.memory_space<hbm>>
      %dma_start3A_21 = arith.constant 0 : i32
      %dma_start3A_22 = tpu.memref_slice %arg3[%mul3A_2, %dma_start3A_21] : memref<512x128xi32, #tpu.memory_space<hbm>> -> memref<16x128xi32, #tpu.memory_space<hbm>>
      tpu.enqueue_dma source(%dma_start3A_22 : memref<16x128xi32, #tpu.memory_space<hbm>>) target(%arg5 : memref<16x128xi32, #tpu.memory_space<vmem>>) target_semaphore(%run_scoped3A : memref<!tpu.dma_semaphore, #tpu.memory_space<semaphore_mem>>)
      %dma_wait3A = arith.constant 0 : i32
      %dma_wait3A_23 = tpu.memref_slice %arg3[%mul3A_2, %dma_wait3A] : memref<512x128xi32, #tpu.memory_space<hbm>> -> memref<16x128xi32, #tpu.memory_space<hbm>>
      %dma_wait3A_24 = arith.constant 0 : i32
      %dma_wait3A_25 = tpu.memref_slice %arg3[%mul3A_2, %dma_wait3A_24] : memref<512x128xi32, #tpu.memory_space<hbm>> -> memref<16x128xi32, #tpu.memory_space<hbm>>
      tpu.wait_dma2 semaphore(%run_scoped3A : memref<!tpu.dma_semaphore, #tpu.memory_space<semaphore_mem>>) src(%dma_wait3A_25 : memref<16x128xi32, #tpu.memory_space<hbm>>) dst(%arg5 : memref<16x128xi32, #tpu.memory_space<vmem>>)
      tpu.yield
    }) : () -> ()
    %dma_start3A = arith.constant 0 : i32
    %dma_start3A_3 = arith.constant 0 : i32
    %dma_start3A_4 = arith.constant 0 : i32
    %dma_start3A_5 = arith.constant 0 : i32
    %dma_start3A_6 = tpu.memref_slice %arg6[%dma_start3A_3, %dma_start3A_4, %dma_start3A_5] : memref<4x128x128xf32, #tpu.memory_space<vmem>> -> memref<1x128x128xf32, #tpu.memory_space<vmem>>
    %dma_start3A_7 = tpu.memref_squeeze %dma_start3A_6 : memref<1x128x128xf32, #tpu.memory_space<vmem>> -> memref<128x128xf32, #tpu.memory_space<vmem>>
    %dma_start3A_8 = arith.constant 0 : i32
    %dma_start3A_9 = tpu.memref_slice %arg5[%dma_start3A, %dma_start3A_8] : memref<16x128xi32, #tpu.memory_space<vmem>> -> memref<1x128xi32, #tpu.memory_space<vmem>>
    %dma_start3A_10 = tpu.memref_squeeze %dma_start3A_9 : memref<1x128xi32, #tpu.memory_space<vmem>> -> memref<128xi32, #tpu.memory_space<vmem>>
    %dma_start3A_11 = arith.constant 0 : i32
    %dma_start3A_12 = arith.constant 0 : i32
    %dma_start3A_13 = tpu.memref_slice %arg2[%dma_start3A_11, %dma_start3A_12] : memref<100000x128xf32, #tpu.memory_space<hbm>> -> memref<100000x128xf32, #tpu.memory_space<hbm>>
    tpu.enqueue_indirect_dma source(%dma_start3A_13 : memref<100000x128xf32, #tpu.memory_space<hbm>>) target(%dma_start3A_7 : memref<128x128xf32, #tpu.memory_space<vmem>>) offsets(%dma_start3A_10 : memref<128xi32, #tpu.memory_space<vmem>>) semaphore(%arg7 : memref<!tpu.dma_semaphore, #tpu.memory_space<semaphore_mem>>)
    %scan3A = arith.constant 0 : i32
    %scan3A_14 = arith.constant 0 : i32
    %scan3A_15 = arith.constant 16 : i32
    %scan3A_16 = arith.addi %scan3A_14, %scan3A_15 : i32
    %scan3A_17 = arith.constant 1 : i32
    scf.for %scan3A_19 = %scan3A_14 to %scan3A_16 step %scan3A_17  : i32 {
      %rem3A = arith.constant 2 : i32
      %rem3A_20 = arith.remsi %scan3A_19, %rem3A : i32
      %dma_wait3A = arith.constant 0 : i32
      %dma_wait3A_21 = arith.constant 0 : i32
      %dma_wait3A_22 = arith.constant 0 : i32
      %dma_wait3A_23 = tpu.memref_slice %arg6[%rem3A_20, %dma_wait3A_21, %dma_wait3A_22] : memref<4x128x128xf32, #tpu.memory_space<vmem>> -> memref<1x128x128xf32, #tpu.memory_space<vmem>>
      %dma_wait3A_24 = tpu.memref_squeeze %dma_wait3A_23 : memref<1x128x128xf32, #tpu.memory_space<vmem>> -> memref<128x128xf32, #tpu.memory_space<vmem>>
      %dma_wait3A_25 = arith.constant 0 : i32
      %dma_wait3A_26 = tpu.memref_slice %arg5[%dma_wait3A, %dma_wait3A_25] : memref<16x128xi32, #tpu.memory_space<vmem>> -> memref<1x128xi32, #tpu.memory_space<vmem>>
      %dma_wait3A_27 = tpu.memref_squeeze %dma_wait3A_26 : memref<1x128xi32, #tpu.memory_space<vmem>> -> memref<128xi32, #tpu.memory_space<vmem>>
      %dma_wait3A_28 = arith.constant 0 : i32
      %dma_wait3A_29 = arith.constant 0 : i32
      %dma_wait3A_30 = tpu.memref_slice %arg2[%dma_wait3A_28, %dma_wait3A_29] : memref<100000x128xf32, #tpu.memory_space<hbm>> -> memref<100000x128xf32, #tpu.memory_space<hbm>>
      tpu.wait_indirect_dma semaphore(%arg7 : memref<!tpu.dma_semaphore, #tpu.memory_space<semaphore_mem>>) src(%dma_wait3A_30 : memref<100000x128xf32, #tpu.memory_space<hbm>>) dst(%dma_wait3A_24 : memref<128x128xf32, #tpu.memory_space<vmem>>)
      %add3A_31 = arith.constant 1 : i32
      %add3A_32 = arith.addi %scan3A_19, %add3A_31 : i32
      %lt3A = arith.constant 16 : i32
      %lt3A_33 = arith.cmpi slt, %add3A_32, %lt3A : i32
      %convert_element_type3A = arith.extui %lt3A_33 : i1 to i32
      %cond3A = arith.constant 0 : i32
      %cond3A_34 = arith.cmpi ne, %convert_element_type3A, %cond3A : i32
      scf.if %cond3A_34 {
        %add3A_38 = arith.constant 1 : i32
        %add3A_39 = arith.addi %scan3A_19, %add3A_38 : i32
        %sub3A = arith.constant 1 : i32
        %sub3A_40 = arith.subi %sub3A, %rem3A_20 : i32
        %dma_start3A_41 = arith.constant 0 : i32
        %dma_start3A_42 = arith.constant 0 : i32
        %dma_start3A_43 = tpu.memref_slice %arg6[%sub3A_40, %dma_start3A_41, %dma_start3A_42] : memref<4x128x128xf32, #tpu.memory_space<vmem>> -> memref<1x128x128xf32, #tpu.memory_space<vmem>>
        %dma_start3A_44 = tpu.memref_squeeze %dma_start3A_43 : memref<1x128x128xf32, #tpu.memory_space<vmem>> -> memref<128x128xf32, #tpu.memory_space<vmem>>
        %dma_start3A_45 = arith.constant 0 : i32
        %dma_start3A_46 = tpu.memref_slice %arg5[%add3A_39, %dma_start3A_45] : memref<16x128xi32, #tpu.memory_space<vmem>> -> memref<1x128xi32, #tpu.memory_space<vmem>>
        %dma_start3A_47 = tpu.memref_squeeze %dma_start3A_46 : memref<1x128xi32, #tpu.memory_space<vmem>> -> memref<128xi32, #tpu.memory_space<vmem>>
        %dma_start3A_48 = arith.constant 0 : i32
        %dma_start3A_49 = arith.constant 0 : i32
        %dma_start3A_50 = tpu.memref_slice %arg2[%dma_start3A_48, %dma_start3A_49] : memref<100000x128xf32, #tpu.memory_space<hbm>> -> memref<100000x128xf32, #tpu.memory_space<hbm>>
        tpu.enqueue_indirect_dma source(%dma_start3A_50 : memref<100000x128xf32, #tpu.memory_space<hbm>>) target(%dma_start3A_44 : memref<128x128xf32, #tpu.memory_space<vmem>>) offsets(%dma_start3A_47 : memref<128xi32, #tpu.memory_space<vmem>>) semaphore(%arg7 : memref<!tpu.dma_semaphore, #tpu.memory_space<semaphore_mem>>)
      } else {
      }
      %add3A_35 = arith.addi %mul3A_2, %scan3A_19 : i32
      %mul3A_36 = arith.constant 128 : i32
      %mul3A_37 = arith.muli %add3A_35, %mul3A_36 : i32
      "tpu.region"() ({
        %run_scoped3A = tpu.sem_alloc : memref<!tpu.dma_semaphore, #tpu.memory_space<semaphore_mem>>
        %dma_start3A_38 = arith.constant 0 : i32
        %dma_start3A_39 = arith.constant 0 : i32
        %dma_start3A_40 = tpu.memref_slice %arg6[%rem3A_20, %dma_start3A_38, %dma_start3A_39] : memref<4x128x128xf32, #tpu.memory_space<vmem>> -> memref<1x128x128xf32, #tpu.memory_space<vmem>>
        %dma_start3A_41 = tpu.memref_squeeze %dma_start3A_40 : memref<1x128x128xf32, #tpu.memory_space<vmem>> -> memref<128x128xf32, #tpu.memory_space<vmem>>
        %dma_start3A_42 = arith.constant 0 : i32
        %dma_start3A_43 = tpu.memref_slice %arg4[%mul3A_37, %dma_start3A_42] : memref<65536x128xf32, #tpu.memory_space<hbm>> -> memref<128x128xf32, #tpu.memory_space<hbm>>
        %dma_start3A_44 = arith.constant 0 : i32
        %dma_start3A_45 = tpu.memref_slice %arg4[%mul3A_37, %dma_start3A_44] : memref<65536x128xf32, #tpu.memory_space<hbm>> -> memref<128x128xf32, #tpu.memory_space<hbm>>
        %dma_start3A_46 = arith.constant 0 : i32
        %dma_start3A_47 = arith.constant 0 : i32
        %dma_start3A_48 = tpu.memref_slice %arg6[%rem3A_20, %dma_start3A_46, %dma_start3A_47] : memref<4x128x128xf32, #tpu.memory_space<vmem>> -> memref<1x128x128xf32, #tpu.memory_space<vmem>>
        %dma_start3A_49 = tpu.memref_squeeze %dma_start3A_48 : memref<1x128x128xf32, #tpu.memory_space<vmem>> -> memref<128x128xf32, #tpu.memory_space<vmem>>
        tpu.enqueue_dma source(%dma_start3A_49 : memref<128x128xf32, #tpu.memory_space<vmem>>) target(%dma_start3A_45 : memref<128x128xf32, #tpu.memory_space<hbm>>) target_semaphore(%run_scoped3A : memref<!tpu.dma_semaphore, #tpu.memory_space<semaphore_mem>>)
        %dma_wait3A_50 = arith.constant 0 : i32
        %dma_wait3A_51 = arith.constant 0 : i32
        %dma_wait3A_52 = tpu.memref_slice %arg6[%rem3A_20, %dma_wait3A_50, %dma_wait3A_51] : memref<4x128x128xf32, #tpu.memory_space<vmem>> -> memref<1x128x128xf32, #tpu.memory_space<vmem>>
        %dma_wait3A_53 = tpu.memref_squeeze %dma_wait3A_52 : memref<1x128x128xf32, #tpu.memory_space<vmem>> -> memref<128x128xf32, #tpu.memory_space<vmem>>
        %dma_wait3A_54 = arith.constant 0 : i32
        %dma_wait3A_55 = tpu.memref_slice %arg4[%mul3A_37, %dma_wait3A_54] : memref<65536x128xf32, #tpu.memory_space<hbm>> -> memref<128x128xf32, #tpu.memory_space<hbm>>
        %dma_wait3A_56 = arith.constant 0 : i32
        %dma_wait3A_57 = tpu.memref_slice %arg4[%mul3A_37, %dma_wait3A_56] : memref<65536x128xf32, #tpu.memory_space<hbm>> -> memref<128x128xf32, #tpu.memory_space<hbm>>
        %dma_wait3A_58 = arith.constant 0 : i32
        %dma_wait3A_59 = arith.constant 0 : i32
        %dma_wait3A_60 = tpu.memref_slice %arg6[%rem3A_20, %dma_wait3A_58, %dma_wait3A_59] : memref<4x128x128xf32, #tpu.memory_space<vmem>> -> memref<1x128x128xf32, #tpu.memory_space<vmem>>
        %dma_wait3A_61 = tpu.memref_squeeze %dma_wait3A_60 : memref<1x128x128xf32, #tpu.memory_space<vmem>> -> memref<128x128xf32, #tpu.memory_space<vmem>>
        tpu.wait_dma2 semaphore(%run_scoped3A : memref<!tpu.dma_semaphore, #tpu.memory_space<semaphore_mem>>) src(%dma_wait3A_61 : memref<128x128xf32, #tpu.memory_space<vmem>>) dst(%dma_wait3A_57 : memref<128x128xf32, #tpu.memory_space<hbm>>)
        tpu.yield
      }) : () -> ()
    }
    %scan3A_18 = arith.constant 16 : i32
    return
  }
}

#map = affine_map<(d0, d1) -> (0, 0)>
module attributes {stable_mosaic.version = 14 : i64} {
  func.func @_sc_select_body(%arg0: i32, %arg1: i32, %arg2: memref<14x32768xi32, #tpu.memory_space<hbm>>, %arg3: memref<128x128xi32, #tpu.memory_space<hbm>>, %arg4: memref<14x16384xi32, #tpu.memory_space<hbm>>, %arg5: memref<4x128xi32, #tpu.memory_space<vmem>>, %arg6: memref<14x512xi32, #tpu.memory_space<vmem>>, %arg7: memref<!tpu.dma_semaphore, #tpu.memory_space<semaphore_mem>>) attributes {dimension_semantics = [#tpu.dimension_semantics<core_parallel>, #tpu.dimension_semantics<subcore_parallel>], iteration_bounds = array<i64: 2, 16>, scalar_prefetch = 0 : i64, scratch_operands = 3 : i64, tpu.core_type = #tpu.core_type<sc_vector_subcore>, window_params = [{transform_indices = #map}, {transform_indices = #map}, {transform_indices = #map}]} {
    %mul3A = arith.constant 2 : i32
    %mul3A_0 = arith.muli %arg1, %mul3A : i32
    %add3A = arith.addi %mul3A_0, %arg0 : i32
    %mul3A_1 = arith.constant 4 : i32
    %mul3A_2 = arith.muli %add3A, %mul3A_1 : i32
    "tpu.region"() ({
      %run_scoped3A = tpu.sem_alloc : memref<!tpu.dma_semaphore, #tpu.memory_space<semaphore_mem>>
      %dma_start3A_835 = arith.constant 0 : i32
      %dma_start3A_836 = tpu.memref_slice %arg3[%mul3A_2, %dma_start3A_835] : memref<128x128xi32, #tpu.memory_space<hbm>> -> memref<4x128xi32, #tpu.memory_space<hbm>>
      %dma_start3A_837 = arith.constant 0 : i32
      %dma_start3A_838 = tpu.memref_slice %arg3[%mul3A_2, %dma_start3A_837] : memref<128x128xi32, #tpu.memory_space<hbm>> -> memref<4x128xi32, #tpu.memory_space<hbm>>
      tpu.enqueue_dma source(%dma_start3A_838 : memref<4x128xi32, #tpu.memory_space<hbm>>) target(%arg5 : memref<4x128xi32, #tpu.memory_space<vmem>>) target_semaphore(%run_scoped3A : memref<!tpu.dma_semaphore, #tpu.memory_space<semaphore_mem>>)
      %dma_wait3A_839 = arith.constant 0 : i32
      %dma_wait3A_840 = tpu.memref_slice %arg3[%mul3A_2, %dma_wait3A_839] : memref<128x128xi32, #tpu.memory_space<hbm>> -> memref<4x128xi32, #tpu.memory_space<hbm>>
      %dma_wait3A_841 = arith.constant 0 : i32
      %dma_wait3A_842 = tpu.memref_slice %arg3[%mul3A_2, %dma_wait3A_841] : memref<128x128xi32, #tpu.memory_space<hbm>> -> memref<4x128xi32, #tpu.memory_space<hbm>>
      tpu.wait_dma2 semaphore(%run_scoped3A : memref<!tpu.dma_semaphore, #tpu.memory_space<semaphore_mem>>) src(%dma_wait3A_842 : memref<4x128xi32, #tpu.memory_space<hbm>>) dst(%arg5 : memref<4x128xi32, #tpu.memory_space<vmem>>)
      tpu.yield
    }) : () -> ()
    %dma_start3A = arith.constant 0 : i32
    %dma_start3A_3 = arith.constant 0 : i32
    %dma_start3A_4 = arith.constant 0 : i32
    %dma_start3A_5 = arith.constant 0 : i32
    %dma_start3A_6 = tpu.memref_slice %arg6[%dma_start3A_4, %dma_start3A_5] : memref<14x512xi32, #tpu.memory_space<vmem>> -> memref<1x128xi32, #tpu.memory_space<vmem>>
    %dma_start3A_7 = tpu.memref_squeeze %dma_start3A_6 : memref<1x128xi32, #tpu.memory_space<vmem>> -> memref<128xi32, #tpu.memory_space<vmem>>
    %dma_start3A_8 = arith.constant 0 : i32
    %dma_start3A_9 = tpu.memref_slice %arg5[%dma_start3A_3, %dma_start3A_8] : memref<4x128xi32, #tpu.memory_space<vmem>> -> memref<1x128xi32, #tpu.memory_space<vmem>>
    %dma_start3A_10 = tpu.memref_squeeze %dma_start3A_9 : memref<1x128xi32, #tpu.memory_space<vmem>> -> memref<128xi32, #tpu.memory_space<vmem>>
    %dma_start3A_11 = arith.constant 0 : i32
    %dma_start3A_12 = tpu.memref_slice %arg2[%dma_start3A, %dma_start3A_11] : memref<14x32768xi32, #tpu.memory_space<hbm>> -> memref<1x32768xi32, #tpu.memory_space<hbm>>
    %dma_start3A_13 = tpu.memref_squeeze %dma_start3A_12 : memref<1x32768xi32, #tpu.memory_space<hbm>> -> memref<32768xi32, #tpu.memory_space<hbm>>
    %dma_start3A_14 = arith.constant 0 : i32
    %dma_start3A_15 = tpu.memref_slice %dma_start3A_13[%dma_start3A_14] : memref<32768xi32, #tpu.memory_space<hbm>> -> memref<32768xi32, #tpu.memory_space<hbm>>
    tpu.enqueue_indirect_dma source(%dma_start3A_15 : memref<32768xi32, #tpu.memory_space<hbm>>) target(%dma_start3A_7 : memref<128xi32, #tpu.memory_space<vmem>>) offsets(%dma_start3A_10 : memref<128xi32, #tpu.memory_space<vmem>>) semaphore(%arg7 : memref<!tpu.dma_semaphore, #tpu.memory_space<semaphore_mem>>)
    %dma_start3A_16 = arith.constant 1 : i32
    %dma_start3A_17 = arith.constant 0 : i32
    %dma_start3A_18 = arith.constant 1 : i32
    %dma_start3A_19 = arith.constant 0 : i32
    %dma_start3A_20 = tpu.memref_slice %arg6[%dma_start3A_18, %dma_start3A_19] : memref<14x512xi32, #tpu.memory_space<vmem>> -> memref<1x128xi32, #tpu.memory_space<vmem>>
    %dma_start3A_21 = tpu.memref_squeeze %dma_start3A_20 : memref<1x128xi32, #tpu.memory_space<vmem>> -> memref<128xi32, #tpu.memory_space<vmem>>
    %dma_start3A_22 = arith.constant 0 : i32
    %dma_start3A_23 = tpu.memref_slice %arg5[%dma_start3A_17, %dma_start3A_22] : memref<4x128xi32, #tpu.memory_space<vmem>> -> memref<1x128xi32, #tpu.memory_space<vmem>>
    %dma_start3A_24 = tpu.memref_squeeze %dma_start3A_23 : memref<1x128xi32, #tpu.memory_space<vmem>> -> memref<128xi32, #tpu.memory_space<vmem>>
    %dma_start3A_25 = arith.constant 0 : i32
    %dma_start3A_26 = tpu.memref_slice %arg2[%dma_start3A_16, %dma_start3A_25] : memref<14x32768xi32, #tpu.memory_space<hbm>> -> memref<1x32768xi32, #tpu.memory_space<hbm>>
    %dma_start3A_27 = tpu.memref_squeeze %dma_start3A_26 : memref<1x32768xi32, #tpu.memory_space<hbm>> -> memref<32768xi32, #tpu.memory_space<hbm>>
    %dma_start3A_28 = arith.constant 0 : i32
    %dma_start3A_29 = tpu.memref_slice %dma_start3A_27[%dma_start3A_28] : memref<32768xi32, #tpu.memory_space<hbm>> -> memref<32768xi32, #tpu.memory_space<hbm>>
    tpu.enqueue_indirect_dma source(%dma_start3A_29 : memref<32768xi32, #tpu.memory_space<hbm>>) target(%dma_start3A_21 : memref<128xi32, #tpu.memory_space<vmem>>) offsets(%dma_start3A_24 : memref<128xi32, #tpu.memory_space<vmem>>) semaphore(%arg7 : memref<!tpu.dma_semaphore, #tpu.memory_space<semaphore_mem>>)
    %dma_start3A_30 = arith.constant 2 : i32
    %dma_start3A_31 = arith.constant 0 : i32
    %dma_start3A_32 = arith.constant 2 : i32
    %dma_start3A_33 = arith.constant 0 : i32
    %dma_start3A_34 = tpu.memref_slice %arg6[%dma_start3A_32, %dma_start3A_33] : memref<14x512xi32, #tpu.memory_space<vmem>> -> memref<1x128xi32, #tpu.memory_space<vmem>>
    %dma_start3A_35 = tpu.memref_squeeze %dma_start3A_34 : memref<1x128xi32, #tpu.memory_space<vmem>> -> memref<128xi32, #tpu.memory_space<vmem>>
    %dma_start3A_36 = arith.constant 0 : i32
    %dma_start3A_37 = tpu.memref_slice %arg5[%dma_start3A_31, %dma_start3A_36] : memref<4x128xi32, #tpu.memory_space<vmem>> -> memref<1x128xi32, #tpu.memory_space<vmem>>
    %dma_start3A_38 = tpu.memref_squeeze %dma_start3A_37 : memref<1x128xi32, #tpu.memory_space<vmem>> -> memref<128xi32, #tpu.memory_space<vmem>>
    %dma_start3A_39 = arith.constant 0 : i32
    %dma_start3A_40 = tpu.memref_slice %arg2[%dma_start3A_30, %dma_start3A_39] : memref<14x32768xi32, #tpu.memory_space<hbm>> -> memref<1x32768xi32, #tpu.memory_space<hbm>>
    %dma_start3A_41 = tpu.memref_squeeze %dma_start3A_40 : memref<1x32768xi32, #tpu.memory_space<hbm>> -> memref<32768xi32, #tpu.memory_space<hbm>>
    %dma_start3A_42 = arith.constant 0 : i32
    %dma_start3A_43 = tpu.memref_slice %dma_start3A_41[%dma_start3A_42] : memref<32768xi32, #tpu.memory_space<hbm>> -> memref<32768xi32, #tpu.memory_space<hbm>>
    tpu.enqueue_indirect_dma source(%dma_start3A_43 : memref<32768xi32, #tpu.memory_space<hbm>>) target(%dma_start3A_35 : memref<128xi32, #tpu.memory_space<vmem>>) offsets(%dma_start3A_38 : memref<128xi32, #tpu.memory_space<vmem>>) semaphore(%arg7 : memref<!tpu.dma_semaphore, #tpu.memory_space<semaphore_mem>>)
    %dma_start3A_44 = arith.constant 3 : i32
    %dma_start3A_45 = arith.constant 0 : i32
    %dma_start3A_46 = arith.constant 3 : i32
    %dma_start3A_47 = arith.constant 0 : i32
    %dma_start3A_48 = tpu.memref_slice %arg6[%dma_start3A_46, %dma_start3A_47] : memref<14x512xi32, #tpu.memory_space<vmem>> -> memref<1x128xi32, #tpu.memory_space<vmem>>
    %dma_start3A_49 = tpu.memref_squeeze %dma_start3A_48 : memref<1x128xi32, #tpu.memory_space<vmem>> -> memref<128xi32, #tpu.memory_space<vmem>>
    %dma_start3A_50 = arith.constant 0 : i32
    %dma_start3A_51 = tpu.memref_slice %arg5[%dma_start3A_45, %dma_start3A_50] : memref<4x128xi32, #tpu.memory_space<vmem>> -> memref<1x128xi32, #tpu.memory_space<vmem>>
    %dma_start3A_52 = tpu.memref_squeeze %dma_start3A_51 : memref<1x128xi32, #tpu.memory_space<vmem>> -> memref<128xi32, #tpu.memory_space<vmem>>
    %dma_start3A_53 = arith.constant 0 : i32
    %dma_start3A_54 = tpu.memref_slice %arg2[%dma_start3A_44, %dma_start3A_53] : memref<14x32768xi32, #tpu.memory_space<hbm>> -> memref<1x32768xi32, #tpu.memory_space<hbm>>
    %dma_start3A_55 = tpu.memref_squeeze %dma_start3A_54 : memref<1x32768xi32, #tpu.memory_space<hbm>> -> memref<32768xi32, #tpu.memory_space<hbm>>
    %dma_start3A_56 = arith.constant 0 : i32
    %dma_start3A_57 = tpu.memref_slice %dma_start3A_55[%dma_start3A_56] : memref<32768xi32, #tpu.memory_space<hbm>> -> memref<32768xi32, #tpu.memory_space<hbm>>
    tpu.enqueue_indirect_dma source(%dma_start3A_57 : memref<32768xi32, #tpu.memory_space<hbm>>) target(%dma_start3A_49 : memref<128xi32, #tpu.memory_space<vmem>>) offsets(%dma_start3A_52 : memref<128xi32, #tpu.memory_space<vmem>>) semaphore(%arg7 : memref<!tpu.dma_semaphore, #tpu.memory_space<semaphore_mem>>)
    %dma_start3A_58 = arith.constant 4 : i32
    %dma_start3A_59 = arith.constant 0 : i32
    %dma_start3A_60 = arith.constant 4 : i32
    %dma_start3A_61 = arith.constant 0 : i32
    %dma_start3A_62 = tpu.memref_slice %arg6[%dma_start3A_60, %dma_start3A_61] : memref<14x512xi32, #tpu.memory_space<vmem>> -> memref<1x128xi32, #tpu.memory_space<vmem>>
    %dma_start3A_63 = tpu.memref_squeeze %dma_start3A_62 : memref<1x128xi32, #tpu.memory_space<vmem>> -> memref<128xi32, #tpu.memory_space<vmem>>
    %dma_start3A_64 = arith.constant 0 : i32
    %dma_start3A_65 = tpu.memref_slice %arg5[%dma_start3A_59, %dma_start3A_64] : memref<4x128xi32, #tpu.memory_space<vmem>> -> memref<1x128xi32, #tpu.memory_space<vmem>>
    %dma_start3A_66 = tpu.memref_squeeze %dma_start3A_65 : memref<1x128xi32, #tpu.memory_space<vmem>> -> memref<128xi32, #tpu.memory_space<vmem>>
    %dma_start3A_67 = arith.constant 0 : i32
    %dma_start3A_68 = tpu.memref_slice %arg2[%dma_start3A_58, %dma_start3A_67] : memref<14x32768xi32, #tpu.memory_space<hbm>> -> memref<1x32768xi32, #tpu.memory_space<hbm>>
    %dma_start3A_69 = tpu.memref_squeeze %dma_start3A_68 : memref<1x32768xi32, #tpu.memory_space<hbm>> -> memref<32768xi32, #tpu.memory_space<hbm>>
    %dma_start3A_70 = arith.constant 0 : i32
    %dma_start3A_71 = tpu.memref_slice %dma_start3A_69[%dma_start3A_70] : memref<32768xi32, #tpu.memory_space<hbm>> -> memref<32768xi32, #tpu.memory_space<hbm>>
    tpu.enqueue_indirect_dma source(%dma_start3A_71 : memref<32768xi32, #tpu.memory_space<hbm>>) target(%dma_start3A_63 : memref<128xi32, #tpu.memory_space<vmem>>) offsets(%dma_start3A_66 : memref<128xi32, #tpu.memory_space<vmem>>) semaphore(%arg7 : memref<!tpu.dma_semaphore, #tpu.memory_space<semaphore_mem>>)
    %dma_start3A_72 = arith.constant 5 : i32
    %dma_start3A_73 = arith.constant 0 : i32
    %dma_start3A_74 = arith.constant 5 : i32
    %dma_start3A_75 = arith.constant 0 : i32
    %dma_start3A_76 = tpu.memref_slice %arg6[%dma_start3A_74, %dma_start3A_75] : memref<14x512xi32, #tpu.memory_space<vmem>> -> memref<1x128xi32, #tpu.memory_space<vmem>>
    %dma_start3A_77 = tpu.memref_squeeze %dma_start3A_76 : memref<1x128xi32, #tpu.memory_space<vmem>> -> memref<128xi32, #tpu.memory_space<vmem>>
    %dma_start3A_78 = arith.constant 0 : i32
    %dma_start3A_79 = tpu.memref_slice %arg5[%dma_start3A_73, %dma_start3A_78] : memref<4x128xi32, #tpu.memory_space<vmem>> -> memref<1x128xi32, #tpu.memory_space<vmem>>
    %dma_start3A_80 = tpu.memref_squeeze %dma_start3A_79 : memref<1x128xi32, #tpu.memory_space<vmem>> -> memref<128xi32, #tpu.memory_space<vmem>>
    %dma_start3A_81 = arith.constant 0 : i32
    %dma_start3A_82 = tpu.memref_slice %arg2[%dma_start3A_72, %dma_start3A_81] : memref<14x32768xi32, #tpu.memory_space<hbm>> -> memref<1x32768xi32, #tpu.memory_space<hbm>>
    %dma_start3A_83 = tpu.memref_squeeze %dma_start3A_82 : memref<1x32768xi32, #tpu.memory_space<hbm>> -> memref<32768xi32, #tpu.memory_space<hbm>>
    %dma_start3A_84 = arith.constant 0 : i32
    %dma_start3A_85 = tpu.memref_slice %dma_start3A_83[%dma_start3A_84] : memref<32768xi32, #tpu.memory_space<hbm>> -> memref<32768xi32, #tpu.memory_space<hbm>>
    tpu.enqueue_indirect_dma source(%dma_start3A_85 : memref<32768xi32, #tpu.memory_space<hbm>>) target(%dma_start3A_77 : memref<128xi32, #tpu.memory_space<vmem>>) offsets(%dma_start3A_80 : memref<128xi32, #tpu.memory_space<vmem>>) semaphore(%arg7 : memref<!tpu.dma_semaphore, #tpu.memory_space<semaphore_mem>>)
    %dma_start3A_86 = arith.constant 6 : i32
    %dma_start3A_87 = arith.constant 0 : i32
    %dma_start3A_88 = arith.constant 6 : i32
    %dma_start3A_89 = arith.constant 0 : i32
    %dma_start3A_90 = tpu.memref_slice %arg6[%dma_start3A_88, %dma_start3A_89] : memref<14x512xi32, #tpu.memory_space<vmem>> -> memref<1x128xi32, #tpu.memory_space<vmem>>
    %dma_start3A_91 = tpu.memref_squeeze %dma_start3A_90 : memref<1x128xi32, #tpu.memory_space<vmem>> -> memref<128xi32, #tpu.memory_space<vmem>>
    %dma_start3A_92 = arith.constant 0 : i32
    %dma_start3A_93 = tpu.memref_slice %arg5[%dma_start3A_87, %dma_start3A_92] : memref<4x128xi32, #tpu.memory_space<vmem>> -> memref<1x128xi32, #tpu.memory_space<vmem>>
    %dma_start3A_94 = tpu.memref_squeeze %dma_start3A_93 : memref<1x128xi32, #tpu.memory_space<vmem>> -> memref<128xi32, #tpu.memory_space<vmem>>
    %dma_start3A_95 = arith.constant 0 : i32
    %dma_start3A_96 = tpu.memref_slice %arg2[%dma_start3A_86, %dma_start3A_95] : memref<14x32768xi32, #tpu.memory_space<hbm>> -> memref<1x32768xi32, #tpu.memory_space<hbm>>
    %dma_start3A_97 = tpu.memref_squeeze %dma_start3A_96 : memref<1x32768xi32, #tpu.memory_space<hbm>> -> memref<32768xi32, #tpu.memory_space<hbm>>
    %dma_start3A_98 = arith.constant 0 : i32
    %dma_start3A_99 = tpu.memref_slice %dma_start3A_97[%dma_start3A_98] : memref<32768xi32, #tpu.memory_space<hbm>> -> memref<32768xi32, #tpu.memory_space<hbm>>
    tpu.enqueue_indirect_dma source(%dma_start3A_99 : memref<32768xi32, #tpu.memory_space<hbm>>) target(%dma_start3A_91 : memref<128xi32, #tpu.memory_space<vmem>>) offsets(%dma_start3A_94 : memref<128xi32, #tpu.memory_space<vmem>>) semaphore(%arg7 : memref<!tpu.dma_semaphore, #tpu.memory_space<semaphore_mem>>)
    %dma_start3A_100 = arith.constant 7 : i32
    %dma_start3A_101 = arith.constant 0 : i32
    %dma_start3A_102 = arith.constant 7 : i32
    %dma_start3A_103 = arith.constant 0 : i32
    %dma_start3A_104 = tpu.memref_slice %arg6[%dma_start3A_102, %dma_start3A_103] : memref<14x512xi32, #tpu.memory_space<vmem>> -> memref<1x128xi32, #tpu.memory_space<vmem>>
    %dma_start3A_105 = tpu.memref_squeeze %dma_start3A_104 : memref<1x128xi32, #tpu.memory_space<vmem>> -> memref<128xi32, #tpu.memory_space<vmem>>
    %dma_start3A_106 = arith.constant 0 : i32
    %dma_start3A_107 = tpu.memref_slice %arg5[%dma_start3A_101, %dma_start3A_106] : memref<4x128xi32, #tpu.memory_space<vmem>> -> memref<1x128xi32, #tpu.memory_space<vmem>>
    %dma_start3A_108 = tpu.memref_squeeze %dma_start3A_107 : memref<1x128xi32, #tpu.memory_space<vmem>> -> memref<128xi32, #tpu.memory_space<vmem>>
    %dma_start3A_109 = arith.constant 0 : i32
    %dma_start3A_110 = tpu.memref_slice %arg2[%dma_start3A_100, %dma_start3A_109] : memref<14x32768xi32, #tpu.memory_space<hbm>> -> memref<1x32768xi32, #tpu.memory_space<hbm>>
    %dma_start3A_111 = tpu.memref_squeeze %dma_start3A_110 : memref<1x32768xi32, #tpu.memory_space<hbm>> -> memref<32768xi32, #tpu.memory_space<hbm>>
    %dma_start3A_112 = arith.constant 0 : i32
    %dma_start3A_113 = tpu.memref_slice %dma_start3A_111[%dma_start3A_112] : memref<32768xi32, #tpu.memory_space<hbm>> -> memref<32768xi32, #tpu.memory_space<hbm>>
    tpu.enqueue_indirect_dma source(%dma_start3A_113 : memref<32768xi32, #tpu.memory_space<hbm>>) target(%dma_start3A_105 : memref<128xi32, #tpu.memory_space<vmem>>) offsets(%dma_start3A_108 : memref<128xi32, #tpu.memory_space<vmem>>) semaphore(%arg7 : memref<!tpu.dma_semaphore, #tpu.memory_space<semaphore_mem>>)
    %dma_start3A_114 = arith.constant 8 : i32
    %dma_start3A_115 = arith.constant 0 : i32
    %dma_start3A_116 = arith.constant 8 : i32
    %dma_start3A_117 = arith.constant 0 : i32
    %dma_start3A_118 = tpu.memref_slice %arg6[%dma_start3A_116, %dma_start3A_117] : memref<14x512xi32, #tpu.memory_space<vmem>> -> memref<1x128xi32, #tpu.memory_space<vmem>>
    %dma_start3A_119 = tpu.memref_squeeze %dma_start3A_118 : memref<1x128xi32, #tpu.memory_space<vmem>> -> memref<128xi32, #tpu.memory_space<vmem>>
    %dma_start3A_120 = arith.constant 0 : i32
    %dma_start3A_121 = tpu.memref_slice %arg5[%dma_start3A_115, %dma_start3A_120] : memref<4x128xi32, #tpu.memory_space<vmem>> -> memref<1x128xi32, #tpu.memory_space<vmem>>
    %dma_start3A_122 = tpu.memref_squeeze %dma_start3A_121 : memref<1x128xi32, #tpu.memory_space<vmem>> -> memref<128xi32, #tpu.memory_space<vmem>>
    %dma_start3A_123 = arith.constant 0 : i32
    %dma_start3A_124 = tpu.memref_slice %arg2[%dma_start3A_114, %dma_start3A_123] : memref<14x32768xi32, #tpu.memory_space<hbm>> -> memref<1x32768xi32, #tpu.memory_space<hbm>>
    %dma_start3A_125 = tpu.memref_squeeze %dma_start3A_124 : memref<1x32768xi32, #tpu.memory_space<hbm>> -> memref<32768xi32, #tpu.memory_space<hbm>>
    %dma_start3A_126 = arith.constant 0 : i32
    %dma_start3A_127 = tpu.memref_slice %dma_start3A_125[%dma_start3A_126] : memref<32768xi32, #tpu.memory_space<hbm>> -> memref<32768xi32, #tpu.memory_space<hbm>>
    tpu.enqueue_indirect_dma source(%dma_start3A_127 : memref<32768xi32, #tpu.memory_space<hbm>>) target(%dma_start3A_119 : memref<128xi32, #tpu.memory_space<vmem>>) offsets(%dma_start3A_122 : memref<128xi32, #tpu.memory_space<vmem>>) semaphore(%arg7 : memref<!tpu.dma_semaphore, #tpu.memory_space<semaphore_mem>>)
    %dma_start3A_128 = arith.constant 9 : i32
    %dma_start3A_129 = arith.constant 0 : i32
    %dma_start3A_130 = arith.constant 9 : i32
    %dma_start3A_131 = arith.constant 0 : i32
    %dma_start3A_132 = tpu.memref_slice %arg6[%dma_start3A_130, %dma_start3A_131] : memref<14x512xi32, #tpu.memory_space<vmem>> -> memref<1x128xi32, #tpu.memory_space<vmem>>
    %dma_start3A_133 = tpu.memref_squeeze %dma_start3A_132 : memref<1x128xi32, #tpu.memory_space<vmem>> -> memref<128xi32, #tpu.memory_space<vmem>>
    %dma_start3A_134 = arith.constant 0 : i32
    %dma_start3A_135 = tpu.memref_slice %arg5[%dma_start3A_129, %dma_start3A_134] : memref<4x128xi32, #tpu.memory_space<vmem>> -> memref<1x128xi32, #tpu.memory_space<vmem>>
    %dma_start3A_136 = tpu.memref_squeeze %dma_start3A_135 : memref<1x128xi32, #tpu.memory_space<vmem>> -> memref<128xi32, #tpu.memory_space<vmem>>
    %dma_start3A_137 = arith.constant 0 : i32
    %dma_start3A_138 = tpu.memref_slice %arg2[%dma_start3A_128, %dma_start3A_137] : memref<14x32768xi32, #tpu.memory_space<hbm>> -> memref<1x32768xi32, #tpu.memory_space<hbm>>
    %dma_start3A_139 = tpu.memref_squeeze %dma_start3A_138 : memref<1x32768xi32, #tpu.memory_space<hbm>> -> memref<32768xi32, #tpu.memory_space<hbm>>
    %dma_start3A_140 = arith.constant 0 : i32
    %dma_start3A_141 = tpu.memref_slice %dma_start3A_139[%dma_start3A_140] : memref<32768xi32, #tpu.memory_space<hbm>> -> memref<32768xi32, #tpu.memory_space<hbm>>
    tpu.enqueue_indirect_dma source(%dma_start3A_141 : memref<32768xi32, #tpu.memory_space<hbm>>) target(%dma_start3A_133 : memref<128xi32, #tpu.memory_space<vmem>>) offsets(%dma_start3A_136 : memref<128xi32, #tpu.memory_space<vmem>>) semaphore(%arg7 : memref<!tpu.dma_semaphore, #tpu.memory_space<semaphore_mem>>)
    %dma_start3A_142 = arith.constant 10 : i32
    %dma_start3A_143 = arith.constant 0 : i32
    %dma_start3A_144 = arith.constant 10 : i32
    %dma_start3A_145 = arith.constant 0 : i32
    %dma_start3A_146 = tpu.memref_slice %arg6[%dma_start3A_144, %dma_start3A_145] : memref<14x512xi32, #tpu.memory_space<vmem>> -> memref<1x128xi32, #tpu.memory_space<vmem>>
    %dma_start3A_147 = tpu.memref_squeeze %dma_start3A_146 : memref<1x128xi32, #tpu.memory_space<vmem>> -> memref<128xi32, #tpu.memory_space<vmem>>
    %dma_start3A_148 = arith.constant 0 : i32
    %dma_start3A_149 = tpu.memref_slice %arg5[%dma_start3A_143, %dma_start3A_148] : memref<4x128xi32, #tpu.memory_space<vmem>> -> memref<1x128xi32, #tpu.memory_space<vmem>>
    %dma_start3A_150 = tpu.memref_squeeze %dma_start3A_149 : memref<1x128xi32, #tpu.memory_space<vmem>> -> memref<128xi32, #tpu.memory_space<vmem>>
    %dma_start3A_151 = arith.constant 0 : i32
    %dma_start3A_152 = tpu.memref_slice %arg2[%dma_start3A_142, %dma_start3A_151] : memref<14x32768xi32, #tpu.memory_space<hbm>> -> memref<1x32768xi32, #tpu.memory_space<hbm>>
    %dma_start3A_153 = tpu.memref_squeeze %dma_start3A_152 : memref<1x32768xi32, #tpu.memory_space<hbm>> -> memref<32768xi32, #tpu.memory_space<hbm>>
    %dma_start3A_154 = arith.constant 0 : i32
    %dma_start3A_155 = tpu.memref_slice %dma_start3A_153[%dma_start3A_154] : memref<32768xi32, #tpu.memory_space<hbm>> -> memref<32768xi32, #tpu.memory_space<hbm>>
    tpu.enqueue_indirect_dma source(%dma_start3A_155 : memref<32768xi32, #tpu.memory_space<hbm>>) target(%dma_start3A_147 : memref<128xi32, #tpu.memory_space<vmem>>) offsets(%dma_start3A_150 : memref<128xi32, #tpu.memory_space<vmem>>) semaphore(%arg7 : memref<!tpu.dma_semaphore, #tpu.memory_space<semaphore_mem>>)
    %dma_start3A_156 = arith.constant 11 : i32
    %dma_start3A_157 = arith.constant 0 : i32
    %dma_start3A_158 = arith.constant 11 : i32
    %dma_start3A_159 = arith.constant 0 : i32
    %dma_start3A_160 = tpu.memref_slice %arg6[%dma_start3A_158, %dma_start3A_159] : memref<14x512xi32, #tpu.memory_space<vmem>> -> memref<1x128xi32, #tpu.memory_space<vmem>>
    %dma_start3A_161 = tpu.memref_squeeze %dma_start3A_160 : memref<1x128xi32, #tpu.memory_space<vmem>> -> memref<128xi32, #tpu.memory_space<vmem>>
    %dma_start3A_162 = arith.constant 0 : i32
    %dma_start3A_163 = tpu.memref_slice %arg5[%dma_start3A_157, %dma_start3A_162] : memref<4x128xi32, #tpu.memory_space<vmem>> -> memref<1x128xi32, #tpu.memory_space<vmem>>
    %dma_start3A_164 = tpu.memref_squeeze %dma_start3A_163 : memref<1x128xi32, #tpu.memory_space<vmem>> -> memref<128xi32, #tpu.memory_space<vmem>>
    %dma_start3A_165 = arith.constant 0 : i32
    %dma_start3A_166 = tpu.memref_slice %arg2[%dma_start3A_156, %dma_start3A_165] : memref<14x32768xi32, #tpu.memory_space<hbm>> -> memref<1x32768xi32, #tpu.memory_space<hbm>>
    %dma_start3A_167 = tpu.memref_squeeze %dma_start3A_166 : memref<1x32768xi32, #tpu.memory_space<hbm>> -> memref<32768xi32, #tpu.memory_space<hbm>>
    %dma_start3A_168 = arith.constant 0 : i32
    %dma_start3A_169 = tpu.memref_slice %dma_start3A_167[%dma_start3A_168] : memref<32768xi32, #tpu.memory_space<hbm>> -> memref<32768xi32, #tpu.memory_space<hbm>>
    tpu.enqueue_indirect_dma source(%dma_start3A_169 : memref<32768xi32, #tpu.memory_space<hbm>>) target(%dma_start3A_161 : memref<128xi32, #tpu.memory_space<vmem>>) offsets(%dma_start3A_164 : memref<128xi32, #tpu.memory_space<vmem>>) semaphore(%arg7 : memref<!tpu.dma_semaphore, #tpu.memory_space<semaphore_mem>>)
    %dma_start3A_170 = arith.constant 12 : i32
    %dma_start3A_171 = arith.constant 0 : i32
    %dma_start3A_172 = arith.constant 12 : i32
    %dma_start3A_173 = arith.constant 0 : i32
    %dma_start3A_174 = tpu.memref_slice %arg6[%dma_start3A_172, %dma_start3A_173] : memref<14x512xi32, #tpu.memory_space<vmem>> -> memref<1x128xi32, #tpu.memory_space<vmem>>
    %dma_start3A_175 = tpu.memref_squeeze %dma_start3A_174 : memref<1x128xi32, #tpu.memory_space<vmem>> -> memref<128xi32, #tpu.memory_space<vmem>>
    %dma_start3A_176 = arith.constant 0 : i32
    %dma_start3A_177 = tpu.memref_slice %arg5[%dma_start3A_171, %dma_start3A_176] : memref<4x128xi32, #tpu.memory_space<vmem>> -> memref<1x128xi32, #tpu.memory_space<vmem>>
    %dma_start3A_178 = tpu.memref_squeeze %dma_start3A_177 : memref<1x128xi32, #tpu.memory_space<vmem>> -> memref<128xi32, #tpu.memory_space<vmem>>
    %dma_start3A_179 = arith.constant 0 : i32
    %dma_start3A_180 = tpu.memref_slice %arg2[%dma_start3A_170, %dma_start3A_179] : memref<14x32768xi32, #tpu.memory_space<hbm>> -> memref<1x32768xi32, #tpu.memory_space<hbm>>
    %dma_start3A_181 = tpu.memref_squeeze %dma_start3A_180 : memref<1x32768xi32, #tpu.memory_space<hbm>> -> memref<32768xi32, #tpu.memory_space<hbm>>
    %dma_start3A_182 = arith.constant 0 : i32
    %dma_start3A_183 = tpu.memref_slice %dma_start3A_181[%dma_start3A_182] : memref<32768xi32, #tpu.memory_space<hbm>> -> memref<32768xi32, #tpu.memory_space<hbm>>
    tpu.enqueue_indirect_dma source(%dma_start3A_183 : memref<32768xi32, #tpu.memory_space<hbm>>) target(%dma_start3A_175 : memref<128xi32, #tpu.memory_space<vmem>>) offsets(%dma_start3A_178 : memref<128xi32, #tpu.memory_space<vmem>>) semaphore(%arg7 : memref<!tpu.dma_semaphore, #tpu.memory_space<semaphore_mem>>)
    %dma_start3A_184 = arith.constant 13 : i32
    %dma_start3A_185 = arith.constant 0 : i32
    %dma_start3A_186 = arith.constant 13 : i32
    %dma_start3A_187 = arith.constant 0 : i32
    %dma_start3A_188 = tpu.memref_slice %arg6[%dma_start3A_186, %dma_start3A_187] : memref<14x512xi32, #tpu.memory_space<vmem>> -> memref<1x128xi32, #tpu.memory_space<vmem>>
    %dma_start3A_189 = tpu.memref_squeeze %dma_start3A_188 : memref<1x128xi32, #tpu.memory_space<vmem>> -> memref<128xi32, #tpu.memory_space<vmem>>
    %dma_start3A_190 = arith.constant 0 : i32
    %dma_start3A_191 = tpu.memref_slice %arg5[%dma_start3A_185, %dma_start3A_190] : memref<4x128xi32, #tpu.memory_space<vmem>> -> memref<1x128xi32, #tpu.memory_space<vmem>>
    %dma_start3A_192 = tpu.memref_squeeze %dma_start3A_191 : memref<1x128xi32, #tpu.memory_space<vmem>> -> memref<128xi32, #tpu.memory_space<vmem>>
    %dma_start3A_193 = arith.constant 0 : i32
    %dma_start3A_194 = tpu.memref_slice %arg2[%dma_start3A_184, %dma_start3A_193] : memref<14x32768xi32, #tpu.memory_space<hbm>> -> memref<1x32768xi32, #tpu.memory_space<hbm>>
    %dma_start3A_195 = tpu.memref_squeeze %dma_start3A_194 : memref<1x32768xi32, #tpu.memory_space<hbm>> -> memref<32768xi32, #tpu.memory_space<hbm>>
    %dma_start3A_196 = arith.constant 0 : i32
    %dma_start3A_197 = tpu.memref_slice %dma_start3A_195[%dma_start3A_196] : memref<32768xi32, #tpu.memory_space<hbm>> -> memref<32768xi32, #tpu.memory_space<hbm>>
    tpu.enqueue_indirect_dma source(%dma_start3A_197 : memref<32768xi32, #tpu.memory_space<hbm>>) target(%dma_start3A_189 : memref<128xi32, #tpu.memory_space<vmem>>) offsets(%dma_start3A_192 : memref<128xi32, #tpu.memory_space<vmem>>) semaphore(%arg7 : memref<!tpu.dma_semaphore, #tpu.memory_space<semaphore_mem>>)
    %dma_wait3A = arith.constant 0 : i32
    %dma_wait3A_198 = arith.constant 0 : i32
    %dma_wait3A_199 = tpu.memref_slice %arg6[%dma_wait3A, %dma_wait3A_198] : memref<14x512xi32, #tpu.memory_space<vmem>> -> memref<14x128xi32, #tpu.memory_space<vmem>>
    %dma_wait3A_200 = arith.constant 0 : i32
    %dma_wait3A_201 = arith.constant 0 : i32
    %dma_wait3A_202 = tpu.memref_slice %arg2[%dma_wait3A_200, %dma_wait3A_201] : memref<14x32768xi32, #tpu.memory_space<hbm>> -> memref<14x128xi32, #tpu.memory_space<hbm>>
    %dma_wait3A_203 = arith.constant 0 : i32
    %dma_wait3A_204 = arith.constant 0 : i32
    %dma_wait3A_205 = tpu.memref_slice %arg6[%dma_wait3A_203, %dma_wait3A_204] : memref<14x512xi32, #tpu.memory_space<vmem>> -> memref<14x128xi32, #tpu.memory_space<vmem>>
    %dma_wait3A_206 = arith.constant 0 : i32
    %dma_wait3A_207 = arith.constant 0 : i32
    %dma_wait3A_208 = tpu.memref_slice %arg2[%dma_wait3A_206, %dma_wait3A_207] : memref<14x32768xi32, #tpu.memory_space<hbm>> -> memref<14x128xi32, #tpu.memory_space<hbm>>
    tpu.wait_dma2 semaphore(%arg7 : memref<!tpu.dma_semaphore, #tpu.memory_space<semaphore_mem>>) src(%dma_wait3A_208 : memref<14x128xi32, #tpu.memory_space<hbm>>) dst(%dma_wait3A_205 : memref<14x128xi32, #tpu.memory_space<vmem>>)
    %dma_start3A_209 = arith.constant 0 : i32
    %dma_start3A_210 = arith.constant 1 : i32
    %dma_start3A_211 = arith.constant 0 : i32
    %dma_start3A_212 = arith.constant 128 : i32
    %dma_start3A_213 = tpu.memref_slice %arg6[%dma_start3A_211, %dma_start3A_212] : memref<14x512xi32, #tpu.memory_space<vmem>> -> memref<1x128xi32, #tpu.memory_space<vmem>>
    %dma_start3A_214 = tpu.memref_squeeze %dma_start3A_213 : memref<1x128xi32, #tpu.memory_space<vmem>> -> memref<128xi32, #tpu.memory_space<vmem>>
    %dma_start3A_215 = arith.constant 0 : i32
    %dma_start3A_216 = tpu.memref_slice %arg5[%dma_start3A_210, %dma_start3A_215] : memref<4x128xi32, #tpu.memory_space<vmem>> -> memref<1x128xi32, #tpu.memory_space<vmem>>
    %dma_start3A_217 = tpu.memref_squeeze %dma_start3A_216 : memref<1x128xi32, #tpu.memory_space<vmem>> -> memref<128xi32, #tpu.memory_space<vmem>>
    %dma_start3A_218 = arith.constant 0 : i32
    %dma_start3A_219 = tpu.memref_slice %arg2[%dma_start3A_209, %dma_start3A_218] : memref<14x32768xi32, #tpu.memory_space<hbm>> -> memref<1x32768xi32, #tpu.memory_space<hbm>>
    %dma_start3A_220 = tpu.memref_squeeze %dma_start3A_219 : memref<1x32768xi32, #tpu.memory_space<hbm>> -> memref<32768xi32, #tpu.memory_space<hbm>>
    %dma_start3A_221 = arith.constant 0 : i32
    %dma_start3A_222 = tpu.memref_slice %dma_start3A_220[%dma_start3A_221] : memref<32768xi32, #tpu.memory_space<hbm>> -> memref<32768xi32, #tpu.memory_space<hbm>>
    tpu.enqueue_indirect_dma source(%dma_start3A_222 : memref<32768xi32, #tpu.memory_space<hbm>>) target(%dma_start3A_214 : memref<128xi32, #tpu.memory_space<vmem>>) offsets(%dma_start3A_217 : memref<128xi32, #tpu.memory_space<vmem>>) semaphore(%arg7 : memref<!tpu.dma_semaphore, #tpu.memory_space<semaphore_mem>>)
    %dma_start3A_223 = arith.constant 1 : i32
    %dma_start3A_224 = arith.constant 1 : i32
    %dma_start3A_225 = arith.constant 1 : i32
    %dma_start3A_226 = arith.constant 128 : i32
    %dma_start3A_227 = tpu.memref_slice %arg6[%dma_start3A_225, %dma_start3A_226] : memref<14x512xi32, #tpu.memory_space<vmem>> -> memref<1x128xi32, #tpu.memory_space<vmem>>
    %dma_start3A_228 = tpu.memref_squeeze %dma_start3A_227 : memref<1x128xi32, #tpu.memory_space<vmem>> -> memref<128xi32, #tpu.memory_space<vmem>>
    %dma_start3A_229 = arith.constant 0 : i32
    %dma_start3A_230 = tpu.memref_slice %arg5[%dma_start3A_224, %dma_start3A_229] : memref<4x128xi32, #tpu.memory_space<vmem>> -> memref<1x128xi32, #tpu.memory_space<vmem>>
    %dma_start3A_231 = tpu.memref_squeeze %dma_start3A_230 : memref<1x128xi32, #tpu.memory_space<vmem>> -> memref<128xi32, #tpu.memory_space<vmem>>
    %dma_start3A_232 = arith.constant 0 : i32
    %dma_start3A_233 = tpu.memref_slice %arg2[%dma_start3A_223, %dma_start3A_232] : memref<14x32768xi32, #tpu.memory_space<hbm>> -> memref<1x32768xi32, #tpu.memory_space<hbm>>
    %dma_start3A_234 = tpu.memref_squeeze %dma_start3A_233 : memref<1x32768xi32, #tpu.memory_space<hbm>> -> memref<32768xi32, #tpu.memory_space<hbm>>
    %dma_start3A_235 = arith.constant 0 : i32
    %dma_start3A_236 = tpu.memref_slice %dma_start3A_234[%dma_start3A_235] : memref<32768xi32, #tpu.memory_space<hbm>> -> memref<32768xi32, #tpu.memory_space<hbm>>
    tpu.enqueue_indirect_dma source(%dma_start3A_236 : memref<32768xi32, #tpu.memory_space<hbm>>) target(%dma_start3A_228 : memref<128xi32, #tpu.memory_space<vmem>>) offsets(%dma_start3A_231 : memref<128xi32, #tpu.memory_space<vmem>>) semaphore(%arg7 : memref<!tpu.dma_semaphore, #tpu.memory_space<semaphore_mem>>)
    %dma_start3A_237 = arith.constant 2 : i32
    %dma_start3A_238 = arith.constant 1 : i32
    %dma_start3A_239 = arith.constant 2 : i32
    %dma_start3A_240 = arith.constant 128 : i32
    %dma_start3A_241 = tpu.memref_slice %arg6[%dma_start3A_239, %dma_start3A_240] : memref<14x512xi32, #tpu.memory_space<vmem>> -> memref<1x128xi32, #tpu.memory_space<vmem>>
    %dma_start3A_242 = tpu.memref_squeeze %dma_start3A_241 : memref<1x128xi32, #tpu.memory_space<vmem>> -> memref<128xi32, #tpu.memory_space<vmem>>
    %dma_start3A_243 = arith.constant 0 : i32
    %dma_start3A_244 = tpu.memref_slice %arg5[%dma_start3A_238, %dma_start3A_243] : memref<4x128xi32, #tpu.memory_space<vmem>> -> memref<1x128xi32, #tpu.memory_space<vmem>>
    %dma_start3A_245 = tpu.memref_squeeze %dma_start3A_244 : memref<1x128xi32, #tpu.memory_space<vmem>> -> memref<128xi32, #tpu.memory_space<vmem>>
    %dma_start3A_246 = arith.constant 0 : i32
    %dma_start3A_247 = tpu.memref_slice %arg2[%dma_start3A_237, %dma_start3A_246] : memref<14x32768xi32, #tpu.memory_space<hbm>> -> memref<1x32768xi32, #tpu.memory_space<hbm>>
    %dma_start3A_248 = tpu.memref_squeeze %dma_start3A_247 : memref<1x32768xi32, #tpu.memory_space<hbm>> -> memref<32768xi32, #tpu.memory_space<hbm>>
    %dma_start3A_249 = arith.constant 0 : i32
    %dma_start3A_250 = tpu.memref_slice %dma_start3A_248[%dma_start3A_249] : memref<32768xi32, #tpu.memory_space<hbm>> -> memref<32768xi32, #tpu.memory_space<hbm>>
    tpu.enqueue_indirect_dma source(%dma_start3A_250 : memref<32768xi32, #tpu.memory_space<hbm>>) target(%dma_start3A_242 : memref<128xi32, #tpu.memory_space<vmem>>) offsets(%dma_start3A_245 : memref<128xi32, #tpu.memory_space<vmem>>) semaphore(%arg7 : memref<!tpu.dma_semaphore, #tpu.memory_space<semaphore_mem>>)
    %dma_start3A_251 = arith.constant 3 : i32
    %dma_start3A_252 = arith.constant 1 : i32
    %dma_start3A_253 = arith.constant 3 : i32
    %dma_start3A_254 = arith.constant 128 : i32
    %dma_start3A_255 = tpu.memref_slice %arg6[%dma_start3A_253, %dma_start3A_254] : memref<14x512xi32, #tpu.memory_space<vmem>> -> memref<1x128xi32, #tpu.memory_space<vmem>>
    %dma_start3A_256 = tpu.memref_squeeze %dma_start3A_255 : memref<1x128xi32, #tpu.memory_space<vmem>> -> memref<128xi32, #tpu.memory_space<vmem>>
    %dma_start3A_257 = arith.constant 0 : i32
    %dma_start3A_258 = tpu.memref_slice %arg5[%dma_start3A_252, %dma_start3A_257] : memref<4x128xi32, #tpu.memory_space<vmem>> -> memref<1x128xi32, #tpu.memory_space<vmem>>
    %dma_start3A_259 = tpu.memref_squeeze %dma_start3A_258 : memref<1x128xi32, #tpu.memory_space<vmem>> -> memref<128xi32, #tpu.memory_space<vmem>>
    %dma_start3A_260 = arith.constant 0 : i32
    %dma_start3A_261 = tpu.memref_slice %arg2[%dma_start3A_251, %dma_start3A_260] : memref<14x32768xi32, #tpu.memory_space<hbm>> -> memref<1x32768xi32, #tpu.memory_space<hbm>>
    %dma_start3A_262 = tpu.memref_squeeze %dma_start3A_261 : memref<1x32768xi32, #tpu.memory_space<hbm>> -> memref<32768xi32, #tpu.memory_space<hbm>>
    %dma_start3A_263 = arith.constant 0 : i32
    %dma_start3A_264 = tpu.memref_slice %dma_start3A_262[%dma_start3A_263] : memref<32768xi32, #tpu.memory_space<hbm>> -> memref<32768xi32, #tpu.memory_space<hbm>>
    tpu.enqueue_indirect_dma source(%dma_start3A_264 : memref<32768xi32, #tpu.memory_space<hbm>>) target(%dma_start3A_256 : memref<128xi32, #tpu.memory_space<vmem>>) offsets(%dma_start3A_259 : memref<128xi32, #tpu.memory_space<vmem>>) semaphore(%arg7 : memref<!tpu.dma_semaphore, #tpu.memory_space<semaphore_mem>>)
    %dma_start3A_265 = arith.constant 4 : i32
    %dma_start3A_266 = arith.constant 1 : i32
    %dma_start3A_267 = arith.constant 4 : i32
    %dma_start3A_268 = arith.constant 128 : i32
    %dma_start3A_269 = tpu.memref_slice %arg6[%dma_start3A_267, %dma_start3A_268] : memref<14x512xi32, #tpu.memory_space<vmem>> -> memref<1x128xi32, #tpu.memory_space<vmem>>
    %dma_start3A_270 = tpu.memref_squeeze %dma_start3A_269 : memref<1x128xi32, #tpu.memory_space<vmem>> -> memref<128xi32, #tpu.memory_space<vmem>>
    %dma_start3A_271 = arith.constant 0 : i32
    %dma_start3A_272 = tpu.memref_slice %arg5[%dma_start3A_266, %dma_start3A_271] : memref<4x128xi32, #tpu.memory_space<vmem>> -> memref<1x128xi32, #tpu.memory_space<vmem>>
    %dma_start3A_273 = tpu.memref_squeeze %dma_start3A_272 : memref<1x128xi32, #tpu.memory_space<vmem>> -> memref<128xi32, #tpu.memory_space<vmem>>
    %dma_start3A_274 = arith.constant 0 : i32
    %dma_start3A_275 = tpu.memref_slice %arg2[%dma_start3A_265, %dma_start3A_274] : memref<14x32768xi32, #tpu.memory_space<hbm>> -> memref<1x32768xi32, #tpu.memory_space<hbm>>
    %dma_start3A_276 = tpu.memref_squeeze %dma_start3A_275 : memref<1x32768xi32, #tpu.memory_space<hbm>> -> memref<32768xi32, #tpu.memory_space<hbm>>
    %dma_start3A_277 = arith.constant 0 : i32
    %dma_start3A_278 = tpu.memref_slice %dma_start3A_276[%dma_start3A_277] : memref<32768xi32, #tpu.memory_space<hbm>> -> memref<32768xi32, #tpu.memory_space<hbm>>
    tpu.enqueue_indirect_dma source(%dma_start3A_278 : memref<32768xi32, #tpu.memory_space<hbm>>) target(%dma_start3A_270 : memref<128xi32, #tpu.memory_space<vmem>>) offsets(%dma_start3A_273 : memref<128xi32, #tpu.memory_space<vmem>>) semaphore(%arg7 : memref<!tpu.dma_semaphore, #tpu.memory_space<semaphore_mem>>)
    %dma_start3A_279 = arith.constant 5 : i32
    %dma_start3A_280 = arith.constant 1 : i32
    %dma_start3A_281 = arith.constant 5 : i32
    %dma_start3A_282 = arith.constant 128 : i32
    %dma_start3A_283 = tpu.memref_slice %arg6[%dma_start3A_281, %dma_start3A_282] : memref<14x512xi32, #tpu.memory_space<vmem>> -> memref<1x128xi32, #tpu.memory_space<vmem>>
    %dma_start3A_284 = tpu.memref_squeeze %dma_start3A_283 : memref<1x128xi32, #tpu.memory_space<vmem>> -> memref<128xi32, #tpu.memory_space<vmem>>
    %dma_start3A_285 = arith.constant 0 : i32
    %dma_start3A_286 = tpu.memref_slice %arg5[%dma_start3A_280, %dma_start3A_285] : memref<4x128xi32, #tpu.memory_space<vmem>> -> memref<1x128xi32, #tpu.memory_space<vmem>>
    %dma_start3A_287 = tpu.memref_squeeze %dma_start3A_286 : memref<1x128xi32, #tpu.memory_space<vmem>> -> memref<128xi32, #tpu.memory_space<vmem>>
    %dma_start3A_288 = arith.constant 0 : i32
    %dma_start3A_289 = tpu.memref_slice %arg2[%dma_start3A_279, %dma_start3A_288] : memref<14x32768xi32, #tpu.memory_space<hbm>> -> memref<1x32768xi32, #tpu.memory_space<hbm>>
    %dma_start3A_290 = tpu.memref_squeeze %dma_start3A_289 : memref<1x32768xi32, #tpu.memory_space<hbm>> -> memref<32768xi32, #tpu.memory_space<hbm>>
    %dma_start3A_291 = arith.constant 0 : i32
    %dma_start3A_292 = tpu.memref_slice %dma_start3A_290[%dma_start3A_291] : memref<32768xi32, #tpu.memory_space<hbm>> -> memref<32768xi32, #tpu.memory_space<hbm>>
    tpu.enqueue_indirect_dma source(%dma_start3A_292 : memref<32768xi32, #tpu.memory_space<hbm>>) target(%dma_start3A_284 : memref<128xi32, #tpu.memory_space<vmem>>) offsets(%dma_start3A_287 : memref<128xi32, #tpu.memory_space<vmem>>) semaphore(%arg7 : memref<!tpu.dma_semaphore, #tpu.memory_space<semaphore_mem>>)
    %dma_start3A_293 = arith.constant 6 : i32
    %dma_start3A_294 = arith.constant 1 : i32
    %dma_start3A_295 = arith.constant 6 : i32
    %dma_start3A_296 = arith.constant 128 : i32
    %dma_start3A_297 = tpu.memref_slice %arg6[%dma_start3A_295, %dma_start3A_296] : memref<14x512xi32, #tpu.memory_space<vmem>> -> memref<1x128xi32, #tpu.memory_space<vmem>>
    %dma_start3A_298 = tpu.memref_squeeze %dma_start3A_297 : memref<1x128xi32, #tpu.memory_space<vmem>> -> memref<128xi32, #tpu.memory_space<vmem>>
    %dma_start3A_299 = arith.constant 0 : i32
    %dma_start3A_300 = tpu.memref_slice %arg5[%dma_start3A_294, %dma_start3A_299] : memref<4x128xi32, #tpu.memory_space<vmem>> -> memref<1x128xi32, #tpu.memory_space<vmem>>
    %dma_start3A_301 = tpu.memref_squeeze %dma_start3A_300 : memref<1x128xi32, #tpu.memory_space<vmem>> -> memref<128xi32, #tpu.memory_space<vmem>>
    %dma_start3A_302 = arith.constant 0 : i32
    %dma_start3A_303 = tpu.memref_slice %arg2[%dma_start3A_293, %dma_start3A_302] : memref<14x32768xi32, #tpu.memory_space<hbm>> -> memref<1x32768xi32, #tpu.memory_space<hbm>>
    %dma_start3A_304 = tpu.memref_squeeze %dma_start3A_303 : memref<1x32768xi32, #tpu.memory_space<hbm>> -> memref<32768xi32, #tpu.memory_space<hbm>>
    %dma_start3A_305 = arith.constant 0 : i32
    %dma_start3A_306 = tpu.memref_slice %dma_start3A_304[%dma_start3A_305] : memref<32768xi32, #tpu.memory_space<hbm>> -> memref<32768xi32, #tpu.memory_space<hbm>>
    tpu.enqueue_indirect_dma source(%dma_start3A_306 : memref<32768xi32, #tpu.memory_space<hbm>>) target(%dma_start3A_298 : memref<128xi32, #tpu.memory_space<vmem>>) offsets(%dma_start3A_301 : memref<128xi32, #tpu.memory_space<vmem>>) semaphore(%arg7 : memref<!tpu.dma_semaphore, #tpu.memory_space<semaphore_mem>>)
    %dma_start3A_307 = arith.constant 7 : i32
    %dma_start3A_308 = arith.constant 1 : i32
    %dma_start3A_309 = arith.constant 7 : i32
    %dma_start3A_310 = arith.constant 128 : i32
    %dma_start3A_311 = tpu.memref_slice %arg6[%dma_start3A_309, %dma_start3A_310] : memref<14x512xi32, #tpu.memory_space<vmem>> -> memref<1x128xi32, #tpu.memory_space<vmem>>
    %dma_start3A_312 = tpu.memref_squeeze %dma_start3A_311 : memref<1x128xi32, #tpu.memory_space<vmem>> -> memref<128xi32, #tpu.memory_space<vmem>>
    %dma_start3A_313 = arith.constant 0 : i32
    %dma_start3A_314 = tpu.memref_slice %arg5[%dma_start3A_308, %dma_start3A_313] : memref<4x128xi32, #tpu.memory_space<vmem>> -> memref<1x128xi32, #tpu.memory_space<vmem>>
    %dma_start3A_315 = tpu.memref_squeeze %dma_start3A_314 : memref<1x128xi32, #tpu.memory_space<vmem>> -> memref<128xi32, #tpu.memory_space<vmem>>
    %dma_start3A_316 = arith.constant 0 : i32
    %dma_start3A_317 = tpu.memref_slice %arg2[%dma_start3A_307, %dma_start3A_316] : memref<14x32768xi32, #tpu.memory_space<hbm>> -> memref<1x32768xi32, #tpu.memory_space<hbm>>
    %dma_start3A_318 = tpu.memref_squeeze %dma_start3A_317 : memref<1x32768xi32, #tpu.memory_space<hbm>> -> memref<32768xi32, #tpu.memory_space<hbm>>
    %dma_start3A_319 = arith.constant 0 : i32
    %dma_start3A_320 = tpu.memref_slice %dma_start3A_318[%dma_start3A_319] : memref<32768xi32, #tpu.memory_space<hbm>> -> memref<32768xi32, #tpu.memory_space<hbm>>
    tpu.enqueue_indirect_dma source(%dma_start3A_320 : memref<32768xi32, #tpu.memory_space<hbm>>) target(%dma_start3A_312 : memref<128xi32, #tpu.memory_space<vmem>>) offsets(%dma_start3A_315 : memref<128xi32, #tpu.memory_space<vmem>>) semaphore(%arg7 : memref<!tpu.dma_semaphore, #tpu.memory_space<semaphore_mem>>)
    %dma_start3A_321 = arith.constant 8 : i32
    %dma_start3A_322 = arith.constant 1 : i32
    %dma_start3A_323 = arith.constant 8 : i32
    %dma_start3A_324 = arith.constant 128 : i32
    %dma_start3A_325 = tpu.memref_slice %arg6[%dma_start3A_323, %dma_start3A_324] : memref<14x512xi32, #tpu.memory_space<vmem>> -> memref<1x128xi32, #tpu.memory_space<vmem>>
    %dma_start3A_326 = tpu.memref_squeeze %dma_start3A_325 : memref<1x128xi32, #tpu.memory_space<vmem>> -> memref<128xi32, #tpu.memory_space<vmem>>
    %dma_start3A_327 = arith.constant 0 : i32
    %dma_start3A_328 = tpu.memref_slice %arg5[%dma_start3A_322, %dma_start3A_327] : memref<4x128xi32, #tpu.memory_space<vmem>> -> memref<1x128xi32, #tpu.memory_space<vmem>>
    %dma_start3A_329 = tpu.memref_squeeze %dma_start3A_328 : memref<1x128xi32, #tpu.memory_space<vmem>> -> memref<128xi32, #tpu.memory_space<vmem>>
    %dma_start3A_330 = arith.constant 0 : i32
    %dma_start3A_331 = tpu.memref_slice %arg2[%dma_start3A_321, %dma_start3A_330] : memref<14x32768xi32, #tpu.memory_space<hbm>> -> memref<1x32768xi32, #tpu.memory_space<hbm>>
    %dma_start3A_332 = tpu.memref_squeeze %dma_start3A_331 : memref<1x32768xi32, #tpu.memory_space<hbm>> -> memref<32768xi32, #tpu.memory_space<hbm>>
    %dma_start3A_333 = arith.constant 0 : i32
    %dma_start3A_334 = tpu.memref_slice %dma_start3A_332[%dma_start3A_333] : memref<32768xi32, #tpu.memory_space<hbm>> -> memref<32768xi32, #tpu.memory_space<hbm>>
    tpu.enqueue_indirect_dma source(%dma_start3A_334 : memref<32768xi32, #tpu.memory_space<hbm>>) target(%dma_start3A_326 : memref<128xi32, #tpu.memory_space<vmem>>) offsets(%dma_start3A_329 : memref<128xi32, #tpu.memory_space<vmem>>) semaphore(%arg7 : memref<!tpu.dma_semaphore, #tpu.memory_space<semaphore_mem>>)
    %dma_start3A_335 = arith.constant 9 : i32
    %dma_start3A_336 = arith.constant 1 : i32
    %dma_start3A_337 = arith.constant 9 : i32
    %dma_start3A_338 = arith.constant 128 : i32
    %dma_start3A_339 = tpu.memref_slice %arg6[%dma_start3A_337, %dma_start3A_338] : memref<14x512xi32, #tpu.memory_space<vmem>> -> memref<1x128xi32, #tpu.memory_space<vmem>>
    %dma_start3A_340 = tpu.memref_squeeze %dma_start3A_339 : memref<1x128xi32, #tpu.memory_space<vmem>> -> memref<128xi32, #tpu.memory_space<vmem>>
    %dma_start3A_341 = arith.constant 0 : i32
    %dma_start3A_342 = tpu.memref_slice %arg5[%dma_start3A_336, %dma_start3A_341] : memref<4x128xi32, #tpu.memory_space<vmem>> -> memref<1x128xi32, #tpu.memory_space<vmem>>
    %dma_start3A_343 = tpu.memref_squeeze %dma_start3A_342 : memref<1x128xi32, #tpu.memory_space<vmem>> -> memref<128xi32, #tpu.memory_space<vmem>>
    %dma_start3A_344 = arith.constant 0 : i32
    %dma_start3A_345 = tpu.memref_slice %arg2[%dma_start3A_335, %dma_start3A_344] : memref<14x32768xi32, #tpu.memory_space<hbm>> -> memref<1x32768xi32, #tpu.memory_space<hbm>>
    %dma_start3A_346 = tpu.memref_squeeze %dma_start3A_345 : memref<1x32768xi32, #tpu.memory_space<hbm>> -> memref<32768xi32, #tpu.memory_space<hbm>>
    %dma_start3A_347 = arith.constant 0 : i32
    %dma_start3A_348 = tpu.memref_slice %dma_start3A_346[%dma_start3A_347] : memref<32768xi32, #tpu.memory_space<hbm>> -> memref<32768xi32, #tpu.memory_space<hbm>>
    tpu.enqueue_indirect_dma source(%dma_start3A_348 : memref<32768xi32, #tpu.memory_space<hbm>>) target(%dma_start3A_340 : memref<128xi32, #tpu.memory_space<vmem>>) offsets(%dma_start3A_343 : memref<128xi32, #tpu.memory_space<vmem>>) semaphore(%arg7 : memref<!tpu.dma_semaphore, #tpu.memory_space<semaphore_mem>>)
    %dma_start3A_349 = arith.constant 10 : i32
    %dma_start3A_350 = arith.constant 1 : i32
    %dma_start3A_351 = arith.constant 10 : i32
    %dma_start3A_352 = arith.constant 128 : i32
    %dma_start3A_353 = tpu.memref_slice %arg6[%dma_start3A_351, %dma_start3A_352] : memref<14x512xi32, #tpu.memory_space<vmem>> -> memref<1x128xi32, #tpu.memory_space<vmem>>
    %dma_start3A_354 = tpu.memref_squeeze %dma_start3A_353 : memref<1x128xi32, #tpu.memory_space<vmem>> -> memref<128xi32, #tpu.memory_space<vmem>>
    %dma_start3A_355 = arith.constant 0 : i32
    %dma_start3A_356 = tpu.memref_slice %arg5[%dma_start3A_350, %dma_start3A_355] : memref<4x128xi32, #tpu.memory_space<vmem>> -> memref<1x128xi32, #tpu.memory_space<vmem>>
    %dma_start3A_357 = tpu.memref_squeeze %dma_start3A_356 : memref<1x128xi32, #tpu.memory_space<vmem>> -> memref<128xi32, #tpu.memory_space<vmem>>
    %dma_start3A_358 = arith.constant 0 : i32
    %dma_start3A_359 = tpu.memref_slice %arg2[%dma_start3A_349, %dma_start3A_358] : memref<14x32768xi32, #tpu.memory_space<hbm>> -> memref<1x32768xi32, #tpu.memory_space<hbm>>
    %dma_start3A_360 = tpu.memref_squeeze %dma_start3A_359 : memref<1x32768xi32, #tpu.memory_space<hbm>> -> memref<32768xi32, #tpu.memory_space<hbm>>
    %dma_start3A_361 = arith.constant 0 : i32
    %dma_start3A_362 = tpu.memref_slice %dma_start3A_360[%dma_start3A_361] : memref<32768xi32, #tpu.memory_space<hbm>> -> memref<32768xi32, #tpu.memory_space<hbm>>
    tpu.enqueue_indirect_dma source(%dma_start3A_362 : memref<32768xi32, #tpu.memory_space<hbm>>) target(%dma_start3A_354 : memref<128xi32, #tpu.memory_space<vmem>>) offsets(%dma_start3A_357 : memref<128xi32, #tpu.memory_space<vmem>>) semaphore(%arg7 : memref<!tpu.dma_semaphore, #tpu.memory_space<semaphore_mem>>)
    %dma_start3A_363 = arith.constant 11 : i32
    %dma_start3A_364 = arith.constant 1 : i32
    %dma_start3A_365 = arith.constant 11 : i32
    %dma_start3A_366 = arith.constant 128 : i32
    %dma_start3A_367 = tpu.memref_slice %arg6[%dma_start3A_365, %dma_start3A_366] : memref<14x512xi32, #tpu.memory_space<vmem>> -> memref<1x128xi32, #tpu.memory_space<vmem>>
    %dma_start3A_368 = tpu.memref_squeeze %dma_start3A_367 : memref<1x128xi32, #tpu.memory_space<vmem>> -> memref<128xi32, #tpu.memory_space<vmem>>
    %dma_start3A_369 = arith.constant 0 : i32
    %dma_start3A_370 = tpu.memref_slice %arg5[%dma_start3A_364, %dma_start3A_369] : memref<4x128xi32, #tpu.memory_space<vmem>> -> memref<1x128xi32, #tpu.memory_space<vmem>>
    %dma_start3A_371 = tpu.memref_squeeze %dma_start3A_370 : memref<1x128xi32, #tpu.memory_space<vmem>> -> memref<128xi32, #tpu.memory_space<vmem>>
    %dma_start3A_372 = arith.constant 0 : i32
    %dma_start3A_373 = tpu.memref_slice %arg2[%dma_start3A_363, %dma_start3A_372] : memref<14x32768xi32, #tpu.memory_space<hbm>> -> memref<1x32768xi32, #tpu.memory_space<hbm>>
    %dma_start3A_374 = tpu.memref_squeeze %dma_start3A_373 : memref<1x32768xi32, #tpu.memory_space<hbm>> -> memref<32768xi32, #tpu.memory_space<hbm>>
    %dma_start3A_375 = arith.constant 0 : i32
    %dma_start3A_376 = tpu.memref_slice %dma_start3A_374[%dma_start3A_375] : memref<32768xi32, #tpu.memory_space<hbm>> -> memref<32768xi32, #tpu.memory_space<hbm>>
    tpu.enqueue_indirect_dma source(%dma_start3A_376 : memref<32768xi32, #tpu.memory_space<hbm>>) target(%dma_start3A_368 : memref<128xi32, #tpu.memory_space<vmem>>) offsets(%dma_start3A_371 : memref<128xi32, #tpu.memory_space<vmem>>) semaphore(%arg7 : memref<!tpu.dma_semaphore, #tpu.memory_space<semaphore_mem>>)
    %dma_start3A_377 = arith.constant 12 : i32
    %dma_start3A_378 = arith.constant 1 : i32
    %dma_start3A_379 = arith.constant 12 : i32
    %dma_start3A_380 = arith.constant 128 : i32
    %dma_start3A_381 = tpu.memref_slice %arg6[%dma_start3A_379, %dma_start3A_380] : memref<14x512xi32, #tpu.memory_space<vmem>> -> memref<1x128xi32, #tpu.memory_space<vmem>>
    %dma_start3A_382 = tpu.memref_squeeze %dma_start3A_381 : memref<1x128xi32, #tpu.memory_space<vmem>> -> memref<128xi32, #tpu.memory_space<vmem>>
    %dma_start3A_383 = arith.constant 0 : i32
    %dma_start3A_384 = tpu.memref_slice %arg5[%dma_start3A_378, %dma_start3A_383] : memref<4x128xi32, #tpu.memory_space<vmem>> -> memref<1x128xi32, #tpu.memory_space<vmem>>
    %dma_start3A_385 = tpu.memref_squeeze %dma_start3A_384 : memref<1x128xi32, #tpu.memory_space<vmem>> -> memref<128xi32, #tpu.memory_space<vmem>>
    %dma_start3A_386 = arith.constant 0 : i32
    %dma_start3A_387 = tpu.memref_slice %arg2[%dma_start3A_377, %dma_start3A_386] : memref<14x32768xi32, #tpu.memory_space<hbm>> -> memref<1x32768xi32, #tpu.memory_space<hbm>>
    %dma_start3A_388 = tpu.memref_squeeze %dma_start3A_387 : memref<1x32768xi32, #tpu.memory_space<hbm>> -> memref<32768xi32, #tpu.memory_space<hbm>>
    %dma_start3A_389 = arith.constant 0 : i32
    %dma_start3A_390 = tpu.memref_slice %dma_start3A_388[%dma_start3A_389] : memref<32768xi32, #tpu.memory_space<hbm>> -> memref<32768xi32, #tpu.memory_space<hbm>>
    tpu.enqueue_indirect_dma source(%dma_start3A_390 : memref<32768xi32, #tpu.memory_space<hbm>>) target(%dma_start3A_382 : memref<128xi32, #tpu.memory_space<vmem>>) offsets(%dma_start3A_385 : memref<128xi32, #tpu.memory_space<vmem>>) semaphore(%arg7 : memref<!tpu.dma_semaphore, #tpu.memory_space<semaphore_mem>>)
    %dma_start3A_391 = arith.constant 13 : i32
    %dma_start3A_392 = arith.constant 1 : i32
    %dma_start3A_393 = arith.constant 13 : i32
    %dma_start3A_394 = arith.constant 128 : i32
    %dma_start3A_395 = tpu.memref_slice %arg6[%dma_start3A_393, %dma_start3A_394] : memref<14x512xi32, #tpu.memory_space<vmem>> -> memref<1x128xi32, #tpu.memory_space<vmem>>
    %dma_start3A_396 = tpu.memref_squeeze %dma_start3A_395 : memref<1x128xi32, #tpu.memory_space<vmem>> -> memref<128xi32, #tpu.memory_space<vmem>>
    %dma_start3A_397 = arith.constant 0 : i32
    %dma_start3A_398 = tpu.memref_slice %arg5[%dma_start3A_392, %dma_start3A_397] : memref<4x128xi32, #tpu.memory_space<vmem>> -> memref<1x128xi32, #tpu.memory_space<vmem>>
    %dma_start3A_399 = tpu.memref_squeeze %dma_start3A_398 : memref<1x128xi32, #tpu.memory_space<vmem>> -> memref<128xi32, #tpu.memory_space<vmem>>
    %dma_start3A_400 = arith.constant 0 : i32
    %dma_start3A_401 = tpu.memref_slice %arg2[%dma_start3A_391, %dma_start3A_400] : memref<14x32768xi32, #tpu.memory_space<hbm>> -> memref<1x32768xi32, #tpu.memory_space<hbm>>
    %dma_start3A_402 = tpu.memref_squeeze %dma_start3A_401 : memref<1x32768xi32, #tpu.memory_space<hbm>> -> memref<32768xi32, #tpu.memory_space<hbm>>
    %dma_start3A_403 = arith.constant 0 : i32
    %dma_start3A_404 = tpu.memref_slice %dma_start3A_402[%dma_start3A_403] : memref<32768xi32, #tpu.memory_space<hbm>> -> memref<32768xi32, #tpu.memory_space<hbm>>
    tpu.enqueue_indirect_dma source(%dma_start3A_404 : memref<32768xi32, #tpu.memory_space<hbm>>) target(%dma_start3A_396 : memref<128xi32, #tpu.memory_space<vmem>>) offsets(%dma_start3A_399 : memref<128xi32, #tpu.memory_space<vmem>>) semaphore(%arg7 : memref<!tpu.dma_semaphore, #tpu.memory_space<semaphore_mem>>)
    %dma_wait3A_405 = arith.constant 0 : i32
    %dma_wait3A_406 = arith.constant 128 : i32
    %dma_wait3A_407 = tpu.memref_slice %arg6[%dma_wait3A_405, %dma_wait3A_406] : memref<14x512xi32, #tpu.memory_space<vmem>> -> memref<14x128xi32, #tpu.memory_space<vmem>>
    %dma_wait3A_408 = arith.constant 0 : i32
    %dma_wait3A_409 = arith.constant 0 : i32
    %dma_wait3A_410 = tpu.memref_slice %arg2[%dma_wait3A_408, %dma_wait3A_409] : memref<14x32768xi32, #tpu.memory_space<hbm>> -> memref<14x128xi32, #tpu.memory_space<hbm>>
    %dma_wait3A_411 = arith.constant 0 : i32
    %dma_wait3A_412 = arith.constant 128 : i32
    %dma_wait3A_413 = tpu.memref_slice %arg6[%dma_wait3A_411, %dma_wait3A_412] : memref<14x512xi32, #tpu.memory_space<vmem>> -> memref<14x128xi32, #tpu.memory_space<vmem>>
    %dma_wait3A_414 = arith.constant 0 : i32
    %dma_wait3A_415 = arith.constant 0 : i32
    %dma_wait3A_416 = tpu.memref_slice %arg2[%dma_wait3A_414, %dma_wait3A_415] : memref<14x32768xi32, #tpu.memory_space<hbm>> -> memref<14x128xi32, #tpu.memory_space<hbm>>
    tpu.wait_dma2 semaphore(%arg7 : memref<!tpu.dma_semaphore, #tpu.memory_space<semaphore_mem>>) src(%dma_wait3A_416 : memref<14x128xi32, #tpu.memory_space<hbm>>) dst(%dma_wait3A_413 : memref<14x128xi32, #tpu.memory_space<vmem>>)
    %dma_start3A_417 = arith.constant 0 : i32
    %dma_start3A_418 = arith.constant 2 : i32
    %dma_start3A_419 = arith.constant 0 : i32
    %dma_start3A_420 = arith.constant 256 : i32
    %dma_start3A_421 = tpu.memref_slice %arg6[%dma_start3A_419, %dma_start3A_420] : memref<14x512xi32, #tpu.memory_space<vmem>> -> memref<1x128xi32, #tpu.memory_space<vmem>>
    %dma_start3A_422 = tpu.memref_squeeze %dma_start3A_421 : memref<1x128xi32, #tpu.memory_space<vmem>> -> memref<128xi32, #tpu.memory_space<vmem>>
    %dma_start3A_423 = arith.constant 0 : i32
    %dma_start3A_424 = tpu.memref_slice %arg5[%dma_start3A_418, %dma_start3A_423] : memref<4x128xi32, #tpu.memory_space<vmem>> -> memref<1x128xi32, #tpu.memory_space<vmem>>
    %dma_start3A_425 = tpu.memref_squeeze %dma_start3A_424 : memref<1x128xi32, #tpu.memory_space<vmem>> -> memref<128xi32, #tpu.memory_space<vmem>>
    %dma_start3A_426 = arith.constant 0 : i32
    %dma_start3A_427 = tpu.memref_slice %arg2[%dma_start3A_417, %dma_start3A_426] : memref<14x32768xi32, #tpu.memory_space<hbm>> -> memref<1x32768xi32, #tpu.memory_space<hbm>>
    %dma_start3A_428 = tpu.memref_squeeze %dma_start3A_427 : memref<1x32768xi32, #tpu.memory_space<hbm>> -> memref<32768xi32, #tpu.memory_space<hbm>>
    %dma_start3A_429 = arith.constant 0 : i32
    %dma_start3A_430 = tpu.memref_slice %dma_start3A_428[%dma_start3A_429] : memref<32768xi32, #tpu.memory_space<hbm>> -> memref<32768xi32, #tpu.memory_space<hbm>>
    tpu.enqueue_indirect_dma source(%dma_start3A_430 : memref<32768xi32, #tpu.memory_space<hbm>>) target(%dma_start3A_422 : memref<128xi32, #tpu.memory_space<vmem>>) offsets(%dma_start3A_425 : memref<128xi32, #tpu.memory_space<vmem>>) semaphore(%arg7 : memref<!tpu.dma_semaphore, #tpu.memory_space<semaphore_mem>>)
    %dma_start3A_431 = arith.constant 1 : i32
    %dma_start3A_432 = arith.constant 2 : i32
    %dma_start3A_433 = arith.constant 1 : i32
    %dma_start3A_434 = arith.constant 256 : i32
    %dma_start3A_435 = tpu.memref_slice %arg6[%dma_start3A_433, %dma_start3A_434] : memref<14x512xi32, #tpu.memory_space<vmem>> -> memref<1x128xi32, #tpu.memory_space<vmem>>
    %dma_start3A_436 = tpu.memref_squeeze %dma_start3A_435 : memref<1x128xi32, #tpu.memory_space<vmem>> -> memref<128xi32, #tpu.memory_space<vmem>>
    %dma_start3A_437 = arith.constant 0 : i32
    %dma_start3A_438 = tpu.memref_slice %arg5[%dma_start3A_432, %dma_start3A_437] : memref<4x128xi32, #tpu.memory_space<vmem>> -> memref<1x128xi32, #tpu.memory_space<vmem>>
    %dma_start3A_439 = tpu.memref_squeeze %dma_start3A_438 : memref<1x128xi32, #tpu.memory_space<vmem>> -> memref<128xi32, #tpu.memory_space<vmem>>
    %dma_start3A_440 = arith.constant 0 : i32
    %dma_start3A_441 = tpu.memref_slice %arg2[%dma_start3A_431, %dma_start3A_440] : memref<14x32768xi32, #tpu.memory_space<hbm>> -> memref<1x32768xi32, #tpu.memory_space<hbm>>
    %dma_start3A_442 = tpu.memref_squeeze %dma_start3A_441 : memref<1x32768xi32, #tpu.memory_space<hbm>> -> memref<32768xi32, #tpu.memory_space<hbm>>
    %dma_start3A_443 = arith.constant 0 : i32
    %dma_start3A_444 = tpu.memref_slice %dma_start3A_442[%dma_start3A_443] : memref<32768xi32, #tpu.memory_space<hbm>> -> memref<32768xi32, #tpu.memory_space<hbm>>
    tpu.enqueue_indirect_dma source(%dma_start3A_444 : memref<32768xi32, #tpu.memory_space<hbm>>) target(%dma_start3A_436 : memref<128xi32, #tpu.memory_space<vmem>>) offsets(%dma_start3A_439 : memref<128xi32, #tpu.memory_space<vmem>>) semaphore(%arg7 : memref<!tpu.dma_semaphore, #tpu.memory_space<semaphore_mem>>)
    %dma_start3A_445 = arith.constant 2 : i32
    %dma_start3A_446 = arith.constant 2 : i32
    %dma_start3A_447 = arith.constant 2 : i32
    %dma_start3A_448 = arith.constant 256 : i32
    %dma_start3A_449 = tpu.memref_slice %arg6[%dma_start3A_447, %dma_start3A_448] : memref<14x512xi32, #tpu.memory_space<vmem>> -> memref<1x128xi32, #tpu.memory_space<vmem>>
    %dma_start3A_450 = tpu.memref_squeeze %dma_start3A_449 : memref<1x128xi32, #tpu.memory_space<vmem>> -> memref<128xi32, #tpu.memory_space<vmem>>
    %dma_start3A_451 = arith.constant 0 : i32
    %dma_start3A_452 = tpu.memref_slice %arg5[%dma_start3A_446, %dma_start3A_451] : memref<4x128xi32, #tpu.memory_space<vmem>> -> memref<1x128xi32, #tpu.memory_space<vmem>>
    %dma_start3A_453 = tpu.memref_squeeze %dma_start3A_452 : memref<1x128xi32, #tpu.memory_space<vmem>> -> memref<128xi32, #tpu.memory_space<vmem>>
    %dma_start3A_454 = arith.constant 0 : i32
    %dma_start3A_455 = tpu.memref_slice %arg2[%dma_start3A_445, %dma_start3A_454] : memref<14x32768xi32, #tpu.memory_space<hbm>> -> memref<1x32768xi32, #tpu.memory_space<hbm>>
    %dma_start3A_456 = tpu.memref_squeeze %dma_start3A_455 : memref<1x32768xi32, #tpu.memory_space<hbm>> -> memref<32768xi32, #tpu.memory_space<hbm>>
    %dma_start3A_457 = arith.constant 0 : i32
    %dma_start3A_458 = tpu.memref_slice %dma_start3A_456[%dma_start3A_457] : memref<32768xi32, #tpu.memory_space<hbm>> -> memref<32768xi32, #tpu.memory_space<hbm>>
    tpu.enqueue_indirect_dma source(%dma_start3A_458 : memref<32768xi32, #tpu.memory_space<hbm>>) target(%dma_start3A_450 : memref<128xi32, #tpu.memory_space<vmem>>) offsets(%dma_start3A_453 : memref<128xi32, #tpu.memory_space<vmem>>) semaphore(%arg7 : memref<!tpu.dma_semaphore, #tpu.memory_space<semaphore_mem>>)
    %dma_start3A_459 = arith.constant 3 : i32
    %dma_start3A_460 = arith.constant 2 : i32
    %dma_start3A_461 = arith.constant 3 : i32
    %dma_start3A_462 = arith.constant 256 : i32
    %dma_start3A_463 = tpu.memref_slice %arg6[%dma_start3A_461, %dma_start3A_462] : memref<14x512xi32, #tpu.memory_space<vmem>> -> memref<1x128xi32, #tpu.memory_space<vmem>>
    %dma_start3A_464 = tpu.memref_squeeze %dma_start3A_463 : memref<1x128xi32, #tpu.memory_space<vmem>> -> memref<128xi32, #tpu.memory_space<vmem>>
    %dma_start3A_465 = arith.constant 0 : i32
    %dma_start3A_466 = tpu.memref_slice %arg5[%dma_start3A_460, %dma_start3A_465] : memref<4x128xi32, #tpu.memory_space<vmem>> -> memref<1x128xi32, #tpu.memory_space<vmem>>
    %dma_start3A_467 = tpu.memref_squeeze %dma_start3A_466 : memref<1x128xi32, #tpu.memory_space<vmem>> -> memref<128xi32, #tpu.memory_space<vmem>>
    %dma_start3A_468 = arith.constant 0 : i32
    %dma_start3A_469 = tpu.memref_slice %arg2[%dma_start3A_459, %dma_start3A_468] : memref<14x32768xi32, #tpu.memory_space<hbm>> -> memref<1x32768xi32, #tpu.memory_space<hbm>>
    %dma_start3A_470 = tpu.memref_squeeze %dma_start3A_469 : memref<1x32768xi32, #tpu.memory_space<hbm>> -> memref<32768xi32, #tpu.memory_space<hbm>>
    %dma_start3A_471 = arith.constant 0 : i32
    %dma_start3A_472 = tpu.memref_slice %dma_start3A_470[%dma_start3A_471] : memref<32768xi32, #tpu.memory_space<hbm>> -> memref<32768xi32, #tpu.memory_space<hbm>>
    tpu.enqueue_indirect_dma source(%dma_start3A_472 : memref<32768xi32, #tpu.memory_space<hbm>>) target(%dma_start3A_464 : memref<128xi32, #tpu.memory_space<vmem>>) offsets(%dma_start3A_467 : memref<128xi32, #tpu.memory_space<vmem>>) semaphore(%arg7 : memref<!tpu.dma_semaphore, #tpu.memory_space<semaphore_mem>>)
    %dma_start3A_473 = arith.constant 4 : i32
    %dma_start3A_474 = arith.constant 2 : i32
    %dma_start3A_475 = arith.constant 4 : i32
    %dma_start3A_476 = arith.constant 256 : i32
    %dma_start3A_477 = tpu.memref_slice %arg6[%dma_start3A_475, %dma_start3A_476] : memref<14x512xi32, #tpu.memory_space<vmem>> -> memref<1x128xi32, #tpu.memory_space<vmem>>
    %dma_start3A_478 = tpu.memref_squeeze %dma_start3A_477 : memref<1x128xi32, #tpu.memory_space<vmem>> -> memref<128xi32, #tpu.memory_space<vmem>>
    %dma_start3A_479 = arith.constant 0 : i32
    %dma_start3A_480 = tpu.memref_slice %arg5[%dma_start3A_474, %dma_start3A_479] : memref<4x128xi32, #tpu.memory_space<vmem>> -> memref<1x128xi32, #tpu.memory_space<vmem>>
    %dma_start3A_481 = tpu.memref_squeeze %dma_start3A_480 : memref<1x128xi32, #tpu.memory_space<vmem>> -> memref<128xi32, #tpu.memory_space<vmem>>
    %dma_start3A_482 = arith.constant 0 : i32
    %dma_start3A_483 = tpu.memref_slice %arg2[%dma_start3A_473, %dma_start3A_482] : memref<14x32768xi32, #tpu.memory_space<hbm>> -> memref<1x32768xi32, #tpu.memory_space<hbm>>
    %dma_start3A_484 = tpu.memref_squeeze %dma_start3A_483 : memref<1x32768xi32, #tpu.memory_space<hbm>> -> memref<32768xi32, #tpu.memory_space<hbm>>
    %dma_start3A_485 = arith.constant 0 : i32
    %dma_start3A_486 = tpu.memref_slice %dma_start3A_484[%dma_start3A_485] : memref<32768xi32, #tpu.memory_space<hbm>> -> memref<32768xi32, #tpu.memory_space<hbm>>
    tpu.enqueue_indirect_dma source(%dma_start3A_486 : memref<32768xi32, #tpu.memory_space<hbm>>) target(%dma_start3A_478 : memref<128xi32, #tpu.memory_space<vmem>>) offsets(%dma_start3A_481 : memref<128xi32, #tpu.memory_space<vmem>>) semaphore(%arg7 : memref<!tpu.dma_semaphore, #tpu.memory_space<semaphore_mem>>)
    %dma_start3A_487 = arith.constant 5 : i32
    %dma_start3A_488 = arith.constant 2 : i32
    %dma_start3A_489 = arith.constant 5 : i32
    %dma_start3A_490 = arith.constant 256 : i32
    %dma_start3A_491 = tpu.memref_slice %arg6[%dma_start3A_489, %dma_start3A_490] : memref<14x512xi32, #tpu.memory_space<vmem>> -> memref<1x128xi32, #tpu.memory_space<vmem>>
    %dma_start3A_492 = tpu.memref_squeeze %dma_start3A_491 : memref<1x128xi32, #tpu.memory_space<vmem>> -> memref<128xi32, #tpu.memory_space<vmem>>
    %dma_start3A_493 = arith.constant 0 : i32
    %dma_start3A_494 = tpu.memref_slice %arg5[%dma_start3A_488, %dma_start3A_493] : memref<4x128xi32, #tpu.memory_space<vmem>> -> memref<1x128xi32, #tpu.memory_space<vmem>>
    %dma_start3A_495 = tpu.memref_squeeze %dma_start3A_494 : memref<1x128xi32, #tpu.memory_space<vmem>> -> memref<128xi32, #tpu.memory_space<vmem>>
    %dma_start3A_496 = arith.constant 0 : i32
    %dma_start3A_497 = tpu.memref_slice %arg2[%dma_start3A_487, %dma_start3A_496] : memref<14x32768xi32, #tpu.memory_space<hbm>> -> memref<1x32768xi32, #tpu.memory_space<hbm>>
    %dma_start3A_498 = tpu.memref_squeeze %dma_start3A_497 : memref<1x32768xi32, #tpu.memory_space<hbm>> -> memref<32768xi32, #tpu.memory_space<hbm>>
    %dma_start3A_499 = arith.constant 0 : i32
    %dma_start3A_500 = tpu.memref_slice %dma_start3A_498[%dma_start3A_499] : memref<32768xi32, #tpu.memory_space<hbm>> -> memref<32768xi32, #tpu.memory_space<hbm>>
    tpu.enqueue_indirect_dma source(%dma_start3A_500 : memref<32768xi32, #tpu.memory_space<hbm>>) target(%dma_start3A_492 : memref<128xi32, #tpu.memory_space<vmem>>) offsets(%dma_start3A_495 : memref<128xi32, #tpu.memory_space<vmem>>) semaphore(%arg7 : memref<!tpu.dma_semaphore, #tpu.memory_space<semaphore_mem>>)
    %dma_start3A_501 = arith.constant 6 : i32
    %dma_start3A_502 = arith.constant 2 : i32
    %dma_start3A_503 = arith.constant 6 : i32
    %dma_start3A_504 = arith.constant 256 : i32
    %dma_start3A_505 = tpu.memref_slice %arg6[%dma_start3A_503, %dma_start3A_504] : memref<14x512xi32, #tpu.memory_space<vmem>> -> memref<1x128xi32, #tpu.memory_space<vmem>>
    %dma_start3A_506 = tpu.memref_squeeze %dma_start3A_505 : memref<1x128xi32, #tpu.memory_space<vmem>> -> memref<128xi32, #tpu.memory_space<vmem>>
    %dma_start3A_507 = arith.constant 0 : i32
    %dma_start3A_508 = tpu.memref_slice %arg5[%dma_start3A_502, %dma_start3A_507] : memref<4x128xi32, #tpu.memory_space<vmem>> -> memref<1x128xi32, #tpu.memory_space<vmem>>
    %dma_start3A_509 = tpu.memref_squeeze %dma_start3A_508 : memref<1x128xi32, #tpu.memory_space<vmem>> -> memref<128xi32, #tpu.memory_space<vmem>>
    %dma_start3A_510 = arith.constant 0 : i32
    %dma_start3A_511 = tpu.memref_slice %arg2[%dma_start3A_501, %dma_start3A_510] : memref<14x32768xi32, #tpu.memory_space<hbm>> -> memref<1x32768xi32, #tpu.memory_space<hbm>>
    %dma_start3A_512 = tpu.memref_squeeze %dma_start3A_511 : memref<1x32768xi32, #tpu.memory_space<hbm>> -> memref<32768xi32, #tpu.memory_space<hbm>>
    %dma_start3A_513 = arith.constant 0 : i32
    %dma_start3A_514 = tpu.memref_slice %dma_start3A_512[%dma_start3A_513] : memref<32768xi32, #tpu.memory_space<hbm>> -> memref<32768xi32, #tpu.memory_space<hbm>>
    tpu.enqueue_indirect_dma source(%dma_start3A_514 : memref<32768xi32, #tpu.memory_space<hbm>>) target(%dma_start3A_506 : memref<128xi32, #tpu.memory_space<vmem>>) offsets(%dma_start3A_509 : memref<128xi32, #tpu.memory_space<vmem>>) semaphore(%arg7 : memref<!tpu.dma_semaphore, #tpu.memory_space<semaphore_mem>>)
    %dma_start3A_515 = arith.constant 7 : i32
    %dma_start3A_516 = arith.constant 2 : i32
    %dma_start3A_517 = arith.constant 7 : i32
    %dma_start3A_518 = arith.constant 256 : i32
    %dma_start3A_519 = tpu.memref_slice %arg6[%dma_start3A_517, %dma_start3A_518] : memref<14x512xi32, #tpu.memory_space<vmem>> -> memref<1x128xi32, #tpu.memory_space<vmem>>
    %dma_start3A_520 = tpu.memref_squeeze %dma_start3A_519 : memref<1x128xi32, #tpu.memory_space<vmem>> -> memref<128xi32, #tpu.memory_space<vmem>>
    %dma_start3A_521 = arith.constant 0 : i32
    %dma_start3A_522 = tpu.memref_slice %arg5[%dma_start3A_516, %dma_start3A_521] : memref<4x128xi32, #tpu.memory_space<vmem>> -> memref<1x128xi32, #tpu.memory_space<vmem>>
    %dma_start3A_523 = tpu.memref_squeeze %dma_start3A_522 : memref<1x128xi32, #tpu.memory_space<vmem>> -> memref<128xi32, #tpu.memory_space<vmem>>
    %dma_start3A_524 = arith.constant 0 : i32
    %dma_start3A_525 = tpu.memref_slice %arg2[%dma_start3A_515, %dma_start3A_524] : memref<14x32768xi32, #tpu.memory_space<hbm>> -> memref<1x32768xi32, #tpu.memory_space<hbm>>
    %dma_start3A_526 = tpu.memref_squeeze %dma_start3A_525 : memref<1x32768xi32, #tpu.memory_space<hbm>> -> memref<32768xi32, #tpu.memory_space<hbm>>
    %dma_start3A_527 = arith.constant 0 : i32
    %dma_start3A_528 = tpu.memref_slice %dma_start3A_526[%dma_start3A_527] : memref<32768xi32, #tpu.memory_space<hbm>> -> memref<32768xi32, #tpu.memory_space<hbm>>
    tpu.enqueue_indirect_dma source(%dma_start3A_528 : memref<32768xi32, #tpu.memory_space<hbm>>) target(%dma_start3A_520 : memref<128xi32, #tpu.memory_space<vmem>>) offsets(%dma_start3A_523 : memref<128xi32, #tpu.memory_space<vmem>>) semaphore(%arg7 : memref<!tpu.dma_semaphore, #tpu.memory_space<semaphore_mem>>)
    %dma_start3A_529 = arith.constant 8 : i32
    %dma_start3A_530 = arith.constant 2 : i32
    %dma_start3A_531 = arith.constant 8 : i32
    %dma_start3A_532 = arith.constant 256 : i32
    %dma_start3A_533 = tpu.memref_slice %arg6[%dma_start3A_531, %dma_start3A_532] : memref<14x512xi32, #tpu.memory_space<vmem>> -> memref<1x128xi32, #tpu.memory_space<vmem>>
    %dma_start3A_534 = tpu.memref_squeeze %dma_start3A_533 : memref<1x128xi32, #tpu.memory_space<vmem>> -> memref<128xi32, #tpu.memory_space<vmem>>
    %dma_start3A_535 = arith.constant 0 : i32
    %dma_start3A_536 = tpu.memref_slice %arg5[%dma_start3A_530, %dma_start3A_535] : memref<4x128xi32, #tpu.memory_space<vmem>> -> memref<1x128xi32, #tpu.memory_space<vmem>>
    %dma_start3A_537 = tpu.memref_squeeze %dma_start3A_536 : memref<1x128xi32, #tpu.memory_space<vmem>> -> memref<128xi32, #tpu.memory_space<vmem>>
    %dma_start3A_538 = arith.constant 0 : i32
    %dma_start3A_539 = tpu.memref_slice %arg2[%dma_start3A_529, %dma_start3A_538] : memref<14x32768xi32, #tpu.memory_space<hbm>> -> memref<1x32768xi32, #tpu.memory_space<hbm>>
    %dma_start3A_540 = tpu.memref_squeeze %dma_start3A_539 : memref<1x32768xi32, #tpu.memory_space<hbm>> -> memref<32768xi32, #tpu.memory_space<hbm>>
    %dma_start3A_541 = arith.constant 0 : i32
    %dma_start3A_542 = tpu.memref_slice %dma_start3A_540[%dma_start3A_541] : memref<32768xi32, #tpu.memory_space<hbm>> -> memref<32768xi32, #tpu.memory_space<hbm>>
    tpu.enqueue_indirect_dma source(%dma_start3A_542 : memref<32768xi32, #tpu.memory_space<hbm>>) target(%dma_start3A_534 : memref<128xi32, #tpu.memory_space<vmem>>) offsets(%dma_start3A_537 : memref<128xi32, #tpu.memory_space<vmem>>) semaphore(%arg7 : memref<!tpu.dma_semaphore, #tpu.memory_space<semaphore_mem>>)
    %dma_start3A_543 = arith.constant 9 : i32
    %dma_start3A_544 = arith.constant 2 : i32
    %dma_start3A_545 = arith.constant 9 : i32
    %dma_start3A_546 = arith.constant 256 : i32
    %dma_start3A_547 = tpu.memref_slice %arg6[%dma_start3A_545, %dma_start3A_546] : memref<14x512xi32, #tpu.memory_space<vmem>> -> memref<1x128xi32, #tpu.memory_space<vmem>>
    %dma_start3A_548 = tpu.memref_squeeze %dma_start3A_547 : memref<1x128xi32, #tpu.memory_space<vmem>> -> memref<128xi32, #tpu.memory_space<vmem>>
    %dma_start3A_549 = arith.constant 0 : i32
    %dma_start3A_550 = tpu.memref_slice %arg5[%dma_start3A_544, %dma_start3A_549] : memref<4x128xi32, #tpu.memory_space<vmem>> -> memref<1x128xi32, #tpu.memory_space<vmem>>
    %dma_start3A_551 = tpu.memref_squeeze %dma_start3A_550 : memref<1x128xi32, #tpu.memory_space<vmem>> -> memref<128xi32, #tpu.memory_space<vmem>>
    %dma_start3A_552 = arith.constant 0 : i32
    %dma_start3A_553 = tpu.memref_slice %arg2[%dma_start3A_543, %dma_start3A_552] : memref<14x32768xi32, #tpu.memory_space<hbm>> -> memref<1x32768xi32, #tpu.memory_space<hbm>>
    %dma_start3A_554 = tpu.memref_squeeze %dma_start3A_553 : memref<1x32768xi32, #tpu.memory_space<hbm>> -> memref<32768xi32, #tpu.memory_space<hbm>>
    %dma_start3A_555 = arith.constant 0 : i32
    %dma_start3A_556 = tpu.memref_slice %dma_start3A_554[%dma_start3A_555] : memref<32768xi32, #tpu.memory_space<hbm>> -> memref<32768xi32, #tpu.memory_space<hbm>>
    tpu.enqueue_indirect_dma source(%dma_start3A_556 : memref<32768xi32, #tpu.memory_space<hbm>>) target(%dma_start3A_548 : memref<128xi32, #tpu.memory_space<vmem>>) offsets(%dma_start3A_551 : memref<128xi32, #tpu.memory_space<vmem>>) semaphore(%arg7 : memref<!tpu.dma_semaphore, #tpu.memory_space<semaphore_mem>>)
    %dma_start3A_557 = arith.constant 10 : i32
    %dma_start3A_558 = arith.constant 2 : i32
    %dma_start3A_559 = arith.constant 10 : i32
    %dma_start3A_560 = arith.constant 256 : i32
    %dma_start3A_561 = tpu.memref_slice %arg6[%dma_start3A_559, %dma_start3A_560] : memref<14x512xi32, #tpu.memory_space<vmem>> -> memref<1x128xi32, #tpu.memory_space<vmem>>
    %dma_start3A_562 = tpu.memref_squeeze %dma_start3A_561 : memref<1x128xi32, #tpu.memory_space<vmem>> -> memref<128xi32, #tpu.memory_space<vmem>>
    %dma_start3A_563 = arith.constant 0 : i32
    %dma_start3A_564 = tpu.memref_slice %arg5[%dma_start3A_558, %dma_start3A_563] : memref<4x128xi32, #tpu.memory_space<vmem>> -> memref<1x128xi32, #tpu.memory_space<vmem>>
    %dma_start3A_565 = tpu.memref_squeeze %dma_start3A_564 : memref<1x128xi32, #tpu.memory_space<vmem>> -> memref<128xi32, #tpu.memory_space<vmem>>
    %dma_start3A_566 = arith.constant 0 : i32
    %dma_start3A_567 = tpu.memref_slice %arg2[%dma_start3A_557, %dma_start3A_566] : memref<14x32768xi32, #tpu.memory_space<hbm>> -> memref<1x32768xi32, #tpu.memory_space<hbm>>
    %dma_start3A_568 = tpu.memref_squeeze %dma_start3A_567 : memref<1x32768xi32, #tpu.memory_space<hbm>> -> memref<32768xi32, #tpu.memory_space<hbm>>
    %dma_start3A_569 = arith.constant 0 : i32
    %dma_start3A_570 = tpu.memref_slice %dma_start3A_568[%dma_start3A_569] : memref<32768xi32, #tpu.memory_space<hbm>> -> memref<32768xi32, #tpu.memory_space<hbm>>
    tpu.enqueue_indirect_dma source(%dma_start3A_570 : memref<32768xi32, #tpu.memory_space<hbm>>) target(%dma_start3A_562 : memref<128xi32, #tpu.memory_space<vmem>>) offsets(%dma_start3A_565 : memref<128xi32, #tpu.memory_space<vmem>>) semaphore(%arg7 : memref<!tpu.dma_semaphore, #tpu.memory_space<semaphore_mem>>)
    %dma_start3A_571 = arith.constant 11 : i32
    %dma_start3A_572 = arith.constant 2 : i32
    %dma_start3A_573 = arith.constant 11 : i32
    %dma_start3A_574 = arith.constant 256 : i32
    %dma_start3A_575 = tpu.memref_slice %arg6[%dma_start3A_573, %dma_start3A_574] : memref<14x512xi32, #tpu.memory_space<vmem>> -> memref<1x128xi32, #tpu.memory_space<vmem>>
    %dma_start3A_576 = tpu.memref_squeeze %dma_start3A_575 : memref<1x128xi32, #tpu.memory_space<vmem>> -> memref<128xi32, #tpu.memory_space<vmem>>
    %dma_start3A_577 = arith.constant 0 : i32
    %dma_start3A_578 = tpu.memref_slice %arg5[%dma_start3A_572, %dma_start3A_577] : memref<4x128xi32, #tpu.memory_space<vmem>> -> memref<1x128xi32, #tpu.memory_space<vmem>>
    %dma_start3A_579 = tpu.memref_squeeze %dma_start3A_578 : memref<1x128xi32, #tpu.memory_space<vmem>> -> memref<128xi32, #tpu.memory_space<vmem>>
    %dma_start3A_580 = arith.constant 0 : i32
    %dma_start3A_581 = tpu.memref_slice %arg2[%dma_start3A_571, %dma_start3A_580] : memref<14x32768xi32, #tpu.memory_space<hbm>> -> memref<1x32768xi32, #tpu.memory_space<hbm>>
    %dma_start3A_582 = tpu.memref_squeeze %dma_start3A_581 : memref<1x32768xi32, #tpu.memory_space<hbm>> -> memref<32768xi32, #tpu.memory_space<hbm>>
    %dma_start3A_583 = arith.constant 0 : i32
    %dma_start3A_584 = tpu.memref_slice %dma_start3A_582[%dma_start3A_583] : memref<32768xi32, #tpu.memory_space<hbm>> -> memref<32768xi32, #tpu.memory_space<hbm>>
    tpu.enqueue_indirect_dma source(%dma_start3A_584 : memref<32768xi32, #tpu.memory_space<hbm>>) target(%dma_start3A_576 : memref<128xi32, #tpu.memory_space<vmem>>) offsets(%dma_start3A_579 : memref<128xi32, #tpu.memory_space<vmem>>) semaphore(%arg7 : memref<!tpu.dma_semaphore, #tpu.memory_space<semaphore_mem>>)
    %dma_start3A_585 = arith.constant 12 : i32
    %dma_start3A_586 = arith.constant 2 : i32
    %dma_start3A_587 = arith.constant 12 : i32
    %dma_start3A_588 = arith.constant 256 : i32
    %dma_start3A_589 = tpu.memref_slice %arg6[%dma_start3A_587, %dma_start3A_588] : memref<14x512xi32, #tpu.memory_space<vmem>> -> memref<1x128xi32, #tpu.memory_space<vmem>>
    %dma_start3A_590 = tpu.memref_squeeze %dma_start3A_589 : memref<1x128xi32, #tpu.memory_space<vmem>> -> memref<128xi32, #tpu.memory_space<vmem>>
    %dma_start3A_591 = arith.constant 0 : i32
    %dma_start3A_592 = tpu.memref_slice %arg5[%dma_start3A_586, %dma_start3A_591] : memref<4x128xi32, #tpu.memory_space<vmem>> -> memref<1x128xi32, #tpu.memory_space<vmem>>
    %dma_start3A_593 = tpu.memref_squeeze %dma_start3A_592 : memref<1x128xi32, #tpu.memory_space<vmem>> -> memref<128xi32, #tpu.memory_space<vmem>>
    %dma_start3A_594 = arith.constant 0 : i32
    %dma_start3A_595 = tpu.memref_slice %arg2[%dma_start3A_585, %dma_start3A_594] : memref<14x32768xi32, #tpu.memory_space<hbm>> -> memref<1x32768xi32, #tpu.memory_space<hbm>>
    %dma_start3A_596 = tpu.memref_squeeze %dma_start3A_595 : memref<1x32768xi32, #tpu.memory_space<hbm>> -> memref<32768xi32, #tpu.memory_space<hbm>>
    %dma_start3A_597 = arith.constant 0 : i32
    %dma_start3A_598 = tpu.memref_slice %dma_start3A_596[%dma_start3A_597] : memref<32768xi32, #tpu.memory_space<hbm>> -> memref<32768xi32, #tpu.memory_space<hbm>>
    tpu.enqueue_indirect_dma source(%dma_start3A_598 : memref<32768xi32, #tpu.memory_space<hbm>>) target(%dma_start3A_590 : memref<128xi32, #tpu.memory_space<vmem>>) offsets(%dma_start3A_593 : memref<128xi32, #tpu.memory_space<vmem>>) semaphore(%arg7 : memref<!tpu.dma_semaphore, #tpu.memory_space<semaphore_mem>>)
    %dma_start3A_599 = arith.constant 13 : i32
    %dma_start3A_600 = arith.constant 2 : i32
    %dma_start3A_601 = arith.constant 13 : i32
    %dma_start3A_602 = arith.constant 256 : i32
    %dma_start3A_603 = tpu.memref_slice %arg6[%dma_start3A_601, %dma_start3A_602] : memref<14x512xi32, #tpu.memory_space<vmem>> -> memref<1x128xi32, #tpu.memory_space<vmem>>
    %dma_start3A_604 = tpu.memref_squeeze %dma_start3A_603 : memref<1x128xi32, #tpu.memory_space<vmem>> -> memref<128xi32, #tpu.memory_space<vmem>>
    %dma_start3A_605 = arith.constant 0 : i32
    %dma_start3A_606 = tpu.memref_slice %arg5[%dma_start3A_600, %dma_start3A_605] : memref<4x128xi32, #tpu.memory_space<vmem>> -> memref<1x128xi32, #tpu.memory_space<vmem>>
    %dma_start3A_607 = tpu.memref_squeeze %dma_start3A_606 : memref<1x128xi32, #tpu.memory_space<vmem>> -> memref<128xi32, #tpu.memory_space<vmem>>
    %dma_start3A_608 = arith.constant 0 : i32
    %dma_start3A_609 = tpu.memref_slice %arg2[%dma_start3A_599, %dma_start3A_608] : memref<14x32768xi32, #tpu.memory_space<hbm>> -> memref<1x32768xi32, #tpu.memory_space<hbm>>
    %dma_start3A_610 = tpu.memref_squeeze %dma_start3A_609 : memref<1x32768xi32, #tpu.memory_space<hbm>> -> memref<32768xi32, #tpu.memory_space<hbm>>
    %dma_start3A_611 = arith.constant 0 : i32
    %dma_start3A_612 = tpu.memref_slice %dma_start3A_610[%dma_start3A_611] : memref<32768xi32, #tpu.memory_space<hbm>> -> memref<32768xi32, #tpu.memory_space<hbm>>
    tpu.enqueue_indirect_dma source(%dma_start3A_612 : memref<32768xi32, #tpu.memory_space<hbm>>) target(%dma_start3A_604 : memref<128xi32, #tpu.memory_space<vmem>>) offsets(%dma_start3A_607 : memref<128xi32, #tpu.memory_space<vmem>>) semaphore(%arg7 : memref<!tpu.dma_semaphore, #tpu.memory_space<semaphore_mem>>)
    %dma_wait3A_613 = arith.constant 0 : i32
    %dma_wait3A_614 = arith.constant 256 : i32
    %dma_wait3A_615 = tpu.memref_slice %arg6[%dma_wait3A_613, %dma_wait3A_614] : memref<14x512xi32, #tpu.memory_space<vmem>> -> memref<14x128xi32, #tpu.memory_space<vmem>>
    %dma_wait3A_616 = arith.constant 0 : i32
    %dma_wait3A_617 = arith.constant 0 : i32
    %dma_wait3A_618 = tpu.memref_slice %arg2[%dma_wait3A_616, %dma_wait3A_617] : memref<14x32768xi32, #tpu.memory_space<hbm>> -> memref<14x128xi32, #tpu.memory_space<hbm>>
    %dma_wait3A_619 = arith.constant 0 : i32
    %dma_wait3A_620 = arith.constant 256 : i32
    %dma_wait3A_621 = tpu.memref_slice %arg6[%dma_wait3A_619, %dma_wait3A_620] : memref<14x512xi32, #tpu.memory_space<vmem>> -> memref<14x128xi32, #tpu.memory_space<vmem>>
    %dma_wait3A_622 = arith.constant 0 : i32
    %dma_wait3A_623 = arith.constant 0 : i32
    %dma_wait3A_624 = tpu.memref_slice %arg2[%dma_wait3A_622, %dma_wait3A_623] : memref<14x32768xi32, #tpu.memory_space<hbm>> -> memref<14x128xi32, #tpu.memory_space<hbm>>
    tpu.wait_dma2 semaphore(%arg7 : memref<!tpu.dma_semaphore, #tpu.memory_space<semaphore_mem>>) src(%dma_wait3A_624 : memref<14x128xi32, #tpu.memory_space<hbm>>) dst(%dma_wait3A_621 : memref<14x128xi32, #tpu.memory_space<vmem>>)
    %dma_start3A_625 = arith.constant 0 : i32
    %dma_start3A_626 = arith.constant 3 : i32
    %dma_start3A_627 = arith.constant 0 : i32
    %dma_start3A_628 = arith.constant 384 : i32
    %dma_start3A_629 = tpu.memref_slice %arg6[%dma_start3A_627, %dma_start3A_628] : memref<14x512xi32, #tpu.memory_space<vmem>> -> memref<1x128xi32, #tpu.memory_space<vmem>>
    %dma_start3A_630 = tpu.memref_squeeze %dma_start3A_629 : memref<1x128xi32, #tpu.memory_space<vmem>> -> memref<128xi32, #tpu.memory_space<vmem>>
    %dma_start3A_631 = arith.constant 0 : i32
    %dma_start3A_632 = tpu.memref_slice %arg5[%dma_start3A_626, %dma_start3A_631] : memref<4x128xi32, #tpu.memory_space<vmem>> -> memref<1x128xi32, #tpu.memory_space<vmem>>
    %dma_start3A_633 = tpu.memref_squeeze %dma_start3A_632 : memref<1x128xi32, #tpu.memory_space<vmem>> -> memref<128xi32, #tpu.memory_space<vmem>>
    %dma_start3A_634 = arith.constant 0 : i32
    %dma_start3A_635 = tpu.memref_slice %arg2[%dma_start3A_625, %dma_start3A_634] : memref<14x32768xi32, #tpu.memory_space<hbm>> -> memref<1x32768xi32, #tpu.memory_space<hbm>>
    %dma_start3A_636 = tpu.memref_squeeze %dma_start3A_635 : memref<1x32768xi32, #tpu.memory_space<hbm>> -> memref<32768xi32, #tpu.memory_space<hbm>>
    %dma_start3A_637 = arith.constant 0 : i32
    %dma_start3A_638 = tpu.memref_slice %dma_start3A_636[%dma_start3A_637] : memref<32768xi32, #tpu.memory_space<hbm>> -> memref<32768xi32, #tpu.memory_space<hbm>>
    tpu.enqueue_indirect_dma source(%dma_start3A_638 : memref<32768xi32, #tpu.memory_space<hbm>>) target(%dma_start3A_630 : memref<128xi32, #tpu.memory_space<vmem>>) offsets(%dma_start3A_633 : memref<128xi32, #tpu.memory_space<vmem>>) semaphore(%arg7 : memref<!tpu.dma_semaphore, #tpu.memory_space<semaphore_mem>>)
    %dma_start3A_639 = arith.constant 1 : i32
    %dma_start3A_640 = arith.constant 3 : i32
    %dma_start3A_641 = arith.constant 1 : i32
    %dma_start3A_642 = arith.constant 384 : i32
    %dma_start3A_643 = tpu.memref_slice %arg6[%dma_start3A_641, %dma_start3A_642] : memref<14x512xi32, #tpu.memory_space<vmem>> -> memref<1x128xi32, #tpu.memory_space<vmem>>
    %dma_start3A_644 = tpu.memref_squeeze %dma_start3A_643 : memref<1x128xi32, #tpu.memory_space<vmem>> -> memref<128xi32, #tpu.memory_space<vmem>>
    %dma_start3A_645 = arith.constant 0 : i32
    %dma_start3A_646 = tpu.memref_slice %arg5[%dma_start3A_640, %dma_start3A_645] : memref<4x128xi32, #tpu.memory_space<vmem>> -> memref<1x128xi32, #tpu.memory_space<vmem>>
    %dma_start3A_647 = tpu.memref_squeeze %dma_start3A_646 : memref<1x128xi32, #tpu.memory_space<vmem>> -> memref<128xi32, #tpu.memory_space<vmem>>
    %dma_start3A_648 = arith.constant 0 : i32
    %dma_start3A_649 = tpu.memref_slice %arg2[%dma_start3A_639, %dma_start3A_648] : memref<14x32768xi32, #tpu.memory_space<hbm>> -> memref<1x32768xi32, #tpu.memory_space<hbm>>
    %dma_start3A_650 = tpu.memref_squeeze %dma_start3A_649 : memref<1x32768xi32, #tpu.memory_space<hbm>> -> memref<32768xi32, #tpu.memory_space<hbm>>
    %dma_start3A_651 = arith.constant 0 : i32
    %dma_start3A_652 = tpu.memref_slice %dma_start3A_650[%dma_start3A_651] : memref<32768xi32, #tpu.memory_space<hbm>> -> memref<32768xi32, #tpu.memory_space<hbm>>
    tpu.enqueue_indirect_dma source(%dma_start3A_652 : memref<32768xi32, #tpu.memory_space<hbm>>) target(%dma_start3A_644 : memref<128xi32, #tpu.memory_space<vmem>>) offsets(%dma_start3A_647 : memref<128xi32, #tpu.memory_space<vmem>>) semaphore(%arg7 : memref<!tpu.dma_semaphore, #tpu.memory_space<semaphore_mem>>)
    %dma_start3A_653 = arith.constant 2 : i32
    %dma_start3A_654 = arith.constant 3 : i32
    %dma_start3A_655 = arith.constant 2 : i32
    %dma_start3A_656 = arith.constant 384 : i32
    %dma_start3A_657 = tpu.memref_slice %arg6[%dma_start3A_655, %dma_start3A_656] : memref<14x512xi32, #tpu.memory_space<vmem>> -> memref<1x128xi32, #tpu.memory_space<vmem>>
    %dma_start3A_658 = tpu.memref_squeeze %dma_start3A_657 : memref<1x128xi32, #tpu.memory_space<vmem>> -> memref<128xi32, #tpu.memory_space<vmem>>
    %dma_start3A_659 = arith.constant 0 : i32
    %dma_start3A_660 = tpu.memref_slice %arg5[%dma_start3A_654, %dma_start3A_659] : memref<4x128xi32, #tpu.memory_space<vmem>> -> memref<1x128xi32, #tpu.memory_space<vmem>>
    %dma_start3A_661 = tpu.memref_squeeze %dma_start3A_660 : memref<1x128xi32, #tpu.memory_space<vmem>> -> memref<128xi32, #tpu.memory_space<vmem>>
    %dma_start3A_662 = arith.constant 0 : i32
    %dma_start3A_663 = tpu.memref_slice %arg2[%dma_start3A_653, %dma_start3A_662] : memref<14x32768xi32, #tpu.memory_space<hbm>> -> memref<1x32768xi32, #tpu.memory_space<hbm>>
    %dma_start3A_664 = tpu.memref_squeeze %dma_start3A_663 : memref<1x32768xi32, #tpu.memory_space<hbm>> -> memref<32768xi32, #tpu.memory_space<hbm>>
    %dma_start3A_665 = arith.constant 0 : i32
    %dma_start3A_666 = tpu.memref_slice %dma_start3A_664[%dma_start3A_665] : memref<32768xi32, #tpu.memory_space<hbm>> -> memref<32768xi32, #tpu.memory_space<hbm>>
    tpu.enqueue_indirect_dma source(%dma_start3A_666 : memref<32768xi32, #tpu.memory_space<hbm>>) target(%dma_start3A_658 : memref<128xi32, #tpu.memory_space<vmem>>) offsets(%dma_start3A_661 : memref<128xi32, #tpu.memory_space<vmem>>) semaphore(%arg7 : memref<!tpu.dma_semaphore, #tpu.memory_space<semaphore_mem>>)
    %dma_start3A_667 = arith.constant 3 : i32
    %dma_start3A_668 = arith.constant 3 : i32
    %dma_start3A_669 = arith.constant 3 : i32
    %dma_start3A_670 = arith.constant 384 : i32
    %dma_start3A_671 = tpu.memref_slice %arg6[%dma_start3A_669, %dma_start3A_670] : memref<14x512xi32, #tpu.memory_space<vmem>> -> memref<1x128xi32, #tpu.memory_space<vmem>>
    %dma_start3A_672 = tpu.memref_squeeze %dma_start3A_671 : memref<1x128xi32, #tpu.memory_space<vmem>> -> memref<128xi32, #tpu.memory_space<vmem>>
    %dma_start3A_673 = arith.constant 0 : i32
    %dma_start3A_674 = tpu.memref_slice %arg5[%dma_start3A_668, %dma_start3A_673] : memref<4x128xi32, #tpu.memory_space<vmem>> -> memref<1x128xi32, #tpu.memory_space<vmem>>
    %dma_start3A_675 = tpu.memref_squeeze %dma_start3A_674 : memref<1x128xi32, #tpu.memory_space<vmem>> -> memref<128xi32, #tpu.memory_space<vmem>>
    %dma_start3A_676 = arith.constant 0 : i32
    %dma_start3A_677 = tpu.memref_slice %arg2[%dma_start3A_667, %dma_start3A_676] : memref<14x32768xi32, #tpu.memory_space<hbm>> -> memref<1x32768xi32, #tpu.memory_space<hbm>>
    %dma_start3A_678 = tpu.memref_squeeze %dma_start3A_677 : memref<1x32768xi32, #tpu.memory_space<hbm>> -> memref<32768xi32, #tpu.memory_space<hbm>>
    %dma_start3A_679 = arith.constant 0 : i32
    %dma_start3A_680 = tpu.memref_slice %dma_start3A_678[%dma_start3A_679] : memref<32768xi32, #tpu.memory_space<hbm>> -> memref<32768xi32, #tpu.memory_space<hbm>>
    tpu.enqueue_indirect_dma source(%dma_start3A_680 : memref<32768xi32, #tpu.memory_space<hbm>>) target(%dma_start3A_672 : memref<128xi32, #tpu.memory_space<vmem>>) offsets(%dma_start3A_675 : memref<128xi32, #tpu.memory_space<vmem>>) semaphore(%arg7 : memref<!tpu.dma_semaphore, #tpu.memory_space<semaphore_mem>>)
    %dma_start3A_681 = arith.constant 4 : i32
    %dma_start3A_682 = arith.constant 3 : i32
    %dma_start3A_683 = arith.constant 4 : i32
    %dma_start3A_684 = arith.constant 384 : i32
    %dma_start3A_685 = tpu.memref_slice %arg6[%dma_start3A_683, %dma_start3A_684] : memref<14x512xi32, #tpu.memory_space<vmem>> -> memref<1x128xi32, #tpu.memory_space<vmem>>
    %dma_start3A_686 = tpu.memref_squeeze %dma_start3A_685 : memref<1x128xi32, #tpu.memory_space<vmem>> -> memref<128xi32, #tpu.memory_space<vmem>>
    %dma_start3A_687 = arith.constant 0 : i32
    %dma_start3A_688 = tpu.memref_slice %arg5[%dma_start3A_682, %dma_start3A_687] : memref<4x128xi32, #tpu.memory_space<vmem>> -> memref<1x128xi32, #tpu.memory_space<vmem>>
    %dma_start3A_689 = tpu.memref_squeeze %dma_start3A_688 : memref<1x128xi32, #tpu.memory_space<vmem>> -> memref<128xi32, #tpu.memory_space<vmem>>
    %dma_start3A_690 = arith.constant 0 : i32
    %dma_start3A_691 = tpu.memref_slice %arg2[%dma_start3A_681, %dma_start3A_690] : memref<14x32768xi32, #tpu.memory_space<hbm>> -> memref<1x32768xi32, #tpu.memory_space<hbm>>
    %dma_start3A_692 = tpu.memref_squeeze %dma_start3A_691 : memref<1x32768xi32, #tpu.memory_space<hbm>> -> memref<32768xi32, #tpu.memory_space<hbm>>
    %dma_start3A_693 = arith.constant 0 : i32
    %dma_start3A_694 = tpu.memref_slice %dma_start3A_692[%dma_start3A_693] : memref<32768xi32, #tpu.memory_space<hbm>> -> memref<32768xi32, #tpu.memory_space<hbm>>
    tpu.enqueue_indirect_dma source(%dma_start3A_694 : memref<32768xi32, #tpu.memory_space<hbm>>) target(%dma_start3A_686 : memref<128xi32, #tpu.memory_space<vmem>>) offsets(%dma_start3A_689 : memref<128xi32, #tpu.memory_space<vmem>>) semaphore(%arg7 : memref<!tpu.dma_semaphore, #tpu.memory_space<semaphore_mem>>)
    %dma_start3A_695 = arith.constant 5 : i32
    %dma_start3A_696 = arith.constant 3 : i32
    %dma_start3A_697 = arith.constant 5 : i32
    %dma_start3A_698 = arith.constant 384 : i32
    %dma_start3A_699 = tpu.memref_slice %arg6[%dma_start3A_697, %dma_start3A_698] : memref<14x512xi32, #tpu.memory_space<vmem>> -> memref<1x128xi32, #tpu.memory_space<vmem>>
    %dma_start3A_700 = tpu.memref_squeeze %dma_start3A_699 : memref<1x128xi32, #tpu.memory_space<vmem>> -> memref<128xi32, #tpu.memory_space<vmem>>
    %dma_start3A_701 = arith.constant 0 : i32
    %dma_start3A_702 = tpu.memref_slice %arg5[%dma_start3A_696, %dma_start3A_701] : memref<4x128xi32, #tpu.memory_space<vmem>> -> memref<1x128xi32, #tpu.memory_space<vmem>>
    %dma_start3A_703 = tpu.memref_squeeze %dma_start3A_702 : memref<1x128xi32, #tpu.memory_space<vmem>> -> memref<128xi32, #tpu.memory_space<vmem>>
    %dma_start3A_704 = arith.constant 0 : i32
    %dma_start3A_705 = tpu.memref_slice %arg2[%dma_start3A_695, %dma_start3A_704] : memref<14x32768xi32, #tpu.memory_space<hbm>> -> memref<1x32768xi32, #tpu.memory_space<hbm>>
    %dma_start3A_706 = tpu.memref_squeeze %dma_start3A_705 : memref<1x32768xi32, #tpu.memory_space<hbm>> -> memref<32768xi32, #tpu.memory_space<hbm>>
    %dma_start3A_707 = arith.constant 0 : i32
    %dma_start3A_708 = tpu.memref_slice %dma_start3A_706[%dma_start3A_707] : memref<32768xi32, #tpu.memory_space<hbm>> -> memref<32768xi32, #tpu.memory_space<hbm>>
    tpu.enqueue_indirect_dma source(%dma_start3A_708 : memref<32768xi32, #tpu.memory_space<hbm>>) target(%dma_start3A_700 : memref<128xi32, #tpu.memory_space<vmem>>) offsets(%dma_start3A_703 : memref<128xi32, #tpu.memory_space<vmem>>) semaphore(%arg7 : memref<!tpu.dma_semaphore, #tpu.memory_space<semaphore_mem>>)
    %dma_start3A_709 = arith.constant 6 : i32
    %dma_start3A_710 = arith.constant 3 : i32
    %dma_start3A_711 = arith.constant 6 : i32
    %dma_start3A_712 = arith.constant 384 : i32
    %dma_start3A_713 = tpu.memref_slice %arg6[%dma_start3A_711, %dma_start3A_712] : memref<14x512xi32, #tpu.memory_space<vmem>> -> memref<1x128xi32, #tpu.memory_space<vmem>>
    %dma_start3A_714 = tpu.memref_squeeze %dma_start3A_713 : memref<1x128xi32, #tpu.memory_space<vmem>> -> memref<128xi32, #tpu.memory_space<vmem>>
    %dma_start3A_715 = arith.constant 0 : i32
    %dma_start3A_716 = tpu.memref_slice %arg5[%dma_start3A_710, %dma_start3A_715] : memref<4x128xi32, #tpu.memory_space<vmem>> -> memref<1x128xi32, #tpu.memory_space<vmem>>
    %dma_start3A_717 = tpu.memref_squeeze %dma_start3A_716 : memref<1x128xi32, #tpu.memory_space<vmem>> -> memref<128xi32, #tpu.memory_space<vmem>>
    %dma_start3A_718 = arith.constant 0 : i32
    %dma_start3A_719 = tpu.memref_slice %arg2[%dma_start3A_709, %dma_start3A_718] : memref<14x32768xi32, #tpu.memory_space<hbm>> -> memref<1x32768xi32, #tpu.memory_space<hbm>>
    %dma_start3A_720 = tpu.memref_squeeze %dma_start3A_719 : memref<1x32768xi32, #tpu.memory_space<hbm>> -> memref<32768xi32, #tpu.memory_space<hbm>>
    %dma_start3A_721 = arith.constant 0 : i32
    %dma_start3A_722 = tpu.memref_slice %dma_start3A_720[%dma_start3A_721] : memref<32768xi32, #tpu.memory_space<hbm>> -> memref<32768xi32, #tpu.memory_space<hbm>>
    tpu.enqueue_indirect_dma source(%dma_start3A_722 : memref<32768xi32, #tpu.memory_space<hbm>>) target(%dma_start3A_714 : memref<128xi32, #tpu.memory_space<vmem>>) offsets(%dma_start3A_717 : memref<128xi32, #tpu.memory_space<vmem>>) semaphore(%arg7 : memref<!tpu.dma_semaphore, #tpu.memory_space<semaphore_mem>>)
    %dma_start3A_723 = arith.constant 7 : i32
    %dma_start3A_724 = arith.constant 3 : i32
    %dma_start3A_725 = arith.constant 7 : i32
    %dma_start3A_726 = arith.constant 384 : i32
    %dma_start3A_727 = tpu.memref_slice %arg6[%dma_start3A_725, %dma_start3A_726] : memref<14x512xi32, #tpu.memory_space<vmem>> -> memref<1x128xi32, #tpu.memory_space<vmem>>
    %dma_start3A_728 = tpu.memref_squeeze %dma_start3A_727 : memref<1x128xi32, #tpu.memory_space<vmem>> -> memref<128xi32, #tpu.memory_space<vmem>>
    %dma_start3A_729 = arith.constant 0 : i32
    %dma_start3A_730 = tpu.memref_slice %arg5[%dma_start3A_724, %dma_start3A_729] : memref<4x128xi32, #tpu.memory_space<vmem>> -> memref<1x128xi32, #tpu.memory_space<vmem>>
    %dma_start3A_731 = tpu.memref_squeeze %dma_start3A_730 : memref<1x128xi32, #tpu.memory_space<vmem>> -> memref<128xi32, #tpu.memory_space<vmem>>
    %dma_start3A_732 = arith.constant 0 : i32
    %dma_start3A_733 = tpu.memref_slice %arg2[%dma_start3A_723, %dma_start3A_732] : memref<14x32768xi32, #tpu.memory_space<hbm>> -> memref<1x32768xi32, #tpu.memory_space<hbm>>
    %dma_start3A_734 = tpu.memref_squeeze %dma_start3A_733 : memref<1x32768xi32, #tpu.memory_space<hbm>> -> memref<32768xi32, #tpu.memory_space<hbm>>
    %dma_start3A_735 = arith.constant 0 : i32
    %dma_start3A_736 = tpu.memref_slice %dma_start3A_734[%dma_start3A_735] : memref<32768xi32, #tpu.memory_space<hbm>> -> memref<32768xi32, #tpu.memory_space<hbm>>
    tpu.enqueue_indirect_dma source(%dma_start3A_736 : memref<32768xi32, #tpu.memory_space<hbm>>) target(%dma_start3A_728 : memref<128xi32, #tpu.memory_space<vmem>>) offsets(%dma_start3A_731 : memref<128xi32, #tpu.memory_space<vmem>>) semaphore(%arg7 : memref<!tpu.dma_semaphore, #tpu.memory_space<semaphore_mem>>)
    %dma_start3A_737 = arith.constant 8 : i32
    %dma_start3A_738 = arith.constant 3 : i32
    %dma_start3A_739 = arith.constant 8 : i32
    %dma_start3A_740 = arith.constant 384 : i32
    %dma_start3A_741 = tpu.memref_slice %arg6[%dma_start3A_739, %dma_start3A_740] : memref<14x512xi32, #tpu.memory_space<vmem>> -> memref<1x128xi32, #tpu.memory_space<vmem>>
    %dma_start3A_742 = tpu.memref_squeeze %dma_start3A_741 : memref<1x128xi32, #tpu.memory_space<vmem>> -> memref<128xi32, #tpu.memory_space<vmem>>
    %dma_start3A_743 = arith.constant 0 : i32
    %dma_start3A_744 = tpu.memref_slice %arg5[%dma_start3A_738, %dma_start3A_743] : memref<4x128xi32, #tpu.memory_space<vmem>> -> memref<1x128xi32, #tpu.memory_space<vmem>>
    %dma_start3A_745 = tpu.memref_squeeze %dma_start3A_744 : memref<1x128xi32, #tpu.memory_space<vmem>> -> memref<128xi32, #tpu.memory_space<vmem>>
    %dma_start3A_746 = arith.constant 0 : i32
    %dma_start3A_747 = tpu.memref_slice %arg2[%dma_start3A_737, %dma_start3A_746] : memref<14x32768xi32, #tpu.memory_space<hbm>> -> memref<1x32768xi32, #tpu.memory_space<hbm>>
    %dma_start3A_748 = tpu.memref_squeeze %dma_start3A_747 : memref<1x32768xi32, #tpu.memory_space<hbm>> -> memref<32768xi32, #tpu.memory_space<hbm>>
    %dma_start3A_749 = arith.constant 0 : i32
    %dma_start3A_750 = tpu.memref_slice %dma_start3A_748[%dma_start3A_749] : memref<32768xi32, #tpu.memory_space<hbm>> -> memref<32768xi32, #tpu.memory_space<hbm>>
    tpu.enqueue_indirect_dma source(%dma_start3A_750 : memref<32768xi32, #tpu.memory_space<hbm>>) target(%dma_start3A_742 : memref<128xi32, #tpu.memory_space<vmem>>) offsets(%dma_start3A_745 : memref<128xi32, #tpu.memory_space<vmem>>) semaphore(%arg7 : memref<!tpu.dma_semaphore, #tpu.memory_space<semaphore_mem>>)
    %dma_start3A_751 = arith.constant 9 : i32
    %dma_start3A_752 = arith.constant 3 : i32
    %dma_start3A_753 = arith.constant 9 : i32
    %dma_start3A_754 = arith.constant 384 : i32
    %dma_start3A_755 = tpu.memref_slice %arg6[%dma_start3A_753, %dma_start3A_754] : memref<14x512xi32, #tpu.memory_space<vmem>> -> memref<1x128xi32, #tpu.memory_space<vmem>>
    %dma_start3A_756 = tpu.memref_squeeze %dma_start3A_755 : memref<1x128xi32, #tpu.memory_space<vmem>> -> memref<128xi32, #tpu.memory_space<vmem>>
    %dma_start3A_757 = arith.constant 0 : i32
    %dma_start3A_758 = tpu.memref_slice %arg5[%dma_start3A_752, %dma_start3A_757] : memref<4x128xi32, #tpu.memory_space<vmem>> -> memref<1x128xi32, #tpu.memory_space<vmem>>
    %dma_start3A_759 = tpu.memref_squeeze %dma_start3A_758 : memref<1x128xi32, #tpu.memory_space<vmem>> -> memref<128xi32, #tpu.memory_space<vmem>>
    %dma_start3A_760 = arith.constant 0 : i32
    %dma_start3A_761 = tpu.memref_slice %arg2[%dma_start3A_751, %dma_start3A_760] : memref<14x32768xi32, #tpu.memory_space<hbm>> -> memref<1x32768xi32, #tpu.memory_space<hbm>>
    %dma_start3A_762 = tpu.memref_squeeze %dma_start3A_761 : memref<1x32768xi32, #tpu.memory_space<hbm>> -> memref<32768xi32, #tpu.memory_space<hbm>>
    %dma_start3A_763 = arith.constant 0 : i32
    %dma_start3A_764 = tpu.memref_slice %dma_start3A_762[%dma_start3A_763] : memref<32768xi32, #tpu.memory_space<hbm>> -> memref<32768xi32, #tpu.memory_space<hbm>>
    tpu.enqueue_indirect_dma source(%dma_start3A_764 : memref<32768xi32, #tpu.memory_space<hbm>>) target(%dma_start3A_756 : memref<128xi32, #tpu.memory_space<vmem>>) offsets(%dma_start3A_759 : memref<128xi32, #tpu.memory_space<vmem>>) semaphore(%arg7 : memref<!tpu.dma_semaphore, #tpu.memory_space<semaphore_mem>>)
    %dma_start3A_765 = arith.constant 10 : i32
    %dma_start3A_766 = arith.constant 3 : i32
    %dma_start3A_767 = arith.constant 10 : i32
    %dma_start3A_768 = arith.constant 384 : i32
    %dma_start3A_769 = tpu.memref_slice %arg6[%dma_start3A_767, %dma_start3A_768] : memref<14x512xi32, #tpu.memory_space<vmem>> -> memref<1x128xi32, #tpu.memory_space<vmem>>
    %dma_start3A_770 = tpu.memref_squeeze %dma_start3A_769 : memref<1x128xi32, #tpu.memory_space<vmem>> -> memref<128xi32, #tpu.memory_space<vmem>>
    %dma_start3A_771 = arith.constant 0 : i32
    %dma_start3A_772 = tpu.memref_slice %arg5[%dma_start3A_766, %dma_start3A_771] : memref<4x128xi32, #tpu.memory_space<vmem>> -> memref<1x128xi32, #tpu.memory_space<vmem>>
    %dma_start3A_773 = tpu.memref_squeeze %dma_start3A_772 : memref<1x128xi32, #tpu.memory_space<vmem>> -> memref<128xi32, #tpu.memory_space<vmem>>
    %dma_start3A_774 = arith.constant 0 : i32
    %dma_start3A_775 = tpu.memref_slice %arg2[%dma_start3A_765, %dma_start3A_774] : memref<14x32768xi32, #tpu.memory_space<hbm>> -> memref<1x32768xi32, #tpu.memory_space<hbm>>
    %dma_start3A_776 = tpu.memref_squeeze %dma_start3A_775 : memref<1x32768xi32, #tpu.memory_space<hbm>> -> memref<32768xi32, #tpu.memory_space<hbm>>
    %dma_start3A_777 = arith.constant 0 : i32
    %dma_start3A_778 = tpu.memref_slice %dma_start3A_776[%dma_start3A_777] : memref<32768xi32, #tpu.memory_space<hbm>> -> memref<32768xi32, #tpu.memory_space<hbm>>
    tpu.enqueue_indirect_dma source(%dma_start3A_778 : memref<32768xi32, #tpu.memory_space<hbm>>) target(%dma_start3A_770 : memref<128xi32, #tpu.memory_space<vmem>>) offsets(%dma_start3A_773 : memref<128xi32, #tpu.memory_space<vmem>>) semaphore(%arg7 : memref<!tpu.dma_semaphore, #tpu.memory_space<semaphore_mem>>)
    %dma_start3A_779 = arith.constant 11 : i32
    %dma_start3A_780 = arith.constant 3 : i32
    %dma_start3A_781 = arith.constant 11 : i32
    %dma_start3A_782 = arith.constant 384 : i32
    %dma_start3A_783 = tpu.memref_slice %arg6[%dma_start3A_781, %dma_start3A_782] : memref<14x512xi32, #tpu.memory_space<vmem>> -> memref<1x128xi32, #tpu.memory_space<vmem>>
    %dma_start3A_784 = tpu.memref_squeeze %dma_start3A_783 : memref<1x128xi32, #tpu.memory_space<vmem>> -> memref<128xi32, #tpu.memory_space<vmem>>
    %dma_start3A_785 = arith.constant 0 : i32
    %dma_start3A_786 = tpu.memref_slice %arg5[%dma_start3A_780, %dma_start3A_785] : memref<4x128xi32, #tpu.memory_space<vmem>> -> memref<1x128xi32, #tpu.memory_space<vmem>>
    %dma_start3A_787 = tpu.memref_squeeze %dma_start3A_786 : memref<1x128xi32, #tpu.memory_space<vmem>> -> memref<128xi32, #tpu.memory_space<vmem>>
    %dma_start3A_788 = arith.constant 0 : i32
    %dma_start3A_789 = tpu.memref_slice %arg2[%dma_start3A_779, %dma_start3A_788] : memref<14x32768xi32, #tpu.memory_space<hbm>> -> memref<1x32768xi32, #tpu.memory_space<hbm>>
    %dma_start3A_790 = tpu.memref_squeeze %dma_start3A_789 : memref<1x32768xi32, #tpu.memory_space<hbm>> -> memref<32768xi32, #tpu.memory_space<hbm>>
    %dma_start3A_791 = arith.constant 0 : i32
    %dma_start3A_792 = tpu.memref_slice %dma_start3A_790[%dma_start3A_791] : memref<32768xi32, #tpu.memory_space<hbm>> -> memref<32768xi32, #tpu.memory_space<hbm>>
    tpu.enqueue_indirect_dma source(%dma_start3A_792 : memref<32768xi32, #tpu.memory_space<hbm>>) target(%dma_start3A_784 : memref<128xi32, #tpu.memory_space<vmem>>) offsets(%dma_start3A_787 : memref<128xi32, #tpu.memory_space<vmem>>) semaphore(%arg7 : memref<!tpu.dma_semaphore, #tpu.memory_space<semaphore_mem>>)
    %dma_start3A_793 = arith.constant 12 : i32
    %dma_start3A_794 = arith.constant 3 : i32
    %dma_start3A_795 = arith.constant 12 : i32
    %dma_start3A_796 = arith.constant 384 : i32
    %dma_start3A_797 = tpu.memref_slice %arg6[%dma_start3A_795, %dma_start3A_796] : memref<14x512xi32, #tpu.memory_space<vmem>> -> memref<1x128xi32, #tpu.memory_space<vmem>>
    %dma_start3A_798 = tpu.memref_squeeze %dma_start3A_797 : memref<1x128xi32, #tpu.memory_space<vmem>> -> memref<128xi32, #tpu.memory_space<vmem>>
    %dma_start3A_799 = arith.constant 0 : i32
    %dma_start3A_800 = tpu.memref_slice %arg5[%dma_start3A_794, %dma_start3A_799] : memref<4x128xi32, #tpu.memory_space<vmem>> -> memref<1x128xi32, #tpu.memory_space<vmem>>
    %dma_start3A_801 = tpu.memref_squeeze %dma_start3A_800 : memref<1x128xi32, #tpu.memory_space<vmem>> -> memref<128xi32, #tpu.memory_space<vmem>>
    %dma_start3A_802 = arith.constant 0 : i32
    %dma_start3A_803 = tpu.memref_slice %arg2[%dma_start3A_793, %dma_start3A_802] : memref<14x32768xi32, #tpu.memory_space<hbm>> -> memref<1x32768xi32, #tpu.memory_space<hbm>>
    %dma_start3A_804 = tpu.memref_squeeze %dma_start3A_803 : memref<1x32768xi32, #tpu.memory_space<hbm>> -> memref<32768xi32, #tpu.memory_space<hbm>>
    %dma_start3A_805 = arith.constant 0 : i32
    %dma_start3A_806 = tpu.memref_slice %dma_start3A_804[%dma_start3A_805] : memref<32768xi32, #tpu.memory_space<hbm>> -> memref<32768xi32, #tpu.memory_space<hbm>>
    tpu.enqueue_indirect_dma source(%dma_start3A_806 : memref<32768xi32, #tpu.memory_space<hbm>>) target(%dma_start3A_798 : memref<128xi32, #tpu.memory_space<vmem>>) offsets(%dma_start3A_801 : memref<128xi32, #tpu.memory_space<vmem>>) semaphore(%arg7 : memref<!tpu.dma_semaphore, #tpu.memory_space<semaphore_mem>>)
    %dma_start3A_807 = arith.constant 13 : i32
    %dma_start3A_808 = arith.constant 3 : i32
    %dma_start3A_809 = arith.constant 13 : i32
    %dma_start3A_810 = arith.constant 384 : i32
    %dma_start3A_811 = tpu.memref_slice %arg6[%dma_start3A_809, %dma_start3A_810] : memref<14x512xi32, #tpu.memory_space<vmem>> -> memref<1x128xi32, #tpu.memory_space<vmem>>
    %dma_start3A_812 = tpu.memref_squeeze %dma_start3A_811 : memref<1x128xi32, #tpu.memory_space<vmem>> -> memref<128xi32, #tpu.memory_space<vmem>>
    %dma_start3A_813 = arith.constant 0 : i32
    %dma_start3A_814 = tpu.memref_slice %arg5[%dma_start3A_808, %dma_start3A_813] : memref<4x128xi32, #tpu.memory_space<vmem>> -> memref<1x128xi32, #tpu.memory_space<vmem>>
    %dma_start3A_815 = tpu.memref_squeeze %dma_start3A_814 : memref<1x128xi32, #tpu.memory_space<vmem>> -> memref<128xi32, #tpu.memory_space<vmem>>
    %dma_start3A_816 = arith.constant 0 : i32
    %dma_start3A_817 = tpu.memref_slice %arg2[%dma_start3A_807, %dma_start3A_816] : memref<14x32768xi32, #tpu.memory_space<hbm>> -> memref<1x32768xi32, #tpu.memory_space<hbm>>
    %dma_start3A_818 = tpu.memref_squeeze %dma_start3A_817 : memref<1x32768xi32, #tpu.memory_space<hbm>> -> memref<32768xi32, #tpu.memory_space<hbm>>
    %dma_start3A_819 = arith.constant 0 : i32
    %dma_start3A_820 = tpu.memref_slice %dma_start3A_818[%dma_start3A_819] : memref<32768xi32, #tpu.memory_space<hbm>> -> memref<32768xi32, #tpu.memory_space<hbm>>
    tpu.enqueue_indirect_dma source(%dma_start3A_820 : memref<32768xi32, #tpu.memory_space<hbm>>) target(%dma_start3A_812 : memref<128xi32, #tpu.memory_space<vmem>>) offsets(%dma_start3A_815 : memref<128xi32, #tpu.memory_space<vmem>>) semaphore(%arg7 : memref<!tpu.dma_semaphore, #tpu.memory_space<semaphore_mem>>)
    %dma_wait3A_821 = arith.constant 0 : i32
    %dma_wait3A_822 = arith.constant 384 : i32
    %dma_wait3A_823 = tpu.memref_slice %arg6[%dma_wait3A_821, %dma_wait3A_822] : memref<14x512xi32, #tpu.memory_space<vmem>> -> memref<14x128xi32, #tpu.memory_space<vmem>>
    %dma_wait3A_824 = arith.constant 0 : i32
    %dma_wait3A_825 = arith.constant 0 : i32
    %dma_wait3A_826 = tpu.memref_slice %arg2[%dma_wait3A_824, %dma_wait3A_825] : memref<14x32768xi32, #tpu.memory_space<hbm>> -> memref<14x128xi32, #tpu.memory_space<hbm>>
    %dma_wait3A_827 = arith.constant 0 : i32
    %dma_wait3A_828 = arith.constant 384 : i32
    %dma_wait3A_829 = tpu.memref_slice %arg6[%dma_wait3A_827, %dma_wait3A_828] : memref<14x512xi32, #tpu.memory_space<vmem>> -> memref<14x128xi32, #tpu.memory_space<vmem>>
    %dma_wait3A_830 = arith.constant 0 : i32
    %dma_wait3A_831 = arith.constant 0 : i32
    %dma_wait3A_832 = tpu.memref_slice %arg2[%dma_wait3A_830, %dma_wait3A_831] : memref<14x32768xi32, #tpu.memory_space<hbm>> -> memref<14x128xi32, #tpu.memory_space<hbm>>
    tpu.wait_dma2 semaphore(%arg7 : memref<!tpu.dma_semaphore, #tpu.memory_space<semaphore_mem>>) src(%dma_wait3A_832 : memref<14x128xi32, #tpu.memory_space<hbm>>) dst(%dma_wait3A_829 : memref<14x128xi32, #tpu.memory_space<vmem>>)
    %mul3A_833 = arith.constant 512 : i32
    %mul3A_834 = arith.muli %add3A, %mul3A_833 : i32
    "tpu.region"() ({
      %run_scoped3A = tpu.sem_alloc : memref<!tpu.dma_semaphore, #tpu.memory_space<semaphore_mem>>
      %dma_start3A_835 = arith.constant 0 : i32
      %dma_start3A_836 = tpu.memref_slice %arg4[%dma_start3A_835, %mul3A_834] : memref<14x16384xi32, #tpu.memory_space<hbm>> -> memref<14x512xi32, #tpu.memory_space<hbm>>
      %dma_start3A_837 = arith.constant 0 : i32
      %dma_start3A_838 = tpu.memref_slice %arg4[%dma_start3A_837, %mul3A_834] : memref<14x16384xi32, #tpu.memory_space<hbm>> -> memref<14x512xi32, #tpu.memory_space<hbm>>
      tpu.enqueue_dma source(%arg6 : memref<14x512xi32, #tpu.memory_space<vmem>>) target(%dma_start3A_838 : memref<14x512xi32, #tpu.memory_space<hbm>>) target_semaphore(%run_scoped3A : memref<!tpu.dma_semaphore, #tpu.memory_space<semaphore_mem>>)
      %dma_wait3A_839 = arith.constant 0 : i32
      %dma_wait3A_840 = tpu.memref_slice %arg4[%dma_wait3A_839, %mul3A_834] : memref<14x16384xi32, #tpu.memory_space<hbm>> -> memref<14x512xi32, #tpu.memory_space<hbm>>
      %dma_wait3A_841 = arith.constant 0 : i32
      %dma_wait3A_842 = tpu.memref_slice %arg4[%dma_wait3A_841, %mul3A_834] : memref<14x16384xi32, #tpu.memory_space<hbm>> -> memref<14x512xi32, #tpu.memory_space<hbm>>
      tpu.wait_dma2 semaphore(%run_scoped3A : memref<!tpu.dma_semaphore, #tpu.memory_space<semaphore_mem>>) src(%arg6 : memref<14x512xi32, #tpu.memory_space<vmem>>) dst(%dma_wait3A_842 : memref<14x512xi32, #tpu.memory_space<hbm>>)
      tpu.yield
    }) : () -> ()
    return
  }
}

module attributes {stable_mosaic.version = 14 : i64} {
  func.func @_mlp_body(%arg0: i32, %arg1: memref<8x2048x128xf32, #tpu.memory_space<vmem>>, %arg2: memref<2048x4xi32, #tpu.memory_space<vmem>>, %arg3: memref<2048x1xf32, #tpu.memory_space<vmem>>, %arg4: memref<1024x512xf32, #tpu.memory_space<vmem>>, %arg5: memref<1x512xf32, #tpu.memory_space<vmem>>, %arg6: memref<512x1xf32, #tpu.memory_space<vmem>>, %arg7: memref<1x1xf32, #tpu.memory_space<vmem>>, %arg8: memref<1x1x2048xf32, #tpu.memory_space<vmem>>) attributes {dimension_semantics = [#tpu.dimension_semantics<arbitrary>], iteration_bounds = array<i64: 4>, scalar_prefetch = 0 : i64, scratch_operands = 0 : i64, tpu.core_type = #tpu.core_type<tc>, window_params = [{transform_indices = @transform_0, window_bounds = array<i64: 8, 2048, 128>}, {transform_indices = @transform_1, window_bounds = array<i64: 2048, 4>}, {transform_indices = @transform_2, window_bounds = array<i64: 2048, 1>}, {pipeline_mode = #tpu.pipeline_mode<synchronous>, transform_indices = @transform_3, window_bounds = array<i64: 1024, 512>}, {pipeline_mode = #tpu.pipeline_mode<synchronous>, transform_indices = @transform_4, window_bounds = array<i64: 1, 512>}, {pipeline_mode = #tpu.pipeline_mode<synchronous>, transform_indices = @transform_5, window_bounds = array<i64: 512, 1>}, {pipeline_mode = #tpu.pipeline_mode<synchronous>, transform_indices = @transform_6, window_bounds = array<i64: 1, 1>}, {transform_indices = @transform_7, window_bounds = array<i64: 1, 1, 2048>}]} {
    %get3A = arith.constant 0 : index
    %get3A_0 = arith.constant 0 : index
    %get3A_1 = vector.load %arg2[%get3A, %get3A_0] : memref<2048x4xi32, #tpu.memory_space<vmem>>, vector<2048x4xi32>
    %ne3A = arith.constant 0 : i32
    %ne3A_2 = vector.broadcast %ne3A : i32 to vector<2048x4xi32>
    %ne3A_3 = arith.cmpi ne, %get3A_1, %ne3A_2 : vector<2048x4xi32>
    %convert_element_type3A = arith.extui %ne3A_3 : vector<2048x4xi1> to vector<2048x4xi32>
    %convert_element_type3A_4 = arith.sitofp %convert_element_type3A : vector<2048x4xi32> to vector<2048x4xf32>
    %get3A_5 = arith.constant 0 : index
    %get3A_6 = arith.constant 0 : index
    %get3A_7 = arith.constant 0 : index
    %get3A_8 = vector.load %arg1[%get3A_5, %get3A_6, %get3A_7] : memref<8x2048x128xf32, #tpu.memory_space<vmem>>, vector<1x2048x128xf32>
    %get3A_9 = vector.shape_cast %get3A_8 : vector<1x2048x128xf32> to vector<2048x128xf32>
    %slice3A = vector.extract_strided_slice %convert_element_type3A_4 {offsets = [0, 0], sizes = [2048, 1], strides = [1, 1]} : vector<2048x4xf32> to vector<2048x1xf32>
    %mul3A = vector.broadcast %slice3A : vector<2048x1xf32> to vector<2048x128xf32>
    %mul3A_10 = arith.mulf %get3A_9, %mul3A : vector<2048x128xf32>
    %get3A_11 = arith.constant 1 : index
    %get3A_12 = arith.constant 0 : index
    %get3A_13 = arith.constant 0 : index
    %get3A_14 = vector.load %arg1[%get3A_11, %get3A_12, %get3A_13] : memref<8x2048x128xf32, #tpu.memory_space<vmem>>, vector<1x2048x128xf32>
    %get3A_15 = vector.shape_cast %get3A_14 : vector<1x2048x128xf32> to vector<2048x128xf32>
    %slice3A_16 = vector.extract_strided_slice %convert_element_type3A_4 {offsets = [0, 0], sizes = [2048, 1], strides = [1, 1]} : vector<2048x4xf32> to vector<2048x1xf32>
    %mul3A_17 = vector.broadcast %slice3A_16 : vector<2048x1xf32> to vector<2048x128xf32>
    %mul3A_18 = arith.mulf %get3A_15, %mul3A_17 : vector<2048x128xf32>
    %get3A_19 = arith.constant 2 : index
    %get3A_20 = arith.constant 0 : index
    %get3A_21 = arith.constant 0 : index
    %get3A_22 = vector.load %arg1[%get3A_19, %get3A_20, %get3A_21] : memref<8x2048x128xf32, #tpu.memory_space<vmem>>, vector<1x2048x128xf32>
    %get3A_23 = vector.shape_cast %get3A_22 : vector<1x2048x128xf32> to vector<2048x128xf32>
    %slice3A_24 = vector.extract_strided_slice %convert_element_type3A_4 {offsets = [0, 1], sizes = [2048, 1], strides = [1, 1]} : vector<2048x4xf32> to vector<2048x1xf32>
    %mul3A_25 = vector.broadcast %slice3A_24 : vector<2048x1xf32> to vector<2048x128xf32>
    %mul3A_26 = arith.mulf %get3A_23, %mul3A_25 : vector<2048x128xf32>
    %get3A_27 = arith.constant 3 : index
    %get3A_28 = arith.constant 0 : index
    %get3A_29 = arith.constant 0 : index
    %get3A_30 = vector.load %arg1[%get3A_27, %get3A_28, %get3A_29] : memref<8x2048x128xf32, #tpu.memory_space<vmem>>, vector<1x2048x128xf32>
    %get3A_31 = vector.shape_cast %get3A_30 : vector<1x2048x128xf32> to vector<2048x128xf32>
    %slice3A_32 = vector.extract_strided_slice %convert_element_type3A_4 {offsets = [0, 1], sizes = [2048, 1], strides = [1, 1]} : vector<2048x4xf32> to vector<2048x1xf32>
    %mul3A_33 = vector.broadcast %slice3A_32 : vector<2048x1xf32> to vector<2048x128xf32>
    %mul3A_34 = arith.mulf %get3A_31, %mul3A_33 : vector<2048x128xf32>
    %get3A_35 = arith.constant 4 : index
    %get3A_36 = arith.constant 0 : index
    %get3A_37 = arith.constant 0 : index
    %get3A_38 = vector.load %arg1[%get3A_35, %get3A_36, %get3A_37] : memref<8x2048x128xf32, #tpu.memory_space<vmem>>, vector<1x2048x128xf32>
    %get3A_39 = vector.shape_cast %get3A_38 : vector<1x2048x128xf32> to vector<2048x128xf32>
    %slice3A_40 = vector.extract_strided_slice %convert_element_type3A_4 {offsets = [0, 2], sizes = [2048, 1], strides = [1, 1]} : vector<2048x4xf32> to vector<2048x1xf32>
    %mul3A_41 = vector.broadcast %slice3A_40 : vector<2048x1xf32> to vector<2048x128xf32>
    %mul3A_42 = arith.mulf %get3A_39, %mul3A_41 : vector<2048x128xf32>
    %get3A_43 = arith.constant 5 : index
    %get3A_44 = arith.constant 0 : index
    %get3A_45 = arith.constant 0 : index
    %get3A_46 = vector.load %arg1[%get3A_43, %get3A_44, %get3A_45] : memref<8x2048x128xf32, #tpu.memory_space<vmem>>, vector<1x2048x128xf32>
    %get3A_47 = vector.shape_cast %get3A_46 : vector<1x2048x128xf32> to vector<2048x128xf32>
    %slice3A_48 = vector.extract_strided_slice %convert_element_type3A_4 {offsets = [0, 2], sizes = [2048, 1], strides = [1, 1]} : vector<2048x4xf32> to vector<2048x1xf32>
    %mul3A_49 = vector.broadcast %slice3A_48 : vector<2048x1xf32> to vector<2048x128xf32>
    %mul3A_50 = arith.mulf %get3A_47, %mul3A_49 : vector<2048x128xf32>
    %get3A_51 = arith.constant 6 : index
    %get3A_52 = arith.constant 0 : index
    %get3A_53 = arith.constant 0 : index
    %get3A_54 = vector.load %arg1[%get3A_51, %get3A_52, %get3A_53] : memref<8x2048x128xf32, #tpu.memory_space<vmem>>, vector<1x2048x128xf32>
    %get3A_55 = vector.shape_cast %get3A_54 : vector<1x2048x128xf32> to vector<2048x128xf32>
    %slice3A_56 = vector.extract_strided_slice %convert_element_type3A_4 {offsets = [0, 3], sizes = [2048, 1], strides = [1, 1]} : vector<2048x4xf32> to vector<2048x1xf32>
    %mul3A_57 = vector.broadcast %slice3A_56 : vector<2048x1xf32> to vector<2048x128xf32>
    %mul3A_58 = arith.mulf %get3A_55, %mul3A_57 : vector<2048x128xf32>
    %get3A_59 = arith.constant 7 : index
    %get3A_60 = arith.constant 0 : index
    %get3A_61 = arith.constant 0 : index
    %get3A_62 = vector.load %arg1[%get3A_59, %get3A_60, %get3A_61] : memref<8x2048x128xf32, #tpu.memory_space<vmem>>, vector<1x2048x128xf32>
    %get3A_63 = vector.shape_cast %get3A_62 : vector<1x2048x128xf32> to vector<2048x128xf32>
    %slice3A_64 = vector.extract_strided_slice %convert_element_type3A_4 {offsets = [0, 3], sizes = [2048, 1], strides = [1, 1]} : vector<2048x4xf32> to vector<2048x1xf32>
    %mul3A_65 = vector.broadcast %slice3A_64 : vector<2048x1xf32> to vector<2048x128xf32>
    %mul3A_66 = arith.mulf %get3A_63, %mul3A_65 : vector<2048x128xf32>
    %concatenate3A = tpu.concatenate %mul3A_10, %mul3A_18, %mul3A_26, %mul3A_34, %mul3A_42, %mul3A_50, %mul3A_58, %mul3A_66 in 1 : vector<2048x128xf32>, vector<2048x128xf32>, vector<2048x128xf32>, vector<2048x128xf32>, vector<2048x128xf32>, vector<2048x128xf32>, vector<2048x128xf32>, vector<2048x128xf32> -> vector<2048x1024xf32>
    %get3A_67 = arith.constant 0 : index
    %get3A_68 = arith.constant 0 : index
    %get3A_69 = vector.load %arg4[%get3A_67, %get3A_68] : memref<1024x512xf32, #tpu.memory_space<vmem>>, vector<1024x512xf32>
    %dot_general3A = arith.constant dense<0.000000e+00> : vector<2048x512xf32>
    %dot_general3A_70 = tpu.matmul %concatenate3A, %get3A_69, %dot_general3A {dimension_numbers = #tpu.dot_dimension_numbers<[1], [0], [0], [1], [0, 0, 1, 1], [], []>, transpose_lhs_hint = false} : vector<2048x1024xf32>, vector<1024x512xf32>, vector<2048x512xf32> -> vector<2048x512xf32>
    %get3A_71 = arith.constant 0 : index
    %get3A_72 = arith.constant 0 : index
    %get3A_73 = vector.load %arg5[%get3A_71, %get3A_72] : memref<1x512xf32, #tpu.memory_space<vmem>>, vector<1x512xf32>
    %add3A = vector.broadcast %get3A_73 : vector<1x512xf32> to vector<2048x512xf32>
    %add3A_74 = arith.addf %dot_general3A_70, %add3A : vector<2048x512xf32>
    %max3A = arith.constant 0.000000e+00 : f32
    %max3A_75 = vector.broadcast %max3A : f32 to vector<2048x512xf32>
    %max3A_76 = arith.maximumf %add3A_74, %max3A_75 : vector<2048x512xf32>
    %convert_element_type3A_77 = arith.truncf %max3A_76 : vector<2048x512xf32> to vector<2048x512xbf16>
    %get3A_78 = arith.constant 0 : index
    %get3A_79 = arith.constant 0 : index
    %get3A_80 = vector.load %arg6[%get3A_78, %get3A_79] : memref<512x1xf32, #tpu.memory_space<vmem>>, vector<512x1xf32>
    %convert_element_type3A_81 = arith.truncf %get3A_80 : vector<512x1xf32> to vector<512x1xbf16>
    %dot_general3A_82 = arith.constant dense<0.000000e+00> : vector<2048x1xf32>
    %dot_general3A_83 = tpu.matmul %convert_element_type3A_77, %convert_element_type3A_81, %dot_general3A_82 {dimension_numbers = #tpu.dot_dimension_numbers<[1], [0], [0], [1], [0, 0, 1, 1], [], []>, transpose_lhs_hint = false} : vector<2048x512xbf16>, vector<512x1xbf16>, vector<2048x1xf32> -> vector<2048x1xf32>
    %get3A_84 = arith.constant 0 : index
    %get3A_85 = arith.constant 0 : index
    %get3A_86 = vector.load %arg7[%get3A_84, %get3A_85] : memref<1x1xf32, #tpu.memory_space<vmem>>, vector<1x1xf32>
    %add3A_87 = vector.broadcast %get3A_86 : vector<1x1xf32> to vector<2048x1xf32>
    %add3A_88 = arith.addf %dot_general3A_83, %add3A_87 : vector<2048x1xf32>
    %get3A_89 = arith.constant 0 : index
    %get3A_90 = arith.constant 0 : index
    %get3A_91 = vector.load %arg3[%get3A_89, %get3A_90] : memref<2048x1xf32, #tpu.memory_space<vmem>>, vector<2048x1xf32>
    %sub3A = arith.constant 1.000000e+00 : f32
    %sub3A_92 = vector.broadcast %sub3A : f32 to vector<2048x1xf32>
    %sub3A_93 = arith.subf %get3A_91, %sub3A_92 : vector<2048x1xf32>
    %mul3A_94 = arith.constant 1.000000e+09 : f32
    %mul3A_95 = vector.broadcast %mul3A_94 : f32 to vector<2048x1xf32>
    %mul3A_96 = arith.mulf %sub3A_93, %mul3A_95 : vector<2048x1xf32>
    %add3A_97 = arith.addf %add3A_88, %mul3A_96 : vector<2048x1xf32>
    %reshape3A = vector.shape_cast %add3A_97 : vector<2048x1xf32> to vector<1x1x2048xf32>
    %swap3A = arith.constant 0 : index
    %swap3A_98 = arith.constant 0 : index
    %swap3A_99 = arith.constant 0 : index
    %swap3A_100 = vector.load %arg8[%swap3A, %swap3A_98, %swap3A_99] : memref<1x1x2048xf32, #tpu.memory_space<vmem>>, vector<1x1x2048xf32>
    tpu.vector_store %arg8[%swap3A, %swap3A_98, %swap3A_99], %reshape3A {strides = array<i32>} : memref<1x1x2048xf32, #tpu.memory_space<vmem>>, vector<1x1x2048xf32>,
    return
  }
  func.func @transform_0(%arg0: i32) -> (i32, i32, i32) {
    %c0_i32 = arith.constant 0 : i32
    %c0_i32_0 = arith.constant 0 : i32
    %c0_i32_1 = arith.constant 0 : i32
    return %c0_i32, %arg0, %c0_i32_0 : i32, i32, i32
  }
  func.func @transform_1(%arg0: i32) -> (i32, i32) {
    %add3A = arith.constant 4 : i32
    %add3A_0 = arith.addi %add3A, %arg0 : i32
    %c0_i32 = arith.constant 0 : i32
    %c0_i32_1 = arith.constant 0 : i32
    return %add3A_0, %c0_i32 : i32, i32
  }
  func.func @transform_2(%arg0: i32) -> (i32, i32) {
    %add3A = arith.constant 4 : i32
    %add3A_0 = arith.addi %add3A, %arg0 : i32
    %c0_i32 = arith.constant 0 : i32
    %c0_i32_1 = arith.constant 0 : i32
    return %add3A_0, %c0_i32 : i32, i32
  }
  func.func @transform_3(%arg0: i32) -> (i32, i32) {
    %c0_i32 = arith.constant 0 : i32
    %c0_i32_0 = arith.constant 0 : i32
    %c0_i32_1 = arith.constant 0 : i32
    return %c0_i32, %c0_i32_0 : i32, i32
  }
  func.func @transform_4(%arg0: i32) -> (i32, i32) {
    %c0_i32 = arith.constant 0 : i32
    %c0_i32_0 = arith.constant 0 : i32
    %c0_i32_1 = arith.constant 0 : i32
    return %c0_i32, %c0_i32_0 : i32, i32
  }
  func.func @transform_5(%arg0: i32) -> (i32, i32) {
    %c0_i32 = arith.constant 0 : i32
    %c0_i32_0 = arith.constant 0 : i32
    %c0_i32_1 = arith.constant 0 : i32
    return %c0_i32, %c0_i32_0 : i32, i32
  }
  func.func @transform_6(%arg0: i32) -> (i32, i32) {
    %c0_i32 = arith.constant 0 : i32
    %c0_i32_0 = arith.constant 0 : i32
    %c0_i32_1 = arith.constant 0 : i32
    return %c0_i32, %c0_i32_0 : i32, i32
  }
  func.func @transform_7(%arg0: i32) -> (i32, i32, i32) {
    %c0_i32 = arith.constant 0 : i32
    %c0_i32_0 = arith.constant 0 : i32
    %c0_i32_1 = arith.constant 0 : i32
    return %arg0, %c0_i32, %c0_i32_0 : i32, i32, i32
  }
}

module attributes {stable_mosaic.version = 14 : i64} {
  func.func @_mlp_body(%arg0: i32, %arg1: memref<8x2048x128xf32, #tpu.memory_space<vmem>>, %arg2: memref<2048x4xi32, #tpu.memory_space<vmem>>, %arg3: memref<2048x1xf32, #tpu.memory_space<vmem>>, %arg4: memref<1024x512xf32, #tpu.memory_space<vmem>>, %arg5: memref<1x512xf32, #tpu.memory_space<vmem>>, %arg6: memref<512x1xf32, #tpu.memory_space<vmem>>, %arg7: memref<1x1xf32, #tpu.memory_space<vmem>>, %arg8: memref<1x1x2048xf32, #tpu.memory_space<vmem>>) attributes {dimension_semantics = [#tpu.dimension_semantics<arbitrary>], iteration_bounds = array<i64: 4>, scalar_prefetch = 0 : i64, scratch_operands = 0 : i64, tpu.core_type = #tpu.core_type<tc>, window_params = [{transform_indices = @transform_0, window_bounds = array<i64: 8, 2048, 128>}, {transform_indices = @transform_1, window_bounds = array<i64: 2048, 4>}, {transform_indices = @transform_2, window_bounds = array<i64: 2048, 1>}, {pipeline_mode = #tpu.pipeline_mode<synchronous>, transform_indices = @transform_3, window_bounds = array<i64: 1024, 512>}, {pipeline_mode = #tpu.pipeline_mode<synchronous>, transform_indices = @transform_4, window_bounds = array<i64: 1, 512>}, {pipeline_mode = #tpu.pipeline_mode<synchronous>, transform_indices = @transform_5, window_bounds = array<i64: 512, 1>}, {pipeline_mode = #tpu.pipeline_mode<synchronous>, transform_indices = @transform_6, window_bounds = array<i64: 1, 1>}, {transform_indices = @transform_7, window_bounds = array<i64: 1, 1, 2048>}]} {
    %get3A = arith.constant 0 : index
    %get3A_0 = arith.constant 0 : index
    %get3A_1 = vector.load %arg2[%get3A, %get3A_0] : memref<2048x4xi32, #tpu.memory_space<vmem>>, vector<2048x4xi32>
    %ne3A = arith.constant 0 : i32
    %ne3A_2 = vector.broadcast %ne3A : i32 to vector<2048x4xi32>
    %ne3A_3 = arith.cmpi ne, %get3A_1, %ne3A_2 : vector<2048x4xi32>
    %convert_element_type3A = arith.extui %ne3A_3 : vector<2048x4xi1> to vector<2048x4xi32>
    %convert_element_type3A_4 = arith.sitofp %convert_element_type3A : vector<2048x4xi32> to vector<2048x4xf32>
    %get3A_5 = arith.constant 0 : index
    %get3A_6 = arith.constant 0 : index
    %get3A_7 = arith.constant 0 : index
    %get3A_8 = vector.load %arg1[%get3A_5, %get3A_6, %get3A_7] : memref<8x2048x128xf32, #tpu.memory_space<vmem>>, vector<1x2048x128xf32>
    %get3A_9 = vector.shape_cast %get3A_8 : vector<1x2048x128xf32> to vector<2048x128xf32>
    %slice3A = vector.extract_strided_slice %convert_element_type3A_4 {offsets = [0, 0], sizes = [2048, 1], strides = [1, 1]} : vector<2048x4xf32> to vector<2048x1xf32>
    %mul3A = vector.broadcast %slice3A : vector<2048x1xf32> to vector<2048x128xf32>
    %mul3A_10 = arith.mulf %get3A_9, %mul3A : vector<2048x128xf32>
    %get3A_11 = arith.constant 1 : index
    %get3A_12 = arith.constant 0 : index
    %get3A_13 = arith.constant 0 : index
    %get3A_14 = vector.load %arg1[%get3A_11, %get3A_12, %get3A_13] : memref<8x2048x128xf32, #tpu.memory_space<vmem>>, vector<1x2048x128xf32>
    %get3A_15 = vector.shape_cast %get3A_14 : vector<1x2048x128xf32> to vector<2048x128xf32>
    %slice3A_16 = vector.extract_strided_slice %convert_element_type3A_4 {offsets = [0, 0], sizes = [2048, 1], strides = [1, 1]} : vector<2048x4xf32> to vector<2048x1xf32>
    %mul3A_17 = vector.broadcast %slice3A_16 : vector<2048x1xf32> to vector<2048x128xf32>
    %mul3A_18 = arith.mulf %get3A_15, %mul3A_17 : vector<2048x128xf32>
    %get3A_19 = arith.constant 2 : index
    %get3A_20 = arith.constant 0 : index
    %get3A_21 = arith.constant 0 : index
    %get3A_22 = vector.load %arg1[%get3A_19, %get3A_20, %get3A_21] : memref<8x2048x128xf32, #tpu.memory_space<vmem>>, vector<1x2048x128xf32>
    %get3A_23 = vector.shape_cast %get3A_22 : vector<1x2048x128xf32> to vector<2048x128xf32>
    %slice3A_24 = vector.extract_strided_slice %convert_element_type3A_4 {offsets = [0, 1], sizes = [2048, 1], strides = [1, 1]} : vector<2048x4xf32> to vector<2048x1xf32>
    %mul3A_25 = vector.broadcast %slice3A_24 : vector<2048x1xf32> to vector<2048x128xf32>
    %mul3A_26 = arith.mulf %get3A_23, %mul3A_25 : vector<2048x128xf32>
    %get3A_27 = arith.constant 3 : index
    %get3A_28 = arith.constant 0 : index
    %get3A_29 = arith.constant 0 : index
    %get3A_30 = vector.load %arg1[%get3A_27, %get3A_28, %get3A_29] : memref<8x2048x128xf32, #tpu.memory_space<vmem>>, vector<1x2048x128xf32>
    %get3A_31 = vector.shape_cast %get3A_30 : vector<1x2048x128xf32> to vector<2048x128xf32>
    %slice3A_32 = vector.extract_strided_slice %convert_element_type3A_4 {offsets = [0, 1], sizes = [2048, 1], strides = [1, 1]} : vector<2048x4xf32> to vector<2048x1xf32>
    %mul3A_33 = vector.broadcast %slice3A_32 : vector<2048x1xf32> to vector<2048x128xf32>
    %mul3A_34 = arith.mulf %get3A_31, %mul3A_33 : vector<2048x128xf32>
    %get3A_35 = arith.constant 4 : index
    %get3A_36 = arith.constant 0 : index
    %get3A_37 = arith.constant 0 : index
    %get3A_38 = vector.load %arg1[%get3A_35, %get3A_36, %get3A_37] : memref<8x2048x128xf32, #tpu.memory_space<vmem>>, vector<1x2048x128xf32>
    %get3A_39 = vector.shape_cast %get3A_38 : vector<1x2048x128xf32> to vector<2048x128xf32>
    %slice3A_40 = vector.extract_strided_slice %convert_element_type3A_4 {offsets = [0, 2], sizes = [2048, 1], strides = [1, 1]} : vector<2048x4xf32> to vector<2048x1xf32>
    %mul3A_41 = vector.broadcast %slice3A_40 : vector<2048x1xf32> to vector<2048x128xf32>
    %mul3A_42 = arith.mulf %get3A_39, %mul3A_41 : vector<2048x128xf32>
    %get3A_43 = arith.constant 5 : index
    %get3A_44 = arith.constant 0 : index
    %get3A_45 = arith.constant 0 : index
    %get3A_46 = vector.load %arg1[%get3A_43, %get3A_44, %get3A_45] : memref<8x2048x128xf32, #tpu.memory_space<vmem>>, vector<1x2048x128xf32>
    %get3A_47 = vector.shape_cast %get3A_46 : vector<1x2048x128xf32> to vector<2048x128xf32>
    %slice3A_48 = vector.extract_strided_slice %convert_element_type3A_4 {offsets = [0, 2], sizes = [2048, 1], strides = [1, 1]} : vector<2048x4xf32> to vector<2048x1xf32>
    %mul3A_49 = vector.broadcast %slice3A_48 : vector<2048x1xf32> to vector<2048x128xf32>
    %mul3A_50 = arith.mulf %get3A_47, %mul3A_49 : vector<2048x128xf32>
    %get3A_51 = arith.constant 6 : index
    %get3A_52 = arith.constant 0 : index
    %get3A_53 = arith.constant 0 : index
    %get3A_54 = vector.load %arg1[%get3A_51, %get3A_52, %get3A_53] : memref<8x2048x128xf32, #tpu.memory_space<vmem>>, vector<1x2048x128xf32>
    %get3A_55 = vector.shape_cast %get3A_54 : vector<1x2048x128xf32> to vector<2048x128xf32>
    %slice3A_56 = vector.extract_strided_slice %convert_element_type3A_4 {offsets = [0, 3], sizes = [2048, 1], strides = [1, 1]} : vector<2048x4xf32> to vector<2048x1xf32>
    %mul3A_57 = vector.broadcast %slice3A_56 : vector<2048x1xf32> to vector<2048x128xf32>
    %mul3A_58 = arith.mulf %get3A_55, %mul3A_57 : vector<2048x128xf32>
    %get3A_59 = arith.constant 7 : index
    %get3A_60 = arith.constant 0 : index
    %get3A_61 = arith.constant 0 : index
    %get3A_62 = vector.load %arg1[%get3A_59, %get3A_60, %get3A_61] : memref<8x2048x128xf32, #tpu.memory_space<vmem>>, vector<1x2048x128xf32>
    %get3A_63 = vector.shape_cast %get3A_62 : vector<1x2048x128xf32> to vector<2048x128xf32>
    %slice3A_64 = vector.extract_strided_slice %convert_element_type3A_4 {offsets = [0, 3], sizes = [2048, 1], strides = [1, 1]} : vector<2048x4xf32> to vector<2048x1xf32>
    %mul3A_65 = vector.broadcast %slice3A_64 : vector<2048x1xf32> to vector<2048x128xf32>
    %mul3A_66 = arith.mulf %get3A_63, %mul3A_65 : vector<2048x128xf32>
    %concatenate3A = tpu.concatenate %mul3A_10, %mul3A_18, %mul3A_26, %mul3A_34, %mul3A_42, %mul3A_50, %mul3A_58, %mul3A_66 in 1 : vector<2048x128xf32>, vector<2048x128xf32>, vector<2048x128xf32>, vector<2048x128xf32>, vector<2048x128xf32>, vector<2048x128xf32>, vector<2048x128xf32>, vector<2048x128xf32> -> vector<2048x1024xf32>
    %get3A_67 = arith.constant 0 : index
    %get3A_68 = arith.constant 0 : index
    %get3A_69 = vector.load %arg4[%get3A_67, %get3A_68] : memref<1024x512xf32, #tpu.memory_space<vmem>>, vector<1024x512xf32>
    %dot_general3A = arith.constant dense<0.000000e+00> : vector<2048x512xf32>
    %dot_general3A_70 = tpu.matmul %concatenate3A, %get3A_69, %dot_general3A {dimension_numbers = #tpu.dot_dimension_numbers<[1], [0], [0], [1], [0, 0, 1, 1], [], []>, transpose_lhs_hint = false} : vector<2048x1024xf32>, vector<1024x512xf32>, vector<2048x512xf32> -> vector<2048x512xf32>
    %get3A_71 = arith.constant 0 : index
    %get3A_72 = arith.constant 0 : index
    %get3A_73 = vector.load %arg5[%get3A_71, %get3A_72] : memref<1x512xf32, #tpu.memory_space<vmem>>, vector<1x512xf32>
    %add3A = vector.broadcast %get3A_73 : vector<1x512xf32> to vector<2048x512xf32>
    %add3A_74 = arith.addf %dot_general3A_70, %add3A : vector<2048x512xf32>
    %max3A = arith.constant 0.000000e+00 : f32
    %max3A_75 = vector.broadcast %max3A : f32 to vector<2048x512xf32>
    %max3A_76 = arith.maximumf %add3A_74, %max3A_75 : vector<2048x512xf32>
    %convert_element_type3A_77 = arith.truncf %max3A_76 : vector<2048x512xf32> to vector<2048x512xbf16>
    %get3A_78 = arith.constant 0 : index
    %get3A_79 = arith.constant 0 : index
    %get3A_80 = vector.load %arg6[%get3A_78, %get3A_79] : memref<512x1xf32, #tpu.memory_space<vmem>>, vector<512x1xf32>
    %convert_element_type3A_81 = arith.truncf %get3A_80 : vector<512x1xf32> to vector<512x1xbf16>
    %dot_general3A_82 = arith.constant dense<0.000000e+00> : vector<2048x1xf32>
    %dot_general3A_83 = tpu.matmul %convert_element_type3A_77, %convert_element_type3A_81, %dot_general3A_82 {dimension_numbers = #tpu.dot_dimension_numbers<[1], [0], [0], [1], [0, 0, 1, 1], [], []>, transpose_lhs_hint = false} : vector<2048x512xbf16>, vector<512x1xbf16>, vector<2048x1xf32> -> vector<2048x1xf32>
    %get3A_84 = arith.constant 0 : index
    %get3A_85 = arith.constant 0 : index
    %get3A_86 = vector.load %arg7[%get3A_84, %get3A_85] : memref<1x1xf32, #tpu.memory_space<vmem>>, vector<1x1xf32>
    %add3A_87 = vector.broadcast %get3A_86 : vector<1x1xf32> to vector<2048x1xf32>
    %add3A_88 = arith.addf %dot_general3A_83, %add3A_87 : vector<2048x1xf32>
    %get3A_89 = arith.constant 0 : index
    %get3A_90 = arith.constant 0 : index
    %get3A_91 = vector.load %arg3[%get3A_89, %get3A_90] : memref<2048x1xf32, #tpu.memory_space<vmem>>, vector<2048x1xf32>
    %sub3A = arith.constant 1.000000e+00 : f32
    %sub3A_92 = vector.broadcast %sub3A : f32 to vector<2048x1xf32>
    %sub3A_93 = arith.subf %get3A_91, %sub3A_92 : vector<2048x1xf32>
    %mul3A_94 = arith.constant 1.000000e+09 : f32
    %mul3A_95 = vector.broadcast %mul3A_94 : f32 to vector<2048x1xf32>
    %mul3A_96 = arith.mulf %sub3A_93, %mul3A_95 : vector<2048x1xf32>
    %add3A_97 = arith.addf %add3A_88, %mul3A_96 : vector<2048x1xf32>
    %reshape3A = vector.shape_cast %add3A_97 : vector<2048x1xf32> to vector<1x1x2048xf32>
    %swap3A = arith.constant 0 : index
    %swap3A_98 = arith.constant 0 : index
    %swap3A_99 = arith.constant 0 : index
    %swap3A_100 = vector.load %arg8[%swap3A, %swap3A_98, %swap3A_99] : memref<1x1x2048xf32, #tpu.memory_space<vmem>>, vector<1x1x2048xf32>
    tpu.vector_store %arg8[%swap3A, %swap3A_98, %swap3A_99], %reshape3A {strides = array<i32>} : memref<1x1x2048xf32, #tpu.memory_space<vmem>>, vector<1x1x2048xf32>,
    return
  }
  func.func @transform_0(%arg0: i32) -> (i32, i32, i32) {
    %c0_i32 = arith.constant 0 : i32
    %c0_i32_0 = arith.constant 0 : i32
    %c0_i32_1 = arith.constant 0 : i32
    return %c0_i32, %arg0, %c0_i32_0 : i32, i32, i32
  }
  func.func @transform_1(%arg0: i32) -> (i32, i32) {
    %add3A = arith.constant 8 : i32
    %add3A_0 = arith.addi %add3A, %arg0 : i32
    %c0_i32 = arith.constant 0 : i32
    %c0_i32_1 = arith.constant 0 : i32
    return %add3A_0, %c0_i32 : i32, i32
  }
  func.func @transform_2(%arg0: i32) -> (i32, i32) {
    %add3A = arith.constant 8 : i32
    %add3A_0 = arith.addi %add3A, %arg0 : i32
    %c0_i32 = arith.constant 0 : i32
    %c0_i32_1 = arith.constant 0 : i32
    return %add3A_0, %c0_i32 : i32, i32
  }
  func.func @transform_3(%arg0: i32) -> (i32, i32) {
    %c0_i32 = arith.constant 0 : i32
    %c0_i32_0 = arith.constant 0 : i32
    %c0_i32_1 = arith.constant 0 : i32
    return %c0_i32, %c0_i32_0 : i32, i32
  }
  func.func @transform_4(%arg0: i32) -> (i32, i32) {
    %c0_i32 = arith.constant 0 : i32
    %c0_i32_0 = arith.constant 0 : i32
    %c0_i32_1 = arith.constant 0 : i32
    return %c0_i32, %c0_i32_0 : i32, i32
  }
  func.func @transform_5(%arg0: i32) -> (i32, i32) {
    %c0_i32 = arith.constant 0 : i32
    %c0_i32_0 = arith.constant 0 : i32
    %c0_i32_1 = arith.constant 0 : i32
    return %c0_i32, %c0_i32_0 : i32, i32
  }
  func.func @transform_6(%arg0: i32) -> (i32, i32) {
    %c0_i32 = arith.constant 0 : i32
    %c0_i32_0 = arith.constant 0 : i32
    %c0_i32_1 = arith.constant 0 : i32
    return %c0_i32, %c0_i32_0 : i32, i32
  }
  func.func @transform_7(%arg0: i32) -> (i32, i32, i32) {
    %c0_i32 = arith.constant 0 : i32
    %c0_i32_0 = arith.constant 0 : i32
    %c0_i32_1 = arith.constant 0 : i32
    return %arg0, %c0_i32, %c0_i32_0 : i32, i32, i32
  }
}

module attributes {stable_mosaic.version = 14 : i64} {
  func.func @_mlp_body(%arg0: i32, %arg1: memref<8x2048x128xf32, #tpu.memory_space<vmem>>, %arg2: memref<2048x4xi32, #tpu.memory_space<vmem>>, %arg3: memref<2048x1xf32, #tpu.memory_space<vmem>>, %arg4: memref<1024x512xf32, #tpu.memory_space<vmem>>, %arg5: memref<1x512xf32, #tpu.memory_space<vmem>>, %arg6: memref<512x1xf32, #tpu.memory_space<vmem>>, %arg7: memref<1x1xf32, #tpu.memory_space<vmem>>, %arg8: memref<1x1x2048xf32, #tpu.memory_space<vmem>>) attributes {dimension_semantics = [#tpu.dimension_semantics<arbitrary>], iteration_bounds = array<i64: 4>, scalar_prefetch = 0 : i64, scratch_operands = 0 : i64, tpu.core_type = #tpu.core_type<tc>, window_params = [{transform_indices = @transform_0, window_bounds = array<i64: 8, 2048, 128>}, {transform_indices = @transform_1, window_bounds = array<i64: 2048, 4>}, {transform_indices = @transform_2, window_bounds = array<i64: 2048, 1>}, {pipeline_mode = #tpu.pipeline_mode<synchronous>, transform_indices = @transform_3, window_bounds = array<i64: 1024, 512>}, {pipeline_mode = #tpu.pipeline_mode<synchronous>, transform_indices = @transform_4, window_bounds = array<i64: 1, 512>}, {pipeline_mode = #tpu.pipeline_mode<synchronous>, transform_indices = @transform_5, window_bounds = array<i64: 512, 1>}, {pipeline_mode = #tpu.pipeline_mode<synchronous>, transform_indices = @transform_6, window_bounds = array<i64: 1, 1>}, {transform_indices = @transform_7, window_bounds = array<i64: 1, 1, 2048>}]} {
    %get3A = arith.constant 0 : index
    %get3A_0 = arith.constant 0 : index
    %get3A_1 = vector.load %arg2[%get3A, %get3A_0] : memref<2048x4xi32, #tpu.memory_space<vmem>>, vector<2048x4xi32>
    %ne3A = arith.constant 0 : i32
    %ne3A_2 = vector.broadcast %ne3A : i32 to vector<2048x4xi32>
    %ne3A_3 = arith.cmpi ne, %get3A_1, %ne3A_2 : vector<2048x4xi32>
    %convert_element_type3A = arith.extui %ne3A_3 : vector<2048x4xi1> to vector<2048x4xi32>
    %convert_element_type3A_4 = arith.sitofp %convert_element_type3A : vector<2048x4xi32> to vector<2048x4xf32>
    %get3A_5 = arith.constant 0 : index
    %get3A_6 = arith.constant 0 : index
    %get3A_7 = arith.constant 0 : index
    %get3A_8 = vector.load %arg1[%get3A_5, %get3A_6, %get3A_7] : memref<8x2048x128xf32, #tpu.memory_space<vmem>>, vector<1x2048x128xf32>
    %get3A_9 = vector.shape_cast %get3A_8 : vector<1x2048x128xf32> to vector<2048x128xf32>
    %slice3A = vector.extract_strided_slice %convert_element_type3A_4 {offsets = [0, 0], sizes = [2048, 1], strides = [1, 1]} : vector<2048x4xf32> to vector<2048x1xf32>
    %mul3A = vector.broadcast %slice3A : vector<2048x1xf32> to vector<2048x128xf32>
    %mul3A_10 = arith.mulf %get3A_9, %mul3A : vector<2048x128xf32>
    %get3A_11 = arith.constant 1 : index
    %get3A_12 = arith.constant 0 : index
    %get3A_13 = arith.constant 0 : index
    %get3A_14 = vector.load %arg1[%get3A_11, %get3A_12, %get3A_13] : memref<8x2048x128xf32, #tpu.memory_space<vmem>>, vector<1x2048x128xf32>
    %get3A_15 = vector.shape_cast %get3A_14 : vector<1x2048x128xf32> to vector<2048x128xf32>
    %slice3A_16 = vector.extract_strided_slice %convert_element_type3A_4 {offsets = [0, 0], sizes = [2048, 1], strides = [1, 1]} : vector<2048x4xf32> to vector<2048x1xf32>
    %mul3A_17 = vector.broadcast %slice3A_16 : vector<2048x1xf32> to vector<2048x128xf32>
    %mul3A_18 = arith.mulf %get3A_15, %mul3A_17 : vector<2048x128xf32>
    %get3A_19 = arith.constant 2 : index
    %get3A_20 = arith.constant 0 : index
    %get3A_21 = arith.constant 0 : index
    %get3A_22 = vector.load %arg1[%get3A_19, %get3A_20, %get3A_21] : memref<8x2048x128xf32, #tpu.memory_space<vmem>>, vector<1x2048x128xf32>
    %get3A_23 = vector.shape_cast %get3A_22 : vector<1x2048x128xf32> to vector<2048x128xf32>
    %slice3A_24 = vector.extract_strided_slice %convert_element_type3A_4 {offsets = [0, 1], sizes = [2048, 1], strides = [1, 1]} : vector<2048x4xf32> to vector<2048x1xf32>
    %mul3A_25 = vector.broadcast %slice3A_24 : vector<2048x1xf32> to vector<2048x128xf32>
    %mul3A_26 = arith.mulf %get3A_23, %mul3A_25 : vector<2048x128xf32>
    %get3A_27 = arith.constant 3 : index
    %get3A_28 = arith.constant 0 : index
    %get3A_29 = arith.constant 0 : index
    %get3A_30 = vector.load %arg1[%get3A_27, %get3A_28, %get3A_29] : memref<8x2048x128xf32, #tpu.memory_space<vmem>>, vector<1x2048x128xf32>
    %get3A_31 = vector.shape_cast %get3A_30 : vector<1x2048x128xf32> to vector<2048x128xf32>
    %slice3A_32 = vector.extract_strided_slice %convert_element_type3A_4 {offsets = [0, 1], sizes = [2048, 1], strides = [1, 1]} : vector<2048x4xf32> to vector<2048x1xf32>
    %mul3A_33 = vector.broadcast %slice3A_32 : vector<2048x1xf32> to vector<2048x128xf32>
    %mul3A_34 = arith.mulf %get3A_31, %mul3A_33 : vector<2048x128xf32>
    %get3A_35 = arith.constant 4 : index
    %get3A_36 = arith.constant 0 : index
    %get3A_37 = arith.constant 0 : index
    %get3A_38 = vector.load %arg1[%get3A_35, %get3A_36, %get3A_37] : memref<8x2048x128xf32, #tpu.memory_space<vmem>>, vector<1x2048x128xf32>
    %get3A_39 = vector.shape_cast %get3A_38 : vector<1x2048x128xf32> to vector<2048x128xf32>
    %slice3A_40 = vector.extract_strided_slice %convert_element_type3A_4 {offsets = [0, 2], sizes = [2048, 1], strides = [1, 1]} : vector<2048x4xf32> to vector<2048x1xf32>
    %mul3A_41 = vector.broadcast %slice3A_40 : vector<2048x1xf32> to vector<2048x128xf32>
    %mul3A_42 = arith.mulf %get3A_39, %mul3A_41 : vector<2048x128xf32>
    %get3A_43 = arith.constant 5 : index
    %get3A_44 = arith.constant 0 : index
    %get3A_45 = arith.constant 0 : index
    %get3A_46 = vector.load %arg1[%get3A_43, %get3A_44, %get3A_45] : memref<8x2048x128xf32, #tpu.memory_space<vmem>>, vector<1x2048x128xf32>
    %get3A_47 = vector.shape_cast %get3A_46 : vector<1x2048x128xf32> to vector<2048x128xf32>
    %slice3A_48 = vector.extract_strided_slice %convert_element_type3A_4 {offsets = [0, 2], sizes = [2048, 1], strides = [1, 1]} : vector<2048x4xf32> to vector<2048x1xf32>
    %mul3A_49 = vector.broadcast %slice3A_48 : vector<2048x1xf32> to vector<2048x128xf32>
    %mul3A_50 = arith.mulf %get3A_47, %mul3A_49 : vector<2048x128xf32>
    %get3A_51 = arith.constant 6 : index
    %get3A_52 = arith.constant 0 : index
    %get3A_53 = arith.constant 0 : index
    %get3A_54 = vector.load %arg1[%get3A_51, %get3A_52, %get3A_53] : memref<8x2048x128xf32, #tpu.memory_space<vmem>>, vector<1x2048x128xf32>
    %get3A_55 = vector.shape_cast %get3A_54 : vector<1x2048x128xf32> to vector<2048x128xf32>
    %slice3A_56 = vector.extract_strided_slice %convert_element_type3A_4 {offsets = [0, 3], sizes = [2048, 1], strides = [1, 1]} : vector<2048x4xf32> to vector<2048x1xf32>
    %mul3A_57 = vector.broadcast %slice3A_56 : vector<2048x1xf32> to vector<2048x128xf32>
    %mul3A_58 = arith.mulf %get3A_55, %mul3A_57 : vector<2048x128xf32>
    %get3A_59 = arith.constant 7 : index
    %get3A_60 = arith.constant 0 : index
    %get3A_61 = arith.constant 0 : index
    %get3A_62 = vector.load %arg1[%get3A_59, %get3A_60, %get3A_61] : memref<8x2048x128xf32, #tpu.memory_space<vmem>>, vector<1x2048x128xf32>
    %get3A_63 = vector.shape_cast %get3A_62 : vector<1x2048x128xf32> to vector<2048x128xf32>
    %slice3A_64 = vector.extract_strided_slice %convert_element_type3A_4 {offsets = [0, 3], sizes = [2048, 1], strides = [1, 1]} : vector<2048x4xf32> to vector<2048x1xf32>
    %mul3A_65 = vector.broadcast %slice3A_64 : vector<2048x1xf32> to vector<2048x128xf32>
    %mul3A_66 = arith.mulf %get3A_63, %mul3A_65 : vector<2048x128xf32>
    %concatenate3A = tpu.concatenate %mul3A_10, %mul3A_18, %mul3A_26, %mul3A_34, %mul3A_42, %mul3A_50, %mul3A_58, %mul3A_66 in 1 : vector<2048x128xf32>, vector<2048x128xf32>, vector<2048x128xf32>, vector<2048x128xf32>, vector<2048x128xf32>, vector<2048x128xf32>, vector<2048x128xf32>, vector<2048x128xf32> -> vector<2048x1024xf32>
    %get3A_67 = arith.constant 0 : index
    %get3A_68 = arith.constant 0 : index
    %get3A_69 = vector.load %arg4[%get3A_67, %get3A_68] : memref<1024x512xf32, #tpu.memory_space<vmem>>, vector<1024x512xf32>
    %dot_general3A = arith.constant dense<0.000000e+00> : vector<2048x512xf32>
    %dot_general3A_70 = tpu.matmul %concatenate3A, %get3A_69, %dot_general3A {dimension_numbers = #tpu.dot_dimension_numbers<[1], [0], [0], [1], [0, 0, 1, 1], [], []>, transpose_lhs_hint = false} : vector<2048x1024xf32>, vector<1024x512xf32>, vector<2048x512xf32> -> vector<2048x512xf32>
    %get3A_71 = arith.constant 0 : index
    %get3A_72 = arith.constant 0 : index
    %get3A_73 = vector.load %arg5[%get3A_71, %get3A_72] : memref<1x512xf32, #tpu.memory_space<vmem>>, vector<1x512xf32>
    %add3A = vector.broadcast %get3A_73 : vector<1x512xf32> to vector<2048x512xf32>
    %add3A_74 = arith.addf %dot_general3A_70, %add3A : vector<2048x512xf32>
    %max3A = arith.constant 0.000000e+00 : f32
    %max3A_75 = vector.broadcast %max3A : f32 to vector<2048x512xf32>
    %max3A_76 = arith.maximumf %add3A_74, %max3A_75 : vector<2048x512xf32>
    %convert_element_type3A_77 = arith.truncf %max3A_76 : vector<2048x512xf32> to vector<2048x512xbf16>
    %get3A_78 = arith.constant 0 : index
    %get3A_79 = arith.constant 0 : index
    %get3A_80 = vector.load %arg6[%get3A_78, %get3A_79] : memref<512x1xf32, #tpu.memory_space<vmem>>, vector<512x1xf32>
    %convert_element_type3A_81 = arith.truncf %get3A_80 : vector<512x1xf32> to vector<512x1xbf16>
    %dot_general3A_82 = arith.constant dense<0.000000e+00> : vector<2048x1xf32>
    %dot_general3A_83 = tpu.matmul %convert_element_type3A_77, %convert_element_type3A_81, %dot_general3A_82 {dimension_numbers = #tpu.dot_dimension_numbers<[1], [0], [0], [1], [0, 0, 1, 1], [], []>, transpose_lhs_hint = false} : vector<2048x512xbf16>, vector<512x1xbf16>, vector<2048x1xf32> -> vector<2048x1xf32>
    %get3A_84 = arith.constant 0 : index
    %get3A_85 = arith.constant 0 : index
    %get3A_86 = vector.load %arg7[%get3A_84, %get3A_85] : memref<1x1xf32, #tpu.memory_space<vmem>>, vector<1x1xf32>
    %add3A_87 = vector.broadcast %get3A_86 : vector<1x1xf32> to vector<2048x1xf32>
    %add3A_88 = arith.addf %dot_general3A_83, %add3A_87 : vector<2048x1xf32>
    %get3A_89 = arith.constant 0 : index
    %get3A_90 = arith.constant 0 : index
    %get3A_91 = vector.load %arg3[%get3A_89, %get3A_90] : memref<2048x1xf32, #tpu.memory_space<vmem>>, vector<2048x1xf32>
    %sub3A = arith.constant 1.000000e+00 : f32
    %sub3A_92 = vector.broadcast %sub3A : f32 to vector<2048x1xf32>
    %sub3A_93 = arith.subf %get3A_91, %sub3A_92 : vector<2048x1xf32>
    %mul3A_94 = arith.constant 1.000000e+09 : f32
    %mul3A_95 = vector.broadcast %mul3A_94 : f32 to vector<2048x1xf32>
    %mul3A_96 = arith.mulf %sub3A_93, %mul3A_95 : vector<2048x1xf32>
    %add3A_97 = arith.addf %add3A_88, %mul3A_96 : vector<2048x1xf32>
    %reshape3A = vector.shape_cast %add3A_97 : vector<2048x1xf32> to vector<1x1x2048xf32>
    %swap3A = arith.constant 0 : index
    %swap3A_98 = arith.constant 0 : index
    %swap3A_99 = arith.constant 0 : index
    %swap3A_100 = vector.load %arg8[%swap3A, %swap3A_98, %swap3A_99] : memref<1x1x2048xf32, #tpu.memory_space<vmem>>, vector<1x1x2048xf32>
    tpu.vector_store %arg8[%swap3A, %swap3A_98, %swap3A_99], %reshape3A {strides = array<i32>} : memref<1x1x2048xf32, #tpu.memory_space<vmem>>, vector<1x1x2048xf32>,
    return
  }
  func.func @transform_0(%arg0: i32) -> (i32, i32, i32) {
    %c0_i32 = arith.constant 0 : i32
    %c0_i32_0 = arith.constant 0 : i32
    %c0_i32_1 = arith.constant 0 : i32
    return %c0_i32, %arg0, %c0_i32_0 : i32, i32, i32
  }
  func.func @transform_1(%arg0: i32) -> (i32, i32) {
    %add3A = arith.constant 12 : i32
    %add3A_0 = arith.addi %add3A, %arg0 : i32
    %c0_i32 = arith.constant 0 : i32
    %c0_i32_1 = arith.constant 0 : i32
    return %add3A_0, %c0_i32 : i32, i32
  }
  func.func @transform_2(%arg0: i32) -> (i32, i32) {
    %add3A = arith.constant 12 : i32
    %add3A_0 = arith.addi %add3A, %arg0 : i32
    %c0_i32 = arith.constant 0 : i32
    %c0_i32_1 = arith.constant 0 : i32
    return %add3A_0, %c0_i32 : i32, i32
  }
  func.func @transform_3(%arg0: i32) -> (i32, i32) {
    %c0_i32 = arith.constant 0 : i32
    %c0_i32_0 = arith.constant 0 : i32
    %c0_i32_1 = arith.constant 0 : i32
    return %c0_i32, %c0_i32_0 : i32, i32
  }
  func.func @transform_4(%arg0: i32) -> (i32, i32) {
    %c0_i32 = arith.constant 0 : i32
    %c0_i32_0 = arith.constant 0 : i32
    %c0_i32_1 = arith.constant 0 : i32
    return %c0_i32, %c0_i32_0 : i32, i32
  }
  func.func @transform_5(%arg0: i32) -> (i32, i32) {
    %c0_i32 = arith.constant 0 : i32
    %c0_i32_0 = arith.constant 0 : i32
    %c0_i32_1 = arith.constant 0 : i32
    return %c0_i32, %c0_i32_0 : i32, i32
  }
  func.func @transform_6(%arg0: i32) -> (i32, i32) {
    %c0_i32 = arith.constant 0 : i32
    %c0_i32_0 = arith.constant 0 : i32
    %c0_i32_1 = arith.constant 0 : i32
    return %c0_i32, %c0_i32_0 : i32, i32
  }
  func.func @transform_7(%arg0: i32) -> (i32, i32, i32) {
    %c0_i32 = arith.constant 0 : i32
    %c0_i32_0 = arith.constant 0 : i32
    %c0_i32_1 = arith.constant 0 : i32
    return %arg0, %c0_i32, %c0_i32_0 : i32, i32, i32
  }
}

module attributes {stable_mosaic.version = 14 : i64} {
  func.func @_mlp_body(%arg0: i32, %arg1: memref<8x2048x128xf32, #tpu.memory_space<vmem>>, %arg2: memref<2048x4xi32, #tpu.memory_space<vmem>>, %arg3: memref<2048x1xf32, #tpu.memory_space<vmem>>, %arg4: memref<1024x512xf32, #tpu.memory_space<vmem>>, %arg5: memref<1x512xf32, #tpu.memory_space<vmem>>, %arg6: memref<512x1xf32, #tpu.memory_space<vmem>>, %arg7: memref<1x1xf32, #tpu.memory_space<vmem>>, %arg8: memref<1x1x2048xf32, #tpu.memory_space<vmem>>) attributes {dimension_semantics = [#tpu.dimension_semantics<arbitrary>], iteration_bounds = array<i64: 4>, scalar_prefetch = 0 : i64, scratch_operands = 0 : i64, tpu.core_type = #tpu.core_type<tc>, window_params = [{transform_indices = @transform_0, window_bounds = array<i64: 8, 2048, 128>}, {transform_indices = @transform_1, window_bounds = array<i64: 2048, 4>}, {transform_indices = @transform_2, window_bounds = array<i64: 2048, 1>}, {pipeline_mode = #tpu.pipeline_mode<synchronous>, transform_indices = @transform_3, window_bounds = array<i64: 1024, 512>}, {pipeline_mode = #tpu.pipeline_mode<synchronous>, transform_indices = @transform_4, window_bounds = array<i64: 1, 512>}, {pipeline_mode = #tpu.pipeline_mode<synchronous>, transform_indices = @transform_5, window_bounds = array<i64: 512, 1>}, {pipeline_mode = #tpu.pipeline_mode<synchronous>, transform_indices = @transform_6, window_bounds = array<i64: 1, 1>}, {transform_indices = @transform_7, window_bounds = array<i64: 1, 1, 2048>}]} {
    %get3A = arith.constant 0 : index
    %get3A_0 = arith.constant 0 : index
    %get3A_1 = vector.load %arg2[%get3A, %get3A_0] : memref<2048x4xi32, #tpu.memory_space<vmem>>, vector<2048x4xi32>
    %ne3A = arith.constant 0 : i32
    %ne3A_2 = vector.broadcast %ne3A : i32 to vector<2048x4xi32>
    %ne3A_3 = arith.cmpi ne, %get3A_1, %ne3A_2 : vector<2048x4xi32>
    %convert_element_type3A = arith.extui %ne3A_3 : vector<2048x4xi1> to vector<2048x4xi32>
    %convert_element_type3A_4 = arith.sitofp %convert_element_type3A : vector<2048x4xi32> to vector<2048x4xf32>
    %get3A_5 = arith.constant 0 : index
    %get3A_6 = arith.constant 0 : index
    %get3A_7 = arith.constant 0 : index
    %get3A_8 = vector.load %arg1[%get3A_5, %get3A_6, %get3A_7] : memref<8x2048x128xf32, #tpu.memory_space<vmem>>, vector<1x2048x128xf32>
    %get3A_9 = vector.shape_cast %get3A_8 : vector<1x2048x128xf32> to vector<2048x128xf32>
    %slice3A = vector.extract_strided_slice %convert_element_type3A_4 {offsets = [0, 0], sizes = [2048, 1], strides = [1, 1]} : vector<2048x4xf32> to vector<2048x1xf32>
    %mul3A = vector.broadcast %slice3A : vector<2048x1xf32> to vector<2048x128xf32>
    %mul3A_10 = arith.mulf %get3A_9, %mul3A : vector<2048x128xf32>
    %get3A_11 = arith.constant 1 : index
    %get3A_12 = arith.constant 0 : index
    %get3A_13 = arith.constant 0 : index
    %get3A_14 = vector.load %arg1[%get3A_11, %get3A_12, %get3A_13] : memref<8x2048x128xf32, #tpu.memory_space<vmem>>, vector<1x2048x128xf32>
    %get3A_15 = vector.shape_cast %get3A_14 : vector<1x2048x128xf32> to vector<2048x128xf32>
    %slice3A_16 = vector.extract_strided_slice %convert_element_type3A_4 {offsets = [0, 0], sizes = [2048, 1], strides = [1, 1]} : vector<2048x4xf32> to vector<2048x1xf32>
    %mul3A_17 = vector.broadcast %slice3A_16 : vector<2048x1xf32> to vector<2048x128xf32>
    %mul3A_18 = arith.mulf %get3A_15, %mul3A_17 : vector<2048x128xf32>
    %get3A_19 = arith.constant 2 : index
    %get3A_20 = arith.constant 0 : index
    %get3A_21 = arith.constant 0 : index
    %get3A_22 = vector.load %arg1[%get3A_19, %get3A_20, %get3A_21] : memref<8x2048x128xf32, #tpu.memory_space<vmem>>, vector<1x2048x128xf32>
    %get3A_23 = vector.shape_cast %get3A_22 : vector<1x2048x128xf32> to vector<2048x128xf32>
    %slice3A_24 = vector.extract_strided_slice %convert_element_type3A_4 {offsets = [0, 1], sizes = [2048, 1], strides = [1, 1]} : vector<2048x4xf32> to vector<2048x1xf32>
    %mul3A_25 = vector.broadcast %slice3A_24 : vector<2048x1xf32> to vector<2048x128xf32>
    %mul3A_26 = arith.mulf %get3A_23, %mul3A_25 : vector<2048x128xf32>
    %get3A_27 = arith.constant 3 : index
    %get3A_28 = arith.constant 0 : index
    %get3A_29 = arith.constant 0 : index
    %get3A_30 = vector.load %arg1[%get3A_27, %get3A_28, %get3A_29] : memref<8x2048x128xf32, #tpu.memory_space<vmem>>, vector<1x2048x128xf32>
    %get3A_31 = vector.shape_cast %get3A_30 : vector<1x2048x128xf32> to vector<2048x128xf32>
    %slice3A_32 = vector.extract_strided_slice %convert_element_type3A_4 {offsets = [0, 1], sizes = [2048, 1], strides = [1, 1]} : vector<2048x4xf32> to vector<2048x1xf32>
    %mul3A_33 = vector.broadcast %slice3A_32 : vector<2048x1xf32> to vector<2048x128xf32>
    %mul3A_34 = arith.mulf %get3A_31, %mul3A_33 : vector<2048x128xf32>
    %get3A_35 = arith.constant 4 : index
    %get3A_36 = arith.constant 0 : index
    %get3A_37 = arith.constant 0 : index
    %get3A_38 = vector.load %arg1[%get3A_35, %get3A_36, %get3A_37] : memref<8x2048x128xf32, #tpu.memory_space<vmem>>, vector<1x2048x128xf32>
    %get3A_39 = vector.shape_cast %get3A_38 : vector<1x2048x128xf32> to vector<2048x128xf32>
    %slice3A_40 = vector.extract_strided_slice %convert_element_type3A_4 {offsets = [0, 2], sizes = [2048, 1], strides = [1, 1]} : vector<2048x4xf32> to vector<2048x1xf32>
    %mul3A_41 = vector.broadcast %slice3A_40 : vector<2048x1xf32> to vector<2048x128xf32>
    %mul3A_42 = arith.mulf %get3A_39, %mul3A_41 : vector<2048x128xf32>
    %get3A_43 = arith.constant 5 : index
    %get3A_44 = arith.constant 0 : index
    %get3A_45 = arith.constant 0 : index
    %get3A_46 = vector.load %arg1[%get3A_43, %get3A_44, %get3A_45] : memref<8x2048x128xf32, #tpu.memory_space<vmem>>, vector<1x2048x128xf32>
    %get3A_47 = vector.shape_cast %get3A_46 : vector<1x2048x128xf32> to vector<2048x128xf32>
    %slice3A_48 = vector.extract_strided_slice %convert_element_type3A_4 {offsets = [0, 2], sizes = [2048, 1], strides = [1, 1]} : vector<2048x4xf32> to vector<2048x1xf32>
    %mul3A_49 = vector.broadcast %slice3A_48 : vector<2048x1xf32> to vector<2048x128xf32>
    %mul3A_50 = arith.mulf %get3A_47, %mul3A_49 : vector<2048x128xf32>
    %get3A_51 = arith.constant 6 : index
    %get3A_52 = arith.constant 0 : index
    %get3A_53 = arith.constant 0 : index
    %get3A_54 = vector.load %arg1[%get3A_51, %get3A_52, %get3A_53] : memref<8x2048x128xf32, #tpu.memory_space<vmem>>, vector<1x2048x128xf32>
    %get3A_55 = vector.shape_cast %get3A_54 : vector<1x2048x128xf32> to vector<2048x128xf32>
    %slice3A_56 = vector.extract_strided_slice %convert_element_type3A_4 {offsets = [0, 3], sizes = [2048, 1], strides = [1, 1]} : vector<2048x4xf32> to vector<2048x1xf32>
    %mul3A_57 = vector.broadcast %slice3A_56 : vector<2048x1xf32> to vector<2048x128xf32>
    %mul3A_58 = arith.mulf %get3A_55, %mul3A_57 : vector<2048x128xf32>
    %get3A_59 = arith.constant 7 : index
    %get3A_60 = arith.constant 0 : index
    %get3A_61 = arith.constant 0 : index
    %get3A_62 = vector.load %arg1[%get3A_59, %get3A_60, %get3A_61] : memref<8x2048x128xf32, #tpu.memory_space<vmem>>, vector<1x2048x128xf32>
    %get3A_63 = vector.shape_cast %get3A_62 : vector<1x2048x128xf32> to vector<2048x128xf32>
    %slice3A_64 = vector.extract_strided_slice %convert_element_type3A_4 {offsets = [0, 3], sizes = [2048, 1], strides = [1, 1]} : vector<2048x4xf32> to vector<2048x1xf32>
    %mul3A_65 = vector.broadcast %slice3A_64 : vector<2048x1xf32> to vector<2048x128xf32>
    %mul3A_66 = arith.mulf %get3A_63, %mul3A_65 : vector<2048x128xf32>
    %concatenate3A = tpu.concatenate %mul3A_10, %mul3A_18, %mul3A_26, %mul3A_34, %mul3A_42, %mul3A_50, %mul3A_58, %mul3A_66 in 1 : vector<2048x128xf32>, vector<2048x128xf32>, vector<2048x128xf32>, vector<2048x128xf32>, vector<2048x128xf32>, vector<2048x128xf32>, vector<2048x128xf32>, vector<2048x128xf32> -> vector<2048x1024xf32>
    %get3A_67 = arith.constant 0 : index
    %get3A_68 = arith.constant 0 : index
    %get3A_69 = vector.load %arg4[%get3A_67, %get3A_68] : memref<1024x512xf32, #tpu.memory_space<vmem>>, vector<1024x512xf32>
    %dot_general3A = arith.constant dense<0.000000e+00> : vector<2048x512xf32>
    %dot_general3A_70 = tpu.matmul %concatenate3A, %get3A_69, %dot_general3A {dimension_numbers = #tpu.dot_dimension_numbers<[1], [0], [0], [1], [0, 0, 1, 1], [], []>, transpose_lhs_hint = false} : vector<2048x1024xf32>, vector<1024x512xf32>, vector<2048x512xf32> -> vector<2048x512xf32>
    %get3A_71 = arith.constant 0 : index
    %get3A_72 = arith.constant 0 : index
    %get3A_73 = vector.load %arg5[%get3A_71, %get3A_72] : memref<1x512xf32, #tpu.memory_space<vmem>>, vector<1x512xf32>
    %add3A = vector.broadcast %get3A_73 : vector<1x512xf32> to vector<2048x512xf32>
    %add3A_74 = arith.addf %dot_general3A_70, %add3A : vector<2048x512xf32>
    %max3A = arith.constant 0.000000e+00 : f32
    %max3A_75 = vector.broadcast %max3A : f32 to vector<2048x512xf32>
    %max3A_76 = arith.maximumf %add3A_74, %max3A_75 : vector<2048x512xf32>
    %convert_element_type3A_77 = arith.truncf %max3A_76 : vector<2048x512xf32> to vector<2048x512xbf16>
    %get3A_78 = arith.constant 0 : index
    %get3A_79 = arith.constant 0 : index
    %get3A_80 = vector.load %arg6[%get3A_78, %get3A_79] : memref<512x1xf32, #tpu.memory_space<vmem>>, vector<512x1xf32>
    %convert_element_type3A_81 = arith.truncf %get3A_80 : vector<512x1xf32> to vector<512x1xbf16>
    %dot_general3A_82 = arith.constant dense<0.000000e+00> : vector<2048x1xf32>
    %dot_general3A_83 = tpu.matmul %convert_element_type3A_77, %convert_element_type3A_81, %dot_general3A_82 {dimension_numbers = #tpu.dot_dimension_numbers<[1], [0], [0], [1], [0, 0, 1, 1], [], []>, transpose_lhs_hint = false} : vector<2048x512xbf16>, vector<512x1xbf16>, vector<2048x1xf32> -> vector<2048x1xf32>
    %get3A_84 = arith.constant 0 : index
    %get3A_85 = arith.constant 0 : index
    %get3A_86 = vector.load %arg7[%get3A_84, %get3A_85] : memref<1x1xf32, #tpu.memory_space<vmem>>, vector<1x1xf32>
    %add3A_87 = vector.broadcast %get3A_86 : vector<1x1xf32> to vector<2048x1xf32>
    %add3A_88 = arith.addf %dot_general3A_83, %add3A_87 : vector<2048x1xf32>
    %get3A_89 = arith.constant 0 : index
    %get3A_90 = arith.constant 0 : index
    %get3A_91 = vector.load %arg3[%get3A_89, %get3A_90] : memref<2048x1xf32, #tpu.memory_space<vmem>>, vector<2048x1xf32>
    %sub3A = arith.constant 1.000000e+00 : f32
    %sub3A_92 = vector.broadcast %sub3A : f32 to vector<2048x1xf32>
    %sub3A_93 = arith.subf %get3A_91, %sub3A_92 : vector<2048x1xf32>
    %mul3A_94 = arith.constant 1.000000e+09 : f32
    %mul3A_95 = vector.broadcast %mul3A_94 : f32 to vector<2048x1xf32>
    %mul3A_96 = arith.mulf %sub3A_93, %mul3A_95 : vector<2048x1xf32>
    %add3A_97 = arith.addf %add3A_88, %mul3A_96 : vector<2048x1xf32>
    %reshape3A = vector.shape_cast %add3A_97 : vector<2048x1xf32> to vector<1x1x2048xf32>
    %swap3A = arith.constant 0 : index
    %swap3A_98 = arith.constant 0 : index
    %swap3A_99 = arith.constant 0 : index
    %swap3A_100 = vector.load %arg8[%swap3A, %swap3A_98, %swap3A_99] : memref<1x1x2048xf32, #tpu.memory_space<vmem>>, vector<1x1x2048xf32>
    tpu.vector_store %arg8[%swap3A, %swap3A_98, %swap3A_99], %reshape3A {strides = array<i32>} : memref<1x1x2048xf32, #tpu.memory_space<vmem>>, vector<1x1x2048xf32>,
    return
  }
  func.func @transform_0(%arg0: i32) -> (i32, i32, i32) {
    %c0_i32 = arith.constant 0 : i32
    %c0_i32_0 = arith.constant 0 : i32
    %c0_i32_1 = arith.constant 0 : i32
    return %c0_i32, %arg0, %c0_i32_0 : i32, i32, i32
  }
  func.func @transform_1(%arg0: i32) -> (i32, i32) {
    %add3A = arith.constant 0 : i32
    %add3A_0 = arith.addi %add3A, %arg0 : i32
    %c0_i32 = arith.constant 0 : i32
    %c0_i32_1 = arith.constant 0 : i32
    return %add3A_0, %c0_i32 : i32, i32
  }
  func.func @transform_2(%arg0: i32) -> (i32, i32) {
    %add3A = arith.constant 0 : i32
    %add3A_0 = arith.addi %add3A, %arg0 : i32
    %c0_i32 = arith.constant 0 : i32
    %c0_i32_1 = arith.constant 0 : i32
    return %add3A_0, %c0_i32 : i32, i32
  }
  func.func @transform_3(%arg0: i32) -> (i32, i32) {
    %c0_i32 = arith.constant 0 : i32
    %c0_i32_0 = arith.constant 0 : i32
    %c0_i32_1 = arith.constant 0 : i32
    return %c0_i32, %c0_i32_0 : i32, i32
  }
  func.func @transform_4(%arg0: i32) -> (i32, i32) {
    %c0_i32 = arith.constant 0 : i32
    %c0_i32_0 = arith.constant 0 : i32
    %c0_i32_1 = arith.constant 0 : i32
    return %c0_i32, %c0_i32_0 : i32, i32
  }
  func.func @transform_5(%arg0: i32) -> (i32, i32) {
    %c0_i32 = arith.constant 0 : i32
    %c0_i32_0 = arith.constant 0 : i32
    %c0_i32_1 = arith.constant 0 : i32
    return %c0_i32, %c0_i32_0 : i32, i32
  }
  func.func @transform_6(%arg0: i32) -> (i32, i32) {
    %c0_i32 = arith.constant 0 : i32
    %c0_i32_0 = arith.constant 0 : i32
    %c0_i32_1 = arith.constant 0 : i32
    return %c0_i32, %c0_i32_0 : i32, i32
  }
  func.func @transform_7(%arg0: i32) -> (i32, i32, i32) {
    %c0_i32 = arith.constant 0 : i32
    %c0_i32_0 = arith.constant 0 : i32
    %c0_i32_1 = arith.constant 0 : i32
    return %arg0, %c0_i32, %c0_i32_0 : i32, i32, i32
  }
}

module attributes {stable_mosaic.version = 14 : i64} {
  func.func @_topk_body(%arg0: memref<16x2048xf32, #tpu.memory_space<vmem>>, %arg1: memref<16x1024xf32, #tpu.memory_space<vmem>>, %arg2: memref<16x1024xi32, #tpu.memory_space<vmem>>) attributes {dimension_semantics = [], scalar_prefetch = 0 : i64, scratch_operands = 0 : i64, tpu.core_type = #tpu.core_type<tc>} {
    %get3A = arith.constant 0 : index
    %get3A_0 = arith.constant 0 : index
    %get3A_1 = vector.load %arg0[%get3A, %get3A_0] : memref<16x2048xf32, #tpu.memory_space<vmem>>, vector<16x2048xf32>
    %iota3A = tpu.iota {dimensions = array<i32: 1>} : vector<16x2048xi32>
    %broadcast_in_dim3A = arith.constant true
    %broadcast_in_dim3A_2 = vector.broadcast %broadcast_in_dim3A : i1 to vector<16x2048xi1>
    %and3A = arith.constant 2 : i32
    %and3A_3 = vector.broadcast %and3A : i32 to vector<16x2048xi32>
    %and3A_4 = arith.andi %iota3A, %and3A_3 : vector<16x2048xi32>
    %eq3A = arith.constant 0 : i32
    %eq3A_5 = vector.broadcast %eq3A : i32 to vector<16x2048xi32>
    %eq3A_6 = arith.cmpi eq, %and3A_4, %eq3A_5 : vector<16x2048xi32>
    %and3A_7 = arith.constant 1 : i32
    %and3A_8 = vector.broadcast %and3A_7 : i32 to vector<16x2048xi32>
    %and3A_9 = arith.andi %iota3A, %and3A_8 : vector<16x2048xi32>
    %ne3A = arith.constant 0 : i32
    %ne3A_10 = vector.broadcast %ne3A : i32 to vector<16x2048xi32>
    %ne3A_11 = arith.cmpi ne, %and3A_9, %ne3A_10 : vector<16x2048xi32>
    %roll3A = arith.constant 1 : i32
    %roll3A_12 = tpu.dynamic_rotate %get3A_1 by %roll3A dim 1 : vector<16x2048xf32>, i32 -> vector<16x2048xf32>
    %roll3A_13 = arith.constant 2047 : i32
    %roll3A_14 = tpu.dynamic_rotate %get3A_1 by %roll3A_13 dim 1 : vector<16x2048xf32>, i32 -> vector<16x2048xf32>
    %select_n3A = arith.select %ne3A_11, %roll3A_12, %roll3A_14 : vector<16x2048xi1>, vector<16x2048xf32>
    %roll3A_15 = arith.constant 1 : i32
    %roll3A_16 = tpu.dynamic_rotate %iota3A by %roll3A_15 dim 1 : vector<16x2048xi32>, i32 -> vector<16x2048xi32>
    %roll3A_17 = arith.constant 2047 : i32
    %roll3A_18 = tpu.dynamic_rotate %iota3A by %roll3A_17 dim 1 : vector<16x2048xi32>, i32 -> vector<16x2048xi32>
    %select_n3A_19 = arith.select %ne3A_11, %roll3A_16, %roll3A_18 : vector<16x2048xi1>, vector<16x2048xi32>
    %xor3A = arith.xori %eq3A_6, %ne3A_11 : vector<16x2048xi1>
    %gt3A = arith.cmpf ogt, %get3A_1, %select_n3A : vector<16x2048xf32>
    %eq3A_20 = arith.cmpf oeq, %get3A_1, %select_n3A : vector<16x2048xf32>
    %lt3A = arith.cmpi slt, %iota3A, %select_n3A_19 : vector<16x2048xi32>
    %and3A_21 = arith.andi %eq3A_20, %lt3A : vector<16x2048xi1>
    %or3A = arith.ori %gt3A, %and3A_21 : vector<16x2048xi1>
    %eq3A_22 = arith.xori %xor3A, %or3A : vector<16x2048xi1>
    %eq3A_23 = arith.constant dense<true> : vector<16x2048xi1>
    %eq3A_24 = arith.xori %eq3A_22, %eq3A_23 : vector<16x2048xi1>
    %select_n3A_25 = arith.select %eq3A_24, %get3A_1, %select_n3A : vector<16x2048xi1>, vector<16x2048xf32>
    %select_n3A_26 = arith.select %eq3A_24, %iota3A, %select_n3A_19 : vector<16x2048xi1>, vector<16x2048xi32>
    %and3A_27 = arith.constant 4 : i32
    %and3A_28 = vector.broadcast %and3A_27 : i32 to vector<16x2048xi32>
    %and3A_29 = arith.andi %iota3A, %and3A_28 : vector<16x2048xi32>
    %eq3A_30 = arith.constant 0 : i32
    %eq3A_31 = vector.broadcast %eq3A_30 : i32 to vector<16x2048xi32>
    %eq3A_32 = arith.cmpi eq, %and3A_29, %eq3A_31 : vector<16x2048xi32>
    %and3A_33 = arith.constant 2 : i32
    %and3A_34 = vector.broadcast %and3A_33 : i32 to vector<16x2048xi32>
    %and3A_35 = arith.andi %iota3A, %and3A_34 : vector<16x2048xi32>
    %ne3A_36 = arith.constant 0 : i32
    %ne3A_37 = vector.broadcast %ne3A_36 : i32 to vector<16x2048xi32>
    %ne3A_38 = arith.cmpi ne, %and3A_35, %ne3A_37 : vector<16x2048xi32>
    %roll3A_39 = arith.constant 2 : i32
    %roll3A_40 = tpu.dynamic_rotate %select_n3A_25 by %roll3A_39 dim 1 : vector<16x2048xf32>, i32 -> vector<16x2048xf32>
    %roll3A_41 = arith.constant 2046 : i32
    %roll3A_42 = tpu.dynamic_rotate %select_n3A_25 by %roll3A_41 dim 1 : vector<16x2048xf32>, i32 -> vector<16x2048xf32>
    %select_n3A_43 = arith.select %ne3A_38, %roll3A_40, %roll3A_42 : vector<16x2048xi1>, vector<16x2048xf32>
    %roll3A_44 = arith.constant 2 : i32
    %roll3A_45 = tpu.dynamic_rotate %select_n3A_26 by %roll3A_44 dim 1 : vector<16x2048xi32>, i32 -> vector<16x2048xi32>
    %roll3A_46 = arith.constant 2046 : i32
    %roll3A_47 = tpu.dynamic_rotate %select_n3A_26 by %roll3A_46 dim 1 : vector<16x2048xi32>, i32 -> vector<16x2048xi32>
    %select_n3A_48 = arith.select %ne3A_38, %roll3A_45, %roll3A_47 : vector<16x2048xi1>, vector<16x2048xi32>
    %xor3A_49 = arith.xori %eq3A_32, %ne3A_38 : vector<16x2048xi1>
    %gt3A_50 = arith.cmpf ogt, %select_n3A_25, %select_n3A_43 : vector<16x2048xf32>
    %eq3A_51 = arith.cmpf oeq, %select_n3A_25, %select_n3A_43 : vector<16x2048xf32>
    %lt3A_52 = arith.cmpi slt, %select_n3A_26, %select_n3A_48 : vector<16x2048xi32>
    %and3A_53 = arith.andi %eq3A_51, %lt3A_52 : vector<16x2048xi1>
    %or3A_54 = arith.ori %gt3A_50, %and3A_53 : vector<16x2048xi1>
    %eq3A_55 = arith.xori %xor3A_49, %or3A_54 : vector<16x2048xi1>
    %eq3A_56 = arith.constant dense<true> : vector<16x2048xi1>
    %eq3A_57 = arith.xori %eq3A_55, %eq3A_56 : vector<16x2048xi1>
    %select_n3A_58 = arith.select %eq3A_57, %select_n3A_25, %select_n3A_43 : vector<16x2048xi1>, vector<16x2048xf32>
    %select_n3A_59 = arith.select %eq3A_57, %select_n3A_26, %select_n3A_48 : vector<16x2048xi1>, vector<16x2048xi32>
    %and3A_60 = arith.constant 4 : i32
    %and3A_61 = vector.broadcast %and3A_60 : i32 to vector<16x2048xi32>
    %and3A_62 = arith.andi %iota3A, %and3A_61 : vector<16x2048xi32>
    %eq3A_63 = arith.constant 0 : i32
    %eq3A_64 = vector.broadcast %eq3A_63 : i32 to vector<16x2048xi32>
    %eq3A_65 = arith.cmpi eq, %and3A_62, %eq3A_64 : vector<16x2048xi32>
    %and3A_66 = arith.constant 1 : i32
    %and3A_67 = vector.broadcast %and3A_66 : i32 to vector<16x2048xi32>
    %and3A_68 = arith.andi %iota3A, %and3A_67 : vector<16x2048xi32>
    %ne3A_69 = arith.constant 0 : i32
    %ne3A_70 = vector.broadcast %ne3A_69 : i32 to vector<16x2048xi32>
    %ne3A_71 = arith.cmpi ne, %and3A_68, %ne3A_70 : vector<16x2048xi32>
    %roll3A_72 = arith.constant 1 : i32
    %roll3A_73 = tpu.dynamic_rotate %select_n3A_58 by %roll3A_72 dim 1 : vector<16x2048xf32>, i32 -> vector<16x2048xf32>
    %roll3A_74 = arith.constant 2047 : i32
    %roll3A_75 = tpu.dynamic_rotate %select_n3A_58 by %roll3A_74 dim 1 : vector<16x2048xf32>, i32 -> vector<16x2048xf32>
    %select_n3A_76 = arith.select %ne3A_71, %roll3A_73, %roll3A_75 : vector<16x2048xi1>, vector<16x2048xf32>
    %roll3A_77 = arith.constant 1 : i32
    %roll3A_78 = tpu.dynamic_rotate %select_n3A_59 by %roll3A_77 dim 1 : vector<16x2048xi32>, i32 -> vector<16x2048xi32>
    %roll3A_79 = arith.constant 2047 : i32
    %roll3A_80 = tpu.dynamic_rotate %select_n3A_59 by %roll3A_79 dim 1 : vector<16x2048xi32>, i32 -> vector<16x2048xi32>
    %select_n3A_81 = arith.select %ne3A_71, %roll3A_78, %roll3A_80 : vector<16x2048xi1>, vector<16x2048xi32>
    %xor3A_82 = arith.xori %eq3A_65, %ne3A_71 : vector<16x2048xi1>
    %gt3A_83 = arith.cmpf ogt, %select_n3A_58, %select_n3A_76 : vector<16x2048xf32>
    %eq3A_84 = arith.cmpf oeq, %select_n3A_58, %select_n3A_76 : vector<16x2048xf32>
    %lt3A_85 = arith.cmpi slt, %select_n3A_59, %select_n3A_81 : vector<16x2048xi32>
    %and3A_86 = arith.andi %eq3A_84, %lt3A_85 : vector<16x2048xi1>
    %or3A_87 = arith.ori %gt3A_83, %and3A_86 : vector<16x2048xi1>
    %eq3A_88 = arith.xori %xor3A_82, %or3A_87 : vector<16x2048xi1>
    %eq3A_89 = arith.constant dense<true> : vector<16x2048xi1>
    %eq3A_90 = arith.xori %eq3A_88, %eq3A_89 : vector<16x2048xi1>
    %select_n3A_91 = arith.select %eq3A_90, %select_n3A_58, %select_n3A_76 : vector<16x2048xi1>, vector<16x2048xf32>
    %select_n3A_92 = arith.select %eq3A_90, %select_n3A_59, %select_n3A_81 : vector<16x2048xi1>, vector<16x2048xi32>
    %and3A_93 = arith.constant 8 : i32
    %and3A_94 = vector.broadcast %and3A_93 : i32 to vector<16x2048xi32>
    %and3A_95 = arith.andi %iota3A, %and3A_94 : vector<16x2048xi32>
    %eq3A_96 = arith.constant 0 : i32
    %eq3A_97 = vector.broadcast %eq3A_96 : i32 to vector<16x2048xi32>
    %eq3A_98 = arith.cmpi eq, %and3A_95, %eq3A_97 : vector<16x2048xi32>
    %and3A_99 = arith.constant 4 : i32
    %and3A_100 = vector.broadcast %and3A_99 : i32 to vector<16x2048xi32>
    %and3A_101 = arith.andi %iota3A, %and3A_100 : vector<16x2048xi32>
    %ne3A_102 = arith.constant 0 : i32
    %ne3A_103 = vector.broadcast %ne3A_102 : i32 to vector<16x2048xi32>
    %ne3A_104 = arith.cmpi ne, %and3A_101, %ne3A_103 : vector<16x2048xi32>
    %roll3A_105 = arith.constant 4 : i32
    %roll3A_106 = tpu.dynamic_rotate %select_n3A_91 by %roll3A_105 dim 1 : vector<16x2048xf32>, i32 -> vector<16x2048xf32>
    %roll3A_107 = arith.constant 2044 : i32
    %roll3A_108 = tpu.dynamic_rotate %select_n3A_91 by %roll3A_107 dim 1 : vector<16x2048xf32>, i32 -> vector<16x2048xf32>
    %select_n3A_109 = arith.select %ne3A_104, %roll3A_106, %roll3A_108 : vector<16x2048xi1>, vector<16x2048xf32>
    %roll3A_110 = arith.constant 4 : i32
    %roll3A_111 = tpu.dynamic_rotate %select_n3A_92 by %roll3A_110 dim 1 : vector<16x2048xi32>, i32 -> vector<16x2048xi32>
    %roll3A_112 = arith.constant 2044 : i32
    %roll3A_113 = tpu.dynamic_rotate %select_n3A_92 by %roll3A_112 dim 1 : vector<16x2048xi32>, i32 -> vector<16x2048xi32>
    %select_n3A_114 = arith.select %ne3A_104, %roll3A_111, %roll3A_113 : vector<16x2048xi1>, vector<16x2048xi32>
    %xor3A_115 = arith.xori %eq3A_98, %ne3A_104 : vector<16x2048xi1>
    %gt3A_116 = arith.cmpf ogt, %select_n3A_91, %select_n3A_109 : vector<16x2048xf32>
    %eq3A_117 = arith.cmpf oeq, %select_n3A_91, %select_n3A_109 : vector<16x2048xf32>
    %lt3A_118 = arith.cmpi slt, %select_n3A_92, %select_n3A_114 : vector<16x2048xi32>
    %and3A_119 = arith.andi %eq3A_117, %lt3A_118 : vector<16x2048xi1>
    %or3A_120 = arith.ori %gt3A_116, %and3A_119 : vector<16x2048xi1>
    %eq3A_121 = arith.xori %xor3A_115, %or3A_120 : vector<16x2048xi1>
    %eq3A_122 = arith.constant dense<true> : vector<16x2048xi1>
    %eq3A_123 = arith.xori %eq3A_121, %eq3A_122 : vector<16x2048xi1>
    %select_n3A_124 = arith.select %eq3A_123, %select_n3A_91, %select_n3A_109 : vector<16x2048xi1>, vector<16x2048xf32>
    %select_n3A_125 = arith.select %eq3A_123, %select_n3A_92, %select_n3A_114 : vector<16x2048xi1>, vector<16x2048xi32>
    %and3A_126 = arith.constant 8 : i32
    %and3A_127 = vector.broadcast %and3A_126 : i32 to vector<16x2048xi32>
    %and3A_128 = arith.andi %iota3A, %and3A_127 : vector<16x2048xi32>
    %eq3A_129 = arith.constant 0 : i32
    %eq3A_130 = vector.broadcast %eq3A_129 : i32 to vector<16x2048xi32>
    %eq3A_131 = arith.cmpi eq, %and3A_128, %eq3A_130 : vector<16x2048xi32>
    %and3A_132 = arith.constant 2 : i32
    %and3A_133 = vector.broadcast %and3A_132 : i32 to vector<16x2048xi32>
    %and3A_134 = arith.andi %iota3A, %and3A_133 : vector<16x2048xi32>
    %ne3A_135 = arith.constant 0 : i32
    %ne3A_136 = vector.broadcast %ne3A_135 : i32 to vector<16x2048xi32>
    %ne3A_137 = arith.cmpi ne, %and3A_134, %ne3A_136 : vector<16x2048xi32>
    %roll3A_138 = arith.constant 2 : i32
    %roll3A_139 = tpu.dynamic_rotate %select_n3A_124 by %roll3A_138 dim 1 : vector<16x2048xf32>, i32 -> vector<16x2048xf32>
    %roll3A_140 = arith.constant 2046 : i32
    %roll3A_141 = tpu.dynamic_rotate %select_n3A_124 by %roll3A_140 dim 1 : vector<16x2048xf32>, i32 -> vector<16x2048xf32>
    %select_n3A_142 = arith.select %ne3A_137, %roll3A_139, %roll3A_141 : vector<16x2048xi1>, vector<16x2048xf32>
    %roll3A_143 = arith.constant 2 : i32
    %roll3A_144 = tpu.dynamic_rotate %select_n3A_125 by %roll3A_143 dim 1 : vector<16x2048xi32>, i32 -> vector<16x2048xi32>
    %roll3A_145 = arith.constant 2046 : i32
    %roll3A_146 = tpu.dynamic_rotate %select_n3A_125 by %roll3A_145 dim 1 : vector<16x2048xi32>, i32 -> vector<16x2048xi32>
    %select_n3A_147 = arith.select %ne3A_137, %roll3A_144, %roll3A_146 : vector<16x2048xi1>, vector<16x2048xi32>
    %xor3A_148 = arith.xori %eq3A_131, %ne3A_137 : vector<16x2048xi1>
    %gt3A_149 = arith.cmpf ogt, %select_n3A_124, %select_n3A_142 : vector<16x2048xf32>
    %eq3A_150 = arith.cmpf oeq, %select_n3A_124, %select_n3A_142 : vector<16x2048xf32>
    %lt3A_151 = arith.cmpi slt, %select_n3A_125, %select_n3A_147 : vector<16x2048xi32>
    %and3A_152 = arith.andi %eq3A_150, %lt3A_151 : vector<16x2048xi1>
    %or3A_153 = arith.ori %gt3A_149, %and3A_152 : vector<16x2048xi1>
    %eq3A_154 = arith.xori %xor3A_148, %or3A_153 : vector<16x2048xi1>
    %eq3A_155 = arith.constant dense<true> : vector<16x2048xi1>
    %eq3A_156 = arith.xori %eq3A_154, %eq3A_155 : vector<16x2048xi1>
    %select_n3A_157 = arith.select %eq3A_156, %select_n3A_124, %select_n3A_142 : vector<16x2048xi1>, vector<16x2048xf32>
    %select_n3A_158 = arith.select %eq3A_156, %select_n3A_125, %select_n3A_147 : vector<16x2048xi1>, vector<16x2048xi32>
    %and3A_159 = arith.constant 8 : i32
    %and3A_160 = vector.broadcast %and3A_159 : i32 to vector<16x2048xi32>
    %and3A_161 = arith.andi %iota3A, %and3A_160 : vector<16x2048xi32>
    %eq3A_162 = arith.constant 0 : i32
    %eq3A_163 = vector.broadcast %eq3A_162 : i32 to vector<16x2048xi32>
    %eq3A_164 = arith.cmpi eq, %and3A_161, %eq3A_163 : vector<16x2048xi32>
    %and3A_165 = arith.constant 1 : i32
    %and3A_166 = vector.broadcast %and3A_165 : i32 to vector<16x2048xi32>
    %and3A_167 = arith.andi %iota3A, %and3A_166 : vector<16x2048xi32>
    %ne3A_168 = arith.constant 0 : i32
    %ne3A_169 = vector.broadcast %ne3A_168 : i32 to vector<16x2048xi32>
    %ne3A_170 = arith.cmpi ne, %and3A_167, %ne3A_169 : vector<16x2048xi32>
    %roll3A_171 = arith.constant 1 : i32
    %roll3A_172 = tpu.dynamic_rotate %select_n3A_157 by %roll3A_171 dim 1 : vector<16x2048xf32>, i32 -> vector<16x2048xf32>
    %roll3A_173 = arith.constant 2047 : i32
    %roll3A_174 = tpu.dynamic_rotate %select_n3A_157 by %roll3A_173 dim 1 : vector<16x2048xf32>, i32 -> vector<16x2048xf32>
    %select_n3A_175 = arith.select %ne3A_170, %roll3A_172, %roll3A_174 : vector<16x2048xi1>, vector<16x2048xf32>
    %roll3A_176 = arith.constant 1 : i32
    %roll3A_177 = tpu.dynamic_rotate %select_n3A_158 by %roll3A_176 dim 1 : vector<16x2048xi32>, i32 -> vector<16x2048xi32>
    %roll3A_178 = arith.constant 2047 : i32
    %roll3A_179 = tpu.dynamic_rotate %select_n3A_158 by %roll3A_178 dim 1 : vector<16x2048xi32>, i32 -> vector<16x2048xi32>
    %select_n3A_180 = arith.select %ne3A_170, %roll3A_177, %roll3A_179 : vector<16x2048xi1>, vector<16x2048xi32>
    %xor3A_181 = arith.xori %eq3A_164, %ne3A_170 : vector<16x2048xi1>
    %gt3A_182 = arith.cmpf ogt, %select_n3A_157, %select_n3A_175 : vector<16x2048xf32>
    %eq3A_183 = arith.cmpf oeq, %select_n3A_157, %select_n3A_175 : vector<16x2048xf32>
    %lt3A_184 = arith.cmpi slt, %select_n3A_158, %select_n3A_180 : vector<16x2048xi32>
    %and3A_185 = arith.andi %eq3A_183, %lt3A_184 : vector<16x2048xi1>
    %or3A_186 = arith.ori %gt3A_182, %and3A_185 : vector<16x2048xi1>
    %eq3A_187 = arith.xori %xor3A_181, %or3A_186 : vector<16x2048xi1>
    %eq3A_188 = arith.constant dense<true> : vector<16x2048xi1>
    %eq3A_189 = arith.xori %eq3A_187, %eq3A_188 : vector<16x2048xi1>
    %select_n3A_190 = arith.select %eq3A_189, %select_n3A_157, %select_n3A_175 : vector<16x2048xi1>, vector<16x2048xf32>
    %select_n3A_191 = arith.select %eq3A_189, %select_n3A_158, %select_n3A_180 : vector<16x2048xi1>, vector<16x2048xi32>
    %and3A_192 = arith.constant 16 : i32
    %and3A_193 = vector.broadcast %and3A_192 : i32 to vector<16x2048xi32>
    %and3A_194 = arith.andi %iota3A, %and3A_193 : vector<16x2048xi32>
    %eq3A_195 = arith.constant 0 : i32
    %eq3A_196 = vector.broadcast %eq3A_195 : i32 to vector<16x2048xi32>
    %eq3A_197 = arith.cmpi eq, %and3A_194, %eq3A_196 : vector<16x2048xi32>
    %and3A_198 = arith.constant 8 : i32
    %and3A_199 = vector.broadcast %and3A_198 : i32 to vector<16x2048xi32>
    %and3A_200 = arith.andi %iota3A, %and3A_199 : vector<16x2048xi32>
    %ne3A_201 = arith.constant 0 : i32
    %ne3A_202 = vector.broadcast %ne3A_201 : i32 to vector<16x2048xi32>
    %ne3A_203 = arith.cmpi ne, %and3A_200, %ne3A_202 : vector<16x2048xi32>
    %roll3A_204 = arith.constant 8 : i32
    %roll3A_205 = tpu.dynamic_rotate %select_n3A_190 by %roll3A_204 dim 1 : vector<16x2048xf32>, i32 -> vector<16x2048xf32>
    %roll3A_206 = arith.constant 2040 : i32
    %roll3A_207 = tpu.dynamic_rotate %select_n3A_190 by %roll3A_206 dim 1 : vector<16x2048xf32>, i32 -> vector<16x2048xf32>
    %select_n3A_208 = arith.select %ne3A_203, %roll3A_205, %roll3A_207 : vector<16x2048xi1>, vector<16x2048xf32>
    %roll3A_209 = arith.constant 8 : i32
    %roll3A_210 = tpu.dynamic_rotate %select_n3A_191 by %roll3A_209 dim 1 : vector<16x2048xi32>, i32 -> vector<16x2048xi32>
    %roll3A_211 = arith.constant 2040 : i32
    %roll3A_212 = tpu.dynamic_rotate %select_n3A_191 by %roll3A_211 dim 1 : vector<16x2048xi32>, i32 -> vector<16x2048xi32>
    %select_n3A_213 = arith.select %ne3A_203, %roll3A_210, %roll3A_212 : vector<16x2048xi1>, vector<16x2048xi32>
    %xor3A_214 = arith.xori %eq3A_197, %ne3A_203 : vector<16x2048xi1>
    %gt3A_215 = arith.cmpf ogt, %select_n3A_190, %select_n3A_208 : vector<16x2048xf32>
    %eq3A_216 = arith.cmpf oeq, %select_n3A_190, %select_n3A_208 : vector<16x2048xf32>
    %lt3A_217 = arith.cmpi slt, %select_n3A_191, %select_n3A_213 : vector<16x2048xi32>
    %and3A_218 = arith.andi %eq3A_216, %lt3A_217 : vector<16x2048xi1>
    %or3A_219 = arith.ori %gt3A_215, %and3A_218 : vector<16x2048xi1>
    %eq3A_220 = arith.xori %xor3A_214, %or3A_219 : vector<16x2048xi1>
    %eq3A_221 = arith.constant dense<true> : vector<16x2048xi1>
    %eq3A_222 = arith.xori %eq3A_220, %eq3A_221 : vector<16x2048xi1>
    %select_n3A_223 = arith.select %eq3A_222, %select_n3A_190, %select_n3A_208 : vector<16x2048xi1>, vector<16x2048xf32>
    %select_n3A_224 = arith.select %eq3A_222, %select_n3A_191, %select_n3A_213 : vector<16x2048xi1>, vector<16x2048xi32>
    %and3A_225 = arith.constant 16 : i32
    %and3A_226 = vector.broadcast %and3A_225 : i32 to vector<16x2048xi32>
    %and3A_227 = arith.andi %iota3A, %and3A_226 : vector<16x2048xi32>
    %eq3A_228 = arith.constant 0 : i32
    %eq3A_229 = vector.broadcast %eq3A_228 : i32 to vector<16x2048xi32>
    %eq3A_230 = arith.cmpi eq, %and3A_227, %eq3A_229 : vector<16x2048xi32>
    %and3A_231 = arith.constant 4 : i32
    %and3A_232 = vector.broadcast %and3A_231 : i32 to vector<16x2048xi32>
    %and3A_233 = arith.andi %iota3A, %and3A_232 : vector<16x2048xi32>
    %ne3A_234 = arith.constant 0 : i32
    %ne3A_235 = vector.broadcast %ne3A_234 : i32 to vector<16x2048xi32>
    %ne3A_236 = arith.cmpi ne, %and3A_233, %ne3A_235 : vector<16x2048xi32>
    %roll3A_237 = arith.constant 4 : i32
    %roll3A_238 = tpu.dynamic_rotate %select_n3A_223 by %roll3A_237 dim 1 : vector<16x2048xf32>, i32 -> vector<16x2048xf32>
    %roll3A_239 = arith.constant 2044 : i32
    %roll3A_240 = tpu.dynamic_rotate %select_n3A_223 by %roll3A_239 dim 1 : vector<16x2048xf32>, i32 -> vector<16x2048xf32>
    %select_n3A_241 = arith.select %ne3A_236, %roll3A_238, %roll3A_240 : vector<16x2048xi1>, vector<16x2048xf32>
    %roll3A_242 = arith.constant 4 : i32
    %roll3A_243 = tpu.dynamic_rotate %select_n3A_224 by %roll3A_242 dim 1 : vector<16x2048xi32>, i32 -> vector<16x2048xi32>
    %roll3A_244 = arith.constant 2044 : i32
    %roll3A_245 = tpu.dynamic_rotate %select_n3A_224 by %roll3A_244 dim 1 : vector<16x2048xi32>, i32 -> vector<16x2048xi32>
    %select_n3A_246 = arith.select %ne3A_236, %roll3A_243, %roll3A_245 : vector<16x2048xi1>, vector<16x2048xi32>
    %xor3A_247 = arith.xori %eq3A_230, %ne3A_236 : vector<16x2048xi1>
    %gt3A_248 = arith.cmpf ogt, %select_n3A_223, %select_n3A_241 : vector<16x2048xf32>
    %eq3A_249 = arith.cmpf oeq, %select_n3A_223, %select_n3A_241 : vector<16x2048xf32>
    %lt3A_250 = arith.cmpi slt, %select_n3A_224, %select_n3A_246 : vector<16x2048xi32>
    %and3A_251 = arith.andi %eq3A_249, %lt3A_250 : vector<16x2048xi1>
    %or3A_252 = arith.ori %gt3A_248, %and3A_251 : vector<16x2048xi1>
    %eq3A_253 = arith.xori %xor3A_247, %or3A_252 : vector<16x2048xi1>
    %eq3A_254 = arith.constant dense<true> : vector<16x2048xi1>
    %eq3A_255 = arith.xori %eq3A_253, %eq3A_254 : vector<16x2048xi1>
    %select_n3A_256 = arith.select %eq3A_255, %select_n3A_223, %select_n3A_241 : vector<16x2048xi1>, vector<16x2048xf32>
    %select_n3A_257 = arith.select %eq3A_255, %select_n3A_224, %select_n3A_246 : vector<16x2048xi1>, vector<16x2048xi32>
    %and3A_258 = arith.constant 16 : i32
    %and3A_259 = vector.broadcast %and3A_258 : i32 to vector<16x2048xi32>
    %and3A_260 = arith.andi %iota3A, %and3A_259 : vector<16x2048xi32>
    %eq3A_261 = arith.constant 0 : i32
    %eq3A_262 = vector.broadcast %eq3A_261 : i32 to vector<16x2048xi32>
    %eq3A_263 = arith.cmpi eq, %and3A_260, %eq3A_262 : vector<16x2048xi32>
    %and3A_264 = arith.constant 2 : i32
    %and3A_265 = vector.broadcast %and3A_264 : i32 to vector<16x2048xi32>
    %and3A_266 = arith.andi %iota3A, %and3A_265 : vector<16x2048xi32>
    %ne3A_267 = arith.constant 0 : i32
    %ne3A_268 = vector.broadcast %ne3A_267 : i32 to vector<16x2048xi32>
    %ne3A_269 = arith.cmpi ne, %and3A_266, %ne3A_268 : vector<16x2048xi32>
    %roll3A_270 = arith.constant 2 : i32
    %roll3A_271 = tpu.dynamic_rotate %select_n3A_256 by %roll3A_270 dim 1 : vector<16x2048xf32>, i32 -> vector<16x2048xf32>
    %roll3A_272 = arith.constant 2046 : i32
    %roll3A_273 = tpu.dynamic_rotate %select_n3A_256 by %roll3A_272 dim 1 : vector<16x2048xf32>, i32 -> vector<16x2048xf32>
    %select_n3A_274 = arith.select %ne3A_269, %roll3A_271, %roll3A_273 : vector<16x2048xi1>, vector<16x2048xf32>
    %roll3A_275 = arith.constant 2 : i32
    %roll3A_276 = tpu.dynamic_rotate %select_n3A_257 by %roll3A_275 dim 1 : vector<16x2048xi32>, i32 -> vector<16x2048xi32>
    %roll3A_277 = arith.constant 2046 : i32
    %roll3A_278 = tpu.dynamic_rotate %select_n3A_257 by %roll3A_277 dim 1 : vector<16x2048xi32>, i32 -> vector<16x2048xi32>
    %select_n3A_279 = arith.select %ne3A_269, %roll3A_276, %roll3A_278 : vector<16x2048xi1>, vector<16x2048xi32>
    %xor3A_280 = arith.xori %eq3A_263, %ne3A_269 : vector<16x2048xi1>
    %gt3A_281 = arith.cmpf ogt, %select_n3A_256, %select_n3A_274 : vector<16x2048xf32>
    %eq3A_282 = arith.cmpf oeq, %select_n3A_256, %select_n3A_274 : vector<16x2048xf32>
    %lt3A_283 = arith.cmpi slt, %select_n3A_257, %select_n3A_279 : vector<16x2048xi32>
    %and3A_284 = arith.andi %eq3A_282, %lt3A_283 : vector<16x2048xi1>
    %or3A_285 = arith.ori %gt3A_281, %and3A_284 : vector<16x2048xi1>
    %eq3A_286 = arith.xori %xor3A_280, %or3A_285 : vector<16x2048xi1>
    %eq3A_287 = arith.constant dense<true> : vector<16x2048xi1>
    %eq3A_288 = arith.xori %eq3A_286, %eq3A_287 : vector<16x2048xi1>
    %select_n3A_289 = arith.select %eq3A_288, %select_n3A_256, %select_n3A_274 : vector<16x2048xi1>, vector<16x2048xf32>
    %select_n3A_290 = arith.select %eq3A_288, %select_n3A_257, %select_n3A_279 : vector<16x2048xi1>, vector<16x2048xi32>
    %and3A_291 = arith.constant 16 : i32
    %and3A_292 = vector.broadcast %and3A_291 : i32 to vector<16x2048xi32>
    %and3A_293 = arith.andi %iota3A, %and3A_292 : vector<16x2048xi32>
    %eq3A_294 = arith.constant 0 : i32
    %eq3A_295 = vector.broadcast %eq3A_294 : i32 to vector<16x2048xi32>
    %eq3A_296 = arith.cmpi eq, %and3A_293, %eq3A_295 : vector<16x2048xi32>
    %and3A_297 = arith.constant 1 : i32
    %and3A_298 = vector.broadcast %and3A_297 : i32 to vector<16x2048xi32>
    %and3A_299 = arith.andi %iota3A, %and3A_298 : vector<16x2048xi32>
    %ne3A_300 = arith.constant 0 : i32
    %ne3A_301 = vector.broadcast %ne3A_300 : i32 to vector<16x2048xi32>
    %ne3A_302 = arith.cmpi ne, %and3A_299, %ne3A_301 : vector<16x2048xi32>
    %roll3A_303 = arith.constant 1 : i32
    %roll3A_304 = tpu.dynamic_rotate %select_n3A_289 by %roll3A_303 dim 1 : vector<16x2048xf32>, i32 -> vector<16x2048xf32>
    %roll3A_305 = arith.constant 2047 : i32
    %roll3A_306 = tpu.dynamic_rotate %select_n3A_289 by %roll3A_305 dim 1 : vector<16x2048xf32>, i32 -> vector<16x2048xf32>
    %select_n3A_307 = arith.select %ne3A_302, %roll3A_304, %roll3A_306 : vector<16x2048xi1>, vector<16x2048xf32>
    %roll3A_308 = arith.constant 1 : i32
    %roll3A_309 = tpu.dynamic_rotate %select_n3A_290 by %roll3A_308 dim 1 : vector<16x2048xi32>, i32 -> vector<16x2048xi32>
    %roll3A_310 = arith.constant 2047 : i32
    %roll3A_311 = tpu.dynamic_rotate %select_n3A_290 by %roll3A_310 dim 1 : vector<16x2048xi32>, i32 -> vector<16x2048xi32>
    %select_n3A_312 = arith.select %ne3A_302, %roll3A_309, %roll3A_311 : vector<16x2048xi1>, vector<16x2048xi32>
    %xor3A_313 = arith.xori %eq3A_296, %ne3A_302 : vector<16x2048xi1>
    %gt3A_314 = arith.cmpf ogt, %select_n3A_289, %select_n3A_307 : vector<16x2048xf32>
    %eq3A_315 = arith.cmpf oeq, %select_n3A_289, %select_n3A_307 : vector<16x2048xf32>
    %lt3A_316 = arith.cmpi slt, %select_n3A_290, %select_n3A_312 : vector<16x2048xi32>
    %and3A_317 = arith.andi %eq3A_315, %lt3A_316 : vector<16x2048xi1>
    %or3A_318 = arith.ori %gt3A_314, %and3A_317 : vector<16x2048xi1>
    %eq3A_319 = arith.xori %xor3A_313, %or3A_318 : vector<16x2048xi1>
    %eq3A_320 = arith.constant dense<true> : vector<16x2048xi1>
    %eq3A_321 = arith.xori %eq3A_319, %eq3A_320 : vector<16x2048xi1>
    %select_n3A_322 = arith.select %eq3A_321, %select_n3A_289, %select_n3A_307 : vector<16x2048xi1>, vector<16x2048xf32>
    %select_n3A_323 = arith.select %eq3A_321, %select_n3A_290, %select_n3A_312 : vector<16x2048xi1>, vector<16x2048xi32>
    %and3A_324 = arith.constant 32 : i32
    %and3A_325 = vector.broadcast %and3A_324 : i32 to vector<16x2048xi32>
    %and3A_326 = arith.andi %iota3A, %and3A_325 : vector<16x2048xi32>
    %eq3A_327 = arith.constant 0 : i32
    %eq3A_328 = vector.broadcast %eq3A_327 : i32 to vector<16x2048xi32>
    %eq3A_329 = arith.cmpi eq, %and3A_326, %eq3A_328 : vector<16x2048xi32>
    %and3A_330 = arith.constant 16 : i32
    %and3A_331 = vector.broadcast %and3A_330 : i32 to vector<16x2048xi32>
    %and3A_332 = arith.andi %iota3A, %and3A_331 : vector<16x2048xi32>
    %ne3A_333 = arith.constant 0 : i32
    %ne3A_334 = vector.broadcast %ne3A_333 : i32 to vector<16x2048xi32>
    %ne3A_335 = arith.cmpi ne, %and3A_332, %ne3A_334 : vector<16x2048xi32>
    %roll3A_336 = arith.constant 16 : i32
    %roll3A_337 = tpu.dynamic_rotate %select_n3A_322 by %roll3A_336 dim 1 : vector<16x2048xf32>, i32 -> vector<16x2048xf32>
    %roll3A_338 = arith.constant 2032 : i32
    %roll3A_339 = tpu.dynamic_rotate %select_n3A_322 by %roll3A_338 dim 1 : vector<16x2048xf32>, i32 -> vector<16x2048xf32>
    %select_n3A_340 = arith.select %ne3A_335, %roll3A_337, %roll3A_339 : vector<16x2048xi1>, vector<16x2048xf32>
    %roll3A_341 = arith.constant 16 : i32
    %roll3A_342 = tpu.dynamic_rotate %select_n3A_323 by %roll3A_341 dim 1 : vector<16x2048xi32>, i32 -> vector<16x2048xi32>
    %roll3A_343 = arith.constant 2032 : i32
    %roll3A_344 = tpu.dynamic_rotate %select_n3A_323 by %roll3A_343 dim 1 : vector<16x2048xi32>, i32 -> vector<16x2048xi32>
    %select_n3A_345 = arith.select %ne3A_335, %roll3A_342, %roll3A_344 : vector<16x2048xi1>, vector<16x2048xi32>
    %xor3A_346 = arith.xori %eq3A_329, %ne3A_335 : vector<16x2048xi1>
    %gt3A_347 = arith.cmpf ogt, %select_n3A_322, %select_n3A_340 : vector<16x2048xf32>
    %eq3A_348 = arith.cmpf oeq, %select_n3A_322, %select_n3A_340 : vector<16x2048xf32>
    %lt3A_349 = arith.cmpi slt, %select_n3A_323, %select_n3A_345 : vector<16x2048xi32>
    %and3A_350 = arith.andi %eq3A_348, %lt3A_349 : vector<16x2048xi1>
    %or3A_351 = arith.ori %gt3A_347, %and3A_350 : vector<16x2048xi1>
    %eq3A_352 = arith.xori %xor3A_346, %or3A_351 : vector<16x2048xi1>
    %eq3A_353 = arith.constant dense<true> : vector<16x2048xi1>
    %eq3A_354 = arith.xori %eq3A_352, %eq3A_353 : vector<16x2048xi1>
    %select_n3A_355 = arith.select %eq3A_354, %select_n3A_322, %select_n3A_340 : vector<16x2048xi1>, vector<16x2048xf32>
    %select_n3A_356 = arith.select %eq3A_354, %select_n3A_323, %select_n3A_345 : vector<16x2048xi1>, vector<16x2048xi32>
    %and3A_357 = arith.constant 32 : i32
    %and3A_358 = vector.broadcast %and3A_357 : i32 to vector<16x2048xi32>
    %and3A_359 = arith.andi %iota3A, %and3A_358 : vector<16x2048xi32>
    %eq3A_360 = arith.constant 0 : i32
    %eq3A_361 = vector.broadcast %eq3A_360 : i32 to vector<16x2048xi32>
    %eq3A_362 = arith.cmpi eq, %and3A_359, %eq3A_361 : vector<16x2048xi32>
    %and3A_363 = arith.constant 8 : i32
    %and3A_364 = vector.broadcast %and3A_363 : i32 to vector<16x2048xi32>
    %and3A_365 = arith.andi %iota3A, %and3A_364 : vector<16x2048xi32>
    %ne3A_366 = arith.constant 0 : i32
    %ne3A_367 = vector.broadcast %ne3A_366 : i32 to vector<16x2048xi32>
    %ne3A_368 = arith.cmpi ne, %and3A_365, %ne3A_367 : vector<16x2048xi32>
    %roll3A_369 = arith.constant 8 : i32
    %roll3A_370 = tpu.dynamic_rotate %select_n3A_355 by %roll3A_369 dim 1 : vector<16x2048xf32>, i32 -> vector<16x2048xf32>
    %roll3A_371 = arith.constant 2040 : i32
    %roll3A_372 = tpu.dynamic_rotate %select_n3A_355 by %roll3A_371 dim 1 : vector<16x2048xf32>, i32 -> vector<16x2048xf32>
    %select_n3A_373 = arith.select %ne3A_368, %roll3A_370, %roll3A_372 : vector<16x2048xi1>, vector<16x2048xf32>
    %roll3A_374 = arith.constant 8 : i32
    %roll3A_375 = tpu.dynamic_rotate %select_n3A_356 by %roll3A_374 dim 1 : vector<16x2048xi32>, i32 -> vector<16x2048xi32>
    %roll3A_376 = arith.constant 2040 : i32
    %roll3A_377 = tpu.dynamic_rotate %select_n3A_356 by %roll3A_376 dim 1 : vector<16x2048xi32>, i32 -> vector<16x2048xi32>
    %select_n3A_378 = arith.select %ne3A_368, %roll3A_375, %roll3A_377 : vector<16x2048xi1>, vector<16x2048xi32>
    %xor3A_379 = arith.xori %eq3A_362, %ne3A_368 : vector<16x2048xi1>
    %gt3A_380 = arith.cmpf ogt, %select_n3A_355, %select_n3A_373 : vector<16x2048xf32>
    %eq3A_381 = arith.cmpf oeq, %select_n3A_355, %select_n3A_373 : vector<16x2048xf32>
    %lt3A_382 = arith.cmpi slt, %select_n3A_356, %select_n3A_378 : vector<16x2048xi32>
    %and3A_383 = arith.andi %eq3A_381, %lt3A_382 : vector<16x2048xi1>
    %or3A_384 = arith.ori %gt3A_380, %and3A_383 : vector<16x2048xi1>
    %eq3A_385 = arith.xori %xor3A_379, %or3A_384 : vector<16x2048xi1>
    %eq3A_386 = arith.constant dense<true> : vector<16x2048xi1>
    %eq3A_387 = arith.xori %eq3A_385, %eq3A_386 : vector<16x2048xi1>
    %select_n3A_388 = arith.select %eq3A_387, %select_n3A_355, %select_n3A_373 : vector<16x2048xi1>, vector<16x2048xf32>
    %select_n3A_389 = arith.select %eq3A_387, %select_n3A_356, %select_n3A_378 : vector<16x2048xi1>, vector<16x2048xi32>
    %and3A_390 = arith.constant 32 : i32
    %and3A_391 = vector.broadcast %and3A_390 : i32 to vector<16x2048xi32>
    %and3A_392 = arith.andi %iota3A, %and3A_391 : vector<16x2048xi32>
    %eq3A_393 = arith.constant 0 : i32
    %eq3A_394 = vector.broadcast %eq3A_393 : i32 to vector<16x2048xi32>
    %eq3A_395 = arith.cmpi eq, %and3A_392, %eq3A_394 : vector<16x2048xi32>
    %and3A_396 = arith.constant 4 : i32
    %and3A_397 = vector.broadcast %and3A_396 : i32 to vector<16x2048xi32>
    %and3A_398 = arith.andi %iota3A, %and3A_397 : vector<16x2048xi32>
    %ne3A_399 = arith.constant 0 : i32
    %ne3A_400 = vector.broadcast %ne3A_399 : i32 to vector<16x2048xi32>
    %ne3A_401 = arith.cmpi ne, %and3A_398, %ne3A_400 : vector<16x2048xi32>
    %roll3A_402 = arith.constant 4 : i32
    %roll3A_403 = tpu.dynamic_rotate %select_n3A_388 by %roll3A_402 dim 1 : vector<16x2048xf32>, i32 -> vector<16x2048xf32>
    %roll3A_404 = arith.constant 2044 : i32
    %roll3A_405 = tpu.dynamic_rotate %select_n3A_388 by %roll3A_404 dim 1 : vector<16x2048xf32>, i32 -> vector<16x2048xf32>
    %select_n3A_406 = arith.select %ne3A_401, %roll3A_403, %roll3A_405 : vector<16x2048xi1>, vector<16x2048xf32>
    %roll3A_407 = arith.constant 4 : i32
    %roll3A_408 = tpu.dynamic_rotate %select_n3A_389 by %roll3A_407 dim 1 : vector<16x2048xi32>, i32 -> vector<16x2048xi32>
    %roll3A_409 = arith.constant 2044 : i32
    %roll3A_410 = tpu.dynamic_rotate %select_n3A_389 by %roll3A_409 dim 1 : vector<16x2048xi32>, i32 -> vector<16x2048xi32>
    %select_n3A_411 = arith.select %ne3A_401, %roll3A_408, %roll3A_410 : vector<16x2048xi1>, vector<16x2048xi32>
    %xor3A_412 = arith.xori %eq3A_395, %ne3A_401 : vector<16x2048xi1>
    %gt3A_413 = arith.cmpf ogt, %select_n3A_388, %select_n3A_406 : vector<16x2048xf32>
    %eq3A_414 = arith.cmpf oeq, %select_n3A_388, %select_n3A_406 : vector<16x2048xf32>
    %lt3A_415 = arith.cmpi slt, %select_n3A_389, %select_n3A_411 : vector<16x2048xi32>
    %and3A_416 = arith.andi %eq3A_414, %lt3A_415 : vector<16x2048xi1>
    %or3A_417 = arith.ori %gt3A_413, %and3A_416 : vector<16x2048xi1>
    %eq3A_418 = arith.xori %xor3A_412, %or3A_417 : vector<16x2048xi1>
    %eq3A_419 = arith.constant dense<true> : vector<16x2048xi1>
    %eq3A_420 = arith.xori %eq3A_418, %eq3A_419 : vector<16x2048xi1>
    %select_n3A_421 = arith.select %eq3A_420, %select_n3A_388, %select_n3A_406 : vector<16x2048xi1>, vector<16x2048xf32>
    %select_n3A_422 = arith.select %eq3A_420, %select_n3A_389, %select_n3A_411 : vector<16x2048xi1>, vector<16x2048xi32>
    %and3A_423 = arith.constant 32 : i32
    %and3A_424 = vector.broadcast %and3A_423 : i32 to vector<16x2048xi32>
    %and3A_425 = arith.andi %iota3A, %and3A_424 : vector<16x2048xi32>
    %eq3A_426 = arith.constant 0 : i32
    %eq3A_427 = vector.broadcast %eq3A_426 : i32 to vector<16x2048xi32>
    %eq3A_428 = arith.cmpi eq, %and3A_425, %eq3A_427 : vector<16x2048xi32>
    %and3A_429 = arith.constant 2 : i32
    %and3A_430 = vector.broadcast %and3A_429 : i32 to vector<16x2048xi32>
    %and3A_431 = arith.andi %iota3A, %and3A_430 : vector<16x2048xi32>
    %ne3A_432 = arith.constant 0 : i32
    %ne3A_433 = vector.broadcast %ne3A_432 : i32 to vector<16x2048xi32>
    %ne3A_434 = arith.cmpi ne, %and3A_431, %ne3A_433 : vector<16x2048xi32>
    %roll3A_435 = arith.constant 2 : i32
    %roll3A_436 = tpu.dynamic_rotate %select_n3A_421 by %roll3A_435 dim 1 : vector<16x2048xf32>, i32 -> vector<16x2048xf32>
    %roll3A_437 = arith.constant 2046 : i32
    %roll3A_438 = tpu.dynamic_rotate %select_n3A_421 by %roll3A_437 dim 1 : vector<16x2048xf32>, i32 -> vector<16x2048xf32>
    %select_n3A_439 = arith.select %ne3A_434, %roll3A_436, %roll3A_438 : vector<16x2048xi1>, vector<16x2048xf32>
    %roll3A_440 = arith.constant 2 : i32
    %roll3A_441 = tpu.dynamic_rotate %select_n3A_422 by %roll3A_440 dim 1 : vector<16x2048xi32>, i32 -> vector<16x2048xi32>
    %roll3A_442 = arith.constant 2046 : i32
    %roll3A_443 = tpu.dynamic_rotate %select_n3A_422 by %roll3A_442 dim 1 : vector<16x2048xi32>, i32 -> vector<16x2048xi32>
    %select_n3A_444 = arith.select %ne3A_434, %roll3A_441, %roll3A_443 : vector<16x2048xi1>, vector<16x2048xi32>
    %xor3A_445 = arith.xori %eq3A_428, %ne3A_434 : vector<16x2048xi1>
    %gt3A_446 = arith.cmpf ogt, %select_n3A_421, %select_n3A_439 : vector<16x2048xf32>
    %eq3A_447 = arith.cmpf oeq, %select_n3A_421, %select_n3A_439 : vector<16x2048xf32>
    %lt3A_448 = arith.cmpi slt, %select_n3A_422, %select_n3A_444 : vector<16x2048xi32>
    %and3A_449 = arith.andi %eq3A_447, %lt3A_448 : vector<16x2048xi1>
    %or3A_450 = arith.ori %gt3A_446, %and3A_449 : vector<16x2048xi1>
    %eq3A_451 = arith.xori %xor3A_445, %or3A_450 : vector<16x2048xi1>
    %eq3A_452 = arith.constant dense<true> : vector<16x2048xi1>
    %eq3A_453 = arith.xori %eq3A_451, %eq3A_452 : vector<16x2048xi1>
    %select_n3A_454 = arith.select %eq3A_453, %select_n3A_421, %select_n3A_439 : vector<16x2048xi1>, vector<16x2048xf32>
    %select_n3A_455 = arith.select %eq3A_453, %select_n3A_422, %select_n3A_444 : vector<16x2048xi1>, vector<16x2048xi32>
    %and3A_456 = arith.constant 32 : i32
    %and3A_457 = vector.broadcast %and3A_456 : i32 to vector<16x2048xi32>
    %and3A_458 = arith.andi %iota3A, %and3A_457 : vector<16x2048xi32>
    %eq3A_459 = arith.constant 0 : i32
    %eq3A_460 = vector.broadcast %eq3A_459 : i32 to vector<16x2048xi32>
    %eq3A_461 = arith.cmpi eq, %and3A_458, %eq3A_460 : vector<16x2048xi32>
    %and3A_462 = arith.constant 1 : i32
    %and3A_463 = vector.broadcast %and3A_462 : i32 to vector<16x2048xi32>
    %and3A_464 = arith.andi %iota3A, %and3A_463 : vector<16x2048xi32>
    %ne3A_465 = arith.constant 0 : i32
    %ne3A_466 = vector.broadcast %ne3A_465 : i32 to vector<16x2048xi32>
    %ne3A_467 = arith.cmpi ne, %and3A_464, %ne3A_466 : vector<16x2048xi32>
    %roll3A_468 = arith.constant 1 : i32
    %roll3A_469 = tpu.dynamic_rotate %select_n3A_454 by %roll3A_468 dim 1 : vector<16x2048xf32>, i32 -> vector<16x2048xf32>
    %roll3A_470 = arith.constant 2047 : i32
    %roll3A_471 = tpu.dynamic_rotate %select_n3A_454 by %roll3A_470 dim 1 : vector<16x2048xf32>, i32 -> vector<16x2048xf32>
    %select_n3A_472 = arith.select %ne3A_467, %roll3A_469, %roll3A_471 : vector<16x2048xi1>, vector<16x2048xf32>
    %roll3A_473 = arith.constant 1 : i32
    %roll3A_474 = tpu.dynamic_rotate %select_n3A_455 by %roll3A_473 dim 1 : vector<16x2048xi32>, i32 -> vector<16x2048xi32>
    %roll3A_475 = arith.constant 2047 : i32
    %roll3A_476 = tpu.dynamic_rotate %select_n3A_455 by %roll3A_475 dim 1 : vector<16x2048xi32>, i32 -> vector<16x2048xi32>
    %select_n3A_477 = arith.select %ne3A_467, %roll3A_474, %roll3A_476 : vector<16x2048xi1>, vector<16x2048xi32>
    %xor3A_478 = arith.xori %eq3A_461, %ne3A_467 : vector<16x2048xi1>
    %gt3A_479 = arith.cmpf ogt, %select_n3A_454, %select_n3A_472 : vector<16x2048xf32>
    %eq3A_480 = arith.cmpf oeq, %select_n3A_454, %select_n3A_472 : vector<16x2048xf32>
    %lt3A_481 = arith.cmpi slt, %select_n3A_455, %select_n3A_477 : vector<16x2048xi32>
    %and3A_482 = arith.andi %eq3A_480, %lt3A_481 : vector<16x2048xi1>
    %or3A_483 = arith.ori %gt3A_479, %and3A_482 : vector<16x2048xi1>
    %eq3A_484 = arith.xori %xor3A_478, %or3A_483 : vector<16x2048xi1>
    %eq3A_485 = arith.constant dense<true> : vector<16x2048xi1>
    %eq3A_486 = arith.xori %eq3A_484, %eq3A_485 : vector<16x2048xi1>
    %select_n3A_487 = arith.select %eq3A_486, %select_n3A_454, %select_n3A_472 : vector<16x2048xi1>, vector<16x2048xf32>
    %select_n3A_488 = arith.select %eq3A_486, %select_n3A_455, %select_n3A_477 : vector<16x2048xi1>, vector<16x2048xi32>
    %and3A_489 = arith.constant 64 : i32
    %and3A_490 = vector.broadcast %and3A_489 : i32 to vector<16x2048xi32>
    %and3A_491 = arith.andi %iota3A, %and3A_490 : vector<16x2048xi32>
    %eq3A_492 = arith.constant 0 : i32
    %eq3A_493 = vector.broadcast %eq3A_492 : i32 to vector<16x2048xi32>
    %eq3A_494 = arith.cmpi eq, %and3A_491, %eq3A_493 : vector<16x2048xi32>
    %and3A_495 = arith.constant 32 : i32
    %and3A_496 = vector.broadcast %and3A_495 : i32 to vector<16x2048xi32>
    %and3A_497 = arith.andi %iota3A, %and3A_496 : vector<16x2048xi32>
    %ne3A_498 = arith.constant 0 : i32
    %ne3A_499 = vector.broadcast %ne3A_498 : i32 to vector<16x2048xi32>
    %ne3A_500 = arith.cmpi ne, %and3A_497, %ne3A_499 : vector<16x2048xi32>
    %roll3A_501 = arith.constant 32 : i32
    %roll3A_502 = tpu.dynamic_rotate %select_n3A_487 by %roll3A_501 dim 1 : vector<16x2048xf32>, i32 -> vector<16x2048xf32>
    %roll3A_503 = arith.constant 2016 : i32
    %roll3A_504 = tpu.dynamic_rotate %select_n3A_487 by %roll3A_503 dim 1 : vector<16x2048xf32>, i32 -> vector<16x2048xf32>
    %select_n3A_505 = arith.select %ne3A_500, %roll3A_502, %roll3A_504 : vector<16x2048xi1>, vector<16x2048xf32>
    %roll3A_506 = arith.constant 32 : i32
    %roll3A_507 = tpu.dynamic_rotate %select_n3A_488 by %roll3A_506 dim 1 : vector<16x2048xi32>, i32 -> vector<16x2048xi32>
    %roll3A_508 = arith.constant 2016 : i32
    %roll3A_509 = tpu.dynamic_rotate %select_n3A_488 by %roll3A_508 dim 1 : vector<16x2048xi32>, i32 -> vector<16x2048xi32>
    %select_n3A_510 = arith.select %ne3A_500, %roll3A_507, %roll3A_509 : vector<16x2048xi1>, vector<16x2048xi32>
    %xor3A_511 = arith.xori %eq3A_494, %ne3A_500 : vector<16x2048xi1>
    %gt3A_512 = arith.cmpf ogt, %select_n3A_487, %select_n3A_505 : vector<16x2048xf32>
    %eq3A_513 = arith.cmpf oeq, %select_n3A_487, %select_n3A_505 : vector<16x2048xf32>
    %lt3A_514 = arith.cmpi slt, %select_n3A_488, %select_n3A_510 : vector<16x2048xi32>
    %and3A_515 = arith.andi %eq3A_513, %lt3A_514 : vector<16x2048xi1>
    %or3A_516 = arith.ori %gt3A_512, %and3A_515 : vector<16x2048xi1>
    %eq3A_517 = arith.xori %xor3A_511, %or3A_516 : vector<16x2048xi1>
    %eq3A_518 = arith.constant dense<true> : vector<16x2048xi1>
    %eq3A_519 = arith.xori %eq3A_517, %eq3A_518 : vector<16x2048xi1>
    %select_n3A_520 = arith.select %eq3A_519, %select_n3A_487, %select_n3A_505 : vector<16x2048xi1>, vector<16x2048xf32>
    %select_n3A_521 = arith.select %eq3A_519, %select_n3A_488, %select_n3A_510 : vector<16x2048xi1>, vector<16x2048xi32>
    %and3A_522 = arith.constant 64 : i32
    %and3A_523 = vector.broadcast %and3A_522 : i32 to vector<16x2048xi32>
    %and3A_524 = arith.andi %iota3A, %and3A_523 : vector<16x2048xi32>
    %eq3A_525 = arith.constant 0 : i32
    %eq3A_526 = vector.broadcast %eq3A_525 : i32 to vector<16x2048xi32>
    %eq3A_527 = arith.cmpi eq, %and3A_524, %eq3A_526 : vector<16x2048xi32>
    %and3A_528 = arith.constant 16 : i32
    %and3A_529 = vector.broadcast %and3A_528 : i32 to vector<16x2048xi32>
    %and3A_530 = arith.andi %iota3A, %and3A_529 : vector<16x2048xi32>
    %ne3A_531 = arith.constant 0 : i32
    %ne3A_532 = vector.broadcast %ne3A_531 : i32 to vector<16x2048xi32>
    %ne3A_533 = arith.cmpi ne, %and3A_530, %ne3A_532 : vector<16x2048xi32>
    %roll3A_534 = arith.constant 16 : i32
    %roll3A_535 = tpu.dynamic_rotate %select_n3A_520 by %roll3A_534 dim 1 : vector<16x2048xf32>, i32 -> vector<16x2048xf32>
    %roll3A_536 = arith.constant 2032 : i32
    %roll3A_537 = tpu.dynamic_rotate %select_n3A_520 by %roll3A_536 dim 1 : vector<16x2048xf32>, i32 -> vector<16x2048xf32>
    %select_n3A_538 = arith.select %ne3A_533, %roll3A_535, %roll3A_537 : vector<16x2048xi1>, vector<16x2048xf32>
    %roll3A_539 = arith.constant 16 : i32
    %roll3A_540 = tpu.dynamic_rotate %select_n3A_521 by %roll3A_539 dim 1 : vector<16x2048xi32>, i32 -> vector<16x2048xi32>
    %roll3A_541 = arith.constant 2032 : i32
    %roll3A_542 = tpu.dynamic_rotate %select_n3A_521 by %roll3A_541 dim 1 : vector<16x2048xi32>, i32 -> vector<16x2048xi32>
    %select_n3A_543 = arith.select %ne3A_533, %roll3A_540, %roll3A_542 : vector<16x2048xi1>, vector<16x2048xi32>
    %xor3A_544 = arith.xori %eq3A_527, %ne3A_533 : vector<16x2048xi1>
    %gt3A_545 = arith.cmpf ogt, %select_n3A_520, %select_n3A_538 : vector<16x2048xf32>
    %eq3A_546 = arith.cmpf oeq, %select_n3A_520, %select_n3A_538 : vector<16x2048xf32>
    %lt3A_547 = arith.cmpi slt, %select_n3A_521, %select_n3A_543 : vector<16x2048xi32>
    %and3A_548 = arith.andi %eq3A_546, %lt3A_547 : vector<16x2048xi1>
    %or3A_549 = arith.ori %gt3A_545, %and3A_548 : vector<16x2048xi1>
    %eq3A_550 = arith.xori %xor3A_544, %or3A_549 : vector<16x2048xi1>
    %eq3A_551 = arith.constant dense<true> : vector<16x2048xi1>
    %eq3A_552 = arith.xori %eq3A_550, %eq3A_551 : vector<16x2048xi1>
    %select_n3A_553 = arith.select %eq3A_552, %select_n3A_520, %select_n3A_538 : vector<16x2048xi1>, vector<16x2048xf32>
    %select_n3A_554 = arith.select %eq3A_552, %select_n3A_521, %select_n3A_543 : vector<16x2048xi1>, vector<16x2048xi32>
    %and3A_555 = arith.constant 64 : i32
    %and3A_556 = vector.broadcast %and3A_555 : i32 to vector<16x2048xi32>
    %and3A_557 = arith.andi %iota3A, %and3A_556 : vector<16x2048xi32>
    %eq3A_558 = arith.constant 0 : i32
    %eq3A_559 = vector.broadcast %eq3A_558 : i32 to vector<16x2048xi32>
    %eq3A_560 = arith.cmpi eq, %and3A_557, %eq3A_559 : vector<16x2048xi32>
    %and3A_561 = arith.constant 8 : i32
    %and3A_562 = vector.broadcast %and3A_561 : i32 to vector<16x2048xi32>
    %and3A_563 = arith.andi %iota3A, %and3A_562 : vector<16x2048xi32>
    %ne3A_564 = arith.constant 0 : i32
    %ne3A_565 = vector.broadcast %ne3A_564 : i32 to vector<16x2048xi32>
    %ne3A_566 = arith.cmpi ne, %and3A_563, %ne3A_565 : vector<16x2048xi32>
    %roll3A_567 = arith.constant 8 : i32
    %roll3A_568 = tpu.dynamic_rotate %select_n3A_553 by %roll3A_567 dim 1 : vector<16x2048xf32>, i32 -> vector<16x2048xf32>
    %roll3A_569 = arith.constant 2040 : i32
    %roll3A_570 = tpu.dynamic_rotate %select_n3A_553 by %roll3A_569 dim 1 : vector<16x2048xf32>, i32 -> vector<16x2048xf32>
    %select_n3A_571 = arith.select %ne3A_566, %roll3A_568, %roll3A_570 : vector<16x2048xi1>, vector<16x2048xf32>
    %roll3A_572 = arith.constant 8 : i32
    %roll3A_573 = tpu.dynamic_rotate %select_n3A_554 by %roll3A_572 dim 1 : vector<16x2048xi32>, i32 -> vector<16x2048xi32>
    %roll3A_574 = arith.constant 2040 : i32
    %roll3A_575 = tpu.dynamic_rotate %select_n3A_554 by %roll3A_574 dim 1 : vector<16x2048xi32>, i32 -> vector<16x2048xi32>
    %select_n3A_576 = arith.select %ne3A_566, %roll3A_573, %roll3A_575 : vector<16x2048xi1>, vector<16x2048xi32>
    %xor3A_577 = arith.xori %eq3A_560, %ne3A_566 : vector<16x2048xi1>
    %gt3A_578 = arith.cmpf ogt, %select_n3A_553, %select_n3A_571 : vector<16x2048xf32>
    %eq3A_579 = arith.cmpf oeq, %select_n3A_553, %select_n3A_571 : vector<16x2048xf32>
    %lt3A_580 = arith.cmpi slt, %select_n3A_554, %select_n3A_576 : vector<16x2048xi32>
    %and3A_581 = arith.andi %eq3A_579, %lt3A_580 : vector<16x2048xi1>
    %or3A_582 = arith.ori %gt3A_578, %and3A_581 : vector<16x2048xi1>
    %eq3A_583 = arith.xori %xor3A_577, %or3A_582 : vector<16x2048xi1>
    %eq3A_584 = arith.constant dense<true> : vector<16x2048xi1>
    %eq3A_585 = arith.xori %eq3A_583, %eq3A_584 : vector<16x2048xi1>
    %select_n3A_586 = arith.select %eq3A_585, %select_n3A_553, %select_n3A_571 : vector<16x2048xi1>, vector<16x2048xf32>
    %select_n3A_587 = arith.select %eq3A_585, %select_n3A_554, %select_n3A_576 : vector<16x2048xi1>, vector<16x2048xi32>
    %and3A_588 = arith.constant 64 : i32
    %and3A_589 = vector.broadcast %and3A_588 : i32 to vector<16x2048xi32>
    %and3A_590 = arith.andi %iota3A, %and3A_589 : vector<16x2048xi32>
    %eq3A_591 = arith.constant 0 : i32
    %eq3A_592 = vector.broadcast %eq3A_591 : i32 to vector<16x2048xi32>
    %eq3A_593 = arith.cmpi eq, %and3A_590, %eq3A_592 : vector<16x2048xi32>
    %and3A_594 = arith.constant 4 : i32
    %and3A_595 = vector.broadcast %and3A_594 : i32 to vector<16x2048xi32>
    %and3A_596 = arith.andi %iota3A, %and3A_595 : vector<16x2048xi32>
    %ne3A_597 = arith.constant 0 : i32
    %ne3A_598 = vector.broadcast %ne3A_597 : i32 to vector<16x2048xi32>
    %ne3A_599 = arith.cmpi ne, %and3A_596, %ne3A_598 : vector<16x2048xi32>
    %roll3A_600 = arith.constant 4 : i32
    %roll3A_601 = tpu.dynamic_rotate %select_n3A_586 by %roll3A_600 dim 1 : vector<16x2048xf32>, i32 -> vector<16x2048xf32>
    %roll3A_602 = arith.constant 2044 : i32
    %roll3A_603 = tpu.dynamic_rotate %select_n3A_586 by %roll3A_602 dim 1 : vector<16x2048xf32>, i32 -> vector<16x2048xf32>
    %select_n3A_604 = arith.select %ne3A_599, %roll3A_601, %roll3A_603 : vector<16x2048xi1>, vector<16x2048xf32>
    %roll3A_605 = arith.constant 4 : i32
    %roll3A_606 = tpu.dynamic_rotate %select_n3A_587 by %roll3A_605 dim 1 : vector<16x2048xi32>, i32 -> vector<16x2048xi32>
    %roll3A_607 = arith.constant 2044 : i32
    %roll3A_608 = tpu.dynamic_rotate %select_n3A_587 by %roll3A_607 dim 1 : vector<16x2048xi32>, i32 -> vector<16x2048xi32>
    %select_n3A_609 = arith.select %ne3A_599, %roll3A_606, %roll3A_608 : vector<16x2048xi1>, vector<16x2048xi32>
    %xor3A_610 = arith.xori %eq3A_593, %ne3A_599 : vector<16x2048xi1>
    %gt3A_611 = arith.cmpf ogt, %select_n3A_586, %select_n3A_604 : vector<16x2048xf32>
    %eq3A_612 = arith.cmpf oeq, %select_n3A_586, %select_n3A_604 : vector<16x2048xf32>
    %lt3A_613 = arith.cmpi slt, %select_n3A_587, %select_n3A_609 : vector<16x2048xi32>
    %and3A_614 = arith.andi %eq3A_612, %lt3A_613 : vector<16x2048xi1>
    %or3A_615 = arith.ori %gt3A_611, %and3A_614 : vector<16x2048xi1>
    %eq3A_616 = arith.xori %xor3A_610, %or3A_615 : vector<16x2048xi1>
    %eq3A_617 = arith.constant dense<true> : vector<16x2048xi1>
    %eq3A_618 = arith.xori %eq3A_616, %eq3A_617 : vector<16x2048xi1>
    %select_n3A_619 = arith.select %eq3A_618, %select_n3A_586, %select_n3A_604 : vector<16x2048xi1>, vector<16x2048xf32>
    %select_n3A_620 = arith.select %eq3A_618, %select_n3A_587, %select_n3A_609 : vector<16x2048xi1>, vector<16x2048xi32>
    %and3A_621 = arith.constant 64 : i32
    %and3A_622 = vector.broadcast %and3A_621 : i32 to vector<16x2048xi32>
    %and3A_623 = arith.andi %iota3A, %and3A_622 : vector<16x2048xi32>
    %eq3A_624 = arith.constant 0 : i32
    %eq3A_625 = vector.broadcast %eq3A_624 : i32 to vector<16x2048xi32>
    %eq3A_626 = arith.cmpi eq, %and3A_623, %eq3A_625 : vector<16x2048xi32>
    %and3A_627 = arith.constant 2 : i32
    %and3A_628 = vector.broadcast %and3A_627 : i32 to vector<16x2048xi32>
    %and3A_629 = arith.andi %iota3A, %and3A_628 : vector<16x2048xi32>
    %ne3A_630 = arith.constant 0 : i32
    %ne3A_631 = vector.broadcast %ne3A_630 : i32 to vector<16x2048xi32>
    %ne3A_632 = arith.cmpi ne, %and3A_629, %ne3A_631 : vector<16x2048xi32>
    %roll3A_633 = arith.constant 2 : i32
    %roll3A_634 = tpu.dynamic_rotate %select_n3A_619 by %roll3A_633 dim 1 : vector<16x2048xf32>, i32 -> vector<16x2048xf32>
    %roll3A_635 = arith.constant 2046 : i32
    %roll3A_636 = tpu.dynamic_rotate %select_n3A_619 by %roll3A_635 dim 1 : vector<16x2048xf32>, i32 -> vector<16x2048xf32>
    %select_n3A_637 = arith.select %ne3A_632, %roll3A_634, %roll3A_636 : vector<16x2048xi1>, vector<16x2048xf32>
    %roll3A_638 = arith.constant 2 : i32
    %roll3A_639 = tpu.dynamic_rotate %select_n3A_620 by %roll3A_638 dim 1 : vector<16x2048xi32>, i32 -> vector<16x2048xi32>
    %roll3A_640 = arith.constant 2046 : i32
    %roll3A_641 = tpu.dynamic_rotate %select_n3A_620 by %roll3A_640 dim 1 : vector<16x2048xi32>, i32 -> vector<16x2048xi32>
    %select_n3A_642 = arith.select %ne3A_632, %roll3A_639, %roll3A_641 : vector<16x2048xi1>, vector<16x2048xi32>
    %xor3A_643 = arith.xori %eq3A_626, %ne3A_632 : vector<16x2048xi1>
    %gt3A_644 = arith.cmpf ogt, %select_n3A_619, %select_n3A_637 : vector<16x2048xf32>
    %eq3A_645 = arith.cmpf oeq, %select_n3A_619, %select_n3A_637 : vector<16x2048xf32>
    %lt3A_646 = arith.cmpi slt, %select_n3A_620, %select_n3A_642 : vector<16x2048xi32>
    %and3A_647 = arith.andi %eq3A_645, %lt3A_646 : vector<16x2048xi1>
    %or3A_648 = arith.ori %gt3A_644, %and3A_647 : vector<16x2048xi1>
    %eq3A_649 = arith.xori %xor3A_643, %or3A_648 : vector<16x2048xi1>
    %eq3A_650 = arith.constant dense<true> : vector<16x2048xi1>
    %eq3A_651 = arith.xori %eq3A_649, %eq3A_650 : vector<16x2048xi1>
    %select_n3A_652 = arith.select %eq3A_651, %select_n3A_619, %select_n3A_637 : vector<16x2048xi1>, vector<16x2048xf32>
    %select_n3A_653 = arith.select %eq3A_651, %select_n3A_620, %select_n3A_642 : vector<16x2048xi1>, vector<16x2048xi32>
    %and3A_654 = arith.constant 64 : i32
    %and3A_655 = vector.broadcast %and3A_654 : i32 to vector<16x2048xi32>
    %and3A_656 = arith.andi %iota3A, %and3A_655 : vector<16x2048xi32>
    %eq3A_657 = arith.constant 0 : i32
    %eq3A_658 = vector.broadcast %eq3A_657 : i32 to vector<16x2048xi32>
    %eq3A_659 = arith.cmpi eq, %and3A_656, %eq3A_658 : vector<16x2048xi32>
    %and3A_660 = arith.constant 1 : i32
    %and3A_661 = vector.broadcast %and3A_660 : i32 to vector<16x2048xi32>
    %and3A_662 = arith.andi %iota3A, %and3A_661 : vector<16x2048xi32>
    %ne3A_663 = arith.constant 0 : i32
    %ne3A_664 = vector.broadcast %ne3A_663 : i32 to vector<16x2048xi32>
    %ne3A_665 = arith.cmpi ne, %and3A_662, %ne3A_664 : vector<16x2048xi32>
    %roll3A_666 = arith.constant 1 : i32
    %roll3A_667 = tpu.dynamic_rotate %select_n3A_652 by %roll3A_666 dim 1 : vector<16x2048xf32>, i32 -> vector<16x2048xf32>
    %roll3A_668 = arith.constant 2047 : i32
    %roll3A_669 = tpu.dynamic_rotate %select_n3A_652 by %roll3A_668 dim 1 : vector<16x2048xf32>, i32 -> vector<16x2048xf32>
    %select_n3A_670 = arith.select %ne3A_665, %roll3A_667, %roll3A_669 : vector<16x2048xi1>, vector<16x2048xf32>
    %roll3A_671 = arith.constant 1 : i32
    %roll3A_672 = tpu.dynamic_rotate %select_n3A_653 by %roll3A_671 dim 1 : vector<16x2048xi32>, i32 -> vector<16x2048xi32>
    %roll3A_673 = arith.constant 2047 : i32
    %roll3A_674 = tpu.dynamic_rotate %select_n3A_653 by %roll3A_673 dim 1 : vector<16x2048xi32>, i32 -> vector<16x2048xi32>
    %select_n3A_675 = arith.select %ne3A_665, %roll3A_672, %roll3A_674 : vector<16x2048xi1>, vector<16x2048xi32>
    %xor3A_676 = arith.xori %eq3A_659, %ne3A_665 : vector<16x2048xi1>
    %gt3A_677 = arith.cmpf ogt, %select_n3A_652, %select_n3A_670 : vector<16x2048xf32>
    %eq3A_678 = arith.cmpf oeq, %select_n3A_652, %select_n3A_670 : vector<16x2048xf32>
    %lt3A_679 = arith.cmpi slt, %select_n3A_653, %select_n3A_675 : vector<16x2048xi32>
    %and3A_680 = arith.andi %eq3A_678, %lt3A_679 : vector<16x2048xi1>
    %or3A_681 = arith.ori %gt3A_677, %and3A_680 : vector<16x2048xi1>
    %eq3A_682 = arith.xori %xor3A_676, %or3A_681 : vector<16x2048xi1>
    %eq3A_683 = arith.constant dense<true> : vector<16x2048xi1>
    %eq3A_684 = arith.xori %eq3A_682, %eq3A_683 : vector<16x2048xi1>
    %select_n3A_685 = arith.select %eq3A_684, %select_n3A_652, %select_n3A_670 : vector<16x2048xi1>, vector<16x2048xf32>
    %select_n3A_686 = arith.select %eq3A_684, %select_n3A_653, %select_n3A_675 : vector<16x2048xi1>, vector<16x2048xi32>
    %and3A_687 = arith.constant 128 : i32
    %and3A_688 = vector.broadcast %and3A_687 : i32 to vector<16x2048xi32>
    %and3A_689 = arith.andi %iota3A, %and3A_688 : vector<16x2048xi32>
    %eq3A_690 = arith.constant 0 : i32
    %eq3A_691 = vector.broadcast %eq3A_690 : i32 to vector<16x2048xi32>
    %eq3A_692 = arith.cmpi eq, %and3A_689, %eq3A_691 : vector<16x2048xi32>
    %and3A_693 = arith.constant 64 : i32
    %and3A_694 = vector.broadcast %and3A_693 : i32 to vector<16x2048xi32>
    %and3A_695 = arith.andi %iota3A, %and3A_694 : vector<16x2048xi32>
    %ne3A_696 = arith.constant 0 : i32
    %ne3A_697 = vector.broadcast %ne3A_696 : i32 to vector<16x2048xi32>
    %ne3A_698 = arith.cmpi ne, %and3A_695, %ne3A_697 : vector<16x2048xi32>
    %roll3A_699 = arith.constant 64 : i32
    %roll3A_700 = tpu.dynamic_rotate %select_n3A_685 by %roll3A_699 dim 1 : vector<16x2048xf32>, i32 -> vector<16x2048xf32>
    %roll3A_701 = arith.constant 1984 : i32
    %roll3A_702 = tpu.dynamic_rotate %select_n3A_685 by %roll3A_701 dim 1 : vector<16x2048xf32>, i32 -> vector<16x2048xf32>
    %select_n3A_703 = arith.select %ne3A_698, %roll3A_700, %roll3A_702 : vector<16x2048xi1>, vector<16x2048xf32>
    %roll3A_704 = arith.constant 64 : i32
    %roll3A_705 = tpu.dynamic_rotate %select_n3A_686 by %roll3A_704 dim 1 : vector<16x2048xi32>, i32 -> vector<16x2048xi32>
    %roll3A_706 = arith.constant 1984 : i32
    %roll3A_707 = tpu.dynamic_rotate %select_n3A_686 by %roll3A_706 dim 1 : vector<16x2048xi32>, i32 -> vector<16x2048xi32>
    %select_n3A_708 = arith.select %ne3A_698, %roll3A_705, %roll3A_707 : vector<16x2048xi1>, vector<16x2048xi32>
    %xor3A_709 = arith.xori %eq3A_692, %ne3A_698 : vector<16x2048xi1>
    %gt3A_710 = arith.cmpf ogt, %select_n3A_685, %select_n3A_703 : vector<16x2048xf32>
    %eq3A_711 = arith.cmpf oeq, %select_n3A_685, %select_n3A_703 : vector<16x2048xf32>
    %lt3A_712 = arith.cmpi slt, %select_n3A_686, %select_n3A_708 : vector<16x2048xi32>
    %and3A_713 = arith.andi %eq3A_711, %lt3A_712 : vector<16x2048xi1>
    %or3A_714 = arith.ori %gt3A_710, %and3A_713 : vector<16x2048xi1>
    %eq3A_715 = arith.xori %xor3A_709, %or3A_714 : vector<16x2048xi1>
    %eq3A_716 = arith.constant dense<true> : vector<16x2048xi1>
    %eq3A_717 = arith.xori %eq3A_715, %eq3A_716 : vector<16x2048xi1>
    %select_n3A_718 = arith.select %eq3A_717, %select_n3A_685, %select_n3A_703 : vector<16x2048xi1>, vector<16x2048xf32>
    %select_n3A_719 = arith.select %eq3A_717, %select_n3A_686, %select_n3A_708 : vector<16x2048xi1>, vector<16x2048xi32>
    %and3A_720 = arith.constant 128 : i32
    %and3A_721 = vector.broadcast %and3A_720 : i32 to vector<16x2048xi32>
    %and3A_722 = arith.andi %iota3A, %and3A_721 : vector<16x2048xi32>
    %eq3A_723 = arith.constant 0 : i32
    %eq3A_724 = vector.broadcast %eq3A_723 : i32 to vector<16x2048xi32>
    %eq3A_725 = arith.cmpi eq, %and3A_722, %eq3A_724 : vector<16x2048xi32>
    %and3A_726 = arith.constant 32 : i32
    %and3A_727 = vector.broadcast %and3A_726 : i32 to vector<16x2048xi32>
    %and3A_728 = arith.andi %iota3A, %and3A_727 : vector<16x2048xi32>
    %ne3A_729 = arith.constant 0 : i32
    %ne3A_730 = vector.broadcast %ne3A_729 : i32 to vector<16x2048xi32>
    %ne3A_731 = arith.cmpi ne, %and3A_728, %ne3A_730 : vector<16x2048xi32>
    %roll3A_732 = arith.constant 32 : i32
    %roll3A_733 = tpu.dynamic_rotate %select_n3A_718 by %roll3A_732 dim 1 : vector<16x2048xf32>, i32 -> vector<16x2048xf32>
    %roll3A_734 = arith.constant 2016 : i32
    %roll3A_735 = tpu.dynamic_rotate %select_n3A_718 by %roll3A_734 dim 1 : vector<16x2048xf32>, i32 -> vector<16x2048xf32>
    %select_n3A_736 = arith.select %ne3A_731, %roll3A_733, %roll3A_735 : vector<16x2048xi1>, vector<16x2048xf32>
    %roll3A_737 = arith.constant 32 : i32
    %roll3A_738 = tpu.dynamic_rotate %select_n3A_719 by %roll3A_737 dim 1 : vector<16x2048xi32>, i32 -> vector<16x2048xi32>
    %roll3A_739 = arith.constant 2016 : i32
    %roll3A_740 = tpu.dynamic_rotate %select_n3A_719 by %roll3A_739 dim 1 : vector<16x2048xi32>, i32 -> vector<16x2048xi32>
    %select_n3A_741 = arith.select %ne3A_731, %roll3A_738, %roll3A_740 : vector<16x2048xi1>, vector<16x2048xi32>
    %xor3A_742 = arith.xori %eq3A_725, %ne3A_731 : vector<16x2048xi1>
    %gt3A_743 = arith.cmpf ogt, %select_n3A_718, %select_n3A_736 : vector<16x2048xf32>
    %eq3A_744 = arith.cmpf oeq, %select_n3A_718, %select_n3A_736 : vector<16x2048xf32>
    %lt3A_745 = arith.cmpi slt, %select_n3A_719, %select_n3A_741 : vector<16x2048xi32>
    %and3A_746 = arith.andi %eq3A_744, %lt3A_745 : vector<16x2048xi1>
    %or3A_747 = arith.ori %gt3A_743, %and3A_746 : vector<16x2048xi1>
    %eq3A_748 = arith.xori %xor3A_742, %or3A_747 : vector<16x2048xi1>
    %eq3A_749 = arith.constant dense<true> : vector<16x2048xi1>
    %eq3A_750 = arith.xori %eq3A_748, %eq3A_749 : vector<16x2048xi1>
    %select_n3A_751 = arith.select %eq3A_750, %select_n3A_718, %select_n3A_736 : vector<16x2048xi1>, vector<16x2048xf32>
    %select_n3A_752 = arith.select %eq3A_750, %select_n3A_719, %select_n3A_741 : vector<16x2048xi1>, vector<16x2048xi32>
    %and3A_753 = arith.constant 128 : i32
    %and3A_754 = vector.broadcast %and3A_753 : i32 to vector<16x2048xi32>
    %and3A_755 = arith.andi %iota3A, %and3A_754 : vector<16x2048xi32>
    %eq3A_756 = arith.constant 0 : i32
    %eq3A_757 = vector.broadcast %eq3A_756 : i32 to vector<16x2048xi32>
    %eq3A_758 = arith.cmpi eq, %and3A_755, %eq3A_757 : vector<16x2048xi32>
    %and3A_759 = arith.constant 16 : i32
    %and3A_760 = vector.broadcast %and3A_759 : i32 to vector<16x2048xi32>
    %and3A_761 = arith.andi %iota3A, %and3A_760 : vector<16x2048xi32>
    %ne3A_762 = arith.constant 0 : i32
    %ne3A_763 = vector.broadcast %ne3A_762 : i32 to vector<16x2048xi32>
    %ne3A_764 = arith.cmpi ne, %and3A_761, %ne3A_763 : vector<16x2048xi32>
    %roll3A_765 = arith.constant 16 : i32
    %roll3A_766 = tpu.dynamic_rotate %select_n3A_751 by %roll3A_765 dim 1 : vector<16x2048xf32>, i32 -> vector<16x2048xf32>
    %roll3A_767 = arith.constant 2032 : i32
    %roll3A_768 = tpu.dynamic_rotate %select_n3A_751 by %roll3A_767 dim 1 : vector<16x2048xf32>, i32 -> vector<16x2048xf32>
    %select_n3A_769 = arith.select %ne3A_764, %roll3A_766, %roll3A_768 : vector<16x2048xi1>, vector<16x2048xf32>
    %roll3A_770 = arith.constant 16 : i32
    %roll3A_771 = tpu.dynamic_rotate %select_n3A_752 by %roll3A_770 dim 1 : vector<16x2048xi32>, i32 -> vector<16x2048xi32>
    %roll3A_772 = arith.constant 2032 : i32
    %roll3A_773 = tpu.dynamic_rotate %select_n3A_752 by %roll3A_772 dim 1 : vector<16x2048xi32>, i32 -> vector<16x2048xi32>
    %select_n3A_774 = arith.select %ne3A_764, %roll3A_771, %roll3A_773 : vector<16x2048xi1>, vector<16x2048xi32>
    %xor3A_775 = arith.xori %eq3A_758, %ne3A_764 : vector<16x2048xi1>
    %gt3A_776 = arith.cmpf ogt, %select_n3A_751, %select_n3A_769 : vector<16x2048xf32>
    %eq3A_777 = arith.cmpf oeq, %select_n3A_751, %select_n3A_769 : vector<16x2048xf32>
    %lt3A_778 = arith.cmpi slt, %select_n3A_752, %select_n3A_774 : vector<16x2048xi32>
    %and3A_779 = arith.andi %eq3A_777, %lt3A_778 : vector<16x2048xi1>
    %or3A_780 = arith.ori %gt3A_776, %and3A_779 : vector<16x2048xi1>
    %eq3A_781 = arith.xori %xor3A_775, %or3A_780 : vector<16x2048xi1>
    %eq3A_782 = arith.constant dense<true> : vector<16x2048xi1>
    %eq3A_783 = arith.xori %eq3A_781, %eq3A_782 : vector<16x2048xi1>
    %select_n3A_784 = arith.select %eq3A_783, %select_n3A_751, %select_n3A_769 : vector<16x2048xi1>, vector<16x2048xf32>
    %select_n3A_785 = arith.select %eq3A_783, %select_n3A_752, %select_n3A_774 : vector<16x2048xi1>, vector<16x2048xi32>
    %and3A_786 = arith.constant 128 : i32
    %and3A_787 = vector.broadcast %and3A_786 : i32 to vector<16x2048xi32>
    %and3A_788 = arith.andi %iota3A, %and3A_787 : vector<16x2048xi32>
    %eq3A_789 = arith.constant 0 : i32
    %eq3A_790 = vector.broadcast %eq3A_789 : i32 to vector<16x2048xi32>
    %eq3A_791 = arith.cmpi eq, %and3A_788, %eq3A_790 : vector<16x2048xi32>
    %and3A_792 = arith.constant 8 : i32
    %and3A_793 = vector.broadcast %and3A_792 : i32 to vector<16x2048xi32>
    %and3A_794 = arith.andi %iota3A, %and3A_793 : vector<16x2048xi32>
    %ne3A_795 = arith.constant 0 : i32
    %ne3A_796 = vector.broadcast %ne3A_795 : i32 to vector<16x2048xi32>
    %ne3A_797 = arith.cmpi ne, %and3A_794, %ne3A_796 : vector<16x2048xi32>
    %roll3A_798 = arith.constant 8 : i32
    %roll3A_799 = tpu.dynamic_rotate %select_n3A_784 by %roll3A_798 dim 1 : vector<16x2048xf32>, i32 -> vector<16x2048xf32>
    %roll3A_800 = arith.constant 2040 : i32
    %roll3A_801 = tpu.dynamic_rotate %select_n3A_784 by %roll3A_800 dim 1 : vector<16x2048xf32>, i32 -> vector<16x2048xf32>
    %select_n3A_802 = arith.select %ne3A_797, %roll3A_799, %roll3A_801 : vector<16x2048xi1>, vector<16x2048xf32>
    %roll3A_803 = arith.constant 8 : i32
    %roll3A_804 = tpu.dynamic_rotate %select_n3A_785 by %roll3A_803 dim 1 : vector<16x2048xi32>, i32 -> vector<16x2048xi32>
    %roll3A_805 = arith.constant 2040 : i32
    %roll3A_806 = tpu.dynamic_rotate %select_n3A_785 by %roll3A_805 dim 1 : vector<16x2048xi32>, i32 -> vector<16x2048xi32>
    %select_n3A_807 = arith.select %ne3A_797, %roll3A_804, %roll3A_806 : vector<16x2048xi1>, vector<16x2048xi32>
    %xor3A_808 = arith.xori %eq3A_791, %ne3A_797 : vector<16x2048xi1>
    %gt3A_809 = arith.cmpf ogt, %select_n3A_784, %select_n3A_802 : vector<16x2048xf32>
    %eq3A_810 = arith.cmpf oeq, %select_n3A_784, %select_n3A_802 : vector<16x2048xf32>
    %lt3A_811 = arith.cmpi slt, %select_n3A_785, %select_n3A_807 : vector<16x2048xi32>
    %and3A_812 = arith.andi %eq3A_810, %lt3A_811 : vector<16x2048xi1>
    %or3A_813 = arith.ori %gt3A_809, %and3A_812 : vector<16x2048xi1>
    %eq3A_814 = arith.xori %xor3A_808, %or3A_813 : vector<16x2048xi1>
    %eq3A_815 = arith.constant dense<true> : vector<16x2048xi1>
    %eq3A_816 = arith.xori %eq3A_814, %eq3A_815 : vector<16x2048xi1>
    %select_n3A_817 = arith.select %eq3A_816, %select_n3A_784, %select_n3A_802 : vector<16x2048xi1>, vector<16x2048xf32>
    %select_n3A_818 = arith.select %eq3A_816, %select_n3A_785, %select_n3A_807 : vector<16x2048xi1>, vector<16x2048xi32>
    %and3A_819 = arith.constant 128 : i32
    %and3A_820 = vector.broadcast %and3A_819 : i32 to vector<16x2048xi32>
    %and3A_821 = arith.andi %iota3A, %and3A_820 : vector<16x2048xi32>
    %eq3A_822 = arith.constant 0 : i32
    %eq3A_823 = vector.broadcast %eq3A_822 : i32 to vector<16x2048xi32>
    %eq3A_824 = arith.cmpi eq, %and3A_821, %eq3A_823 : vector<16x2048xi32>
    %and3A_825 = arith.constant 4 : i32
    %and3A_826 = vector.broadcast %and3A_825 : i32 to vector<16x2048xi32>
    %and3A_827 = arith.andi %iota3A, %and3A_826 : vector<16x2048xi32>
    %ne3A_828 = arith.constant 0 : i32
    %ne3A_829 = vector.broadcast %ne3A_828 : i32 to vector<16x2048xi32>
    %ne3A_830 = arith.cmpi ne, %and3A_827, %ne3A_829 : vector<16x2048xi32>
    %roll3A_831 = arith.constant 4 : i32
    %roll3A_832 = tpu.dynamic_rotate %select_n3A_817 by %roll3A_831 dim 1 : vector<16x2048xf32>, i32 -> vector<16x2048xf32>
    %roll3A_833 = arith.constant 2044 : i32
    %roll3A_834 = tpu.dynamic_rotate %select_n3A_817 by %roll3A_833 dim 1 : vector<16x2048xf32>, i32 -> vector<16x2048xf32>
    %select_n3A_835 = arith.select %ne3A_830, %roll3A_832, %roll3A_834 : vector<16x2048xi1>, vector<16x2048xf32>
    %roll3A_836 = arith.constant 4 : i32
    %roll3A_837 = tpu.dynamic_rotate %select_n3A_818 by %roll3A_836 dim 1 : vector<16x2048xi32>, i32 -> vector<16x2048xi32>
    %roll3A_838 = arith.constant 2044 : i32
    %roll3A_839 = tpu.dynamic_rotate %select_n3A_818 by %roll3A_838 dim 1 : vector<16x2048xi32>, i32 -> vector<16x2048xi32>
    %select_n3A_840 = arith.select %ne3A_830, %roll3A_837, %roll3A_839 : vector<16x2048xi1>, vector<16x2048xi32>
    %xor3A_841 = arith.xori %eq3A_824, %ne3A_830 : vector<16x2048xi1>
    %gt3A_842 = arith.cmpf ogt, %select_n3A_817, %select_n3A_835 : vector<16x2048xf32>
    %eq3A_843 = arith.cmpf oeq, %select_n3A_817, %select_n3A_835 : vector<16x2048xf32>
    %lt3A_844 = arith.cmpi slt, %select_n3A_818, %select_n3A_840 : vector<16x2048xi32>
    %and3A_845 = arith.andi %eq3A_843, %lt3A_844 : vector<16x2048xi1>
    %or3A_846 = arith.ori %gt3A_842, %and3A_845 : vector<16x2048xi1>
    %eq3A_847 = arith.xori %xor3A_841, %or3A_846 : vector<16x2048xi1>
    %eq3A_848 = arith.constant dense<true> : vector<16x2048xi1>
    %eq3A_849 = arith.xori %eq3A_847, %eq3A_848 : vector<16x2048xi1>
    %select_n3A_850 = arith.select %eq3A_849, %select_n3A_817, %select_n3A_835 : vector<16x2048xi1>, vector<16x2048xf32>
    %select_n3A_851 = arith.select %eq3A_849, %select_n3A_818, %select_n3A_840 : vector<16x2048xi1>, vector<16x2048xi32>
    %and3A_852 = arith.constant 128 : i32
    %and3A_853 = vector.broadcast %and3A_852 : i32 to vector<16x2048xi32>
    %and3A_854 = arith.andi %iota3A, %and3A_853 : vector<16x2048xi32>
    %eq3A_855 = arith.constant 0 : i32
    %eq3A_856 = vector.broadcast %eq3A_855 : i32 to vector<16x2048xi32>
    %eq3A_857 = arith.cmpi eq, %and3A_854, %eq3A_856 : vector<16x2048xi32>
    %and3A_858 = arith.constant 2 : i32
    %and3A_859 = vector.broadcast %and3A_858 : i32 to vector<16x2048xi32>
    %and3A_860 = arith.andi %iota3A, %and3A_859 : vector<16x2048xi32>
    %ne3A_861 = arith.constant 0 : i32
    %ne3A_862 = vector.broadcast %ne3A_861 : i32 to vector<16x2048xi32>
    %ne3A_863 = arith.cmpi ne, %and3A_860, %ne3A_862 : vector<16x2048xi32>
    %roll3A_864 = arith.constant 2 : i32
    %roll3A_865 = tpu.dynamic_rotate %select_n3A_850 by %roll3A_864 dim 1 : vector<16x2048xf32>, i32 -> vector<16x2048xf32>
    %roll3A_866 = arith.constant 2046 : i32
    %roll3A_867 = tpu.dynamic_rotate %select_n3A_850 by %roll3A_866 dim 1 : vector<16x2048xf32>, i32 -> vector<16x2048xf32>
    %select_n3A_868 = arith.select %ne3A_863, %roll3A_865, %roll3A_867 : vector<16x2048xi1>, vector<16x2048xf32>
    %roll3A_869 = arith.constant 2 : i32
    %roll3A_870 = tpu.dynamic_rotate %select_n3A_851 by %roll3A_869 dim 1 : vector<16x2048xi32>, i32 -> vector<16x2048xi32>
    %roll3A_871 = arith.constant 2046 : i32
    %roll3A_872 = tpu.dynamic_rotate %select_n3A_851 by %roll3A_871 dim 1 : vector<16x2048xi32>, i32 -> vector<16x2048xi32>
    %select_n3A_873 = arith.select %ne3A_863, %roll3A_870, %roll3A_872 : vector<16x2048xi1>, vector<16x2048xi32>
    %xor3A_874 = arith.xori %eq3A_857, %ne3A_863 : vector<16x2048xi1>
    %gt3A_875 = arith.cmpf ogt, %select_n3A_850, %select_n3A_868 : vector<16x2048xf32>
    %eq3A_876 = arith.cmpf oeq, %select_n3A_850, %select_n3A_868 : vector<16x2048xf32>
    %lt3A_877 = arith.cmpi slt, %select_n3A_851, %select_n3A_873 : vector<16x2048xi32>
    %and3A_878 = arith.andi %eq3A_876, %lt3A_877 : vector<16x2048xi1>
    %or3A_879 = arith.ori %gt3A_875, %and3A_878 : vector<16x2048xi1>
    %eq3A_880 = arith.xori %xor3A_874, %or3A_879 : vector<16x2048xi1>
    %eq3A_881 = arith.constant dense<true> : vector<16x2048xi1>
    %eq3A_882 = arith.xori %eq3A_880, %eq3A_881 : vector<16x2048xi1>
    %select_n3A_883 = arith.select %eq3A_882, %select_n3A_850, %select_n3A_868 : vector<16x2048xi1>, vector<16x2048xf32>
    %select_n3A_884 = arith.select %eq3A_882, %select_n3A_851, %select_n3A_873 : vector<16x2048xi1>, vector<16x2048xi32>
    %and3A_885 = arith.constant 128 : i32
    %and3A_886 = vector.broadcast %and3A_885 : i32 to vector<16x2048xi32>
    %and3A_887 = arith.andi %iota3A, %and3A_886 : vector<16x2048xi32>
    %eq3A_888 = arith.constant 0 : i32
    %eq3A_889 = vector.broadcast %eq3A_888 : i32 to vector<16x2048xi32>
    %eq3A_890 = arith.cmpi eq, %and3A_887, %eq3A_889 : vector<16x2048xi32>
    %and3A_891 = arith.constant 1 : i32
    %and3A_892 = vector.broadcast %and3A_891 : i32 to vector<16x2048xi32>
    %and3A_893 = arith.andi %iota3A, %and3A_892 : vector<16x2048xi32>
    %ne3A_894 = arith.constant 0 : i32
    %ne3A_895 = vector.broadcast %ne3A_894 : i32 to vector<16x2048xi32>
    %ne3A_896 = arith.cmpi ne, %and3A_893, %ne3A_895 : vector<16x2048xi32>
    %roll3A_897 = arith.constant 1 : i32
    %roll3A_898 = tpu.dynamic_rotate %select_n3A_883 by %roll3A_897 dim 1 : vector<16x2048xf32>, i32 -> vector<16x2048xf32>
    %roll3A_899 = arith.constant 2047 : i32
    %roll3A_900 = tpu.dynamic_rotate %select_n3A_883 by %roll3A_899 dim 1 : vector<16x2048xf32>, i32 -> vector<16x2048xf32>
    %select_n3A_901 = arith.select %ne3A_896, %roll3A_898, %roll3A_900 : vector<16x2048xi1>, vector<16x2048xf32>
    %roll3A_902 = arith.constant 1 : i32
    %roll3A_903 = tpu.dynamic_rotate %select_n3A_884 by %roll3A_902 dim 1 : vector<16x2048xi32>, i32 -> vector<16x2048xi32>
    %roll3A_904 = arith.constant 2047 : i32
    %roll3A_905 = tpu.dynamic_rotate %select_n3A_884 by %roll3A_904 dim 1 : vector<16x2048xi32>, i32 -> vector<16x2048xi32>
    %select_n3A_906 = arith.select %ne3A_896, %roll3A_903, %roll3A_905 : vector<16x2048xi1>, vector<16x2048xi32>
    %xor3A_907 = arith.xori %eq3A_890, %ne3A_896 : vector<16x2048xi1>
    %gt3A_908 = arith.cmpf ogt, %select_n3A_883, %select_n3A_901 : vector<16x2048xf32>
    %eq3A_909 = arith.cmpf oeq, %select_n3A_883, %select_n3A_901 : vector<16x2048xf32>
    %lt3A_910 = arith.cmpi slt, %select_n3A_884, %select_n3A_906 : vector<16x2048xi32>
    %and3A_911 = arith.andi %eq3A_909, %lt3A_910 : vector<16x2048xi1>
    %or3A_912 = arith.ori %gt3A_908, %and3A_911 : vector<16x2048xi1>
    %eq3A_913 = arith.xori %xor3A_907, %or3A_912 : vector<16x2048xi1>
    %eq3A_914 = arith.constant dense<true> : vector<16x2048xi1>
    %eq3A_915 = arith.xori %eq3A_913, %eq3A_914 : vector<16x2048xi1>
    %select_n3A_916 = arith.select %eq3A_915, %select_n3A_883, %select_n3A_901 : vector<16x2048xi1>, vector<16x2048xf32>
    %select_n3A_917 = arith.select %eq3A_915, %select_n3A_884, %select_n3A_906 : vector<16x2048xi1>, vector<16x2048xi32>
    %and3A_918 = arith.constant 256 : i32
    %and3A_919 = vector.broadcast %and3A_918 : i32 to vector<16x2048xi32>
    %and3A_920 = arith.andi %iota3A, %and3A_919 : vector<16x2048xi32>
    %eq3A_921 = arith.constant 0 : i32
    %eq3A_922 = vector.broadcast %eq3A_921 : i32 to vector<16x2048xi32>
    %eq3A_923 = arith.cmpi eq, %and3A_920, %eq3A_922 : vector<16x2048xi32>
    %and3A_924 = arith.constant 128 : i32
    %and3A_925 = vector.broadcast %and3A_924 : i32 to vector<16x2048xi32>
    %and3A_926 = arith.andi %iota3A, %and3A_925 : vector<16x2048xi32>
    %ne3A_927 = arith.constant 0 : i32
    %ne3A_928 = vector.broadcast %ne3A_927 : i32 to vector<16x2048xi32>
    %ne3A_929 = arith.cmpi ne, %and3A_926, %ne3A_928 : vector<16x2048xi32>
    %roll3A_930 = arith.constant 128 : i32
    %roll3A_931 = tpu.dynamic_rotate %select_n3A_916 by %roll3A_930 dim 1 : vector<16x2048xf32>, i32 -> vector<16x2048xf32>
    %roll3A_932 = arith.constant 1920 : i32
    %roll3A_933 = tpu.dynamic_rotate %select_n3A_916 by %roll3A_932 dim 1 : vector<16x2048xf32>, i32 -> vector<16x2048xf32>
    %select_n3A_934 = arith.select %ne3A_929, %roll3A_931, %roll3A_933 : vector<16x2048xi1>, vector<16x2048xf32>
    %roll3A_935 = arith.constant 128 : i32
    %roll3A_936 = tpu.dynamic_rotate %select_n3A_917 by %roll3A_935 dim 1 : vector<16x2048xi32>, i32 -> vector<16x2048xi32>
    %roll3A_937 = arith.constant 1920 : i32
    %roll3A_938 = tpu.dynamic_rotate %select_n3A_917 by %roll3A_937 dim 1 : vector<16x2048xi32>, i32 -> vector<16x2048xi32>
    %select_n3A_939 = arith.select %ne3A_929, %roll3A_936, %roll3A_938 : vector<16x2048xi1>, vector<16x2048xi32>
    %xor3A_940 = arith.xori %eq3A_923, %ne3A_929 : vector<16x2048xi1>
    %gt3A_941 = arith.cmpf ogt, %select_n3A_916, %select_n3A_934 : vector<16x2048xf32>
    %eq3A_942 = arith.cmpf oeq, %select_n3A_916, %select_n3A_934 : vector<16x2048xf32>
    %lt3A_943 = arith.cmpi slt, %select_n3A_917, %select_n3A_939 : vector<16x2048xi32>
    %and3A_944 = arith.andi %eq3A_942, %lt3A_943 : vector<16x2048xi1>
    %or3A_945 = arith.ori %gt3A_941, %and3A_944 : vector<16x2048xi1>
    %eq3A_946 = arith.xori %xor3A_940, %or3A_945 : vector<16x2048xi1>
    %eq3A_947 = arith.constant dense<true> : vector<16x2048xi1>
    %eq3A_948 = arith.xori %eq3A_946, %eq3A_947 : vector<16x2048xi1>
    %select_n3A_949 = arith.select %eq3A_948, %select_n3A_916, %select_n3A_934 : vector<16x2048xi1>, vector<16x2048xf32>
    %select_n3A_950 = arith.select %eq3A_948, %select_n3A_917, %select_n3A_939 : vector<16x2048xi1>, vector<16x2048xi32>
    %and3A_951 = arith.constant 256 : i32
    %and3A_952 = vector.broadcast %and3A_951 : i32 to vector<16x2048xi32>
    %and3A_953 = arith.andi %iota3A, %and3A_952 : vector<16x2048xi32>
    %eq3A_954 = arith.constant 0 : i32
    %eq3A_955 = vector.broadcast %eq3A_954 : i32 to vector<16x2048xi32>
    %eq3A_956 = arith.cmpi eq, %and3A_953, %eq3A_955 : vector<16x2048xi32>
    %and3A_957 = arith.constant 64 : i32
    %and3A_958 = vector.broadcast %and3A_957 : i32 to vector<16x2048xi32>
    %and3A_959 = arith.andi %iota3A, %and3A_958 : vector<16x2048xi32>
    %ne3A_960 = arith.constant 0 : i32
    %ne3A_961 = vector.broadcast %ne3A_960 : i32 to vector<16x2048xi32>
    %ne3A_962 = arith.cmpi ne, %and3A_959, %ne3A_961 : vector<16x2048xi32>
    %roll3A_963 = arith.constant 64 : i32
    %roll3A_964 = tpu.dynamic_rotate %select_n3A_949 by %roll3A_963 dim 1 : vector<16x2048xf32>, i32 -> vector<16x2048xf32>
    %roll3A_965 = arith.constant 1984 : i32
    %roll3A_966 = tpu.dynamic_rotate %select_n3A_949 by %roll3A_965 dim 1 : vector<16x2048xf32>, i32 -> vector<16x2048xf32>
    %select_n3A_967 = arith.select %ne3A_962, %roll3A_964, %roll3A_966 : vector<16x2048xi1>, vector<16x2048xf32>
    %roll3A_968 = arith.constant 64 : i32
    %roll3A_969 = tpu.dynamic_rotate %select_n3A_950 by %roll3A_968 dim 1 : vector<16x2048xi32>, i32 -> vector<16x2048xi32>
    %roll3A_970 = arith.constant 1984 : i32
    %roll3A_971 = tpu.dynamic_rotate %select_n3A_950 by %roll3A_970 dim 1 : vector<16x2048xi32>, i32 -> vector<16x2048xi32>
    %select_n3A_972 = arith.select %ne3A_962, %roll3A_969, %roll3A_971 : vector<16x2048xi1>, vector<16x2048xi32>
    %xor3A_973 = arith.xori %eq3A_956, %ne3A_962 : vector<16x2048xi1>
    %gt3A_974 = arith.cmpf ogt, %select_n3A_949, %select_n3A_967 : vector<16x2048xf32>
    %eq3A_975 = arith.cmpf oeq, %select_n3A_949, %select_n3A_967 : vector<16x2048xf32>
    %lt3A_976 = arith.cmpi slt, %select_n3A_950, %select_n3A_972 : vector<16x2048xi32>
    %and3A_977 = arith.andi %eq3A_975, %lt3A_976 : vector<16x2048xi1>
    %or3A_978 = arith.ori %gt3A_974, %and3A_977 : vector<16x2048xi1>
    %eq3A_979 = arith.xori %xor3A_973, %or3A_978 : vector<16x2048xi1>
    %eq3A_980 = arith.constant dense<true> : vector<16x2048xi1>
    %eq3A_981 = arith.xori %eq3A_979, %eq3A_980 : vector<16x2048xi1>
    %select_n3A_982 = arith.select %eq3A_981, %select_n3A_949, %select_n3A_967 : vector<16x2048xi1>, vector<16x2048xf32>
    %select_n3A_983 = arith.select %eq3A_981, %select_n3A_950, %select_n3A_972 : vector<16x2048xi1>, vector<16x2048xi32>
    %and3A_984 = arith.constant 256 : i32
    %and3A_985 = vector.broadcast %and3A_984 : i32 to vector<16x2048xi32>
    %and3A_986 = arith.andi %iota3A, %and3A_985 : vector<16x2048xi32>
    %eq3A_987 = arith.constant 0 : i32
    %eq3A_988 = vector.broadcast %eq3A_987 : i32 to vector<16x2048xi32>
    %eq3A_989 = arith.cmpi eq, %and3A_986, %eq3A_988 : vector<16x2048xi32>
    %and3A_990 = arith.constant 32 : i32
    %and3A_991 = vector.broadcast %and3A_990 : i32 to vector<16x2048xi32>
    %and3A_992 = arith.andi %iota3A, %and3A_991 : vector<16x2048xi32>
    %ne3A_993 = arith.constant 0 : i32
    %ne3A_994 = vector.broadcast %ne3A_993 : i32 to vector<16x2048xi32>
    %ne3A_995 = arith.cmpi ne, %and3A_992, %ne3A_994 : vector<16x2048xi32>
    %roll3A_996 = arith.constant 32 : i32
    %roll3A_997 = tpu.dynamic_rotate %select_n3A_982 by %roll3A_996 dim 1 : vector<16x2048xf32>, i32 -> vector<16x2048xf32>
    %roll3A_998 = arith.constant 2016 : i32
    %roll3A_999 = tpu.dynamic_rotate %select_n3A_982 by %roll3A_998 dim 1 : vector<16x2048xf32>, i32 -> vector<16x2048xf32>
    %select_n3A_1000 = arith.select %ne3A_995, %roll3A_997, %roll3A_999 : vector<16x2048xi1>, vector<16x2048xf32>
    %roll3A_1001 = arith.constant 32 : i32
    %roll3A_1002 = tpu.dynamic_rotate %select_n3A_983 by %roll3A_1001 dim 1 : vector<16x2048xi32>, i32 -> vector<16x2048xi32>
    %roll3A_1003 = arith.constant 2016 : i32
    %roll3A_1004 = tpu.dynamic_rotate %select_n3A_983 by %roll3A_1003 dim 1 : vector<16x2048xi32>, i32 -> vector<16x2048xi32>
    %select_n3A_1005 = arith.select %ne3A_995, %roll3A_1002, %roll3A_1004 : vector<16x2048xi1>, vector<16x2048xi32>
    %xor3A_1006 = arith.xori %eq3A_989, %ne3A_995 : vector<16x2048xi1>
    %gt3A_1007 = arith.cmpf ogt, %select_n3A_982, %select_n3A_1000 : vector<16x2048xf32>
    %eq3A_1008 = arith.cmpf oeq, %select_n3A_982, %select_n3A_1000 : vector<16x2048xf32>
    %lt3A_1009 = arith.cmpi slt, %select_n3A_983, %select_n3A_1005 : vector<16x2048xi32>
    %and3A_1010 = arith.andi %eq3A_1008, %lt3A_1009 : vector<16x2048xi1>
    %or3A_1011 = arith.ori %gt3A_1007, %and3A_1010 : vector<16x2048xi1>
    %eq3A_1012 = arith.xori %xor3A_1006, %or3A_1011 : vector<16x2048xi1>
    %eq3A_1013 = arith.constant dense<true> : vector<16x2048xi1>
    %eq3A_1014 = arith.xori %eq3A_1012, %eq3A_1013 : vector<16x2048xi1>
    %select_n3A_1015 = arith.select %eq3A_1014, %select_n3A_982, %select_n3A_1000 : vector<16x2048xi1>, vector<16x2048xf32>
    %select_n3A_1016 = arith.select %eq3A_1014, %select_n3A_983, %select_n3A_1005 : vector<16x2048xi1>, vector<16x2048xi32>
    %and3A_1017 = arith.constant 256 : i32
    %and3A_1018 = vector.broadcast %and3A_1017 : i32 to vector<16x2048xi32>
    %and3A_1019 = arith.andi %iota3A, %and3A_1018 : vector<16x2048xi32>
    %eq3A_1020 = arith.constant 0 : i32
    %eq3A_1021 = vector.broadcast %eq3A_1020 : i32 to vector<16x2048xi32>
    %eq3A_1022 = arith.cmpi eq, %and3A_1019, %eq3A_1021 : vector<16x2048xi32>
    %and3A_1023 = arith.constant 16 : i32
    %and3A_1024 = vector.broadcast %and3A_1023 : i32 to vector<16x2048xi32>
    %and3A_1025 = arith.andi %iota3A, %and3A_1024 : vector<16x2048xi32>
    %ne3A_1026 = arith.constant 0 : i32
    %ne3A_1027 = vector.broadcast %ne3A_1026 : i32 to vector<16x2048xi32>
    %ne3A_1028 = arith.cmpi ne, %and3A_1025, %ne3A_1027 : vector<16x2048xi32>
    %roll3A_1029 = arith.constant 16 : i32
    %roll3A_1030 = tpu.dynamic_rotate %select_n3A_1015 by %roll3A_1029 dim 1 : vector<16x2048xf32>, i32 -> vector<16x2048xf32>
    %roll3A_1031 = arith.constant 2032 : i32
    %roll3A_1032 = tpu.dynamic_rotate %select_n3A_1015 by %roll3A_1031 dim 1 : vector<16x2048xf32>, i32 -> vector<16x2048xf32>
    %select_n3A_1033 = arith.select %ne3A_1028, %roll3A_1030, %roll3A_1032 : vector<16x2048xi1>, vector<16x2048xf32>
    %roll3A_1034 = arith.constant 16 : i32
    %roll3A_1035 = tpu.dynamic_rotate %select_n3A_1016 by %roll3A_1034 dim 1 : vector<16x2048xi32>, i32 -> vector<16x2048xi32>
    %roll3A_1036 = arith.constant 2032 : i32
    %roll3A_1037 = tpu.dynamic_rotate %select_n3A_1016 by %roll3A_1036 dim 1 : vector<16x2048xi32>, i32 -> vector<16x2048xi32>
    %select_n3A_1038 = arith.select %ne3A_1028, %roll3A_1035, %roll3A_1037 : vector<16x2048xi1>, vector<16x2048xi32>
    %xor3A_1039 = arith.xori %eq3A_1022, %ne3A_1028 : vector<16x2048xi1>
    %gt3A_1040 = arith.cmpf ogt, %select_n3A_1015, %select_n3A_1033 : vector<16x2048xf32>
    %eq3A_1041 = arith.cmpf oeq, %select_n3A_1015, %select_n3A_1033 : vector<16x2048xf32>
    %lt3A_1042 = arith.cmpi slt, %select_n3A_1016, %select_n3A_1038 : vector<16x2048xi32>
    %and3A_1043 = arith.andi %eq3A_1041, %lt3A_1042 : vector<16x2048xi1>
    %or3A_1044 = arith.ori %gt3A_1040, %and3A_1043 : vector<16x2048xi1>
    %eq3A_1045 = arith.xori %xor3A_1039, %or3A_1044 : vector<16x2048xi1>
    %eq3A_1046 = arith.constant dense<true> : vector<16x2048xi1>
    %eq3A_1047 = arith.xori %eq3A_1045, %eq3A_1046 : vector<16x2048xi1>
    %select_n3A_1048 = arith.select %eq3A_1047, %select_n3A_1015, %select_n3A_1033 : vector<16x2048xi1>, vector<16x2048xf32>
    %select_n3A_1049 = arith.select %eq3A_1047, %select_n3A_1016, %select_n3A_1038 : vector<16x2048xi1>, vector<16x2048xi32>
    %and3A_1050 = arith.constant 256 : i32
    %and3A_1051 = vector.broadcast %and3A_1050 : i32 to vector<16x2048xi32>
    %and3A_1052 = arith.andi %iota3A, %and3A_1051 : vector<16x2048xi32>
    %eq3A_1053 = arith.constant 0 : i32
    %eq3A_1054 = vector.broadcast %eq3A_1053 : i32 to vector<16x2048xi32>
    %eq3A_1055 = arith.cmpi eq, %and3A_1052, %eq3A_1054 : vector<16x2048xi32>
    %and3A_1056 = arith.constant 8 : i32
    %and3A_1057 = vector.broadcast %and3A_1056 : i32 to vector<16x2048xi32>
    %and3A_1058 = arith.andi %iota3A, %and3A_1057 : vector<16x2048xi32>
    %ne3A_1059 = arith.constant 0 : i32
    %ne3A_1060 = vector.broadcast %ne3A_1059 : i32 to vector<16x2048xi32>
    %ne3A_1061 = arith.cmpi ne, %and3A_1058, %ne3A_1060 : vector<16x2048xi32>
    %roll3A_1062 = arith.constant 8 : i32
    %roll3A_1063 = tpu.dynamic_rotate %select_n3A_1048 by %roll3A_1062 dim 1 : vector<16x2048xf32>, i32 -> vector<16x2048xf32>
    %roll3A_1064 = arith.constant 2040 : i32
    %roll3A_1065 = tpu.dynamic_rotate %select_n3A_1048 by %roll3A_1064 dim 1 : vector<16x2048xf32>, i32 -> vector<16x2048xf32>
    %select_n3A_1066 = arith.select %ne3A_1061, %roll3A_1063, %roll3A_1065 : vector<16x2048xi1>, vector<16x2048xf32>
    %roll3A_1067 = arith.constant 8 : i32
    %roll3A_1068 = tpu.dynamic_rotate %select_n3A_1049 by %roll3A_1067 dim 1 : vector<16x2048xi32>, i32 -> vector<16x2048xi32>
    %roll3A_1069 = arith.constant 2040 : i32
    %roll3A_1070 = tpu.dynamic_rotate %select_n3A_1049 by %roll3A_1069 dim 1 : vector<16x2048xi32>, i32 -> vector<16x2048xi32>
    %select_n3A_1071 = arith.select %ne3A_1061, %roll3A_1068, %roll3A_1070 : vector<16x2048xi1>, vector<16x2048xi32>
    %xor3A_1072 = arith.xori %eq3A_1055, %ne3A_1061 : vector<16x2048xi1>
    %gt3A_1073 = arith.cmpf ogt, %select_n3A_1048, %select_n3A_1066 : vector<16x2048xf32>
    %eq3A_1074 = arith.cmpf oeq, %select_n3A_1048, %select_n3A_1066 : vector<16x2048xf32>
    %lt3A_1075 = arith.cmpi slt, %select_n3A_1049, %select_n3A_1071 : vector<16x2048xi32>
    %and3A_1076 = arith.andi %eq3A_1074, %lt3A_1075 : vector<16x2048xi1>
    %or3A_1077 = arith.ori %gt3A_1073, %and3A_1076 : vector<16x2048xi1>
    %eq3A_1078 = arith.xori %xor3A_1072, %or3A_1077 : vector<16x2048xi1>
    %eq3A_1079 = arith.constant dense<true> : vector<16x2048xi1>
    %eq3A_1080 = arith.xori %eq3A_1078, %eq3A_1079 : vector<16x2048xi1>
    %select_n3A_1081 = arith.select %eq3A_1080, %select_n3A_1048, %select_n3A_1066 : vector<16x2048xi1>, vector<16x2048xf32>
    %select_n3A_1082 = arith.select %eq3A_1080, %select_n3A_1049, %select_n3A_1071 : vector<16x2048xi1>, vector<16x2048xi32>
    %and3A_1083 = arith.constant 256 : i32
    %and3A_1084 = vector.broadcast %and3A_1083 : i32 to vector<16x2048xi32>
    %and3A_1085 = arith.andi %iota3A, %and3A_1084 : vector<16x2048xi32>
    %eq3A_1086 = arith.constant 0 : i32
    %eq3A_1087 = vector.broadcast %eq3A_1086 : i32 to vector<16x2048xi32>
    %eq3A_1088 = arith.cmpi eq, %and3A_1085, %eq3A_1087 : vector<16x2048xi32>
    %and3A_1089 = arith.constant 4 : i32
    %and3A_1090 = vector.broadcast %and3A_1089 : i32 to vector<16x2048xi32>
    %and3A_1091 = arith.andi %iota3A, %and3A_1090 : vector<16x2048xi32>
    %ne3A_1092 = arith.constant 0 : i32
    %ne3A_1093 = vector.broadcast %ne3A_1092 : i32 to vector<16x2048xi32>
    %ne3A_1094 = arith.cmpi ne, %and3A_1091, %ne3A_1093 : vector<16x2048xi32>
    %roll3A_1095 = arith.constant 4 : i32
    %roll3A_1096 = tpu.dynamic_rotate %select_n3A_1081 by %roll3A_1095 dim 1 : vector<16x2048xf32>, i32 -> vector<16x2048xf32>
    %roll3A_1097 = arith.constant 2044 : i32
    %roll3A_1098 = tpu.dynamic_rotate %select_n3A_1081 by %roll3A_1097 dim 1 : vector<16x2048xf32>, i32 -> vector<16x2048xf32>
    %select_n3A_1099 = arith.select %ne3A_1094, %roll3A_1096, %roll3A_1098 : vector<16x2048xi1>, vector<16x2048xf32>
    %roll3A_1100 = arith.constant 4 : i32
    %roll3A_1101 = tpu.dynamic_rotate %select_n3A_1082 by %roll3A_1100 dim 1 : vector<16x2048xi32>, i32 -> vector<16x2048xi32>
    %roll3A_1102 = arith.constant 2044 : i32
    %roll3A_1103 = tpu.dynamic_rotate %select_n3A_1082 by %roll3A_1102 dim 1 : vector<16x2048xi32>, i32 -> vector<16x2048xi32>
    %select_n3A_1104 = arith.select %ne3A_1094, %roll3A_1101, %roll3A_1103 : vector<16x2048xi1>, vector<16x2048xi32>
    %xor3A_1105 = arith.xori %eq3A_1088, %ne3A_1094 : vector<16x2048xi1>
    %gt3A_1106 = arith.cmpf ogt, %select_n3A_1081, %select_n3A_1099 : vector<16x2048xf32>
    %eq3A_1107 = arith.cmpf oeq, %select_n3A_1081, %select_n3A_1099 : vector<16x2048xf32>
    %lt3A_1108 = arith.cmpi slt, %select_n3A_1082, %select_n3A_1104 : vector<16x2048xi32>
    %and3A_1109 = arith.andi %eq3A_1107, %lt3A_1108 : vector<16x2048xi1>
    %or3A_1110 = arith.ori %gt3A_1106, %and3A_1109 : vector<16x2048xi1>
    %eq3A_1111 = arith.xori %xor3A_1105, %or3A_1110 : vector<16x2048xi1>
    %eq3A_1112 = arith.constant dense<true> : vector<16x2048xi1>
    %eq3A_1113 = arith.xori %eq3A_1111, %eq3A_1112 : vector<16x2048xi1>
    %select_n3A_1114 = arith.select %eq3A_1113, %select_n3A_1081, %select_n3A_1099 : vector<16x2048xi1>, vector<16x2048xf32>
    %select_n3A_1115 = arith.select %eq3A_1113, %select_n3A_1082, %select_n3A_1104 : vector<16x2048xi1>, vector<16x2048xi32>
    %and3A_1116 = arith.constant 256 : i32
    %and3A_1117 = vector.broadcast %and3A_1116 : i32 to vector<16x2048xi32>
    %and3A_1118 = arith.andi %iota3A, %and3A_1117 : vector<16x2048xi32>
    %eq3A_1119 = arith.constant 0 : i32
    %eq3A_1120 = vector.broadcast %eq3A_1119 : i32 to vector<16x2048xi32>
    %eq3A_1121 = arith.cmpi eq, %and3A_1118, %eq3A_1120 : vector<16x2048xi32>
    %and3A_1122 = arith.constant 2 : i32
    %and3A_1123 = vector.broadcast %and3A_1122 : i32 to vector<16x2048xi32>
    %and3A_1124 = arith.andi %iota3A, %and3A_1123 : vector<16x2048xi32>
    %ne3A_1125 = arith.constant 0 : i32
    %ne3A_1126 = vector.broadcast %ne3A_1125 : i32 to vector<16x2048xi32>
    %ne3A_1127 = arith.cmpi ne, %and3A_1124, %ne3A_1126 : vector<16x2048xi32>
    %roll3A_1128 = arith.constant 2 : i32
    %roll3A_1129 = tpu.dynamic_rotate %select_n3A_1114 by %roll3A_1128 dim 1 : vector<16x2048xf32>, i32 -> vector<16x2048xf32>
    %roll3A_1130 = arith.constant 2046 : i32
    %roll3A_1131 = tpu.dynamic_rotate %select_n3A_1114 by %roll3A_1130 dim 1 : vector<16x2048xf32>, i32 -> vector<16x2048xf32>
    %select_n3A_1132 = arith.select %ne3A_1127, %roll3A_1129, %roll3A_1131 : vector<16x2048xi1>, vector<16x2048xf32>
    %roll3A_1133 = arith.constant 2 : i32
    %roll3A_1134 = tpu.dynamic_rotate %select_n3A_1115 by %roll3A_1133 dim 1 : vector<16x2048xi32>, i32 -> vector<16x2048xi32>
    %roll3A_1135 = arith.constant 2046 : i32
    %roll3A_1136 = tpu.dynamic_rotate %select_n3A_1115 by %roll3A_1135 dim 1 : vector<16x2048xi32>, i32 -> vector<16x2048xi32>
    %select_n3A_1137 = arith.select %ne3A_1127, %roll3A_1134, %roll3A_1136 : vector<16x2048xi1>, vector<16x2048xi32>
    %xor3A_1138 = arith.xori %eq3A_1121, %ne3A_1127 : vector<16x2048xi1>
    %gt3A_1139 = arith.cmpf ogt, %select_n3A_1114, %select_n3A_1132 : vector<16x2048xf32>
    %eq3A_1140 = arith.cmpf oeq, %select_n3A_1114, %select_n3A_1132 : vector<16x2048xf32>
    %lt3A_1141 = arith.cmpi slt, %select_n3A_1115, %select_n3A_1137 : vector<16x2048xi32>
    %and3A_1142 = arith.andi %eq3A_1140, %lt3A_1141 : vector<16x2048xi1>
    %or3A_1143 = arith.ori %gt3A_1139, %and3A_1142 : vector<16x2048xi1>
    %eq3A_1144 = arith.xori %xor3A_1138, %or3A_1143 : vector<16x2048xi1>
    %eq3A_1145 = arith.constant dense<true> : vector<16x2048xi1>
    %eq3A_1146 = arith.xori %eq3A_1144, %eq3A_1145 : vector<16x2048xi1>
    %select_n3A_1147 = arith.select %eq3A_1146, %select_n3A_1114, %select_n3A_1132 : vector<16x2048xi1>, vector<16x2048xf32>
    %select_n3A_1148 = arith.select %eq3A_1146, %select_n3A_1115, %select_n3A_1137 : vector<16x2048xi1>, vector<16x2048xi32>
    %and3A_1149 = arith.constant 256 : i32
    %and3A_1150 = vector.broadcast %and3A_1149 : i32 to vector<16x2048xi32>
    %and3A_1151 = arith.andi %iota3A, %and3A_1150 : vector<16x2048xi32>
    %eq3A_1152 = arith.constant 0 : i32
    %eq3A_1153 = vector.broadcast %eq3A_1152 : i32 to vector<16x2048xi32>
    %eq3A_1154 = arith.cmpi eq, %and3A_1151, %eq3A_1153 : vector<16x2048xi32>
    %and3A_1155 = arith.constant 1 : i32
    %and3A_1156 = vector.broadcast %and3A_1155 : i32 to vector<16x2048xi32>
    %and3A_1157 = arith.andi %iota3A, %and3A_1156 : vector<16x2048xi32>
    %ne3A_1158 = arith.constant 0 : i32
    %ne3A_1159 = vector.broadcast %ne3A_1158 : i32 to vector<16x2048xi32>
    %ne3A_1160 = arith.cmpi ne, %and3A_1157, %ne3A_1159 : vector<16x2048xi32>
    %roll3A_1161 = arith.constant 1 : i32
    %roll3A_1162 = tpu.dynamic_rotate %select_n3A_1147 by %roll3A_1161 dim 1 : vector<16x2048xf32>, i32 -> vector<16x2048xf32>
    %roll3A_1163 = arith.constant 2047 : i32
    %roll3A_1164 = tpu.dynamic_rotate %select_n3A_1147 by %roll3A_1163 dim 1 : vector<16x2048xf32>, i32 -> vector<16x2048xf32>
    %select_n3A_1165 = arith.select %ne3A_1160, %roll3A_1162, %roll3A_1164 : vector<16x2048xi1>, vector<16x2048xf32>
    %roll3A_1166 = arith.constant 1 : i32
    %roll3A_1167 = tpu.dynamic_rotate %select_n3A_1148 by %roll3A_1166 dim 1 : vector<16x2048xi32>, i32 -> vector<16x2048xi32>
    %roll3A_1168 = arith.constant 2047 : i32
    %roll3A_1169 = tpu.dynamic_rotate %select_n3A_1148 by %roll3A_1168 dim 1 : vector<16x2048xi32>, i32 -> vector<16x2048xi32>
    %select_n3A_1170 = arith.select %ne3A_1160, %roll3A_1167, %roll3A_1169 : vector<16x2048xi1>, vector<16x2048xi32>
    %xor3A_1171 = arith.xori %eq3A_1154, %ne3A_1160 : vector<16x2048xi1>
    %gt3A_1172 = arith.cmpf ogt, %select_n3A_1147, %select_n3A_1165 : vector<16x2048xf32>
    %eq3A_1173 = arith.cmpf oeq, %select_n3A_1147, %select_n3A_1165 : vector<16x2048xf32>
    %lt3A_1174 = arith.cmpi slt, %select_n3A_1148, %select_n3A_1170 : vector<16x2048xi32>
    %and3A_1175 = arith.andi %eq3A_1173, %lt3A_1174 : vector<16x2048xi1>
    %or3A_1176 = arith.ori %gt3A_1172, %and3A_1175 : vector<16x2048xi1>
    %eq3A_1177 = arith.xori %xor3A_1171, %or3A_1176 : vector<16x2048xi1>
    %eq3A_1178 = arith.constant dense<true> : vector<16x2048xi1>
    %eq3A_1179 = arith.xori %eq3A_1177, %eq3A_1178 : vector<16x2048xi1>
    %select_n3A_1180 = arith.select %eq3A_1179, %select_n3A_1147, %select_n3A_1165 : vector<16x2048xi1>, vector<16x2048xf32>
    %select_n3A_1181 = arith.select %eq3A_1179, %select_n3A_1148, %select_n3A_1170 : vector<16x2048xi1>, vector<16x2048xi32>
    %and3A_1182 = arith.constant 512 : i32
    %and3A_1183 = vector.broadcast %and3A_1182 : i32 to vector<16x2048xi32>
    %and3A_1184 = arith.andi %iota3A, %and3A_1183 : vector<16x2048xi32>
    %eq3A_1185 = arith.constant 0 : i32
    %eq3A_1186 = vector.broadcast %eq3A_1185 : i32 to vector<16x2048xi32>
    %eq3A_1187 = arith.cmpi eq, %and3A_1184, %eq3A_1186 : vector<16x2048xi32>
    %and3A_1188 = arith.constant 256 : i32
    %and3A_1189 = vector.broadcast %and3A_1188 : i32 to vector<16x2048xi32>
    %and3A_1190 = arith.andi %iota3A, %and3A_1189 : vector<16x2048xi32>
    %ne3A_1191 = arith.constant 0 : i32
    %ne3A_1192 = vector.broadcast %ne3A_1191 : i32 to vector<16x2048xi32>
    %ne3A_1193 = arith.cmpi ne, %and3A_1190, %ne3A_1192 : vector<16x2048xi32>
    %roll3A_1194 = arith.constant 256 : i32
    %roll3A_1195 = tpu.dynamic_rotate %select_n3A_1180 by %roll3A_1194 dim 1 : vector<16x2048xf32>, i32 -> vector<16x2048xf32>
    %roll3A_1196 = arith.constant 1792 : i32
    %roll3A_1197 = tpu.dynamic_rotate %select_n3A_1180 by %roll3A_1196 dim 1 : vector<16x2048xf32>, i32 -> vector<16x2048xf32>
    %select_n3A_1198 = arith.select %ne3A_1193, %roll3A_1195, %roll3A_1197 : vector<16x2048xi1>, vector<16x2048xf32>
    %roll3A_1199 = arith.constant 256 : i32
    %roll3A_1200 = tpu.dynamic_rotate %select_n3A_1181 by %roll3A_1199 dim 1 : vector<16x2048xi32>, i32 -> vector<16x2048xi32>
    %roll3A_1201 = arith.constant 1792 : i32
    %roll3A_1202 = tpu.dynamic_rotate %select_n3A_1181 by %roll3A_1201 dim 1 : vector<16x2048xi32>, i32 -> vector<16x2048xi32>
    %select_n3A_1203 = arith.select %ne3A_1193, %roll3A_1200, %roll3A_1202 : vector<16x2048xi1>, vector<16x2048xi32>
    %xor3A_1204 = arith.xori %eq3A_1187, %ne3A_1193 : vector<16x2048xi1>
    %gt3A_1205 = arith.cmpf ogt, %select_n3A_1180, %select_n3A_1198 : vector<16x2048xf32>
    %eq3A_1206 = arith.cmpf oeq, %select_n3A_1180, %select_n3A_1198 : vector<16x2048xf32>
    %lt3A_1207 = arith.cmpi slt, %select_n3A_1181, %select_n3A_1203 : vector<16x2048xi32>
    %and3A_1208 = arith.andi %eq3A_1206, %lt3A_1207 : vector<16x2048xi1>
    %or3A_1209 = arith.ori %gt3A_1205, %and3A_1208 : vector<16x2048xi1>
    %eq3A_1210 = arith.xori %xor3A_1204, %or3A_1209 : vector<16x2048xi1>
    %eq3A_1211 = arith.constant dense<true> : vector<16x2048xi1>
    %eq3A_1212 = arith.xori %eq3A_1210, %eq3A_1211 : vector<16x2048xi1>
    %select_n3A_1213 = arith.select %eq3A_1212, %select_n3A_1180, %select_n3A_1198 : vector<16x2048xi1>, vector<16x2048xf32>
    %select_n3A_1214 = arith.select %eq3A_1212, %select_n3A_1181, %select_n3A_1203 : vector<16x2048xi1>, vector<16x2048xi32>
    %and3A_1215 = arith.constant 512 : i32
    %and3A_1216 = vector.broadcast %and3A_1215 : i32 to vector<16x2048xi32>
    %and3A_1217 = arith.andi %iota3A, %and3A_1216 : vector<16x2048xi32>
    %eq3A_1218 = arith.constant 0 : i32
    %eq3A_1219 = vector.broadcast %eq3A_1218 : i32 to vector<16x2048xi32>
    %eq3A_1220 = arith.cmpi eq, %and3A_1217, %eq3A_1219 : vector<16x2048xi32>
    %and3A_1221 = arith.constant 128 : i32
    %and3A_1222 = vector.broadcast %and3A_1221 : i32 to vector<16x2048xi32>
    %and3A_1223 = arith.andi %iota3A, %and3A_1222 : vector<16x2048xi32>
    %ne3A_1224 = arith.constant 0 : i32
    %ne3A_1225 = vector.broadcast %ne3A_1224 : i32 to vector<16x2048xi32>
    %ne3A_1226 = arith.cmpi ne, %and3A_1223, %ne3A_1225 : vector<16x2048xi32>
    %roll3A_1227 = arith.constant 128 : i32
    %roll3A_1228 = tpu.dynamic_rotate %select_n3A_1213 by %roll3A_1227 dim 1 : vector<16x2048xf32>, i32 -> vector<16x2048xf32>
    %roll3A_1229 = arith.constant 1920 : i32
    %roll3A_1230 = tpu.dynamic_rotate %select_n3A_1213 by %roll3A_1229 dim 1 : vector<16x2048xf32>, i32 -> vector<16x2048xf32>
    %select_n3A_1231 = arith.select %ne3A_1226, %roll3A_1228, %roll3A_1230 : vector<16x2048xi1>, vector<16x2048xf32>
    %roll3A_1232 = arith.constant 128 : i32
    %roll3A_1233 = tpu.dynamic_rotate %select_n3A_1214 by %roll3A_1232 dim 1 : vector<16x2048xi32>, i32 -> vector<16x2048xi32>
    %roll3A_1234 = arith.constant 1920 : i32
    %roll3A_1235 = tpu.dynamic_rotate %select_n3A_1214 by %roll3A_1234 dim 1 : vector<16x2048xi32>, i32 -> vector<16x2048xi32>
    %select_n3A_1236 = arith.select %ne3A_1226, %roll3A_1233, %roll3A_1235 : vector<16x2048xi1>, vector<16x2048xi32>
    %xor3A_1237 = arith.xori %eq3A_1220, %ne3A_1226 : vector<16x2048xi1>
    %gt3A_1238 = arith.cmpf ogt, %select_n3A_1213, %select_n3A_1231 : vector<16x2048xf32>
    %eq3A_1239 = arith.cmpf oeq, %select_n3A_1213, %select_n3A_1231 : vector<16x2048xf32>
    %lt3A_1240 = arith.cmpi slt, %select_n3A_1214, %select_n3A_1236 : vector<16x2048xi32>
    %and3A_1241 = arith.andi %eq3A_1239, %lt3A_1240 : vector<16x2048xi1>
    %or3A_1242 = arith.ori %gt3A_1238, %and3A_1241 : vector<16x2048xi1>
    %eq3A_1243 = arith.xori %xor3A_1237, %or3A_1242 : vector<16x2048xi1>
    %eq3A_1244 = arith.constant dense<true> : vector<16x2048xi1>
    %eq3A_1245 = arith.xori %eq3A_1243, %eq3A_1244 : vector<16x2048xi1>
    %select_n3A_1246 = arith.select %eq3A_1245, %select_n3A_1213, %select_n3A_1231 : vector<16x2048xi1>, vector<16x2048xf32>
    %select_n3A_1247 = arith.select %eq3A_1245, %select_n3A_1214, %select_n3A_1236 : vector<16x2048xi1>, vector<16x2048xi32>
    %and3A_1248 = arith.constant 512 : i32
    %and3A_1249 = vector.broadcast %and3A_1248 : i32 to vector<16x2048xi32>
    %and3A_1250 = arith.andi %iota3A, %and3A_1249 : vector<16x2048xi32>
    %eq3A_1251 = arith.constant 0 : i32
    %eq3A_1252 = vector.broadcast %eq3A_1251 : i32 to vector<16x2048xi32>
    %eq3A_1253 = arith.cmpi eq, %and3A_1250, %eq3A_1252 : vector<16x2048xi32>
    %and3A_1254 = arith.constant 64 : i32
    %and3A_1255 = vector.broadcast %and3A_1254 : i32 to vector<16x2048xi32>
    %and3A_1256 = arith.andi %iota3A, %and3A_1255 : vector<16x2048xi32>
    %ne3A_1257 = arith.constant 0 : i32
    %ne3A_1258 = vector.broadcast %ne3A_1257 : i32 to vector<16x2048xi32>
    %ne3A_1259 = arith.cmpi ne, %and3A_1256, %ne3A_1258 : vector<16x2048xi32>
    %roll3A_1260 = arith.constant 64 : i32
    %roll3A_1261 = tpu.dynamic_rotate %select_n3A_1246 by %roll3A_1260 dim 1 : vector<16x2048xf32>, i32 -> vector<16x2048xf32>
    %roll3A_1262 = arith.constant 1984 : i32
    %roll3A_1263 = tpu.dynamic_rotate %select_n3A_1246 by %roll3A_1262 dim 1 : vector<16x2048xf32>, i32 -> vector<16x2048xf32>
    %select_n3A_1264 = arith.select %ne3A_1259, %roll3A_1261, %roll3A_1263 : vector<16x2048xi1>, vector<16x2048xf32>
    %roll3A_1265 = arith.constant 64 : i32
    %roll3A_1266 = tpu.dynamic_rotate %select_n3A_1247 by %roll3A_1265 dim 1 : vector<16x2048xi32>, i32 -> vector<16x2048xi32>
    %roll3A_1267 = arith.constant 1984 : i32
    %roll3A_1268 = tpu.dynamic_rotate %select_n3A_1247 by %roll3A_1267 dim 1 : vector<16x2048xi32>, i32 -> vector<16x2048xi32>
    %select_n3A_1269 = arith.select %ne3A_1259, %roll3A_1266, %roll3A_1268 : vector<16x2048xi1>, vector<16x2048xi32>
    %xor3A_1270 = arith.xori %eq3A_1253, %ne3A_1259 : vector<16x2048xi1>
    %gt3A_1271 = arith.cmpf ogt, %select_n3A_1246, %select_n3A_1264 : vector<16x2048xf32>
    %eq3A_1272 = arith.cmpf oeq, %select_n3A_1246, %select_n3A_1264 : vector<16x2048xf32>
    %lt3A_1273 = arith.cmpi slt, %select_n3A_1247, %select_n3A_1269 : vector<16x2048xi32>
    %and3A_1274 = arith.andi %eq3A_1272, %lt3A_1273 : vector<16x2048xi1>
    %or3A_1275 = arith.ori %gt3A_1271, %and3A_1274 : vector<16x2048xi1>
    %eq3A_1276 = arith.xori %xor3A_1270, %or3A_1275 : vector<16x2048xi1>
    %eq3A_1277 = arith.constant dense<true> : vector<16x2048xi1>
    %eq3A_1278 = arith.xori %eq3A_1276, %eq3A_1277 : vector<16x2048xi1>
    %select_n3A_1279 = arith.select %eq3A_1278, %select_n3A_1246, %select_n3A_1264 : vector<16x2048xi1>, vector<16x2048xf32>
    %select_n3A_1280 = arith.select %eq3A_1278, %select_n3A_1247, %select_n3A_1269 : vector<16x2048xi1>, vector<16x2048xi32>
    %and3A_1281 = arith.constant 512 : i32
    %and3A_1282 = vector.broadcast %and3A_1281 : i32 to vector<16x2048xi32>
    %and3A_1283 = arith.andi %iota3A, %and3A_1282 : vector<16x2048xi32>
    %eq3A_1284 = arith.constant 0 : i32
    %eq3A_1285 = vector.broadcast %eq3A_1284 : i32 to vector<16x2048xi32>
    %eq3A_1286 = arith.cmpi eq, %and3A_1283, %eq3A_1285 : vector<16x2048xi32>
    %and3A_1287 = arith.constant 32 : i32
    %and3A_1288 = vector.broadcast %and3A_1287 : i32 to vector<16x2048xi32>
    %and3A_1289 = arith.andi %iota3A, %and3A_1288 : vector<16x2048xi32>
    %ne3A_1290 = arith.constant 0 : i32
    %ne3A_1291 = vector.broadcast %ne3A_1290 : i32 to vector<16x2048xi32>
    %ne3A_1292 = arith.cmpi ne, %and3A_1289, %ne3A_1291 : vector<16x2048xi32>
    %roll3A_1293 = arith.constant 32 : i32
    %roll3A_1294 = tpu.dynamic_rotate %select_n3A_1279 by %roll3A_1293 dim 1 : vector<16x2048xf32>, i32 -> vector<16x2048xf32>
    %roll3A_1295 = arith.constant 2016 : i32
    %roll3A_1296 = tpu.dynamic_rotate %select_n3A_1279 by %roll3A_1295 dim 1 : vector<16x2048xf32>, i32 -> vector<16x2048xf32>
    %select_n3A_1297 = arith.select %ne3A_1292, %roll3A_1294, %roll3A_1296 : vector<16x2048xi1>, vector<16x2048xf32>
    %roll3A_1298 = arith.constant 32 : i32
    %roll3A_1299 = tpu.dynamic_rotate %select_n3A_1280 by %roll3A_1298 dim 1 : vector<16x2048xi32>, i32 -> vector<16x2048xi32>
    %roll3A_1300 = arith.constant 2016 : i32
    %roll3A_1301 = tpu.dynamic_rotate %select_n3A_1280 by %roll3A_1300 dim 1 : vector<16x2048xi32>, i32 -> vector<16x2048xi32>
    %select_n3A_1302 = arith.select %ne3A_1292, %roll3A_1299, %roll3A_1301 : vector<16x2048xi1>, vector<16x2048xi32>
    %xor3A_1303 = arith.xori %eq3A_1286, %ne3A_1292 : vector<16x2048xi1>
    %gt3A_1304 = arith.cmpf ogt, %select_n3A_1279, %select_n3A_1297 : vector<16x2048xf32>
    %eq3A_1305 = arith.cmpf oeq, %select_n3A_1279, %select_n3A_1297 : vector<16x2048xf32>
    %lt3A_1306 = arith.cmpi slt, %select_n3A_1280, %select_n3A_1302 : vector<16x2048xi32>
    %and3A_1307 = arith.andi %eq3A_1305, %lt3A_1306 : vector<16x2048xi1>
    %or3A_1308 = arith.ori %gt3A_1304, %and3A_1307 : vector<16x2048xi1>
    %eq3A_1309 = arith.xori %xor3A_1303, %or3A_1308 : vector<16x2048xi1>
    %eq3A_1310 = arith.constant dense<true> : vector<16x2048xi1>
    %eq3A_1311 = arith.xori %eq3A_1309, %eq3A_1310 : vector<16x2048xi1>
    %select_n3A_1312 = arith.select %eq3A_1311, %select_n3A_1279, %select_n3A_1297 : vector<16x2048xi1>, vector<16x2048xf32>
    %select_n3A_1313 = arith.select %eq3A_1311, %select_n3A_1280, %select_n3A_1302 : vector<16x2048xi1>, vector<16x2048xi32>
    %and3A_1314 = arith.constant 512 : i32
    %and3A_1315 = vector.broadcast %and3A_1314 : i32 to vector<16x2048xi32>
    %and3A_1316 = arith.andi %iota3A, %and3A_1315 : vector<16x2048xi32>
    %eq3A_1317 = arith.constant 0 : i32
    %eq3A_1318 = vector.broadcast %eq3A_1317 : i32 to vector<16x2048xi32>
    %eq3A_1319 = arith.cmpi eq, %and3A_1316, %eq3A_1318 : vector<16x2048xi32>
    %and3A_1320 = arith.constant 16 : i32
    %and3A_1321 = vector.broadcast %and3A_1320 : i32 to vector<16x2048xi32>
    %and3A_1322 = arith.andi %iota3A, %and3A_1321 : vector<16x2048xi32>
    %ne3A_1323 = arith.constant 0 : i32
    %ne3A_1324 = vector.broadcast %ne3A_1323 : i32 to vector<16x2048xi32>
    %ne3A_1325 = arith.cmpi ne, %and3A_1322, %ne3A_1324 : vector<16x2048xi32>
    %roll3A_1326 = arith.constant 16 : i32
    %roll3A_1327 = tpu.dynamic_rotate %select_n3A_1312 by %roll3A_1326 dim 1 : vector<16x2048xf32>, i32 -> vector<16x2048xf32>
    %roll3A_1328 = arith.constant 2032 : i32
    %roll3A_1329 = tpu.dynamic_rotate %select_n3A_1312 by %roll3A_1328 dim 1 : vector<16x2048xf32>, i32 -> vector<16x2048xf32>
    %select_n3A_1330 = arith.select %ne3A_1325, %roll3A_1327, %roll3A_1329 : vector<16x2048xi1>, vector<16x2048xf32>
    %roll3A_1331 = arith.constant 16 : i32
    %roll3A_1332 = tpu.dynamic_rotate %select_n3A_1313 by %roll3A_1331 dim 1 : vector<16x2048xi32>, i32 -> vector<16x2048xi32>
    %roll3A_1333 = arith.constant 2032 : i32
    %roll3A_1334 = tpu.dynamic_rotate %select_n3A_1313 by %roll3A_1333 dim 1 : vector<16x2048xi32>, i32 -> vector<16x2048xi32>
    %select_n3A_1335 = arith.select %ne3A_1325, %roll3A_1332, %roll3A_1334 : vector<16x2048xi1>, vector<16x2048xi32>
    %xor3A_1336 = arith.xori %eq3A_1319, %ne3A_1325 : vector<16x2048xi1>
    %gt3A_1337 = arith.cmpf ogt, %select_n3A_1312, %select_n3A_1330 : vector<16x2048xf32>
    %eq3A_1338 = arith.cmpf oeq, %select_n3A_1312, %select_n3A_1330 : vector<16x2048xf32>
    %lt3A_1339 = arith.cmpi slt, %select_n3A_1313, %select_n3A_1335 : vector<16x2048xi32>
    %and3A_1340 = arith.andi %eq3A_1338, %lt3A_1339 : vector<16x2048xi1>
    %or3A_1341 = arith.ori %gt3A_1337, %and3A_1340 : vector<16x2048xi1>
    %eq3A_1342 = arith.xori %xor3A_1336, %or3A_1341 : vector<16x2048xi1>
    %eq3A_1343 = arith.constant dense<true> : vector<16x2048xi1>
    %eq3A_1344 = arith.xori %eq3A_1342, %eq3A_1343 : vector<16x2048xi1>
    %select_n3A_1345 = arith.select %eq3A_1344, %select_n3A_1312, %select_n3A_1330 : vector<16x2048xi1>, vector<16x2048xf32>
    %select_n3A_1346 = arith.select %eq3A_1344, %select_n3A_1313, %select_n3A_1335 : vector<16x2048xi1>, vector<16x2048xi32>
    %and3A_1347 = arith.constant 512 : i32
    %and3A_1348 = vector.broadcast %and3A_1347 : i32 to vector<16x2048xi32>
    %and3A_1349 = arith.andi %iota3A, %and3A_1348 : vector<16x2048xi32>
    %eq3A_1350 = arith.constant 0 : i32
    %eq3A_1351 = vector.broadcast %eq3A_1350 : i32 to vector<16x2048xi32>
    %eq3A_1352 = arith.cmpi eq, %and3A_1349, %eq3A_1351 : vector<16x2048xi32>
    %and3A_1353 = arith.constant 8 : i32
    %and3A_1354 = vector.broadcast %and3A_1353 : i32 to vector<16x2048xi32>
    %and3A_1355 = arith.andi %iota3A, %and3A_1354 : vector<16x2048xi32>
    %ne3A_1356 = arith.constant 0 : i32
    %ne3A_1357 = vector.broadcast %ne3A_1356 : i32 to vector<16x2048xi32>
    %ne3A_1358 = arith.cmpi ne, %and3A_1355, %ne3A_1357 : vector<16x2048xi32>
    %roll3A_1359 = arith.constant 8 : i32
    %roll3A_1360 = tpu.dynamic_rotate %select_n3A_1345 by %roll3A_1359 dim 1 : vector<16x2048xf32>, i32 -> vector<16x2048xf32>
    %roll3A_1361 = arith.constant 2040 : i32
    %roll3A_1362 = tpu.dynamic_rotate %select_n3A_1345 by %roll3A_1361 dim 1 : vector<16x2048xf32>, i32 -> vector<16x2048xf32>
    %select_n3A_1363 = arith.select %ne3A_1358, %roll3A_1360, %roll3A_1362 : vector<16x2048xi1>, vector<16x2048xf32>
    %roll3A_1364 = arith.constant 8 : i32
    %roll3A_1365 = tpu.dynamic_rotate %select_n3A_1346 by %roll3A_1364 dim 1 : vector<16x2048xi32>, i32 -> vector<16x2048xi32>
    %roll3A_1366 = arith.constant 2040 : i32
    %roll3A_1367 = tpu.dynamic_rotate %select_n3A_1346 by %roll3A_1366 dim 1 : vector<16x2048xi32>, i32 -> vector<16x2048xi32>
    %select_n3A_1368 = arith.select %ne3A_1358, %roll3A_1365, %roll3A_1367 : vector<16x2048xi1>, vector<16x2048xi32>
    %xor3A_1369 = arith.xori %eq3A_1352, %ne3A_1358 : vector<16x2048xi1>
    %gt3A_1370 = arith.cmpf ogt, %select_n3A_1345, %select_n3A_1363 : vector<16x2048xf32>
    %eq3A_1371 = arith.cmpf oeq, %select_n3A_1345, %select_n3A_1363 : vector<16x2048xf32>
    %lt3A_1372 = arith.cmpi slt, %select_n3A_1346, %select_n3A_1368 : vector<16x2048xi32>
    %and3A_1373 = arith.andi %eq3A_1371, %lt3A_1372 : vector<16x2048xi1>
    %or3A_1374 = arith.ori %gt3A_1370, %and3A_1373 : vector<16x2048xi1>
    %eq3A_1375 = arith.xori %xor3A_1369, %or3A_1374 : vector<16x2048xi1>
    %eq3A_1376 = arith.constant dense<true> : vector<16x2048xi1>
    %eq3A_1377 = arith.xori %eq3A_1375, %eq3A_1376 : vector<16x2048xi1>
    %select_n3A_1378 = arith.select %eq3A_1377, %select_n3A_1345, %select_n3A_1363 : vector<16x2048xi1>, vector<16x2048xf32>
    %select_n3A_1379 = arith.select %eq3A_1377, %select_n3A_1346, %select_n3A_1368 : vector<16x2048xi1>, vector<16x2048xi32>
    %and3A_1380 = arith.constant 512 : i32
    %and3A_1381 = vector.broadcast %and3A_1380 : i32 to vector<16x2048xi32>
    %and3A_1382 = arith.andi %iota3A, %and3A_1381 : vector<16x2048xi32>
    %eq3A_1383 = arith.constant 0 : i32
    %eq3A_1384 = vector.broadcast %eq3A_1383 : i32 to vector<16x2048xi32>
    %eq3A_1385 = arith.cmpi eq, %and3A_1382, %eq3A_1384 : vector<16x2048xi32>
    %and3A_1386 = arith.constant 4 : i32
    %and3A_1387 = vector.broadcast %and3A_1386 : i32 to vector<16x2048xi32>
    %and3A_1388 = arith.andi %iota3A, %and3A_1387 : vector<16x2048xi32>
    %ne3A_1389 = arith.constant 0 : i32
    %ne3A_1390 = vector.broadcast %ne3A_1389 : i32 to vector<16x2048xi32>
    %ne3A_1391 = arith.cmpi ne, %and3A_1388, %ne3A_1390 : vector<16x2048xi32>
    %roll3A_1392 = arith.constant 4 : i32
    %roll3A_1393 = tpu.dynamic_rotate %select_n3A_1378 by %roll3A_1392 dim 1 : vector<16x2048xf32>, i32 -> vector<16x2048xf32>
    %roll3A_1394 = arith.constant 2044 : i32
    %roll3A_1395 = tpu.dynamic_rotate %select_n3A_1378 by %roll3A_1394 dim 1 : vector<16x2048xf32>, i32 -> vector<16x2048xf32>
    %select_n3A_1396 = arith.select %ne3A_1391, %roll3A_1393, %roll3A_1395 : vector<16x2048xi1>, vector<16x2048xf32>
    %roll3A_1397 = arith.constant 4 : i32
    %roll3A_1398 = tpu.dynamic_rotate %select_n3A_1379 by %roll3A_1397 dim 1 : vector<16x2048xi32>, i32 -> vector<16x2048xi32>
    %roll3A_1399 = arith.constant 2044 : i32
    %roll3A_1400 = tpu.dynamic_rotate %select_n3A_1379 by %roll3A_1399 dim 1 : vector<16x2048xi32>, i32 -> vector<16x2048xi32>
    %select_n3A_1401 = arith.select %ne3A_1391, %roll3A_1398, %roll3A_1400 : vector<16x2048xi1>, vector<16x2048xi32>
    %xor3A_1402 = arith.xori %eq3A_1385, %ne3A_1391 : vector<16x2048xi1>
    %gt3A_1403 = arith.cmpf ogt, %select_n3A_1378, %select_n3A_1396 : vector<16x2048xf32>
    %eq3A_1404 = arith.cmpf oeq, %select_n3A_1378, %select_n3A_1396 : vector<16x2048xf32>
    %lt3A_1405 = arith.cmpi slt, %select_n3A_1379, %select_n3A_1401 : vector<16x2048xi32>
    %and3A_1406 = arith.andi %eq3A_1404, %lt3A_1405 : vector<16x2048xi1>
    %or3A_1407 = arith.ori %gt3A_1403, %and3A_1406 : vector<16x2048xi1>
    %eq3A_1408 = arith.xori %xor3A_1402, %or3A_1407 : vector<16x2048xi1>
    %eq3A_1409 = arith.constant dense<true> : vector<16x2048xi1>
    %eq3A_1410 = arith.xori %eq3A_1408, %eq3A_1409 : vector<16x2048xi1>
    %select_n3A_1411 = arith.select %eq3A_1410, %select_n3A_1378, %select_n3A_1396 : vector<16x2048xi1>, vector<16x2048xf32>
    %select_n3A_1412 = arith.select %eq3A_1410, %select_n3A_1379, %select_n3A_1401 : vector<16x2048xi1>, vector<16x2048xi32>
    %and3A_1413 = arith.constant 512 : i32
    %and3A_1414 = vector.broadcast %and3A_1413 : i32 to vector<16x2048xi32>
    %and3A_1415 = arith.andi %iota3A, %and3A_1414 : vector<16x2048xi32>
    %eq3A_1416 = arith.constant 0 : i32
    %eq3A_1417 = vector.broadcast %eq3A_1416 : i32 to vector<16x2048xi32>
    %eq3A_1418 = arith.cmpi eq, %and3A_1415, %eq3A_1417 : vector<16x2048xi32>
    %and3A_1419 = arith.constant 2 : i32
    %and3A_1420 = vector.broadcast %and3A_1419 : i32 to vector<16x2048xi32>
    %and3A_1421 = arith.andi %iota3A, %and3A_1420 : vector<16x2048xi32>
    %ne3A_1422 = arith.constant 0 : i32
    %ne3A_1423 = vector.broadcast %ne3A_1422 : i32 to vector<16x2048xi32>
    %ne3A_1424 = arith.cmpi ne, %and3A_1421, %ne3A_1423 : vector<16x2048xi32>
    %roll3A_1425 = arith.constant 2 : i32
    %roll3A_1426 = tpu.dynamic_rotate %select_n3A_1411 by %roll3A_1425 dim 1 : vector<16x2048xf32>, i32 -> vector<16x2048xf32>
    %roll3A_1427 = arith.constant 2046 : i32
    %roll3A_1428 = tpu.dynamic_rotate %select_n3A_1411 by %roll3A_1427 dim 1 : vector<16x2048xf32>, i32 -> vector<16x2048xf32>
    %select_n3A_1429 = arith.select %ne3A_1424, %roll3A_1426, %roll3A_1428 : vector<16x2048xi1>, vector<16x2048xf32>
    %roll3A_1430 = arith.constant 2 : i32
    %roll3A_1431 = tpu.dynamic_rotate %select_n3A_1412 by %roll3A_1430 dim 1 : vector<16x2048xi32>, i32 -> vector<16x2048xi32>
    %roll3A_1432 = arith.constant 2046 : i32
    %roll3A_1433 = tpu.dynamic_rotate %select_n3A_1412 by %roll3A_1432 dim 1 : vector<16x2048xi32>, i32 -> vector<16x2048xi32>
    %select_n3A_1434 = arith.select %ne3A_1424, %roll3A_1431, %roll3A_1433 : vector<16x2048xi1>, vector<16x2048xi32>
    %xor3A_1435 = arith.xori %eq3A_1418, %ne3A_1424 : vector<16x2048xi1>
    %gt3A_1436 = arith.cmpf ogt, %select_n3A_1411, %select_n3A_1429 : vector<16x2048xf32>
    %eq3A_1437 = arith.cmpf oeq, %select_n3A_1411, %select_n3A_1429 : vector<16x2048xf32>
    %lt3A_1438 = arith.cmpi slt, %select_n3A_1412, %select_n3A_1434 : vector<16x2048xi32>
    %and3A_1439 = arith.andi %eq3A_1437, %lt3A_1438 : vector<16x2048xi1>
    %or3A_1440 = arith.ori %gt3A_1436, %and3A_1439 : vector<16x2048xi1>
    %eq3A_1441 = arith.xori %xor3A_1435, %or3A_1440 : vector<16x2048xi1>
    %eq3A_1442 = arith.constant dense<true> : vector<16x2048xi1>
    %eq3A_1443 = arith.xori %eq3A_1441, %eq3A_1442 : vector<16x2048xi1>
    %select_n3A_1444 = arith.select %eq3A_1443, %select_n3A_1411, %select_n3A_1429 : vector<16x2048xi1>, vector<16x2048xf32>
    %select_n3A_1445 = arith.select %eq3A_1443, %select_n3A_1412, %select_n3A_1434 : vector<16x2048xi1>, vector<16x2048xi32>
    %and3A_1446 = arith.constant 512 : i32
    %and3A_1447 = vector.broadcast %and3A_1446 : i32 to vector<16x2048xi32>
    %and3A_1448 = arith.andi %iota3A, %and3A_1447 : vector<16x2048xi32>
    %eq3A_1449 = arith.constant 0 : i32
    %eq3A_1450 = vector.broadcast %eq3A_1449 : i32 to vector<16x2048xi32>
    %eq3A_1451 = arith.cmpi eq, %and3A_1448, %eq3A_1450 : vector<16x2048xi32>
    %and3A_1452 = arith.constant 1 : i32
    %and3A_1453 = vector.broadcast %and3A_1452 : i32 to vector<16x2048xi32>
    %and3A_1454 = arith.andi %iota3A, %and3A_1453 : vector<16x2048xi32>
    %ne3A_1455 = arith.constant 0 : i32
    %ne3A_1456 = vector.broadcast %ne3A_1455 : i32 to vector<16x2048xi32>
    %ne3A_1457 = arith.cmpi ne, %and3A_1454, %ne3A_1456 : vector<16x2048xi32>
    %roll3A_1458 = arith.constant 1 : i32
    %roll3A_1459 = tpu.dynamic_rotate %select_n3A_1444 by %roll3A_1458 dim 1 : vector<16x2048xf32>, i32 -> vector<16x2048xf32>
    %roll3A_1460 = arith.constant 2047 : i32
    %roll3A_1461 = tpu.dynamic_rotate %select_n3A_1444 by %roll3A_1460 dim 1 : vector<16x2048xf32>, i32 -> vector<16x2048xf32>
    %select_n3A_1462 = arith.select %ne3A_1457, %roll3A_1459, %roll3A_1461 : vector<16x2048xi1>, vector<16x2048xf32>
    %roll3A_1463 = arith.constant 1 : i32
    %roll3A_1464 = tpu.dynamic_rotate %select_n3A_1445 by %roll3A_1463 dim 1 : vector<16x2048xi32>, i32 -> vector<16x2048xi32>
    %roll3A_1465 = arith.constant 2047 : i32
    %roll3A_1466 = tpu.dynamic_rotate %select_n3A_1445 by %roll3A_1465 dim 1 : vector<16x2048xi32>, i32 -> vector<16x2048xi32>
    %select_n3A_1467 = arith.select %ne3A_1457, %roll3A_1464, %roll3A_1466 : vector<16x2048xi1>, vector<16x2048xi32>
    %xor3A_1468 = arith.xori %eq3A_1451, %ne3A_1457 : vector<16x2048xi1>
    %gt3A_1469 = arith.cmpf ogt, %select_n3A_1444, %select_n3A_1462 : vector<16x2048xf32>
    %eq3A_1470 = arith.cmpf oeq, %select_n3A_1444, %select_n3A_1462 : vector<16x2048xf32>
    %lt3A_1471 = arith.cmpi slt, %select_n3A_1445, %select_n3A_1467 : vector<16x2048xi32>
    %and3A_1472 = arith.andi %eq3A_1470, %lt3A_1471 : vector<16x2048xi1>
    %or3A_1473 = arith.ori %gt3A_1469, %and3A_1472 : vector<16x2048xi1>
    %eq3A_1474 = arith.xori %xor3A_1468, %or3A_1473 : vector<16x2048xi1>
    %eq3A_1475 = arith.constant dense<true> : vector<16x2048xi1>
    %eq3A_1476 = arith.xori %eq3A_1474, %eq3A_1475 : vector<16x2048xi1>
    %select_n3A_1477 = arith.select %eq3A_1476, %select_n3A_1444, %select_n3A_1462 : vector<16x2048xi1>, vector<16x2048xf32>
    %select_n3A_1478 = arith.select %eq3A_1476, %select_n3A_1445, %select_n3A_1467 : vector<16x2048xi1>, vector<16x2048xi32>
    %and3A_1479 = arith.constant 1024 : i32
    %and3A_1480 = vector.broadcast %and3A_1479 : i32 to vector<16x2048xi32>
    %and3A_1481 = arith.andi %iota3A, %and3A_1480 : vector<16x2048xi32>
    %eq3A_1482 = arith.constant 0 : i32
    %eq3A_1483 = vector.broadcast %eq3A_1482 : i32 to vector<16x2048xi32>
    %eq3A_1484 = arith.cmpi eq, %and3A_1481, %eq3A_1483 : vector<16x2048xi32>
    %and3A_1485 = arith.constant 512 : i32
    %and3A_1486 = vector.broadcast %and3A_1485 : i32 to vector<16x2048xi32>
    %and3A_1487 = arith.andi %iota3A, %and3A_1486 : vector<16x2048xi32>
    %ne3A_1488 = arith.constant 0 : i32
    %ne3A_1489 = vector.broadcast %ne3A_1488 : i32 to vector<16x2048xi32>
    %ne3A_1490 = arith.cmpi ne, %and3A_1487, %ne3A_1489 : vector<16x2048xi32>
    %roll3A_1491 = arith.constant 512 : i32
    %roll3A_1492 = tpu.dynamic_rotate %select_n3A_1477 by %roll3A_1491 dim 1 : vector<16x2048xf32>, i32 -> vector<16x2048xf32>
    %roll3A_1493 = arith.constant 1536 : i32
    %roll3A_1494 = tpu.dynamic_rotate %select_n3A_1477 by %roll3A_1493 dim 1 : vector<16x2048xf32>, i32 -> vector<16x2048xf32>
    %select_n3A_1495 = arith.select %ne3A_1490, %roll3A_1492, %roll3A_1494 : vector<16x2048xi1>, vector<16x2048xf32>
    %roll3A_1496 = arith.constant 512 : i32
    %roll3A_1497 = tpu.dynamic_rotate %select_n3A_1478 by %roll3A_1496 dim 1 : vector<16x2048xi32>, i32 -> vector<16x2048xi32>
    %roll3A_1498 = arith.constant 1536 : i32
    %roll3A_1499 = tpu.dynamic_rotate %select_n3A_1478 by %roll3A_1498 dim 1 : vector<16x2048xi32>, i32 -> vector<16x2048xi32>
    %select_n3A_1500 = arith.select %ne3A_1490, %roll3A_1497, %roll3A_1499 : vector<16x2048xi1>, vector<16x2048xi32>
    %xor3A_1501 = arith.xori %eq3A_1484, %ne3A_1490 : vector<16x2048xi1>
    %gt3A_1502 = arith.cmpf ogt, %select_n3A_1477, %select_n3A_1495 : vector<16x2048xf32>
    %eq3A_1503 = arith.cmpf oeq, %select_n3A_1477, %select_n3A_1495 : vector<16x2048xf32>
    %lt3A_1504 = arith.cmpi slt, %select_n3A_1478, %select_n3A_1500 : vector<16x2048xi32>
    %and3A_1505 = arith.andi %eq3A_1503, %lt3A_1504 : vector<16x2048xi1>
    %or3A_1506 = arith.ori %gt3A_1502, %and3A_1505 : vector<16x2048xi1>
    %eq3A_1507 = arith.xori %xor3A_1501, %or3A_1506 : vector<16x2048xi1>
    %eq3A_1508 = arith.constant dense<true> : vector<16x2048xi1>
    %eq3A_1509 = arith.xori %eq3A_1507, %eq3A_1508 : vector<16x2048xi1>
    %select_n3A_1510 = arith.select %eq3A_1509, %select_n3A_1477, %select_n3A_1495 : vector<16x2048xi1>, vector<16x2048xf32>
    %select_n3A_1511 = arith.select %eq3A_1509, %select_n3A_1478, %select_n3A_1500 : vector<16x2048xi1>, vector<16x2048xi32>
    %and3A_1512 = arith.constant 1024 : i32
    %and3A_1513 = vector.broadcast %and3A_1512 : i32 to vector<16x2048xi32>
    %and3A_1514 = arith.andi %iota3A, %and3A_1513 : vector<16x2048xi32>
    %eq3A_1515 = arith.constant 0 : i32
    %eq3A_1516 = vector.broadcast %eq3A_1515 : i32 to vector<16x2048xi32>
    %eq3A_1517 = arith.cmpi eq, %and3A_1514, %eq3A_1516 : vector<16x2048xi32>
    %and3A_1518 = arith.constant 256 : i32
    %and3A_1519 = vector.broadcast %and3A_1518 : i32 to vector<16x2048xi32>
    %and3A_1520 = arith.andi %iota3A, %and3A_1519 : vector<16x2048xi32>
    %ne3A_1521 = arith.constant 0 : i32
    %ne3A_1522 = vector.broadcast %ne3A_1521 : i32 to vector<16x2048xi32>
    %ne3A_1523 = arith.cmpi ne, %and3A_1520, %ne3A_1522 : vector<16x2048xi32>
    %roll3A_1524 = arith.constant 256 : i32
    %roll3A_1525 = tpu.dynamic_rotate %select_n3A_1510 by %roll3A_1524 dim 1 : vector<16x2048xf32>, i32 -> vector<16x2048xf32>
    %roll3A_1526 = arith.constant 1792 : i32
    %roll3A_1527 = tpu.dynamic_rotate %select_n3A_1510 by %roll3A_1526 dim 1 : vector<16x2048xf32>, i32 -> vector<16x2048xf32>
    %select_n3A_1528 = arith.select %ne3A_1523, %roll3A_1525, %roll3A_1527 : vector<16x2048xi1>, vector<16x2048xf32>
    %roll3A_1529 = arith.constant 256 : i32
    %roll3A_1530 = tpu.dynamic_rotate %select_n3A_1511 by %roll3A_1529 dim 1 : vector<16x2048xi32>, i32 -> vector<16x2048xi32>
    %roll3A_1531 = arith.constant 1792 : i32
    %roll3A_1532 = tpu.dynamic_rotate %select_n3A_1511 by %roll3A_1531 dim 1 : vector<16x2048xi32>, i32 -> vector<16x2048xi32>
    %select_n3A_1533 = arith.select %ne3A_1523, %roll3A_1530, %roll3A_1532 : vector<16x2048xi1>, vector<16x2048xi32>
    %xor3A_1534 = arith.xori %eq3A_1517, %ne3A_1523 : vector<16x2048xi1>
    %gt3A_1535 = arith.cmpf ogt, %select_n3A_1510, %select_n3A_1528 : vector<16x2048xf32>
    %eq3A_1536 = arith.cmpf oeq, %select_n3A_1510, %select_n3A_1528 : vector<16x2048xf32>
    %lt3A_1537 = arith.cmpi slt, %select_n3A_1511, %select_n3A_1533 : vector<16x2048xi32>
    %and3A_1538 = arith.andi %eq3A_1536, %lt3A_1537 : vector<16x2048xi1>
    %or3A_1539 = arith.ori %gt3A_1535, %and3A_1538 : vector<16x2048xi1>
    %eq3A_1540 = arith.xori %xor3A_1534, %or3A_1539 : vector<16x2048xi1>
    %eq3A_1541 = arith.constant dense<true> : vector<16x2048xi1>
    %eq3A_1542 = arith.xori %eq3A_1540, %eq3A_1541 : vector<16x2048xi1>
    %select_n3A_1543 = arith.select %eq3A_1542, %select_n3A_1510, %select_n3A_1528 : vector<16x2048xi1>, vector<16x2048xf32>
    %select_n3A_1544 = arith.select %eq3A_1542, %select_n3A_1511, %select_n3A_1533 : vector<16x2048xi1>, vector<16x2048xi32>
    %and3A_1545 = arith.constant 1024 : i32
    %and3A_1546 = vector.broadcast %and3A_1545 : i32 to vector<16x2048xi32>
    %and3A_1547 = arith.andi %iota3A, %and3A_1546 : vector<16x2048xi32>
    %eq3A_1548 = arith.constant 0 : i32
    %eq3A_1549 = vector.broadcast %eq3A_1548 : i32 to vector<16x2048xi32>
    %eq3A_1550 = arith.cmpi eq, %and3A_1547, %eq3A_1549 : vector<16x2048xi32>
    %and3A_1551 = arith.constant 128 : i32
    %and3A_1552 = vector.broadcast %and3A_1551 : i32 to vector<16x2048xi32>
    %and3A_1553 = arith.andi %iota3A, %and3A_1552 : vector<16x2048xi32>
    %ne3A_1554 = arith.constant 0 : i32
    %ne3A_1555 = vector.broadcast %ne3A_1554 : i32 to vector<16x2048xi32>
    %ne3A_1556 = arith.cmpi ne, %and3A_1553, %ne3A_1555 : vector<16x2048xi32>
    %roll3A_1557 = arith.constant 128 : i32
    %roll3A_1558 = tpu.dynamic_rotate %select_n3A_1543 by %roll3A_1557 dim 1 : vector<16x2048xf32>, i32 -> vector<16x2048xf32>
    %roll3A_1559 = arith.constant 1920 : i32
    %roll3A_1560 = tpu.dynamic_rotate %select_n3A_1543 by %roll3A_1559 dim 1 : vector<16x2048xf32>, i32 -> vector<16x2048xf32>
    %select_n3A_1561 = arith.select %ne3A_1556, %roll3A_1558, %roll3A_1560 : vector<16x2048xi1>, vector<16x2048xf32>
    %roll3A_1562 = arith.constant 128 : i32
    %roll3A_1563 = tpu.dynamic_rotate %select_n3A_1544 by %roll3A_1562 dim 1 : vector<16x2048xi32>, i32 -> vector<16x2048xi32>
    %roll3A_1564 = arith.constant 1920 : i32
    %roll3A_1565 = tpu.dynamic_rotate %select_n3A_1544 by %roll3A_1564 dim 1 : vector<16x2048xi32>, i32 -> vector<16x2048xi32>
    %select_n3A_1566 = arith.select %ne3A_1556, %roll3A_1563, %roll3A_1565 : vector<16x2048xi1>, vector<16x2048xi32>
    %xor3A_1567 = arith.xori %eq3A_1550, %ne3A_1556 : vector<16x2048xi1>
    %gt3A_1568 = arith.cmpf ogt, %select_n3A_1543, %select_n3A_1561 : vector<16x2048xf32>
    %eq3A_1569 = arith.cmpf oeq, %select_n3A_1543, %select_n3A_1561 : vector<16x2048xf32>
    %lt3A_1570 = arith.cmpi slt, %select_n3A_1544, %select_n3A_1566 : vector<16x2048xi32>
    %and3A_1571 = arith.andi %eq3A_1569, %lt3A_1570 : vector<16x2048xi1>
    %or3A_1572 = arith.ori %gt3A_1568, %and3A_1571 : vector<16x2048xi1>
    %eq3A_1573 = arith.xori %xor3A_1567, %or3A_1572 : vector<16x2048xi1>
    %eq3A_1574 = arith.constant dense<true> : vector<16x2048xi1>
    %eq3A_1575 = arith.xori %eq3A_1573, %eq3A_1574 : vector<16x2048xi1>
    %select_n3A_1576 = arith.select %eq3A_1575, %select_n3A_1543, %select_n3A_1561 : vector<16x2048xi1>, vector<16x2048xf32>
    %select_n3A_1577 = arith.select %eq3A_1575, %select_n3A_1544, %select_n3A_1566 : vector<16x2048xi1>, vector<16x2048xi32>
    %and3A_1578 = arith.constant 1024 : i32
    %and3A_1579 = vector.broadcast %and3A_1578 : i32 to vector<16x2048xi32>
    %and3A_1580 = arith.andi %iota3A, %and3A_1579 : vector<16x2048xi32>
    %eq3A_1581 = arith.constant 0 : i32
    %eq3A_1582 = vector.broadcast %eq3A_1581 : i32 to vector<16x2048xi32>
    %eq3A_1583 = arith.cmpi eq, %and3A_1580, %eq3A_1582 : vector<16x2048xi32>
    %and3A_1584 = arith.constant 64 : i32
    %and3A_1585 = vector.broadcast %and3A_1584 : i32 to vector<16x2048xi32>
    %and3A_1586 = arith.andi %iota3A, %and3A_1585 : vector<16x2048xi32>
    %ne3A_1587 = arith.constant 0 : i32
    %ne3A_1588 = vector.broadcast %ne3A_1587 : i32 to vector<16x2048xi32>
    %ne3A_1589 = arith.cmpi ne, %and3A_1586, %ne3A_1588 : vector<16x2048xi32>
    %roll3A_1590 = arith.constant 64 : i32
    %roll3A_1591 = tpu.dynamic_rotate %select_n3A_1576 by %roll3A_1590 dim 1 : vector<16x2048xf32>, i32 -> vector<16x2048xf32>
    %roll3A_1592 = arith.constant 1984 : i32
    %roll3A_1593 = tpu.dynamic_rotate %select_n3A_1576 by %roll3A_1592 dim 1 : vector<16x2048xf32>, i32 -> vector<16x2048xf32>
    %select_n3A_1594 = arith.select %ne3A_1589, %roll3A_1591, %roll3A_1593 : vector<16x2048xi1>, vector<16x2048xf32>
    %roll3A_1595 = arith.constant 64 : i32
    %roll3A_1596 = tpu.dynamic_rotate %select_n3A_1577 by %roll3A_1595 dim 1 : vector<16x2048xi32>, i32 -> vector<16x2048xi32>
    %roll3A_1597 = arith.constant 1984 : i32
    %roll3A_1598 = tpu.dynamic_rotate %select_n3A_1577 by %roll3A_1597 dim 1 : vector<16x2048xi32>, i32 -> vector<16x2048xi32>
    %select_n3A_1599 = arith.select %ne3A_1589, %roll3A_1596, %roll3A_1598 : vector<16x2048xi1>, vector<16x2048xi32>
    %xor3A_1600 = arith.xori %eq3A_1583, %ne3A_1589 : vector<16x2048xi1>
    %gt3A_1601 = arith.cmpf ogt, %select_n3A_1576, %select_n3A_1594 : vector<16x2048xf32>
    %eq3A_1602 = arith.cmpf oeq, %select_n3A_1576, %select_n3A_1594 : vector<16x2048xf32>
    %lt3A_1603 = arith.cmpi slt, %select_n3A_1577, %select_n3A_1599 : vector<16x2048xi32>
    %and3A_1604 = arith.andi %eq3A_1602, %lt3A_1603 : vector<16x2048xi1>
    %or3A_1605 = arith.ori %gt3A_1601, %and3A_1604 : vector<16x2048xi1>
    %eq3A_1606 = arith.xori %xor3A_1600, %or3A_1605 : vector<16x2048xi1>
    %eq3A_1607 = arith.constant dense<true> : vector<16x2048xi1>
    %eq3A_1608 = arith.xori %eq3A_1606, %eq3A_1607 : vector<16x2048xi1>
    %select_n3A_1609 = arith.select %eq3A_1608, %select_n3A_1576, %select_n3A_1594 : vector<16x2048xi1>, vector<16x2048xf32>
    %select_n3A_1610 = arith.select %eq3A_1608, %select_n3A_1577, %select_n3A_1599 : vector<16x2048xi1>, vector<16x2048xi32>
    %and3A_1611 = arith.constant 1024 : i32
    %and3A_1612 = vector.broadcast %and3A_1611 : i32 to vector<16x2048xi32>
    %and3A_1613 = arith.andi %iota3A, %and3A_1612 : vector<16x2048xi32>
    %eq3A_1614 = arith.constant 0 : i32
    %eq3A_1615 = vector.broadcast %eq3A_1614 : i32 to vector<16x2048xi32>
    %eq3A_1616 = arith.cmpi eq, %and3A_1613, %eq3A_1615 : vector<16x2048xi32>
    %and3A_1617 = arith.constant 32 : i32
    %and3A_1618 = vector.broadcast %and3A_1617 : i32 to vector<16x2048xi32>
    %and3A_1619 = arith.andi %iota3A, %and3A_1618 : vector<16x2048xi32>
    %ne3A_1620 = arith.constant 0 : i32
    %ne3A_1621 = vector.broadcast %ne3A_1620 : i32 to vector<16x2048xi32>
    %ne3A_1622 = arith.cmpi ne, %and3A_1619, %ne3A_1621 : vector<16x2048xi32>
    %roll3A_1623 = arith.constant 32 : i32
    %roll3A_1624 = tpu.dynamic_rotate %select_n3A_1609 by %roll3A_1623 dim 1 : vector<16x2048xf32>, i32 -> vector<16x2048xf32>
    %roll3A_1625 = arith.constant 2016 : i32
    %roll3A_1626 = tpu.dynamic_rotate %select_n3A_1609 by %roll3A_1625 dim 1 : vector<16x2048xf32>, i32 -> vector<16x2048xf32>
    %select_n3A_1627 = arith.select %ne3A_1622, %roll3A_1624, %roll3A_1626 : vector<16x2048xi1>, vector<16x2048xf32>
    %roll3A_1628 = arith.constant 32 : i32
    %roll3A_1629 = tpu.dynamic_rotate %select_n3A_1610 by %roll3A_1628 dim 1 : vector<16x2048xi32>, i32 -> vector<16x2048xi32>
    %roll3A_1630 = arith.constant 2016 : i32
    %roll3A_1631 = tpu.dynamic_rotate %select_n3A_1610 by %roll3A_1630 dim 1 : vector<16x2048xi32>, i32 -> vector<16x2048xi32>
    %select_n3A_1632 = arith.select %ne3A_1622, %roll3A_1629, %roll3A_1631 : vector<16x2048xi1>, vector<16x2048xi32>
    %xor3A_1633 = arith.xori %eq3A_1616, %ne3A_1622 : vector<16x2048xi1>
    %gt3A_1634 = arith.cmpf ogt, %select_n3A_1609, %select_n3A_1627 : vector<16x2048xf32>
    %eq3A_1635 = arith.cmpf oeq, %select_n3A_1609, %select_n3A_1627 : vector<16x2048xf32>
    %lt3A_1636 = arith.cmpi slt, %select_n3A_1610, %select_n3A_1632 : vector<16x2048xi32>
    %and3A_1637 = arith.andi %eq3A_1635, %lt3A_1636 : vector<16x2048xi1>
    %or3A_1638 = arith.ori %gt3A_1634, %and3A_1637 : vector<16x2048xi1>
    %eq3A_1639 = arith.xori %xor3A_1633, %or3A_1638 : vector<16x2048xi1>
    %eq3A_1640 = arith.constant dense<true> : vector<16x2048xi1>
    %eq3A_1641 = arith.xori %eq3A_1639, %eq3A_1640 : vector<16x2048xi1>
    %select_n3A_1642 = arith.select %eq3A_1641, %select_n3A_1609, %select_n3A_1627 : vector<16x2048xi1>, vector<16x2048xf32>
    %select_n3A_1643 = arith.select %eq3A_1641, %select_n3A_1610, %select_n3A_1632 : vector<16x2048xi1>, vector<16x2048xi32>
    %and3A_1644 = arith.constant 1024 : i32
    %and3A_1645 = vector.broadcast %and3A_1644 : i32 to vector<16x2048xi32>
    %and3A_1646 = arith.andi %iota3A, %and3A_1645 : vector<16x2048xi32>
    %eq3A_1647 = arith.constant 0 : i32
    %eq3A_1648 = vector.broadcast %eq3A_1647 : i32 to vector<16x2048xi32>
    %eq3A_1649 = arith.cmpi eq, %and3A_1646, %eq3A_1648 : vector<16x2048xi32>
    %and3A_1650 = arith.constant 16 : i32
    %and3A_1651 = vector.broadcast %and3A_1650 : i32 to vector<16x2048xi32>
    %and3A_1652 = arith.andi %iota3A, %and3A_1651 : vector<16x2048xi32>
    %ne3A_1653 = arith.constant 0 : i32
    %ne3A_1654 = vector.broadcast %ne3A_1653 : i32 to vector<16x2048xi32>
    %ne3A_1655 = arith.cmpi ne, %and3A_1652, %ne3A_1654 : vector<16x2048xi32>
    %roll3A_1656 = arith.constant 16 : i32
    %roll3A_1657 = tpu.dynamic_rotate %select_n3A_1642 by %roll3A_1656 dim 1 : vector<16x2048xf32>, i32 -> vector<16x2048xf32>
    %roll3A_1658 = arith.constant 2032 : i32
    %roll3A_1659 = tpu.dynamic_rotate %select_n3A_1642 by %roll3A_1658 dim 1 : vector<16x2048xf32>, i32 -> vector<16x2048xf32>
    %select_n3A_1660 = arith.select %ne3A_1655, %roll3A_1657, %roll3A_1659 : vector<16x2048xi1>, vector<16x2048xf32>
    %roll3A_1661 = arith.constant 16 : i32
    %roll3A_1662 = tpu.dynamic_rotate %select_n3A_1643 by %roll3A_1661 dim 1 : vector<16x2048xi32>, i32 -> vector<16x2048xi32>
    %roll3A_1663 = arith.constant 2032 : i32
    %roll3A_1664 = tpu.dynamic_rotate %select_n3A_1643 by %roll3A_1663 dim 1 : vector<16x2048xi32>, i32 -> vector<16x2048xi32>
    %select_n3A_1665 = arith.select %ne3A_1655, %roll3A_1662, %roll3A_1664 : vector<16x2048xi1>, vector<16x2048xi32>
    %xor3A_1666 = arith.xori %eq3A_1649, %ne3A_1655 : vector<16x2048xi1>
    %gt3A_1667 = arith.cmpf ogt, %select_n3A_1642, %select_n3A_1660 : vector<16x2048xf32>
    %eq3A_1668 = arith.cmpf oeq, %select_n3A_1642, %select_n3A_1660 : vector<16x2048xf32>
    %lt3A_1669 = arith.cmpi slt, %select_n3A_1643, %select_n3A_1665 : vector<16x2048xi32>
    %and3A_1670 = arith.andi %eq3A_1668, %lt3A_1669 : vector<16x2048xi1>
    %or3A_1671 = arith.ori %gt3A_1667, %and3A_1670 : vector<16x2048xi1>
    %eq3A_1672 = arith.xori %xor3A_1666, %or3A_1671 : vector<16x2048xi1>
    %eq3A_1673 = arith.constant dense<true> : vector<16x2048xi1>
    %eq3A_1674 = arith.xori %eq3A_1672, %eq3A_1673 : vector<16x2048xi1>
    %select_n3A_1675 = arith.select %eq3A_1674, %select_n3A_1642, %select_n3A_1660 : vector<16x2048xi1>, vector<16x2048xf32>
    %select_n3A_1676 = arith.select %eq3A_1674, %select_n3A_1643, %select_n3A_1665 : vector<16x2048xi1>, vector<16x2048xi32>
    %and3A_1677 = arith.constant 1024 : i32
    %and3A_1678 = vector.broadcast %and3A_1677 : i32 to vector<16x2048xi32>
    %and3A_1679 = arith.andi %iota3A, %and3A_1678 : vector<16x2048xi32>
    %eq3A_1680 = arith.constant 0 : i32
    %eq3A_1681 = vector.broadcast %eq3A_1680 : i32 to vector<16x2048xi32>
    %eq3A_1682 = arith.cmpi eq, %and3A_1679, %eq3A_1681 : vector<16x2048xi32>
    %and3A_1683 = arith.constant 8 : i32
    %and3A_1684 = vector.broadcast %and3A_1683 : i32 to vector<16x2048xi32>
    %and3A_1685 = arith.andi %iota3A, %and3A_1684 : vector<16x2048xi32>
    %ne3A_1686 = arith.constant 0 : i32
    %ne3A_1687 = vector.broadcast %ne3A_1686 : i32 to vector<16x2048xi32>
    %ne3A_1688 = arith.cmpi ne, %and3A_1685, %ne3A_1687 : vector<16x2048xi32>
    %roll3A_1689 = arith.constant 8 : i32
    %roll3A_1690 = tpu.dynamic_rotate %select_n3A_1675 by %roll3A_1689 dim 1 : vector<16x2048xf32>, i32 -> vector<16x2048xf32>
    %roll3A_1691 = arith.constant 2040 : i32
    %roll3A_1692 = tpu.dynamic_rotate %select_n3A_1675 by %roll3A_1691 dim 1 : vector<16x2048xf32>, i32 -> vector<16x2048xf32>
    %select_n3A_1693 = arith.select %ne3A_1688, %roll3A_1690, %roll3A_1692 : vector<16x2048xi1>, vector<16x2048xf32>
    %roll3A_1694 = arith.constant 8 : i32
    %roll3A_1695 = tpu.dynamic_rotate %select_n3A_1676 by %roll3A_1694 dim 1 : vector<16x2048xi32>, i32 -> vector<16x2048xi32>
    %roll3A_1696 = arith.constant 2040 : i32
    %roll3A_1697 = tpu.dynamic_rotate %select_n3A_1676 by %roll3A_1696 dim 1 : vector<16x2048xi32>, i32 -> vector<16x2048xi32>
    %select_n3A_1698 = arith.select %ne3A_1688, %roll3A_1695, %roll3A_1697 : vector<16x2048xi1>, vector<16x2048xi32>
    %xor3A_1699 = arith.xori %eq3A_1682, %ne3A_1688 : vector<16x2048xi1>
    %gt3A_1700 = arith.cmpf ogt, %select_n3A_1675, %select_n3A_1693 : vector<16x2048xf32>
    %eq3A_1701 = arith.cmpf oeq, %select_n3A_1675, %select_n3A_1693 : vector<16x2048xf32>
    %lt3A_1702 = arith.cmpi slt, %select_n3A_1676, %select_n3A_1698 : vector<16x2048xi32>
    %and3A_1703 = arith.andi %eq3A_1701, %lt3A_1702 : vector<16x2048xi1>
    %or3A_1704 = arith.ori %gt3A_1700, %and3A_1703 : vector<16x2048xi1>
    %eq3A_1705 = arith.xori %xor3A_1699, %or3A_1704 : vector<16x2048xi1>
    %eq3A_1706 = arith.constant dense<true> : vector<16x2048xi1>
    %eq3A_1707 = arith.xori %eq3A_1705, %eq3A_1706 : vector<16x2048xi1>
    %select_n3A_1708 = arith.select %eq3A_1707, %select_n3A_1675, %select_n3A_1693 : vector<16x2048xi1>, vector<16x2048xf32>
    %select_n3A_1709 = arith.select %eq3A_1707, %select_n3A_1676, %select_n3A_1698 : vector<16x2048xi1>, vector<16x2048xi32>
    %and3A_1710 = arith.constant 1024 : i32
    %and3A_1711 = vector.broadcast %and3A_1710 : i32 to vector<16x2048xi32>
    %and3A_1712 = arith.andi %iota3A, %and3A_1711 : vector<16x2048xi32>
    %eq3A_1713 = arith.constant 0 : i32
    %eq3A_1714 = vector.broadcast %eq3A_1713 : i32 to vector<16x2048xi32>
    %eq3A_1715 = arith.cmpi eq, %and3A_1712, %eq3A_1714 : vector<16x2048xi32>
    %and3A_1716 = arith.constant 4 : i32
    %and3A_1717 = vector.broadcast %and3A_1716 : i32 to vector<16x2048xi32>
    %and3A_1718 = arith.andi %iota3A, %and3A_1717 : vector<16x2048xi32>
    %ne3A_1719 = arith.constant 0 : i32
    %ne3A_1720 = vector.broadcast %ne3A_1719 : i32 to vector<16x2048xi32>
    %ne3A_1721 = arith.cmpi ne, %and3A_1718, %ne3A_1720 : vector<16x2048xi32>
    %roll3A_1722 = arith.constant 4 : i32
    %roll3A_1723 = tpu.dynamic_rotate %select_n3A_1708 by %roll3A_1722 dim 1 : vector<16x2048xf32>, i32 -> vector<16x2048xf32>
    %roll3A_1724 = arith.constant 2044 : i32
    %roll3A_1725 = tpu.dynamic_rotate %select_n3A_1708 by %roll3A_1724 dim 1 : vector<16x2048xf32>, i32 -> vector<16x2048xf32>
    %select_n3A_1726 = arith.select %ne3A_1721, %roll3A_1723, %roll3A_1725 : vector<16x2048xi1>, vector<16x2048xf32>
    %roll3A_1727 = arith.constant 4 : i32
    %roll3A_1728 = tpu.dynamic_rotate %select_n3A_1709 by %roll3A_1727 dim 1 : vector<16x2048xi32>, i32 -> vector<16x2048xi32>
    %roll3A_1729 = arith.constant 2044 : i32
    %roll3A_1730 = tpu.dynamic_rotate %select_n3A_1709 by %roll3A_1729 dim 1 : vector<16x2048xi32>, i32 -> vector<16x2048xi32>
    %select_n3A_1731 = arith.select %ne3A_1721, %roll3A_1728, %roll3A_1730 : vector<16x2048xi1>, vector<16x2048xi32>
    %xor3A_1732 = arith.xori %eq3A_1715, %ne3A_1721 : vector<16x2048xi1>
    %gt3A_1733 = arith.cmpf ogt, %select_n3A_1708, %select_n3A_1726 : vector<16x2048xf32>
    %eq3A_1734 = arith.cmpf oeq, %select_n3A_1708, %select_n3A_1726 : vector<16x2048xf32>
    %lt3A_1735 = arith.cmpi slt, %select_n3A_1709, %select_n3A_1731 : vector<16x2048xi32>
    %and3A_1736 = arith.andi %eq3A_1734, %lt3A_1735 : vector<16x2048xi1>
    %or3A_1737 = arith.ori %gt3A_1733, %and3A_1736 : vector<16x2048xi1>
    %eq3A_1738 = arith.xori %xor3A_1732, %or3A_1737 : vector<16x2048xi1>
    %eq3A_1739 = arith.constant dense<true> : vector<16x2048xi1>
    %eq3A_1740 = arith.xori %eq3A_1738, %eq3A_1739 : vector<16x2048xi1>
    %select_n3A_1741 = arith.select %eq3A_1740, %select_n3A_1708, %select_n3A_1726 : vector<16x2048xi1>, vector<16x2048xf32>
    %select_n3A_1742 = arith.select %eq3A_1740, %select_n3A_1709, %select_n3A_1731 : vector<16x2048xi1>, vector<16x2048xi32>
    %and3A_1743 = arith.constant 1024 : i32
    %and3A_1744 = vector.broadcast %and3A_1743 : i32 to vector<16x2048xi32>
    %and3A_1745 = arith.andi %iota3A, %and3A_1744 : vector<16x2048xi32>
    %eq3A_1746 = arith.constant 0 : i32
    %eq3A_1747 = vector.broadcast %eq3A_1746 : i32 to vector<16x2048xi32>
    %eq3A_1748 = arith.cmpi eq, %and3A_1745, %eq3A_1747 : vector<16x2048xi32>
    %and3A_1749 = arith.constant 2 : i32
    %and3A_1750 = vector.broadcast %and3A_1749 : i32 to vector<16x2048xi32>
    %and3A_1751 = arith.andi %iota3A, %and3A_1750 : vector<16x2048xi32>
    %ne3A_1752 = arith.constant 0 : i32
    %ne3A_1753 = vector.broadcast %ne3A_1752 : i32 to vector<16x2048xi32>
    %ne3A_1754 = arith.cmpi ne, %and3A_1751, %ne3A_1753 : vector<16x2048xi32>
    %roll3A_1755 = arith.constant 2 : i32
    %roll3A_1756 = tpu.dynamic_rotate %select_n3A_1741 by %roll3A_1755 dim 1 : vector<16x2048xf32>, i32 -> vector<16x2048xf32>
    %roll3A_1757 = arith.constant 2046 : i32
    %roll3A_1758 = tpu.dynamic_rotate %select_n3A_1741 by %roll3A_1757 dim 1 : vector<16x2048xf32>, i32 -> vector<16x2048xf32>
    %select_n3A_1759 = arith.select %ne3A_1754, %roll3A_1756, %roll3A_1758 : vector<16x2048xi1>, vector<16x2048xf32>
    %roll3A_1760 = arith.constant 2 : i32
    %roll3A_1761 = tpu.dynamic_rotate %select_n3A_1742 by %roll3A_1760 dim 1 : vector<16x2048xi32>, i32 -> vector<16x2048xi32>
    %roll3A_1762 = arith.constant 2046 : i32
    %roll3A_1763 = tpu.dynamic_rotate %select_n3A_1742 by %roll3A_1762 dim 1 : vector<16x2048xi32>, i32 -> vector<16x2048xi32>
    %select_n3A_1764 = arith.select %ne3A_1754, %roll3A_1761, %roll3A_1763 : vector<16x2048xi1>, vector<16x2048xi32>
    %xor3A_1765 = arith.xori %eq3A_1748, %ne3A_1754 : vector<16x2048xi1>
    %gt3A_1766 = arith.cmpf ogt, %select_n3A_1741, %select_n3A_1759 : vector<16x2048xf32>
    %eq3A_1767 = arith.cmpf oeq, %select_n3A_1741, %select_n3A_1759 : vector<16x2048xf32>
    %lt3A_1768 = arith.cmpi slt, %select_n3A_1742, %select_n3A_1764 : vector<16x2048xi32>
    %and3A_1769 = arith.andi %eq3A_1767, %lt3A_1768 : vector<16x2048xi1>
    %or3A_1770 = arith.ori %gt3A_1766, %and3A_1769 : vector<16x2048xi1>
    %eq3A_1771 = arith.xori %xor3A_1765, %or3A_1770 : vector<16x2048xi1>
    %eq3A_1772 = arith.constant dense<true> : vector<16x2048xi1>
    %eq3A_1773 = arith.xori %eq3A_1771, %eq3A_1772 : vector<16x2048xi1>
    %select_n3A_1774 = arith.select %eq3A_1773, %select_n3A_1741, %select_n3A_1759 : vector<16x2048xi1>, vector<16x2048xf32>
    %select_n3A_1775 = arith.select %eq3A_1773, %select_n3A_1742, %select_n3A_1764 : vector<16x2048xi1>, vector<16x2048xi32>
    %and3A_1776 = arith.constant 1024 : i32
    %and3A_1777 = vector.broadcast %and3A_1776 : i32 to vector<16x2048xi32>
    %and3A_1778 = arith.andi %iota3A, %and3A_1777 : vector<16x2048xi32>
    %eq3A_1779 = arith.constant 0 : i32
    %eq3A_1780 = vector.broadcast %eq3A_1779 : i32 to vector<16x2048xi32>
    %eq3A_1781 = arith.cmpi eq, %and3A_1778, %eq3A_1780 : vector<16x2048xi32>
    %and3A_1782 = arith.constant 1 : i32
    %and3A_1783 = vector.broadcast %and3A_1782 : i32 to vector<16x2048xi32>
    %and3A_1784 = arith.andi %iota3A, %and3A_1783 : vector<16x2048xi32>
    %ne3A_1785 = arith.constant 0 : i32
    %ne3A_1786 = vector.broadcast %ne3A_1785 : i32 to vector<16x2048xi32>
    %ne3A_1787 = arith.cmpi ne, %and3A_1784, %ne3A_1786 : vector<16x2048xi32>
    %roll3A_1788 = arith.constant 1 : i32
    %roll3A_1789 = tpu.dynamic_rotate %select_n3A_1774 by %roll3A_1788 dim 1 : vector<16x2048xf32>, i32 -> vector<16x2048xf32>
    %roll3A_1790 = arith.constant 2047 : i32
    %roll3A_1791 = tpu.dynamic_rotate %select_n3A_1774 by %roll3A_1790 dim 1 : vector<16x2048xf32>, i32 -> vector<16x2048xf32>
    %select_n3A_1792 = arith.select %ne3A_1787, %roll3A_1789, %roll3A_1791 : vector<16x2048xi1>, vector<16x2048xf32>
    %roll3A_1793 = arith.constant 1 : i32
    %roll3A_1794 = tpu.dynamic_rotate %select_n3A_1775 by %roll3A_1793 dim 1 : vector<16x2048xi32>, i32 -> vector<16x2048xi32>
    %roll3A_1795 = arith.constant 2047 : i32
    %roll3A_1796 = tpu.dynamic_rotate %select_n3A_1775 by %roll3A_1795 dim 1 : vector<16x2048xi32>, i32 -> vector<16x2048xi32>
    %select_n3A_1797 = arith.select %ne3A_1787, %roll3A_1794, %roll3A_1796 : vector<16x2048xi1>, vector<16x2048xi32>
    %xor3A_1798 = arith.xori %eq3A_1781, %ne3A_1787 : vector<16x2048xi1>
    %gt3A_1799 = arith.cmpf ogt, %select_n3A_1774, %select_n3A_1792 : vector<16x2048xf32>
    %eq3A_1800 = arith.cmpf oeq, %select_n3A_1774, %select_n3A_1792 : vector<16x2048xf32>
    %lt3A_1801 = arith.cmpi slt, %select_n3A_1775, %select_n3A_1797 : vector<16x2048xi32>
    %and3A_1802 = arith.andi %eq3A_1800, %lt3A_1801 : vector<16x2048xi1>
    %or3A_1803 = arith.ori %gt3A_1799, %and3A_1802 : vector<16x2048xi1>
    %eq3A_1804 = arith.xori %xor3A_1798, %or3A_1803 : vector<16x2048xi1>
    %eq3A_1805 = arith.constant dense<true> : vector<16x2048xi1>
    %eq3A_1806 = arith.xori %eq3A_1804, %eq3A_1805 : vector<16x2048xi1>
    %select_n3A_1807 = arith.select %eq3A_1806, %select_n3A_1774, %select_n3A_1792 : vector<16x2048xi1>, vector<16x2048xf32>
    %select_n3A_1808 = arith.select %eq3A_1806, %select_n3A_1775, %select_n3A_1797 : vector<16x2048xi1>, vector<16x2048xi32>
    %and3A_1809 = arith.constant 1024 : i32
    %and3A_1810 = vector.broadcast %and3A_1809 : i32 to vector<16x2048xi32>
    %and3A_1811 = arith.andi %iota3A, %and3A_1810 : vector<16x2048xi32>
    %ne3A_1812 = arith.constant 0 : i32
    %ne3A_1813 = vector.broadcast %ne3A_1812 : i32 to vector<16x2048xi32>
    %ne3A_1814 = arith.cmpi ne, %and3A_1811, %ne3A_1813 : vector<16x2048xi32>
    %roll3A_1815 = arith.constant 1024 : i32
    %roll3A_1816 = tpu.dynamic_rotate %select_n3A_1807 by %roll3A_1815 dim 1 : vector<16x2048xf32>, i32 -> vector<16x2048xf32>
    %roll3A_1817 = arith.constant 1024 : i32
    %roll3A_1818 = tpu.dynamic_rotate %select_n3A_1807 by %roll3A_1817 dim 1 : vector<16x2048xf32>, i32 -> vector<16x2048xf32>
    %select_n3A_1819 = arith.select %ne3A_1814, %roll3A_1816, %roll3A_1818 : vector<16x2048xi1>, vector<16x2048xf32>
    %roll3A_1820 = arith.constant 1024 : i32
    %roll3A_1821 = tpu.dynamic_rotate %select_n3A_1808 by %roll3A_1820 dim 1 : vector<16x2048xi32>, i32 -> vector<16x2048xi32>
    %roll3A_1822 = arith.constant 1024 : i32
    %roll3A_1823 = tpu.dynamic_rotate %select_n3A_1808 by %roll3A_1822 dim 1 : vector<16x2048xi32>, i32 -> vector<16x2048xi32>
    %select_n3A_1824 = arith.select %ne3A_1814, %roll3A_1821, %roll3A_1823 : vector<16x2048xi1>, vector<16x2048xi32>
    %xor3A_1825 = arith.xori %broadcast_in_dim3A_2, %ne3A_1814 : vector<16x2048xi1>
    %gt3A_1826 = arith.cmpf ogt, %select_n3A_1807, %select_n3A_1819 : vector<16x2048xf32>
    %eq3A_1827 = arith.cmpf oeq, %select_n3A_1807, %select_n3A_1819 : vector<16x2048xf32>
    %lt3A_1828 = arith.cmpi slt, %select_n3A_1808, %select_n3A_1824 : vector<16x2048xi32>
    %and3A_1829 = arith.andi %eq3A_1827, %lt3A_1828 : vector<16x2048xi1>
    %or3A_1830 = arith.ori %gt3A_1826, %and3A_1829 : vector<16x2048xi1>
    %eq3A_1831 = arith.xori %xor3A_1825, %or3A_1830 : vector<16x2048xi1>
    %eq3A_1832 = arith.constant dense<true> : vector<16x2048xi1>
    %eq3A_1833 = arith.xori %eq3A_1831, %eq3A_1832 : vector<16x2048xi1>
    %select_n3A_1834 = arith.select %eq3A_1833, %select_n3A_1807, %select_n3A_1819 : vector<16x2048xi1>, vector<16x2048xf32>
    %select_n3A_1835 = arith.select %eq3A_1833, %select_n3A_1808, %select_n3A_1824 : vector<16x2048xi1>, vector<16x2048xi32>
    %slice3A = vector.extract_strided_slice %select_n3A_1834 {offsets = [0, 0], sizes = [16, 1024], strides = [1, 1]} : vector<16x2048xf32> to vector<16x1024xf32>
    %slice3A_1836 = vector.extract_strided_slice %select_n3A_1835 {offsets = [0, 0], sizes = [16, 1024], strides = [1, 1]} : vector<16x2048xi32> to vector<16x1024xi32>
    %slice3A_1837 = vector.extract_strided_slice %iota3A {offsets = [0, 0], sizes = [16, 1024], strides = [1, 1]} : vector<16x2048xi32> to vector<16x1024xi32>
    %broadcast_in_dim3A_1838 = arith.constant true
    %broadcast_in_dim3A_1839 = vector.broadcast %broadcast_in_dim3A_1838 : i1 to vector<16x1024xi1>
    %and3A_1840 = arith.constant 512 : i32
    %and3A_1841 = vector.broadcast %and3A_1840 : i32 to vector<16x1024xi32>
    %and3A_1842 = arith.andi %slice3A_1837, %and3A_1841 : vector<16x1024xi32>
    %ne3A_1843 = arith.constant 0 : i32
    %ne3A_1844 = vector.broadcast %ne3A_1843 : i32 to vector<16x1024xi32>
    %ne3A_1845 = arith.cmpi ne, %and3A_1842, %ne3A_1844 : vector<16x1024xi32>
    %roll3A_1846 = arith.constant 512 : i32
    %roll3A_1847 = tpu.dynamic_rotate %slice3A by %roll3A_1846 dim 1 : vector<16x1024xf32>, i32 -> vector<16x1024xf32>
    %roll3A_1848 = arith.constant 512 : i32
    %roll3A_1849 = tpu.dynamic_rotate %slice3A by %roll3A_1848 dim 1 : vector<16x1024xf32>, i32 -> vector<16x1024xf32>
    %select_n3A_1850 = arith.select %ne3A_1845, %roll3A_1847, %roll3A_1849 : vector<16x1024xi1>, vector<16x1024xf32>
    %roll3A_1851 = arith.constant 512 : i32
    %roll3A_1852 = tpu.dynamic_rotate %slice3A_1836 by %roll3A_1851 dim 1 : vector<16x1024xi32>, i32 -> vector<16x1024xi32>
    %roll3A_1853 = arith.constant 512 : i32
    %roll3A_1854 = tpu.dynamic_rotate %slice3A_1836 by %roll3A_1853 dim 1 : vector<16x1024xi32>, i32 -> vector<16x1024xi32>
    %select_n3A_1855 = arith.select %ne3A_1845, %roll3A_1852, %roll3A_1854 : vector<16x1024xi1>, vector<16x1024xi32>
    %xor3A_1856 = arith.xori %broadcast_in_dim3A_1839, %ne3A_1845 : vector<16x1024xi1>
    %gt3A_1857 = arith.cmpf ogt, %slice3A, %select_n3A_1850 : vector<16x1024xf32>
    %eq3A_1858 = arith.cmpf oeq, %slice3A, %select_n3A_1850 : vector<16x1024xf32>
    %lt3A_1859 = arith.cmpi slt, %slice3A_1836, %select_n3A_1855 : vector<16x1024xi32>
    %and3A_1860 = arith.andi %eq3A_1858, %lt3A_1859 : vector<16x1024xi1>
    %or3A_1861 = arith.ori %gt3A_1857, %and3A_1860 : vector<16x1024xi1>
    %eq3A_1862 = arith.xori %xor3A_1856, %or3A_1861 : vector<16x1024xi1>
    %eq3A_1863 = arith.constant dense<true> : vector<16x1024xi1>
    %eq3A_1864 = arith.xori %eq3A_1862, %eq3A_1863 : vector<16x1024xi1>
    %select_n3A_1865 = arith.select %eq3A_1864, %slice3A, %select_n3A_1850 : vector<16x1024xi1>, vector<16x1024xf32>
    %select_n3A_1866 = arith.select %eq3A_1864, %slice3A_1836, %select_n3A_1855 : vector<16x1024xi1>, vector<16x1024xi32>
    %and3A_1867 = arith.constant 256 : i32
    %and3A_1868 = vector.broadcast %and3A_1867 : i32 to vector<16x1024xi32>
    %and3A_1869 = arith.andi %slice3A_1837, %and3A_1868 : vector<16x1024xi32>
    %ne3A_1870 = arith.constant 0 : i32
    %ne3A_1871 = vector.broadcast %ne3A_1870 : i32 to vector<16x1024xi32>
    %ne3A_1872 = arith.cmpi ne, %and3A_1869, %ne3A_1871 : vector<16x1024xi32>
    %roll3A_1873 = arith.constant 256 : i32
    %roll3A_1874 = tpu.dynamic_rotate %select_n3A_1865 by %roll3A_1873 dim 1 : vector<16x1024xf32>, i32 -> vector<16x1024xf32>
    %roll3A_1875 = arith.constant 768 : i32
    %roll3A_1876 = tpu.dynamic_rotate %select_n3A_1865 by %roll3A_1875 dim 1 : vector<16x1024xf32>, i32 -> vector<16x1024xf32>
    %select_n3A_1877 = arith.select %ne3A_1872, %roll3A_1874, %roll3A_1876 : vector<16x1024xi1>, vector<16x1024xf32>
    %roll3A_1878 = arith.constant 256 : i32
    %roll3A_1879 = tpu.dynamic_rotate %select_n3A_1866 by %roll3A_1878 dim 1 : vector<16x1024xi32>, i32 -> vector<16x1024xi32>
    %roll3A_1880 = arith.constant 768 : i32
    %roll3A_1881 = tpu.dynamic_rotate %select_n3A_1866 by %roll3A_1880 dim 1 : vector<16x1024xi32>, i32 -> vector<16x1024xi32>
    %select_n3A_1882 = arith.select %ne3A_1872, %roll3A_1879, %roll3A_1881 : vector<16x1024xi1>, vector<16x1024xi32>
    %xor3A_1883 = arith.xori %broadcast_in_dim3A_1839, %ne3A_1872 : vector<16x1024xi1>
    %gt3A_1884 = arith.cmpf ogt, %select_n3A_1865, %select_n3A_1877 : vector<16x1024xf32>
    %eq3A_1885 = arith.cmpf oeq, %select_n3A_1865, %select_n3A_1877 : vector<16x1024xf32>
    %lt3A_1886 = arith.cmpi slt, %select_n3A_1866, %select_n3A_1882 : vector<16x1024xi32>
    %and3A_1887 = arith.andi %eq3A_1885, %lt3A_1886 : vector<16x1024xi1>
    %or3A_1888 = arith.ori %gt3A_1884, %and3A_1887 : vector<16x1024xi1>
    %eq3A_1889 = arith.xori %xor3A_1883, %or3A_1888 : vector<16x1024xi1>
    %eq3A_1890 = arith.constant dense<true> : vector<16x1024xi1>
    %eq3A_1891 = arith.xori %eq3A_1889, %eq3A_1890 : vector<16x1024xi1>
    %select_n3A_1892 = arith.select %eq3A_1891, %select_n3A_1865, %select_n3A_1877 : vector<16x1024xi1>, vector<16x1024xf32>
    %select_n3A_1893 = arith.select %eq3A_1891, %select_n3A_1866, %select_n3A_1882 : vector<16x1024xi1>, vector<16x1024xi32>
    %and3A_1894 = arith.constant 128 : i32
    %and3A_1895 = vector.broadcast %and3A_1894 : i32 to vector<16x1024xi32>
    %and3A_1896 = arith.andi %slice3A_1837, %and3A_1895 : vector<16x1024xi32>
    %ne3A_1897 = arith.constant 0 : i32
    %ne3A_1898 = vector.broadcast %ne3A_1897 : i32 to vector<16x1024xi32>
    %ne3A_1899 = arith.cmpi ne, %and3A_1896, %ne3A_1898 : vector<16x1024xi32>
    %roll3A_1900 = arith.constant 128 : i32
    %roll3A_1901 = tpu.dynamic_rotate %select_n3A_1892 by %roll3A_1900 dim 1 : vector<16x1024xf32>, i32 -> vector<16x1024xf32>
    %roll3A_1902 = arith.constant 896 : i32
    %roll3A_1903 = tpu.dynamic_rotate %select_n3A_1892 by %roll3A_1902 dim 1 : vector<16x1024xf32>, i32 -> vector<16x1024xf32>
    %select_n3A_1904 = arith.select %ne3A_1899, %roll3A_1901, %roll3A_1903 : vector<16x1024xi1>, vector<16x1024xf32>
    %roll3A_1905 = arith.constant 128 : i32
    %roll3A_1906 = tpu.dynamic_rotate %select_n3A_1893 by %roll3A_1905 dim 1 : vector<16x1024xi32>, i32 -> vector<16x1024xi32>
    %roll3A_1907 = arith.constant 896 : i32
    %roll3A_1908 = tpu.dynamic_rotate %select_n3A_1893 by %roll3A_1907 dim 1 : vector<16x1024xi32>, i32 -> vector<16x1024xi32>
    %select_n3A_1909 = arith.select %ne3A_1899, %roll3A_1906, %roll3A_1908 : vector<16x1024xi1>, vector<16x1024xi32>
    %xor3A_1910 = arith.xori %broadcast_in_dim3A_1839, %ne3A_1899 : vector<16x1024xi1>
    %gt3A_1911 = arith.cmpf ogt, %select_n3A_1892, %select_n3A_1904 : vector<16x1024xf32>
    %eq3A_1912 = arith.cmpf oeq, %select_n3A_1892, %select_n3A_1904 : vector<16x1024xf32>
    %lt3A_1913 = arith.cmpi slt, %select_n3A_1893, %select_n3A_1909 : vector<16x1024xi32>
    %and3A_1914 = arith.andi %eq3A_1912, %lt3A_1913 : vector<16x1024xi1>
    %or3A_1915 = arith.ori %gt3A_1911, %and3A_1914 : vector<16x1024xi1>
    %eq3A_1916 = arith.xori %xor3A_1910, %or3A_1915 : vector<16x1024xi1>
    %eq3A_1917 = arith.constant dense<true> : vector<16x1024xi1>
    %eq3A_1918 = arith.xori %eq3A_1916, %eq3A_1917 : vector<16x1024xi1>
    %select_n3A_1919 = arith.select %eq3A_1918, %select_n3A_1892, %select_n3A_1904 : vector<16x1024xi1>, vector<16x1024xf32>
    %select_n3A_1920 = arith.select %eq3A_1918, %select_n3A_1893, %select_n3A_1909 : vector<16x1024xi1>, vector<16x1024xi32>
    %and3A_1921 = arith.constant 64 : i32
    %and3A_1922 = vector.broadcast %and3A_1921 : i32 to vector<16x1024xi32>
    %and3A_1923 = arith.andi %slice3A_1837, %and3A_1922 : vector<16x1024xi32>
    %ne3A_1924 = arith.constant 0 : i32
    %ne3A_1925 = vector.broadcast %ne3A_1924 : i32 to vector<16x1024xi32>
    %ne3A_1926 = arith.cmpi ne, %and3A_1923, %ne3A_1925 : vector<16x1024xi32>
    %roll3A_1927 = arith.constant 64 : i32
    %roll3A_1928 = tpu.dynamic_rotate %select_n3A_1919 by %roll3A_1927 dim 1 : vector<16x1024xf32>, i32 -> vector<16x1024xf32>
    %roll3A_1929 = arith.constant 960 : i32
    %roll3A_1930 = tpu.dynamic_rotate %select_n3A_1919 by %roll3A_1929 dim 1 : vector<16x1024xf32>, i32 -> vector<16x1024xf32>
    %select_n3A_1931 = arith.select %ne3A_1926, %roll3A_1928, %roll3A_1930 : vector<16x1024xi1>, vector<16x1024xf32>
    %roll3A_1932 = arith.constant 64 : i32
    %roll3A_1933 = tpu.dynamic_rotate %select_n3A_1920 by %roll3A_1932 dim 1 : vector<16x1024xi32>, i32 -> vector<16x1024xi32>
    %roll3A_1934 = arith.constant 960 : i32
    %roll3A_1935 = tpu.dynamic_rotate %select_n3A_1920 by %roll3A_1934 dim 1 : vector<16x1024xi32>, i32 -> vector<16x1024xi32>
    %select_n3A_1936 = arith.select %ne3A_1926, %roll3A_1933, %roll3A_1935 : vector<16x1024xi1>, vector<16x1024xi32>
    %xor3A_1937 = arith.xori %broadcast_in_dim3A_1839, %ne3A_1926 : vector<16x1024xi1>
    %gt3A_1938 = arith.cmpf ogt, %select_n3A_1919, %select_n3A_1931 : vector<16x1024xf32>
    %eq3A_1939 = arith.cmpf oeq, %select_n3A_1919, %select_n3A_1931 : vector<16x1024xf32>
    %lt3A_1940 = arith.cmpi slt, %select_n3A_1920, %select_n3A_1936 : vector<16x1024xi32>
    %and3A_1941 = arith.andi %eq3A_1939, %lt3A_1940 : vector<16x1024xi1>
    %or3A_1942 = arith.ori %gt3A_1938, %and3A_1941 : vector<16x1024xi1>
    %eq3A_1943 = arith.xori %xor3A_1937, %or3A_1942 : vector<16x1024xi1>
    %eq3A_1944 = arith.constant dense<true> : vector<16x1024xi1>
    %eq3A_1945 = arith.xori %eq3A_1943, %eq3A_1944 : vector<16x1024xi1>
    %select_n3A_1946 = arith.select %eq3A_1945, %select_n3A_1919, %select_n3A_1931 : vector<16x1024xi1>, vector<16x1024xf32>
    %select_n3A_1947 = arith.select %eq3A_1945, %select_n3A_1920, %select_n3A_1936 : vector<16x1024xi1>, vector<16x1024xi32>
    %and3A_1948 = arith.constant 32 : i32
    %and3A_1949 = vector.broadcast %and3A_1948 : i32 to vector<16x1024xi32>
    %and3A_1950 = arith.andi %slice3A_1837, %and3A_1949 : vector<16x1024xi32>
    %ne3A_1951 = arith.constant 0 : i32
    %ne3A_1952 = vector.broadcast %ne3A_1951 : i32 to vector<16x1024xi32>
    %ne3A_1953 = arith.cmpi ne, %and3A_1950, %ne3A_1952 : vector<16x1024xi32>
    %roll3A_1954 = arith.constant 32 : i32
    %roll3A_1955 = tpu.dynamic_rotate %select_n3A_1946 by %roll3A_1954 dim 1 : vector<16x1024xf32>, i32 -> vector<16x1024xf32>
    %roll3A_1956 = arith.constant 992 : i32
    %roll3A_1957 = tpu.dynamic_rotate %select_n3A_1946 by %roll3A_1956 dim 1 : vector<16x1024xf32>, i32 -> vector<16x1024xf32>
    %select_n3A_1958 = arith.select %ne3A_1953, %roll3A_1955, %roll3A_1957 : vector<16x1024xi1>, vector<16x1024xf32>
    %roll3A_1959 = arith.constant 32 : i32
    %roll3A_1960 = tpu.dynamic_rotate %select_n3A_1947 by %roll3A_1959 dim 1 : vector<16x1024xi32>, i32 -> vector<16x1024xi32>
    %roll3A_1961 = arith.constant 992 : i32
    %roll3A_1962 = tpu.dynamic_rotate %select_n3A_1947 by %roll3A_1961 dim 1 : vector<16x1024xi32>, i32 -> vector<16x1024xi32>
    %select_n3A_1963 = arith.select %ne3A_1953, %roll3A_1960, %roll3A_1962 : vector<16x1024xi1>, vector<16x1024xi32>
    %xor3A_1964 = arith.xori %broadcast_in_dim3A_1839, %ne3A_1953 : vector<16x1024xi1>
    %gt3A_1965 = arith.cmpf ogt, %select_n3A_1946, %select_n3A_1958 : vector<16x1024xf32>
    %eq3A_1966 = arith.cmpf oeq, %select_n3A_1946, %select_n3A_1958 : vector<16x1024xf32>
    %lt3A_1967 = arith.cmpi slt, %select_n3A_1947, %select_n3A_1963 : vector<16x1024xi32>
    %and3A_1968 = arith.andi %eq3A_1966, %lt3A_1967 : vector<16x1024xi1>
    %or3A_1969 = arith.ori %gt3A_1965, %and3A_1968 : vector<16x1024xi1>
    %eq3A_1970 = arith.xori %xor3A_1964, %or3A_1969 : vector<16x1024xi1>
    %eq3A_1971 = arith.constant dense<true> : vector<16x1024xi1>
    %eq3A_1972 = arith.xori %eq3A_1970, %eq3A_1971 : vector<16x1024xi1>
    %select_n3A_1973 = arith.select %eq3A_1972, %select_n3A_1946, %select_n3A_1958 : vector<16x1024xi1>, vector<16x1024xf32>
    %select_n3A_1974 = arith.select %eq3A_1972, %select_n3A_1947, %select_n3A_1963 : vector<16x1024xi1>, vector<16x1024xi32>
    %and3A_1975 = arith.constant 16 : i32
    %and3A_1976 = vector.broadcast %and3A_1975 : i32 to vector<16x1024xi32>
    %and3A_1977 = arith.andi %slice3A_1837, %and3A_1976 : vector<16x1024xi32>
    %ne3A_1978 = arith.constant 0 : i32
    %ne3A_1979 = vector.broadcast %ne3A_1978 : i32 to vector<16x1024xi32>
    %ne3A_1980 = arith.cmpi ne, %and3A_1977, %ne3A_1979 : vector<16x1024xi32>
    %roll3A_1981 = arith.constant 16 : i32
    %roll3A_1982 = tpu.dynamic_rotate %select_n3A_1973 by %roll3A_1981 dim 1 : vector<16x1024xf32>, i32 -> vector<16x1024xf32>
    %roll3A_1983 = arith.constant 1008 : i32
    %roll3A_1984 = tpu.dynamic_rotate %select_n3A_1973 by %roll3A_1983 dim 1 : vector<16x1024xf32>, i32 -> vector<16x1024xf32>
    %select_n3A_1985 = arith.select %ne3A_1980, %roll3A_1982, %roll3A_1984 : vector<16x1024xi1>, vector<16x1024xf32>
    %roll3A_1986 = arith.constant 16 : i32
    %roll3A_1987 = tpu.dynamic_rotate %select_n3A_1974 by %roll3A_1986 dim 1 : vector<16x1024xi32>, i32 -> vector<16x1024xi32>
    %roll3A_1988 = arith.constant 1008 : i32
    %roll3A_1989 = tpu.dynamic_rotate %select_n3A_1974 by %roll3A_1988 dim 1 : vector<16x1024xi32>, i32 -> vector<16x1024xi32>
    %select_n3A_1990 = arith.select %ne3A_1980, %roll3A_1987, %roll3A_1989 : vector<16x1024xi1>, vector<16x1024xi32>
    %xor3A_1991 = arith.xori %broadcast_in_dim3A_1839, %ne3A_1980 : vector<16x1024xi1>
    %gt3A_1992 = arith.cmpf ogt, %select_n3A_1973, %select_n3A_1985 : vector<16x1024xf32>
    %eq3A_1993 = arith.cmpf oeq, %select_n3A_1973, %select_n3A_1985 : vector<16x1024xf32>
    %lt3A_1994 = arith.cmpi slt, %select_n3A_1974, %select_n3A_1990 : vector<16x1024xi32>
    %and3A_1995 = arith.andi %eq3A_1993, %lt3A_1994 : vector<16x1024xi1>
    %or3A_1996 = arith.ori %gt3A_1992, %and3A_1995 : vector<16x1024xi1>
    %eq3A_1997 = arith.xori %xor3A_1991, %or3A_1996 : vector<16x1024xi1>
    %eq3A_1998 = arith.constant dense<true> : vector<16x1024xi1>
    %eq3A_1999 = arith.xori %eq3A_1997, %eq3A_1998 : vector<16x1024xi1>
    %select_n3A_2000 = arith.select %eq3A_1999, %select_n3A_1973, %select_n3A_1985 : vector<16x1024xi1>, vector<16x1024xf32>
    %select_n3A_2001 = arith.select %eq3A_1999, %select_n3A_1974, %select_n3A_1990 : vector<16x1024xi1>, vector<16x1024xi32>
    %and3A_2002 = arith.constant 8 : i32
    %and3A_2003 = vector.broadcast %and3A_2002 : i32 to vector<16x1024xi32>
    %and3A_2004 = arith.andi %slice3A_1837, %and3A_2003 : vector<16x1024xi32>
    %ne3A_2005 = arith.constant 0 : i32
    %ne3A_2006 = vector.broadcast %ne3A_2005 : i32 to vector<16x1024xi32>
    %ne3A_2007 = arith.cmpi ne, %and3A_2004, %ne3A_2006 : vector<16x1024xi32>
    %roll3A_2008 = arith.constant 8 : i32
    %roll3A_2009 = tpu.dynamic_rotate %select_n3A_2000 by %roll3A_2008 dim 1 : vector<16x1024xf32>, i32 -> vector<16x1024xf32>
    %roll3A_2010 = arith.constant 1016 : i32
    %roll3A_2011 = tpu.dynamic_rotate %select_n3A_2000 by %roll3A_2010 dim 1 : vector<16x1024xf32>, i32 -> vector<16x1024xf32>
    %select_n3A_2012 = arith.select %ne3A_2007, %roll3A_2009, %roll3A_2011 : vector<16x1024xi1>, vector<16x1024xf32>
    %roll3A_2013 = arith.constant 8 : i32
    %roll3A_2014 = tpu.dynamic_rotate %select_n3A_2001 by %roll3A_2013 dim 1 : vector<16x1024xi32>, i32 -> vector<16x1024xi32>
    %roll3A_2015 = arith.constant 1016 : i32
    %roll3A_2016 = tpu.dynamic_rotate %select_n3A_2001 by %roll3A_2015 dim 1 : vector<16x1024xi32>, i32 -> vector<16x1024xi32>
    %select_n3A_2017 = arith.select %ne3A_2007, %roll3A_2014, %roll3A_2016 : vector<16x1024xi1>, vector<16x1024xi32>
    %xor3A_2018 = arith.xori %broadcast_in_dim3A_1839, %ne3A_2007 : vector<16x1024xi1>
    %gt3A_2019 = arith.cmpf ogt, %select_n3A_2000, %select_n3A_2012 : vector<16x1024xf32>
    %eq3A_2020 = arith.cmpf oeq, %select_n3A_2000, %select_n3A_2012 : vector<16x1024xf32>
    %lt3A_2021 = arith.cmpi slt, %select_n3A_2001, %select_n3A_2017 : vector<16x1024xi32>
    %and3A_2022 = arith.andi %eq3A_2020, %lt3A_2021 : vector<16x1024xi1>
    %or3A_2023 = arith.ori %gt3A_2019, %and3A_2022 : vector<16x1024xi1>
    %eq3A_2024 = arith.xori %xor3A_2018, %or3A_2023 : vector<16x1024xi1>
    %eq3A_2025 = arith.constant dense<true> : vector<16x1024xi1>
    %eq3A_2026 = arith.xori %eq3A_2024, %eq3A_2025 : vector<16x1024xi1>
    %select_n3A_2027 = arith.select %eq3A_2026, %select_n3A_2000, %select_n3A_2012 : vector<16x1024xi1>, vector<16x1024xf32>
    %select_n3A_2028 = arith.select %eq3A_2026, %select_n3A_2001, %select_n3A_2017 : vector<16x1024xi1>, vector<16x1024xi32>
    %and3A_2029 = arith.constant 4 : i32
    %and3A_2030 = vector.broadcast %and3A_2029 : i32 to vector<16x1024xi32>
    %and3A_2031 = arith.andi %slice3A_1837, %and3A_2030 : vector<16x1024xi32>
    %ne3A_2032 = arith.constant 0 : i32
    %ne3A_2033 = vector.broadcast %ne3A_2032 : i32 to vector<16x1024xi32>
    %ne3A_2034 = arith.cmpi ne, %and3A_2031, %ne3A_2033 : vector<16x1024xi32>
    %roll3A_2035 = arith.constant 4 : i32
    %roll3A_2036 = tpu.dynamic_rotate %select_n3A_2027 by %roll3A_2035 dim 1 : vector<16x1024xf32>, i32 -> vector<16x1024xf32>
    %roll3A_2037 = arith.constant 1020 : i32
    %roll3A_2038 = tpu.dynamic_rotate %select_n3A_2027 by %roll3A_2037 dim 1 : vector<16x1024xf32>, i32 -> vector<16x1024xf32>
    %select_n3A_2039 = arith.select %ne3A_2034, %roll3A_2036, %roll3A_2038 : vector<16x1024xi1>, vector<16x1024xf32>
    %roll3A_2040 = arith.constant 4 : i32
    %roll3A_2041 = tpu.dynamic_rotate %select_n3A_2028 by %roll3A_2040 dim 1 : vector<16x1024xi32>, i32 -> vector<16x1024xi32>
    %roll3A_2042 = arith.constant 1020 : i32
    %roll3A_2043 = tpu.dynamic_rotate %select_n3A_2028 by %roll3A_2042 dim 1 : vector<16x1024xi32>, i32 -> vector<16x1024xi32>
    %select_n3A_2044 = arith.select %ne3A_2034, %roll3A_2041, %roll3A_2043 : vector<16x1024xi1>, vector<16x1024xi32>
    %xor3A_2045 = arith.xori %broadcast_in_dim3A_1839, %ne3A_2034 : vector<16x1024xi1>
    %gt3A_2046 = arith.cmpf ogt, %select_n3A_2027, %select_n3A_2039 : vector<16x1024xf32>
    %eq3A_2047 = arith.cmpf oeq, %select_n3A_2027, %select_n3A_2039 : vector<16x1024xf32>
    %lt3A_2048 = arith.cmpi slt, %select_n3A_2028, %select_n3A_2044 : vector<16x1024xi32>
    %and3A_2049 = arith.andi %eq3A_2047, %lt3A_2048 : vector<16x1024xi1>
    %or3A_2050 = arith.ori %gt3A_2046, %and3A_2049 : vector<16x1024xi1>
    %eq3A_2051 = arith.xori %xor3A_2045, %or3A_2050 : vector<16x1024xi1>
    %eq3A_2052 = arith.constant dense<true> : vector<16x1024xi1>
    %eq3A_2053 = arith.xori %eq3A_2051, %eq3A_2052 : vector<16x1024xi1>
    %select_n3A_2054 = arith.select %eq3A_2053, %select_n3A_2027, %select_n3A_2039 : vector<16x1024xi1>, vector<16x1024xf32>
    %select_n3A_2055 = arith.select %eq3A_2053, %select_n3A_2028, %select_n3A_2044 : vector<16x1024xi1>, vector<16x1024xi32>
    %and3A_2056 = arith.constant 2 : i32
    %and3A_2057 = vector.broadcast %and3A_2056 : i32 to vector<16x1024xi32>
    %and3A_2058 = arith.andi %slice3A_1837, %and3A_2057 : vector<16x1024xi32>
    %ne3A_2059 = arith.constant 0 : i32
    %ne3A_2060 = vector.broadcast %ne3A_2059 : i32 to vector<16x1024xi32>
    %ne3A_2061 = arith.cmpi ne, %and3A_2058, %ne3A_2060 : vector<16x1024xi32>
    %roll3A_2062 = arith.constant 2 : i32
    %roll3A_2063 = tpu.dynamic_rotate %select_n3A_2054 by %roll3A_2062 dim 1 : vector<16x1024xf32>, i32 -> vector<16x1024xf32>
    %roll3A_2064 = arith.constant 1022 : i32
    %roll3A_2065 = tpu.dynamic_rotate %select_n3A_2054 by %roll3A_2064 dim 1 : vector<16x1024xf32>, i32 -> vector<16x1024xf32>
    %select_n3A_2066 = arith.select %ne3A_2061, %roll3A_2063, %roll3A_2065 : vector<16x1024xi1>, vector<16x1024xf32>
    %roll3A_2067 = arith.constant 2 : i32
    %roll3A_2068 = tpu.dynamic_rotate %select_n3A_2055 by %roll3A_2067 dim 1 : vector<16x1024xi32>, i32 -> vector<16x1024xi32>
    %roll3A_2069 = arith.constant 1022 : i32
    %roll3A_2070 = tpu.dynamic_rotate %select_n3A_2055 by %roll3A_2069 dim 1 : vector<16x1024xi32>, i32 -> vector<16x1024xi32>
    %select_n3A_2071 = arith.select %ne3A_2061, %roll3A_2068, %roll3A_2070 : vector<16x1024xi1>, vector<16x1024xi32>
    %xor3A_2072 = arith.xori %broadcast_in_dim3A_1839, %ne3A_2061 : vector<16x1024xi1>
    %gt3A_2073 = arith.cmpf ogt, %select_n3A_2054, %select_n3A_2066 : vector<16x1024xf32>
    %eq3A_2074 = arith.cmpf oeq, %select_n3A_2054, %select_n3A_2066 : vector<16x1024xf32>
    %lt3A_2075 = arith.cmpi slt, %select_n3A_2055, %select_n3A_2071 : vector<16x1024xi32>
    %and3A_2076 = arith.andi %eq3A_2074, %lt3A_2075 : vector<16x1024xi1>
    %or3A_2077 = arith.ori %gt3A_2073, %and3A_2076 : vector<16x1024xi1>
    %eq3A_2078 = arith.xori %xor3A_2072, %or3A_2077 : vector<16x1024xi1>
    %eq3A_2079 = arith.constant dense<true> : vector<16x1024xi1>
    %eq3A_2080 = arith.xori %eq3A_2078, %eq3A_2079 : vector<16x1024xi1>
    %select_n3A_2081 = arith.select %eq3A_2080, %select_n3A_2054, %select_n3A_2066 : vector<16x1024xi1>, vector<16x1024xf32>
    %select_n3A_2082 = arith.select %eq3A_2080, %select_n3A_2055, %select_n3A_2071 : vector<16x1024xi1>, vector<16x1024xi32>
    %and3A_2083 = arith.constant 1 : i32
    %and3A_2084 = vector.broadcast %and3A_2083 : i32 to vector<16x1024xi32>
    %and3A_2085 = arith.andi %slice3A_1837, %and3A_2084 : vector<16x1024xi32>
    %ne3A_2086 = arith.constant 0 : i32
    %ne3A_2087 = vector.broadcast %ne3A_2086 : i32 to vector<16x1024xi32>
    %ne3A_2088 = arith.cmpi ne, %and3A_2085, %ne3A_2087 : vector<16x1024xi32>
    %roll3A_2089 = arith.constant 1 : i32
    %roll3A_2090 = tpu.dynamic_rotate %select_n3A_2081 by %roll3A_2089 dim 1 : vector<16x1024xf32>, i32 -> vector<16x1024xf32>
    %roll3A_2091 = arith.constant 1023 : i32
    %roll3A_2092 = tpu.dynamic_rotate %select_n3A_2081 by %roll3A_2091 dim 1 : vector<16x1024xf32>, i32 -> vector<16x1024xf32>
    %select_n3A_2093 = arith.select %ne3A_2088, %roll3A_2090, %roll3A_2092 : vector<16x1024xi1>, vector<16x1024xf32>
    %roll3A_2094 = arith.constant 1 : i32
    %roll3A_2095 = tpu.dynamic_rotate %select_n3A_2082 by %roll3A_2094 dim 1 : vector<16x1024xi32>, i32 -> vector<16x1024xi32>
    %roll3A_2096 = arith.constant 1023 : i32
    %roll3A_2097 = tpu.dynamic_rotate %select_n3A_2082 by %roll3A_2096 dim 1 : vector<16x1024xi32>, i32 -> vector<16x1024xi32>
    %select_n3A_2098 = arith.select %ne3A_2088, %roll3A_2095, %roll3A_2097 : vector<16x1024xi1>, vector<16x1024xi32>
    %xor3A_2099 = arith.xori %broadcast_in_dim3A_1839, %ne3A_2088 : vector<16x1024xi1>
    %gt3A_2100 = arith.cmpf ogt, %select_n3A_2081, %select_n3A_2093 : vector<16x1024xf32>
    %eq3A_2101 = arith.cmpf oeq, %select_n3A_2081, %select_n3A_2093 : vector<16x1024xf32>
    %lt3A_2102 = arith.cmpi slt, %select_n3A_2082, %select_n3A_2098 : vector<16x1024xi32>
    %and3A_2103 = arith.andi %eq3A_2101, %lt3A_2102 : vector<16x1024xi1>
    %or3A_2104 = arith.ori %gt3A_2100, %and3A_2103 : vector<16x1024xi1>
    %eq3A_2105 = arith.xori %xor3A_2099, %or3A_2104 : vector<16x1024xi1>
    %eq3A_2106 = arith.constant dense<true> : vector<16x1024xi1>
    %eq3A_2107 = arith.xori %eq3A_2105, %eq3A_2106 : vector<16x1024xi1>
    %select_n3A_2108 = arith.select %eq3A_2107, %select_n3A_2081, %select_n3A_2093 : vector<16x1024xi1>, vector<16x1024xf32>
    %select_n3A_2109 = arith.select %eq3A_2107, %select_n3A_2082, %select_n3A_2098 : vector<16x1024xi1>, vector<16x1024xi32>
    %iota3A_2110 = tpu.iota {dimensions = array<i32: 0>} : vector<16x1024xi32>
    %swap3A = arith.constant 0 : index
    %swap3A_2111 = arith.constant 0 : index
    %swap3A_2112 = vector.load %arg1[%swap3A, %swap3A_2111] : memref<16x1024xf32, #tpu.memory_space<vmem>>, vector<16x1024xf32>
    tpu.vector_store %arg1[%swap3A, %swap3A_2111], %select_n3A_2108 {strides = array<i32>} : memref<16x1024xf32, #tpu.memory_space<vmem>>, vector<16x1024xf32>,
    %mul3A = arith.constant 2048 : i32
    %mul3A_2113 = vector.broadcast %mul3A : i32 to vector<16x1024xi32>
    %mul3A_2114 = arith.muli %mul3A_2113, %iota3A_2110 : vector<16x1024xi32>
    %add3A = arith.addi %select_n3A_2109, %mul3A_2114 : vector<16x1024xi32>
    %swap3A_2115 = arith.constant 0 : index
    %swap3A_2116 = arith.constant 0 : index
    %swap3A_2117 = vector.load %arg2[%swap3A_2115, %swap3A_2116] : memref<16x1024xi32, #tpu.memory_space<vmem>>, vector<16x1024xi32>
    tpu.vector_store %arg2[%swap3A_2115, %swap3A_2116], %add3A {strides = array<i32>} : memref<16x1024xi32, #tpu.memory_space<vmem>>, vector<16x1024xi32>,
    return
  }
}

</mosaic_0001>

<sc_bundles>
// kernel: kernel.12.cloned.1.call-start
scs
__scs_entry_jumppad:
0x0: {  	(pc) =	sbr.rel $0x88, $3  }
0x1: {  	(tag) =	ssettag $0x0;
	lr =	simm.s32 $0x1  }
0x2: {  	[smem:$0x3F99] =	sst lr;
	_ =	strace $0xD0000000  }
0x3: {  	_ = 	snop  }
0x4: {  	_ = 	snop  }
0x5: {  	_ = 	snop  }
0x6: {  	_ = 	snop  }
0x7: {  	_ = 	snop  }
__scs_overlays_trampoline_lowered:
0x8: {  	[smem:$0x3FA8] =	sst s0  }
0x9: {  	[smem:$0x3FA9] =	sst s1  }
0xa: {  	[smem:$0x3FAA] =	sst s2  }
0xb: {  	[smem:$0x3FAB] =	sst s3  }
0xc: {  	[smem:$0x3FAC] =	sst s4  }
0xd: {  	[smem:$0x3FAD] =	sst s5  }
0xe: {  	[smem:$0x3FAE] =	sst s6  }
0xf: {  	[smem:$0x3FAF] =	sst s7  }
0x10: {  	[smem:$0x3FB0] =	sst s8  }
0x11: {  	[smem:$0x3FB1] =	sst s9;
	s0 =	simm.s32 @!p0 $0x0  }
0x12: {  	s1 =	sld [smem:$0x3F97];
	s0 =	simm.s32 @p0 $0x1  }
0x13: {  	[smem:$0x3FB2] =	sst s0;
	s0 =	simm.s32 @!p1 $0x0  }
0x14: {  	s2 =	sld [smem:$0x3F96];
	s0 =	simm.s32 @p1 $0x1  }
0x15: {  	[smem:$0x3FB3] =	sst s0;
	s0 =	simm.s32 @!p2 $0x0  }
0x16: {  	s3 =	sld [smem:$0x3FDB];
	s0 =	simm.s32 @p2 $0x1  }
0x17: {  	s4 =	simm.s32 $0x1BF5;
	[smem:$0x3FB5] =	sst s0  }
0x18: {  	s0 =	sld [smem:$0x3F98];
	_ =	swait.ge [sflag:s4], $0x0  }
0x19: {  	s7 =	sld [smem:$0x3F99]  }
0x1a: {  	s8 =	sadd.s32 $0xFFFFE003, lr  }
0x1b: {  	s9 =	sadd.s32 $0xFFFFFEF7, lr;
	s5 =	simm.s32 $0xFFFFFFFF;
	p2 =	slt.u32 s8, $0xFFFFF086  }
0x1c: {  	p1 =	slt.u32 s9, $0xF7A;
	s5 =	simm.s32 @!p2 $0x0  }
0x1d: {  	s5 =	simm.s32 @p1 $0x1;
	p0 =	seq.s32 s7, s2  }
0x1e: {  	s7 =	smul.u32 @!p0 $0xF7A, s2;
	p2 =	seq.s32 @!p0 s5, $0x0  }
0x1f: {  	s9 =	smul.u32 $0xF7A, s1;
	s8 =	simm.s32 @!p0 $0x1BF5;
	p2 =	por !p2, p0  }
0x20: {  	[sflag:s8] =	ssyncset.s32 @!p0 $0xFFFFF086;
	s6 =	sadd.s32 @!p0 s3, s7;
	s7 =	simm.s32 @!p0 $0x108  }
0x21: {  	s3 =	sadd.s32 s3, s9;
	s6 =	sadd.s32 @!p0 $0x88, s6;
	s7 =	simm.s32 @p2 $0x1082  }
0x22: {  	[simem:s7], [sflag:s8] =	dma.local @!p0 [hbm:s6], $0xF7A  }
0x23: {  	s9 =	sor.u32 $0xD0000000, s2;
	s6 =	simm.s32 $0x108;
	_ =	swait.ge @!p0 [sflag:s8], $0x0  }
0x24: {  	s3 =	sadd.s32 $0x88, s3;
	s6 =	simm.s32 @!p1 $0x1082;
	[sflag:s4] =	ssyncset.s32 $0xFFFFF086  }
0x25: {  	[simem:s6], [sflag:s4] =	dma.local [hbm:s3], $0xF7A  }
0x26: {  	[smem:$0x3F99] =	sst s1;
	(tag) =	ssettag s2;
	_ =	strace s9  }
0x27: {  	s1 =	sld [smem:$0x3FA9]  }
0x28: {  	s2 =	sld [smem:$0x3FAA]  }
0x29: {  	s4 =	sld [smem:$0x3FAC]  }
0x2a: {  	p0 =	seq.s32 s5, $0x0;
	s5 =	sld [smem:$0x3FAD]  }
0x2b: {  	s6 =	sld [smem:$0x3FAE]  }
0x2c: {  	s7 =	sld [smem:$0x3FAF]  }
0x2d: {  	s3 =	simm.s32 $0x108;
	s8 =	sld [smem:$0x3FB0]  }
0x2e: {  	s3 =	simm.s32 @!p0 $0x1082;
	s9 =	sld [smem:$0x3FB1]  }
0x2f: {  	lr =	sadd.s32 s0, s3;
	s0 =	sld [smem:$0x3FA8]  }
0x30: {  	s3 =	sld [smem:$0x3FAB]  }
0x31: {  	[smem:$0x3FB4] =	sst s10  }
0x32: {  	s10 =	sld [smem:$0x3FB2];
	_ =	sdelay $0x3  }
0x33: {  	p0 =	seq.s32 s10, $0x1;
	s10 =	sld [smem:$0x3FB4];
	_ =	sdelay $0x3  }
0x34: {  	[smem:$0x3FB4] =	sst s10  }
0x35: {  	s10 =	sld [smem:$0x3FB3];
	_ =	sdelay $0x3  }
0x36: {  	p1 =	seq.s32 s10, $0x1;
	s10 =	sld [smem:$0x3FB4];
	_ =	sdelay $0x3  }
0x37: {  	[smem:$0x3FB4] =	sst s10  }
0x38: {  	s10 =	sld [smem:$0x3FB5]  }
0x39: {  	_ = 	snop;
	(pc) =	sbr.ind lr, $3  }
0x3a: {  	_ = 	snop  }
0x3b: {  	_ = 	snop  }
0x3c: {  	p2 =	seq.s32 s10, $0x1;
	s10 =	sld [smem:$0x3FB4]  }
0x3d: {  	_ =	shalt  }
0x3e: {  	_ =	shalt  }
0x3f: {  	_ =	shalt  }
0x40: {  	_ =	shalt  }
0x41: {  	_ =	shalt  }
0x42: {  	_ =	shalt  }
0x43: {  	_ =	shalt  }
0x44: {  	_ =	shalt  }
0x45: {  	_ =	shalt  }
0x46: {  	_ =	shalt  }
0x47: {  	_ =	shalt  }
0x48: {  	_ =	shalt  }
0x49: {  	_ =	shalt  }
0x4a: {  	_ =	shalt  }
0x4b: {  	_ =	shalt  }
0x4c: {  	_ =	shalt  }
0x4d: {  	_ =	shalt  }
0x4e: {  	_ =	shalt  }
0x4f: {  	_ =	shalt  }
0x50: {  	_ =	shalt  }
0x51: {  	_ =	shalt  }
0x52: {  	_ =	shalt  }
0x53: {  	_ =	shalt  }
0x54: {  	_ =	shalt  }
0x55: {  	_ =	shalt  }
0x56: {  	_ =	shalt  }
0x57: {  	_ =	shalt  }
0x58: {  	_ =	shalt  }
0x59: {  	_ =	shalt  }
0x5a: {  	_ =	shalt  }
0x5b: {  	_ =	shalt  }
0x5c: {  	_ =	shalt  }
0x5d: {  	_ =	shalt  }
0x5e: {  	_ =	shalt  }
0x5f: {  	_ =	shalt  }
0x60: {  	_ =	shalt  }
0x61: {  	_ =	shalt  }
0x62: {  	_ =	shalt  }
0x63: {  	_ =	shalt  }
0x64: {  	_ =	shalt  }
0x65: {  	_ =	shalt  }
0x66: {  	_ =	shalt  }
0x67: {  	_ =	shalt  }
0x68: {  	_ =	shalt  }
0x69: {  	_ =	shalt  }
0x6a: {  	_ =	shalt  }
0x6b: {  	_ =	shalt  }
0x6c: {  	_ =	shalt  }
0x6d: {  	_ =	shalt  }
0x6e: {  	_ =	shalt  }
0x6f: {  	_ =	shalt  }
0x70: {  	_ =	shalt  }
0x71: {  	_ =	shalt  }
0x72: {  	_ =	shalt  }
0x73: {  	_ =	shalt  }
0x74: {  	_ =	shalt  }
0x75: {  	_ =	shalt  }
0x76: {  	_ =	shalt  }
0x77: {  	_ =	shalt  }
0x78: {  	_ =	shalt  }
0x79: {  	_ =	shalt  }
0x7a: {  	_ =	shalt  }
0x7b: {  	_ =	shalt  }
0x7c: {  	_ =	shalt  }
0x7d: {  	_ =	shalt  }
0x7e: {  	_ =	shalt  }
0x7f: {  	_ =	shalt  }
0x80: {  	_ =	shalt  }
0x81: {  	_ =	shalt  }
0x82: {  	_ =	shalt  }
0x83: {  	_ =	shalt  }
0x84: {  	_ =	shalt  }
0x85: {  	_ =	shalt  }
0x86: {  	_ =	shalt  }
0x87: {  	_ =	shalt  }
.Lfunc_end0:
.L_simem_size_0:
called_computation_lowered:
.L_overlay_start_0:
0x88: {  	s2 =	sld [smem:$0x3FD9]  }
0x89: {  	s3 =	sld [smem:$0x3FFE];
	_ =	sdelay $0x1  }
0x8a: {  	s1 =	srdreg.scid  }
0x8b: {  	s0 =	sand.u32 $0x1, s1  }
0x8c: {  	s17 =	sshll.u32 s0, $0xA;
	s2 =	sadd.s32 s3, s2  }
0x8d: {  	s2 =	sadd.s32 s2, s17  }
0x8e: {  	[smem:$0x3FC0] =	sst s2  }
0x8f: {  	_ = 	snop  }
0x90: {  	s18 =	sld [smem:$0x3FC6];
	(tm) =	ssettm $0x1  }
0x91: {  	s19 =	sld [smem:$0x3FFB];
	_ =	sdelay $0x3  }
0x92: {  	_ =	strace s19  }
0x93: {  	s2 =	sld [smem:$0x3FFC];
	_ =	sdelay $0x3  }
0x94: {  	_ =	strace s2  }
0x95: {  	s2 =	sld [smem:$0x3FFD];
	_ =	sdelay $0x3  }
0x96: {  	_ =	strace s2  }
0x97: {  	_ =	strace $0x8FFFFFFF  }
0x98: {  	s20 =	sld [smem:$0x3FDB];
	_ =	sdelay $0x1  }
0x99: {  	s4 =	simm.s32 $_scs_section_size  }
0x9a: {  	s5 =	simm.s32 $_size__tile_overlayer_lowered;
	s6 =	simm.s32 $_tile_overlayer_lowered  }
0x9b: {  	s7 =	simm.s32 $0x1BFF;
	s21 =	sshll.u32 s6, $0x1;
	s4 =	sadd.s32 s4, s20  }
0x9c: {  	s22 =	simm.s32 $0x0;
	s5 =	sshll.u32 s5, $0x1;
	s6 =	sadd.s32 s21, s4  }
0x9d: {  	[timem:s22], [sflag:s7] =	dma.local [hbm:s6], s5  }
0x9e: {  	_ =	swait.ge [sflag:s7], s5  }
0x9f: {  	s5 =	ssub.s32 $0x0, s5;
	[sflag:s7] =	ssyncset.done $0x0  }
0xa0: {  	[sflag:s7] =	ssyncadd.s32 s5;
	_ =	sdelay $0x1  }
0xa1: {  	s23 =	simm.s32 $0x1B8B  }
0xa2: {  	_ =	swait.ge [sflag:s23], $0x1  }
0xa3: {  	[sflag:s23] =	ssyncset.done $0x0  }
0xa4: {  	[sflag:s23] =	ssyncadd.s32 $0xFFFFFFFF  }
0xa5: {  	s5 =	sld [smem:$0x0]  }
0xa6: {  	s6 =	sand.u32 $0xFFFFFFFE, s1  }
0xa7: {  	p0 =	sne.s32 s1, s6  }
0xa8: {  	s6 =	sshll.u32 @p0 s6, $0xE  }
0xa9: {  	s6 =	sadd.s32 @p0 $0x11B8D, s6;
	s7 =	sshll.u32 @p0 s5, $0x11  }
0xaa: {  	s6 =	sor.u32 @p0 s7, s6  }
0xab: {  	[sflag:s6] =	ssyncadd.remote.s32 @p0 $0x1;
	_ =	sdelay $0x1  }
0xac: {  	s6 =	simm.s32 @p0 $0x1B8D  }
0xad: {  	_ =	swait.eq @p0 [sflag:s6], $0x1  }
0xae: {  	[sflag:s6] =	ssyncadd.s32 @p0 $0xFFFFFFFF  }
0xaf: {  	s7 =	sshll.u32 @!p0 s1, $0xE  }
0xb0: {  	s7 =	sor.u32 @!p0 $0x4000, s7;
	s6 =	simm.s32 @!p0 $0x1B8D  }
0xb1: {  	s5 =	sshll.u32 @!p0 s5, $0x11;
	s7 =	sadd.s32 @!p0 $0x11B8D, s7;
	_ =	swait.eq @!p0 [sflag:s6], $0x1  }
0xb2: {  	s5 =	sor.u32 @!p0 s5, s7;
	[sflag:s6] =	ssyncadd.s32 @!p0 $0xFFFFFFFF  }
0xb3: {  	s25 =	simm.s32 $0x1B8E;
	s24 =	sld [smem:$0x3FFE];
	[sflag:s5] =	ssyncadd.remote.s32 @!p0 $0x1  }
0xb4: {  	s26 =	simm.s32 $execute0_lowered;
	[smem:$0x3FD2] =	sst s25  }
0xb5: {  	s6 =	sshll.u32 s26, $0x1;
	_ =	strace $0x8000004F;
	[dreg:$0x1] =	wrdreg $0xFFFFFFFF  }
0xb6: {  	s28 =	simm.s32 $_size_execute0_lowered;
	s4 =	sadd.s32 s4, s6;
	[dreg:$0x0] =	wrdreg $0x0  }
0xb7: {  	s6 =	sshll.u32 s28, $0x1;
	[dreg:$0x2] =	wrdreg s4  }
0xb8: {  	[dreg:$0x3] =	wrdreg s6  }
0xb9: {  	[dreg:$0x4] =	wrdreg $0xC0  }
0xba: {  	_ =	task [dreg:s22], $0x5FFFF  }
0xbb: {  	[dreg:$0x1] =	wrdreg $0xFFFFFFFF  }
0xbc: {  	[dreg:$0x0] =	wrdreg $0x60  }
0xbd: {  	[dreg:$0x2] =	wrdreg s18  }
0xbe: {  	[dreg:$0x3] =	wrdreg s24  }
0xbf: {  	[dreg:$0x4] =	wrdreg $0x9  }
0xc0: {  	_ =	task.clear_ibuf [dreg:s22], $0x5FFFF;
	_ =	strace $0x9000004F  }
0xc1: {  	s29 =	simm.s32 $0x9;
	_ =	strace $0x80000051  }
0xc2: {  	_ =	swait.ge [sflag:s29], $0x1  }
0xc3: {  	[sflag:s29] =	ssyncadd.s32 $0xFFFFFFFF  }
0xc4: {  	_ =	strace $0x90000051  }
0xc5: {  	_ =	sfence  }
0xc6: {  	s30 =	sld [smem:$0x0];
	_ =	sdelay $0x2  }
0xc7: {  	s31 =	sshll.u32 s1, $0xD;
	s1 =	sshrl.u32 s1, $0x2  }
0xc8: {  	s4 =	sand.u32 $0x4000, s31;
	s1 =	sadd.s32 s1, s30  }
0xc9: {  	s0 =	sor.u32 s4, s0;
	s1 =	sshll.u32 s1, $0x11  }
0xca: {  	s0 =	sor.u32 s1, s0  }
0xcb: {  	s0 =	sadd.s32 $0x8F2B, s0  }
0xcc: {  	[sflag:s0] =	ssyncadd.remote.s32 $0x1  }
0xcd: {  	_ =	sfence.sel $0xFFFF  }
0xce: {  	[dreg:$0x0] =	wrdreg $0xFFFFFFFF;
	(pc) =	sbr.abs _section_cstart, $3  }
0xcf: {  	[dreg:$0x1] =	wrdreg $0xFFFFFFFF  }
0xd0: {  	_ =	task.clear_ibuf [dreg:s22], $0x2FFFF;
	_ =	strace $0x9FFFFFFF  }
0xd1: {  	(tm) =	ssettm $0x7FFFFFFF  }
tec
execute0_lowered:
.L_overlay_start_1:
0x0: {  	(tag) =	ssettag $0x1  }
0x1: {  	s2 =	rddreg [dreg:$0x0]  }
0x2: {  	s4 =	rddreg [dreg:$0x1];
	s3 =	srdreg.scid  }
0x3: {  	s0 =	rddreg [dreg:$0x2];
	s1 =	stileid.u32;
	s11 =	simm.s32 $0x80  }
0x4: {  	s12 =	simm.s32 $0x4800;
	s13 =	simm.s32 $0x0;
	s5 =	sand.u32 $0x1, s3  }
0x5: {  	s3 =	simm.s32 $0x0;
	s6 =	sshll.u32 s1, $0x5;
	s10 =	sadd.s32 $0x310200, s4  }
0x6: {  	s30 =	sshll.u32 s1, $0x10;
	s7 =	sshll.u32 s5, $0x4;
	[smem:$0x7FF] =	sst s3  }
0x7: {  	s29 =	ssub.s32 $0x2, s5;
	s31 =	sshll.u32 s5, $0xF;
	s6 =	sor.u32 s7, s6  }
0x8: {  	_ =	strace $0x80000050;
	s9 =	sshrl.u32 s29, $0x1;
	s8 =	sshll.u32 s6, $0x4  }
0x9: {  	s7 =	ssub.s32 s29, s9;
	s6 =	sshll.u32 s6, $0xB;
	s9 =	simm.s32 $0x800  }
0xa: {  	s8 =	sadd.s32 s8, s4;
	s6 =	sadd.s32 s6, s10;
	s5 =	smax.u32 s7, $0x1  }
0xb: {  	s4 =	sadd.s32 $0x30E200, s8;
	s8 =	sadd.s32 s30, s10;
	s6 =	sadd.s32 $0x7800, s6  }
0xc: {  	s10 =	simm.s32 $0x1;
	s7 =	sadd.s32 s31, s8;
	s8 =	simm.s32 $0x2  }
.LBB2_1:
0xd: {  	[tilespmem:s3], [sflag:$0x2] =	stream.linear.gather [hbm4b:s4+s3], $0x800, $0x38;
	[tilespmem:$0x10800] =	vst v63  }
0xe: {  	_ =	swait.ge [sflag:s8], $0x800  }
0xf: {  	[sflag:s8] =	ssyncset.done $0x0  }
0x10: {  	[sflag:s8] =	ssyncadd.s32 $0xFFFFF800  }
0x11: {  	[tilespmem:s9], [sflag:$0x1] =	stream.indirect.gather [hbm4b:s2+s11], $0x80, s3, s11, $0xb8;
	[tilespmem:$0x10800] =	vst v63  }
0x12: {  	s14 =	simm.s32 $0x0;
	_ =	swait.ge [sflag:s10], $0x4000  }
0x13: {  	s14 =	sand.u32 $0x4000, s14;
	[sflag:s10] =	ssyncset.done $0x0  }
0x14: {  	s15 =	sxor.u32 $0x4800, s14;
	[sflag:s10] =	ssyncadd.s32 $0xFFFFC000  }
0x15: {  	[tilespmem:s15], [sflag:$0x1] =	stream.indirect.gather [hbm4b:s2+s11], $0x80, s11, s11, $0xb8;
	[tilespmem:$0x10800] =	vst v63  }
0x16: {  	s14 =	sor.u32 $0x800, s14  }
0x17: {  	[hbm4b:s7+s3] =	stream.linear.scatter [tilespmem:s14], [sflag:$0x2], $0x4000, $0x38;
	[tilespmem:$0x10800] =	vst v63  }
0x18: {  	s16 =	smov.u32 s7;
	_ =	swait.ge [sflag:s8], $0x4000  }
0x19: {  	s15 =	simm.s32 $0x80;
	s14 =	simm.s32 $0x1;
	[sflag:s8] =	ssyncset.done $0x0  }
.LBB2_2:
0x1a: {  	[sflag:s8] =	ssyncadd.s32 $0xFFFFC000;
	s15 =	sadd.s32 $0x80, s15;
	s16 =	sadd.s32 $0x800, s16  }
0x1b: {  	p0 =	sne.s32 s14, $0xE;
	s17 =	smov.u32 s14;
	s14 =	sadd.s32 $0x1, s14  }
0x1c: {  	s17 =	sshll.u32 s17, $0xE;
	_ =	swait.ge [sflag:s10], $0x4000  }
0x1d: {  	s17 =	sand.u32 $0x4000, s17;
	[sflag:s10] =	ssyncset.done $0x0  }
0x1e: {  	s18 =	sxor.u32 $0x4800, s17;
	[sflag:s10] =	ssyncadd.s32 $0xFFFFC000  }
0x1f: {  	[tilespmem:s18], [sflag:$0x1] =	stream.indirect.gather [hbm4b:s2+s11], $0x80, s15, s11, $0xb8;
	[tilespmem:$0x10800] =	vst v63  }
.Ltmp0:
0x20: {  	_ = 	snop;
	(pc) =	sbr.rel @p0 .LBB2_2-.Ltmp0, $4  }
0x21: {  	s17 =	sor.u32 $0x800, s17  }
0x22: {  	[hbm4b:s16+s3] =	stream.linear.scatter [tilespmem:s17], [sflag:$0x2], $0x4000, $0x38;
	[tilespmem:$0x10800] =	vst v63  }
0x23: {  	_ =	swait.ge [sflag:s8], $0x4000  }
0x24: {  	[sflag:s8] =	ssyncset.done $0x0  }
0x25: {  	[sflag:s8] =	ssyncadd.s32 $0xFFFFC000  }
0x26: {  	s13 =	sadd.s32 $0x1, s13;
	_ =	swait.ge [sflag:s10], $0x4000  }
0x27: {  	p0 =	sne.s32 s13, s5;
	[sflag:s10] =	ssyncset.done $0x0  }
.Ltmp1:
0x28: {  	[sflag:s10] =	ssyncadd.s32 $0xFFFFC000;
	(pc) =	sbr.rel @p0 .LBB2_1-.Ltmp1, $4  }
0x29: {  	[hbm4b:s6+s3] =	stream.linear.scatter [tilespmem:s12], [sflag:$0x2], $0x4000, $0x38;
	[tilespmem:$0x10800] =	vst v63  }
0x2a: {  	_ =	swait.ge [sflag:s8], $0x4000  }
0x2b: {  	[sflag:s8] =	ssyncset.done $0x0  }
0x2c: {  	[sflag:s8] =	ssyncadd.s32 $0xFFFFC000  }
0x2d: {  	_ =	sfence.sel $0x180000  }
0x2e: {  	[bflag:$0x0] =	sbarrier.arrive $0xFFFF  }
0x2f: {  	p0 =	sne.s32 s1, $0x0;
	_ =	strace $0x90000050  }
0x30: {  	s0 =	sadd.s32 @!p0 $0x100000, s0;
	[bflag:$0x2] =	sbarrier.arrive $0xFFFF  }
0x31: {  	[sflag:s0] =	ssyncadd.tile.s32 @!p0 $0x1;
	_ =	shalt  }
.Lfunc_end2:
_tile_overlayer_lowered:
.L_overlay_start_2:
0x32: {  	(tag) =	ssettag $0x2  }
0x33: {  	s0 =	rddreg [dreg:$0x0];
	s2 =	stileid.u32  }
0x34: {  	s1 =	rddreg [dreg:$0x1];
	p0 =	sne.s32 s2, $0x0  }
0x35: {  	s3 =	rddreg [dreg:$0x2];
	[bflag:$0x3] =	sbarrier.arrive $0xFFFF;
	s2 =	simm.s32 @!p0 $0x1C02  }
0x36: {  	[timem:s3], [sflag:s2] =	dma.local @!p0 [hbm:s0], s1  }
0x37: {  	s0 =	simm.s32 @!p0 $0x2  }
0x38: {  	_ =	swait.ge @!p0 [sflag:s0], s1  }
0x39: {  	s1 =	ssub.s32 @!p0 $0x0, s1;
	[sflag:s0] =	ssyncset.done @!p0 $0x0  }
0x3a: {  	[sflag:s0] =	ssyncadd.s32 @!p0 s1  }
0x3b: {  	[bflag:$0x3] =	sbarrier.arrive $0xFFFF  }
0x3c: {  	_ =	shalt  }

// kernel: kernel.15.cloned.1.call-start
scs
__scs_entry_jumppad:
0x0: {  	(pc) =	sbr.rel $0x88, $3  }
0x1: {  	(tag) =	ssettag $0x0;
	lr =	simm.s32 $0x1  }
0x2: {  	[smem:$0x3F99] =	sst lr;
	_ =	strace $0xD0000000  }
0x3: {  	_ = 	snop  }
0x4: {  	_ = 	snop  }
0x5: {  	_ = 	snop  }
0x6: {  	_ = 	snop  }
0x7: {  	_ = 	snop  }
__scs_overlays_trampoline_lowered:
0x8: {  	[smem:$0x3FA8] =	sst s0  }
0x9: {  	[smem:$0x3FA9] =	sst s1  }
0xa: {  	[smem:$0x3FAA] =	sst s2  }
0xb: {  	[smem:$0x3FAB] =	sst s3  }
0xc: {  	[smem:$0x3FAC] =	sst s4  }
0xd: {  	[smem:$0x3FAD] =	sst s5  }
0xe: {  	[smem:$0x3FAE] =	sst s6  }
0xf: {  	[smem:$0x3FAF] =	sst s7  }
0x10: {  	[smem:$0x3FB0] =	sst s8  }
0x11: {  	[smem:$0x3FB1] =	sst s9;
	s0 =	simm.s32 @!p0 $0x0  }
0x12: {  	s1 =	sld [smem:$0x3F97];
	s0 =	simm.s32 @p0 $0x1  }
0x13: {  	[smem:$0x3FB2] =	sst s0;
	s0 =	simm.s32 @!p1 $0x0  }
0x14: {  	s2 =	sld [smem:$0x3F96];
	s0 =	simm.s32 @p1 $0x1  }
0x15: {  	[smem:$0x3FB3] =	sst s0;
	s0 =	simm.s32 @!p2 $0x0  }
0x16: {  	s3 =	sld [smem:$0x3FDB];
	s0 =	simm.s32 @p2 $0x1  }
0x17: {  	s4 =	simm.s32 $0x1BF5;
	[smem:$0x3FB5] =	sst s0  }
0x18: {  	s0 =	sld [smem:$0x3F98];
	_ =	swait.ge [sflag:s4], $0x0  }
0x19: {  	s7 =	sld [smem:$0x3F99]  }
0x1a: {  	s8 =	sadd.s32 $0xFFFFE003, lr  }
0x1b: {  	s9 =	sadd.s32 $0xFFFFFEF7, lr;
	s5 =	simm.s32 $0xFFFFFFFF;
	p2 =	slt.u32 s8, $0xFFFFF086  }
0x1c: {  	p1 =	slt.u32 s9, $0xF7A;
	s5 =	simm.s32 @!p2 $0x0  }
0x1d: {  	s5 =	simm.s32 @p1 $0x1;
	p0 =	seq.s32 s7, s2  }
0x1e: {  	s7 =	smul.u32 @!p0 $0xF7A, s2;
	p2 =	seq.s32 @!p0 s5, $0x0  }
0x1f: {  	s9 =	smul.u32 $0xF7A, s1;
	s8 =	simm.s32 @!p0 $0x1BF5;
	p2 =	por !p2, p0  }
0x20: {  	[sflag:s8] =	ssyncset.s32 @!p0 $0xFFFFF086;
	s6 =	sadd.s32 @!p0 s3, s7;
	s7 =	simm.s32 @!p0 $0x108  }
0x21: {  	s3 =	sadd.s32 s3, s9;
	s6 =	sadd.s32 @!p0 $0x88, s6;
	s7 =	simm.s32 @p2 $0x1082  }
0x22: {  	[simem:s7], [sflag:s8] =	dma.local @!p0 [hbm:s6], $0xF7A  }
0x23: {  	s9 =	sor.u32 $0xD0000000, s2;
	s6 =	simm.s32 $0x108;
	_ =	swait.ge @!p0 [sflag:s8], $0x0  }
0x24: {  	s3 =	sadd.s32 $0x88, s3;
	s6 =	simm.s32 @!p1 $0x1082;
	[sflag:s4] =	ssyncset.s32 $0xFFFFF086  }
0x25: {  	[simem:s6], [sflag:s4] =	dma.local [hbm:s3], $0xF7A  }
0x26: {  	[smem:$0x3F99] =	sst s1;
	(tag) =	ssettag s2;
	_ =	strace s9  }
0x27: {  	s1 =	sld [smem:$0x3FA9]  }
0x28: {  	s2 =	sld [smem:$0x3FAA]  }
0x29: {  	s4 =	sld [smem:$0x3FAC]  }
0x2a: {  	p0 =	seq.s32 s5, $0x0;
	s5 =	sld [smem:$0x3FAD]  }
0x2b: {  	s6 =	sld [smem:$0x3FAE]  }
0x2c: {  	s7 =	sld [smem:$0x3FAF]  }
0x2d: {  	s3 =	simm.s32 $0x108;
	s8 =	sld [smem:$0x3FB0]  }
0x2e: {  	s3 =	simm.s32 @!p0 $0x1082;
	s9 =	sld [smem:$0x3FB1]  }
0x2f: {  	lr =	sadd.s32 s0, s3;
	s0 =	sld [smem:$0x3FA8]  }
0x30: {  	s3 =	sld [smem:$0x3FAB]  }
0x31: {  	[smem:$0x3FB4] =	sst s10  }
0x32: {  	s10 =	sld [smem:$0x3FB2];
	_ =	sdelay $0x3  }
0x33: {  	p0 =	seq.s32 s10, $0x1;
	s10 =	sld [smem:$0x3FB4];
	_ =	sdelay $0x3  }
0x34: {  	[smem:$0x3FB4] =	sst s10  }
0x35: {  	s10 =	sld [smem:$0x3FB3];
	_ =	sdelay $0x3  }
0x36: {  	p1 =	seq.s32 s10, $0x1;
	s10 =	sld [smem:$0x3FB4];
	_ =	sdelay $0x3  }
0x37: {  	[smem:$0x3FB4] =	sst s10  }
0x38: {  	s10 =	sld [smem:$0x3FB5]  }
0x39: {  	_ = 	snop;
	(pc) =	sbr.ind lr, $3  }
0x3a: {  	_ = 	snop  }
0x3b: {  	_ = 	snop  }
0x3c: {  	p2 =	seq.s32 s10, $0x1;
	s10 =	sld [smem:$0x3FB4]  }
0x3d: {  	_ =	shalt  }
0x3e: {  	_ =	shalt  }
0x3f: {  	_ =	shalt  }
0x40: {  	_ =	shalt  }
0x41: {  	_ =	shalt  }
0x42: {  	_ =	shalt  }
0x43: {  	_ =	shalt  }
0x44: {  	_ =	shalt  }
0x45: {  	_ =	shalt  }
0x46: {  	_ =	shalt  }
0x47: {  	_ =	shalt  }
0x48: {  	_ =	shalt  }
0x49: {  	_ =	shalt  }
0x4a: {  	_ =	shalt  }
0x4b: {  	_ =	shalt  }
0x4c: {  	_ =	shalt  }
0x4d: {  	_ =	shalt  }
0x4e: {  	_ =	shalt  }
0x4f: {  	_ =	shalt  }
0x50: {  	_ =	shalt  }
0x51: {  	_ =	shalt  }
0x52: {  	_ =	shalt  }
0x53: {  	_ =	shalt  }
0x54: {  	_ =	shalt  }
0x55: {  	_ =	shalt  }
0x56: {  	_ =	shalt  }
0x57: {  	_ =	shalt  }
0x58: {  	_ =	shalt  }
0x59: {  	_ =	shalt  }
0x5a: {  	_ =	shalt  }
0x5b: {  	_ =	shalt  }
0x5c: {  	_ =	shalt  }
0x5d: {  	_ =	shalt  }
0x5e: {  	_ =	shalt  }
0x5f: {  	_ =	shalt  }
0x60: {  	_ =	shalt  }
0x61: {  	_ =	shalt  }
0x62: {  	_ =	shalt  }
0x63: {  	_ =	shalt  }
0x64: {  	_ =	shalt  }
0x65: {  	_ =	shalt  }
0x66: {  	_ =	shalt  }
0x67: {  	_ =	shalt  }
0x68: {  	_ =	shalt  }
0x69: {  	_ =	shalt  }
0x6a: {  	_ =	shalt  }
0x6b: {  	_ =	shalt  }
0x6c: {  	_ =	shalt  }
0x6d: {  	_ =	shalt  }
0x6e: {  	_ =	shalt  }
0x6f: {  	_ =	shalt  }
0x70: {  	_ =	shalt  }
0x71: {  	_ =	shalt  }
0x72: {  	_ =	shalt  }
0x73: {  	_ =	shalt  }
0x74: {  	_ =	shalt  }
0x75: {  	_ =	shalt  }
0x76: {  	_ =	shalt  }
0x77: {  	_ =	shalt  }
0x78: {  	_ =	shalt  }
0x79: {  	_ =	shalt  }
0x7a: {  	_ =	shalt  }
0x7b: {  	_ =	shalt  }
0x7c: {  	_ =	shalt  }
0x7d: {  	_ =	shalt  }
0x7e: {  	_ =	shalt  }
0x7f: {  	_ =	shalt  }
0x80: {  	_ =	shalt  }
0x81: {  	_ =	shalt  }
0x82: {  	_ =	shalt  }
0x83: {  	_ =	shalt  }
0x84: {  	_ =	shalt  }
0x85: {  	_ =	shalt  }
0x86: {  	_ =	shalt  }
0x87: {  	_ =	shalt  }
.Lfunc_end0:
.L_simem_size_0:
called_computation.1_lowered:
.L_overlay_start_0:
0x88: {  	s2 =	sld [smem:$0x3FD9]  }
0x89: {  	s3 =	sld [smem:$0x3FFE];
	_ =	sdelay $0x1  }
0x8a: {  	s1 =	srdreg.scid  }
0x8b: {  	s0 =	sand.u32 $0x1, s1  }
0x8c: {  	s14 =	sshll.u32 s0, $0xA;
	s2 =	sadd.s32 s3, s2  }
0x8d: {  	s2 =	sadd.s32 s2, s14  }
0x8e: {  	[smem:$0x3FC0] =	sst s2  }
0x8f: {  	_ = 	snop  }
0x90: {  	s2 =	sld [smem:$0x3FD0];
	_ =	sdelay $0x2  }
0x91: {  	s4 =	simm.s32 $0xD;
	s5 =	simm.s32 $0x10;
	s15 =	sld [smem:$0x3FC6]  }
0x92: {  	[smem:s5], [sflag:s4] =	dma.local [hbm:s2], $0x1  }
0x93: {  	_ =	swait.eq [sflag:s4], $0x1  }
0x94: {  	[sflag:s4] =	ssyncset.done $0x0  }
0x95: {  	[sflag:s4] =	ssyncadd.s32 $0xFFFFFFFF  }
0x96: {  	s16 =	sld [smem:$0x10];
	(tm) =	ssettm $0x1  }
0x97: {  	s17 =	sld [smem:$0x3FFB];
	_ =	sdelay $0x3  }
0x98: {  	_ =	strace s17  }
0x99: {  	s4 =	sld [smem:$0x3FFC];
	_ =	sdelay $0x3  }
0x9a: {  	_ =	strace s4  }
0x9b: {  	s4 =	sld [smem:$0x3FFD];
	_ =	sdelay $0x3  }
0x9c: {  	_ =	strace s4  }
0x9d: {  	_ =	strace $0x8FFFFFFF  }
0x9e: {  	s18 =	sld [smem:$0x3FDB];
	_ =	sdelay $0x1  }
0x9f: {  	s19 =	simm.s32 $_scs_section_size  }
0xa0: {  	s6 =	simm.s32 $_size__tile_overlayer_lowered;
	s7 =	simm.s32 $_tile_overlayer_lowered  }
0xa1: {  	s22 =	simm.s32 $0x1BFF;
	s21 =	sshll.u32 s7, $0x1;
	s4 =	sadd.s32 s19, s18  }
0xa2: {  	s8 =	simm.s32 $0x0;
	s20 =	sshll.u32 s6, $0x1;
	s6 =	sadd.s32 s21, s4  }
0xa3: {  	[timem:s8], [sflag:s22] =	dma.local [hbm:s6], s20  }
0xa4: {  	_ =	swait.ge [sflag:s22], s20  }
0xa5: {  	s5 =	ssub.s32 $0x0, s20;
	[sflag:s22] =	ssyncset.done $0x0  }
0xa6: {  	[sflag:s22] =	ssyncadd.s32 s5;
	_ =	sdelay $0x1  }
0xa7: {  	s23 =	simm.s32 $0x1B8B  }
0xa8: {  	_ =	swait.ge [sflag:s23], $0x1  }
0xa9: {  	[sflag:s23] =	ssyncset.done $0x0  }
0xaa: {  	s25 =	simm.s32 $0x1B8E;
	s24 =	sld [smem:$0x3FFE];
	[sflag:s23] =	ssyncadd.s32 $0xFFFFFFFF  }
0xab: {  	s26 =	simm.s32 $execute0_lowered;
	[smem:$0x3FD2] =	sst s25  }
0xac: {  	s6 =	sshll.u32 s26, $0x1;
	_ =	strace $0x80000046;
	[dreg:$0x1] =	wrdreg $0xFFFFFFFF  }
0xad: {  	s28 =	simm.s32 $_size_execute0_lowered;
	s4 =	sadd.s32 s4, s6;
	[dreg:$0x0] =	wrdreg $0x0  }
0xae: {  	s6 =	sshll.u32 s28, $0x1;
	[dreg:$0x2] =	wrdreg s4  }
0xaf: {  	[dreg:$0x3] =	wrdreg s6  }
0xb0: {  	[dreg:$0x4] =	wrdreg $0xC0  }
0xb1: {  	_ =	task [dreg:s8], $0x5FFFF  }
0xb2: {  	[dreg:$0x1] =	wrdreg $0xFFFFFFFF  }
0xb3: {  	[dreg:$0x0] =	wrdreg $0x60  }
0xb4: {  	[dreg:$0x2] =	wrdreg s15  }
0xb5: {  	[dreg:$0x3] =	wrdreg s16  }
0xb6: {  	[dreg:$0x4] =	wrdreg s24  }
0xb7: {  	[dreg:$0x5] =	wrdreg $0xA  }
0xb8: {  	_ =	task.clear_ibuf [dreg:s8], $0x6FFFF;
	_ =	strace $0x90000046  }
0xb9: {  	s29 =	simm.s32 $0xA;
	_ =	strace $0x80000048  }
0xba: {  	_ =	swait.ge [sflag:s29], $0x1  }
0xbb: {  	[sflag:s29] =	ssyncadd.s32 $0xFFFFFFFF  }
0xbc: {  	_ =	strace $0x90000048  }
0xbd: {  	_ =	sfence  }
0xbe: {  	s30 =	sld [smem:$0x0];
	_ =	sdelay $0x2  }
0xbf: {  	s31 =	sshll.u32 s1, $0xD;
	s1 =	sshrl.u32 s1, $0x2  }
0xc0: {  	s3 =	sand.u32 $0x4000, s31;
	s1 =	sadd.s32 s1, s30  }
0xc1: {  	s0 =	sor.u32 s3, s0;
	s1 =	sshll.u32 s1, $0x11  }
0xc2: {  	s0 =	sor.u32 s1, s0  }
0xc3: {  	s0 =	sadd.s32 $0x8F2B, s0  }
0xc4: {  	[sflag:s0] =	ssyncadd.remote.s32 $0x1  }
0xc5: {  	_ =	sfence.sel $0xFFFF  }
0xc6: {  	[dreg:$0x0] =	wrdreg $0xFFFFFFFF;
	(pc) =	sbr.abs _section_cstart, $3  }
0xc7: {  	[dreg:$0x1] =	wrdreg $0xFFFFFFFF  }
0xc8: {  	_ =	task.clear_ibuf [dreg:s8], $0x2FFFF;
	_ =	strace $0x9FFFFFFF  }
0xc9: {  	(tm) =	ssettm $0x7FFFFFFF  }
tec
execute0_lowered:
.L_overlay_start_1:
0x0: {  	(tag) =	ssettag $0x1  }
0x1: {  	s1 =	rddreg [dreg:$0x0]  }
0x2: {  	s4 =	rddreg [dreg:$0x1]  }
0x3: {  	s5 =	rddreg [dreg:$0x2]  }
0x4: {  	s0 =	rddreg [dreg:$0x3];
	s3 =	simm.s32 $0x0;
	s6 =	srdreg.scid  }
0x5: {  	s2 =	stileid.u32;
	s11 =	simm.s32 $0x80;
	s12 =	simm.s32 $0x4800  }
0x6: {  	s13 =	simm.s32 $0x0;
	[smem:$0x7FF] =	sst s3;
	s6 =	sand.u32 $0x1, s6  }
0x7: {  	s8 =	sshll.u32 s2, $0x5;
	s5 =	sadd.s32 $0xE200, s5;
	s30 =	sshll.u32 s2, $0x10  }
0x8: {  	s7 =	ssub.s32 $0x2, s6;
	s9 =	sshll.u32 s6, $0x4;
	_ =	strace $0x80000047  }
0x9: {  	s31 =	sshll.u32 s6, $0xF;
	s10 =	sshrl.u32 s7, $0x1;
	s8 =	sor.u32 s9, s8  }
0xa: {  	s7 =	ssub.s32 s7, s10;
	s9 =	sshll.u32 s8, $0x4;
	s8 =	sshll.u32 s8, $0xB  }
0xb: {  	s10 =	simm.s32 $0x1;
	s4 =	sadd.s32 s4, s9;
	s8 =	sadd.s32 s8, s5  }
0xc: {  	s9 =	sadd.s32 s30, s5;
	s5 =	smax.u32 s7, $0x1;
	s6 =	sadd.s32 $0x7800, s8  }
0xd: {  	s7 =	sadd.s32 s31, s9;
	s8 =	simm.s32 $0x2;
	s9 =	simm.s32 $0x800  }
.LBB2_1:
0xe: {  	[tilespmem:s3], [sflag:$0x2] =	stream.linear.gather [hbm4b:s4+s3], $0x800, $0x38;
	[tilespmem:$0x10800] =	vst v63  }
0xf: {  	_ =	swait.ge [sflag:s8], $0x800  }
0x10: {  	[sflag:s8] =	ssyncset.done $0x0  }
0x11: {  	[sflag:s8] =	ssyncadd.s32 $0xFFFFF800  }
0x12: {  	[tilespmem:s9], [sflag:$0x1] =	stream.indirect.gather [hbm4b:s1+s11], $0x80, s3, s11, $0xb8;
	[tilespmem:$0x10800] =	vst v63  }
0x13: {  	s14 =	simm.s32 $0x0;
	_ =	swait.ge [sflag:s10], $0x4000  }
0x14: {  	s14 =	sand.u32 $0x4000, s14;
	[sflag:s10] =	ssyncset.done $0x0  }
0x15: {  	s15 =	sxor.u32 $0x4800, s14;
	[sflag:s10] =	ssyncadd.s32 $0xFFFFC000  }
0x16: {  	[tilespmem:s15], [sflag:$0x1] =	stream.indirect.gather [hbm4b:s1+s11], $0x80, s11, s11, $0xb8;
	[tilespmem:$0x10800] =	vst v63  }
0x17: {  	s14 =	sor.u32 $0x800, s14  }
0x18: {  	[hbm4b:s7+s3] =	stream.linear.scatter [tilespmem:s14], [sflag:$0x2], $0x4000, $0x38;
	[tilespmem:$0x10800] =	vst v63  }
0x19: {  	s16 =	smov.u32 s7;
	_ =	swait.ge [sflag:s8], $0x4000  }
0x1a: {  	s15 =	simm.s32 $0x80;
	s14 =	simm.s32 $0x1;
	[sflag:s8] =	ssyncset.done $0x0  }
.LBB2_2:
0x1b: {  	[sflag:s8] =	ssyncadd.s32 $0xFFFFC000;
	s15 =	sadd.s32 $0x80, s15;
	s16 =	sadd.s32 $0x800, s16  }
0x1c: {  	p0 =	sne.s32 s14, $0xE;
	s17 =	smov.u32 s14;
	s14 =	sadd.s32 $0x1, s14  }
0x1d: {  	s17 =	sshll.u32 s17, $0xE;
	_ =	swait.ge [sflag:s10], $0x4000  }
0x1e: {  	s17 =	sand.u32 $0x4000, s17;
	[sflag:s10] =	ssyncset.done $0x0  }
0x1f: {  	s18 =	sxor.u32 $0x4800, s17;
	[sflag:s10] =	ssyncadd.s32 $0xFFFFC000  }
0x20: {  	[tilespmem:s18], [sflag:$0x1] =	stream.indirect.gather [hbm4b:s1+s11], $0x80, s15, s11, $0xb8;
	[tilespmem:$0x10800] =	vst v63  }
.Ltmp0:
0x21: {  	_ = 	snop;
	(pc) =	sbr.rel @p0 .LBB2_2-.Ltmp0, $4  }
0x22: {  	s17 =	sor.u32 $0x800, s17  }
0x23: {  	[hbm4b:s16+s3] =	stream.linear.scatter [tilespmem:s17], [sflag:$0x2], $0x4000, $0x38;
	[tilespmem:$0x10800] =	vst v63  }
0x24: {  	_ =	swait.ge [sflag:s8], $0x4000  }
0x25: {  	[sflag:s8] =	ssyncset.done $0x0  }
0x26: {  	[sflag:s8] =	ssyncadd.s32 $0xFFFFC000  }
0x27: {  	s13 =	sadd.s32 $0x1, s13;
	_ =	swait.ge [sflag:s10], $0x4000  }
0x28: {  	p0 =	sne.s32 s13, s5;
	[sflag:s10] =	ssyncset.done $0x0  }
.Ltmp1:
0x29: {  	[sflag:s10] =	ssyncadd.s32 $0xFFFFC000;
	(pc) =	sbr.rel @p0 .LBB2_1-.Ltmp1, $4  }
0x2a: {  	[hbm4b:s6+s3] =	stream.linear.scatter [tilespmem:s12], [sflag:$0x2], $0x4000, $0x38;
	[tilespmem:$0x10800] =	vst v63  }
0x2b: {  	_ =	swait.ge [sflag:s8], $0x4000  }
0x2c: {  	[sflag:s8] =	ssyncset.done $0x0  }
0x2d: {  	[sflag:s8] =	ssyncadd.s32 $0xFFFFC000  }
0x2e: {  	_ =	sfence.sel $0x180000  }
0x2f: {  	[bflag:$0x0] =	sbarrier.arrive $0xFFFF  }
0x30: {  	p0 =	sne.s32 s2, $0x0;
	_ =	strace $0x90000047  }
0x31: {  	s0 =	sadd.s32 @!p0 $0x100000, s0;
	[bflag:$0x2] =	sbarrier.arrive $0xFFFF  }
0x32: {  	[sflag:s0] =	ssyncadd.tile.s32 @!p0 $0x1;
	_ =	shalt  }
.Lfunc_end2:
_tile_overlayer_lowered:
.L_overlay_start_2:
0x33: {  	(tag) =	ssettag $0x2  }
0x34: {  	s0 =	rddreg [dreg:$0x0];
	s2 =	stileid.u32  }
0x35: {  	s1 =	rddreg [dreg:$0x1];
	p0 =	sne.s32 s2, $0x0  }
0x36: {  	s3 =	rddreg [dreg:$0x2];
	[bflag:$0x3] =	sbarrier.arrive $0xFFFF;
	s2 =	simm.s32 @!p0 $0x1C02  }
0x37: {  	[timem:s3], [sflag:s2] =	dma.local @!p0 [hbm:s0], s1  }
0x38: {  	s0 =	simm.s32 @!p0 $0x2  }
0x39: {  	_ =	swait.ge @!p0 [sflag:s0], s1  }
0x3a: {  	s1 =	ssub.s32 @!p0 $0x0, s1;
	[sflag:s0] =	ssyncset.done @!p0 $0x0  }
0x3b: {  	[sflag:s0] =	ssyncadd.s32 @!p0 s1  }
0x3c: {  	[bflag:$0x3] =	sbarrier.arrive $0xFFFF  }
0x3d: {  	_ =	shalt  }

// kernel: kernel.18.cloned.1.call-start
scs
__scs_entry_jumppad:
0x0: {  	(pc) =	sbr.rel $0x88, $3  }
0x1: {  	(tag) =	ssettag $0x0;
	lr =	simm.s32 $0x1  }
0x2: {  	[smem:$0x3F99] =	sst lr;
	_ =	strace $0xD0000000  }
0x3: {  	_ = 	snop  }
0x4: {  	_ = 	snop  }
0x5: {  	_ = 	snop  }
0x6: {  	_ = 	snop  }
0x7: {  	_ = 	snop  }
__scs_overlays_trampoline_lowered:
0x8: {  	[smem:$0x3FA8] =	sst s0  }
0x9: {  	[smem:$0x3FA9] =	sst s1  }
0xa: {  	[smem:$0x3FAA] =	sst s2  }
0xb: {  	[smem:$0x3FAB] =	sst s3  }
0xc: {  	[smem:$0x3FAC] =	sst s4  }
0xd: {  	[smem:$0x3FAD] =	sst s5  }
0xe: {  	[smem:$0x3FAE] =	sst s6  }
0xf: {  	[smem:$0x3FAF] =	sst s7  }
0x10: {  	[smem:$0x3FB0] =	sst s8  }
0x11: {  	[smem:$0x3FB1] =	sst s9;
	s0 =	simm.s32 @!p0 $0x0  }
0x12: {  	s1 =	sld [smem:$0x3F97];
	s0 =	simm.s32 @p0 $0x1  }
0x13: {  	[smem:$0x3FB2] =	sst s0;
	s0 =	simm.s32 @!p1 $0x0  }
0x14: {  	s2 =	sld [smem:$0x3F96];
	s0 =	simm.s32 @p1 $0x1  }
0x15: {  	[smem:$0x3FB3] =	sst s0;
	s0 =	simm.s32 @!p2 $0x0  }
0x16: {  	s3 =	sld [smem:$0x3FDB];
	s0 =	simm.s32 @p2 $0x1  }
0x17: {  	s4 =	simm.s32 $0x1BF5;
	[smem:$0x3FB5] =	sst s0  }
0x18: {  	s0 =	sld [smem:$0x3F98];
	_ =	swait.ge [sflag:s4], $0x0  }
0x19: {  	s7 =	sld [smem:$0x3F99]  }
0x1a: {  	s8 =	sadd.s32 $0xFFFFE003, lr  }
0x1b: {  	s9 =	sadd.s32 $0xFFFFFEF7, lr;
	s5 =	simm.s32 $0xFFFFFFFF;
	p2 =	slt.u32 s8, $0xFFFFF086  }
0x1c: {  	p1 =	slt.u32 s9, $0xF7A;
	s5 =	simm.s32 @!p2 $0x0  }
0x1d: {  	s5 =	simm.s32 @p1 $0x1;
	p0 =	seq.s32 s7, s2  }
0x1e: {  	s7 =	smul.u32 @!p0 $0xF7A, s2;
	p2 =	seq.s32 @!p0 s5, $0x0  }
0x1f: {  	s9 =	smul.u32 $0xF7A, s1;
	s8 =	simm.s32 @!p0 $0x1BF5;
	p2 =	por !p2, p0  }
0x20: {  	[sflag:s8] =	ssyncset.s32 @!p0 $0xFFFFF086;
	s6 =	sadd.s32 @!p0 s3, s7;
	s7 =	simm.s32 @!p0 $0x108  }
0x21: {  	s3 =	sadd.s32 s3, s9;
	s6 =	sadd.s32 @!p0 $0x88, s6;
	s7 =	simm.s32 @p2 $0x1082  }
0x22: {  	[simem:s7], [sflag:s8] =	dma.local @!p0 [hbm:s6], $0xF7A  }
0x23: {  	s9 =	sor.u32 $0xD0000000, s2;
	s6 =	simm.s32 $0x108;
	_ =	swait.ge @!p0 [sflag:s8], $0x0  }
0x24: {  	s3 =	sadd.s32 $0x88, s3;
	s6 =	simm.s32 @!p1 $0x1082;
	[sflag:s4] =	ssyncset.s32 $0xFFFFF086  }
0x25: {  	[simem:s6], [sflag:s4] =	dma.local [hbm:s3], $0xF7A  }
0x26: {  	[smem:$0x3F99] =	sst s1;
	(tag) =	ssettag s2;
	_ =	strace s9  }
0x27: {  	s1 =	sld [smem:$0x3FA9]  }
0x28: {  	s2 =	sld [smem:$0x3FAA]  }
0x29: {  	s4 =	sld [smem:$0x3FAC]  }
0x2a: {  	p0 =	seq.s32 s5, $0x0;
	s5 =	sld [smem:$0x3FAD]  }
0x2b: {  	s6 =	sld [smem:$0x3FAE]  }
0x2c: {  	s7 =	sld [smem:$0x3FAF]  }
0x2d: {  	s3 =	simm.s32 $0x108;
	s8 =	sld [smem:$0x3FB0]  }
0x2e: {  	s3 =	simm.s32 @!p0 $0x1082;
	s9 =	sld [smem:$0x3FB1]  }
0x2f: {  	lr =	sadd.s32 s0, s3;
	s0 =	sld [smem:$0x3FA8]  }
0x30: {  	s3 =	sld [smem:$0x3FAB]  }
0x31: {  	[smem:$0x3FB4] =	sst s10  }
0x32: {  	s10 =	sld [smem:$0x3FB2];
	_ =	sdelay $0x3  }
0x33: {  	p0 =	seq.s32 s10, $0x1;
	s10 =	sld [smem:$0x3FB4];
	_ =	sdelay $0x3  }
0x34: {  	[smem:$0x3FB4] =	sst s10  }
0x35: {  	s10 =	sld [smem:$0x3FB3];
	_ =	sdelay $0x3  }
0x36: {  	p1 =	seq.s32 s10, $0x1;
	s10 =	sld [smem:$0x3FB4];
	_ =	sdelay $0x3  }
0x37: {  	[smem:$0x3FB4] =	sst s10  }
0x38: {  	s10 =	sld [smem:$0x3FB5]  }
0x39: {  	_ = 	snop;
	(pc) =	sbr.ind lr, $3  }
0x3a: {  	_ = 	snop  }
0x3b: {  	_ = 	snop  }
0x3c: {  	p2 =	seq.s32 s10, $0x1;
	s10 =	sld [smem:$0x3FB4]  }
0x3d: {  	_ =	shalt  }
0x3e: {  	_ =	shalt  }
0x3f: {  	_ =	shalt  }
0x40: {  	_ =	shalt  }
0x41: {  	_ =	shalt  }
0x42: {  	_ =	shalt  }
0x43: {  	_ =	shalt  }
0x44: {  	_ =	shalt  }
0x45: {  	_ =	shalt  }
0x46: {  	_ =	shalt  }
0x47: {  	_ =	shalt  }
0x48: {  	_ =	shalt  }
0x49: {  	_ =	shalt  }
0x4a: {  	_ =	shalt  }
0x4b: {  	_ =	shalt  }
0x4c: {  	_ =	shalt  }
0x4d: {  	_ =	shalt  }
0x4e: {  	_ =	shalt  }
0x4f: {  	_ =	shalt  }
0x50: {  	_ =	shalt  }
0x51: {  	_ =	shalt  }
0x52: {  	_ =	shalt  }
0x53: {  	_ =	shalt  }
0x54: {  	_ =	shalt  }
0x55: {  	_ =	shalt  }
0x56: {  	_ =	shalt  }
0x57: {  	_ =	shalt  }
0x58: {  	_ =	shalt  }
0x59: {  	_ =	shalt  }
0x5a: {  	_ =	shalt  }
0x5b: {  	_ =	shalt  }
0x5c: {  	_ =	shalt  }
0x5d: {  	_ =	shalt  }
0x5e: {  	_ =	shalt  }
0x5f: {  	_ =	shalt  }
0x60: {  	_ =	shalt  }
0x61: {  	_ =	shalt  }
0x62: {  	_ =	shalt  }
0x63: {  	_ =	shalt  }
0x64: {  	_ =	shalt  }
0x65: {  	_ =	shalt  }
0x66: {  	_ =	shalt  }
0x67: {  	_ =	shalt  }
0x68: {  	_ =	shalt  }
0x69: {  	_ =	shalt  }
0x6a: {  	_ =	shalt  }
0x6b: {  	_ =	shalt  }
0x6c: {  	_ =	shalt  }
0x6d: {  	_ =	shalt  }
0x6e: {  	_ =	shalt  }
0x6f: {  	_ =	shalt  }
0x70: {  	_ =	shalt  }
0x71: {  	_ =	shalt  }
0x72: {  	_ =	shalt  }
0x73: {  	_ =	shalt  }
0x74: {  	_ =	shalt  }
0x75: {  	_ =	shalt  }
0x76: {  	_ =	shalt  }
0x77: {  	_ =	shalt  }
0x78: {  	_ =	shalt  }
0x79: {  	_ =	shalt  }
0x7a: {  	_ =	shalt  }
0x7b: {  	_ =	shalt  }
0x7c: {  	_ =	shalt  }
0x7d: {  	_ =	shalt  }
0x7e: {  	_ =	shalt  }
0x7f: {  	_ =	shalt  }
0x80: {  	_ =	shalt  }
0x81: {  	_ =	shalt  }
0x82: {  	_ =	shalt  }
0x83: {  	_ =	shalt  }
0x84: {  	_ =	shalt  }
0x85: {  	_ =	shalt  }
0x86: {  	_ =	shalt  }
0x87: {  	_ =	shalt  }
.Lfunc_end0:
.L_simem_size_0:
called_computation.2_lowered:
.L_overlay_start_0:
0x88: {  	s2 =	sld [smem:$0x3FD9]  }
0x89: {  	s3 =	sld [smem:$0x3FFE];
	_ =	sdelay $0x1  }
0x8a: {  	s1 =	srdreg.scid  }
0x8b: {  	s0 =	sand.u32 $0x1, s1  }
0x8c: {  	s17 =	sshll.u32 s0, $0xA;
	s2 =	sadd.s32 s3, s2  }
0x8d: {  	s2 =	sadd.s32 s2, s17  }
0x8e: {  	[smem:$0x3FC0] =	sst s2  }
0x8f: {  	_ = 	snop  }
0x90: {  	s18 =	sld [smem:$0x3FC6];
	(tm) =	ssettm $0x1  }
0x91: {  	s19 =	sld [smem:$0x3FFB];
	_ =	sdelay $0x3  }
0x92: {  	_ =	strace s19  }
0x93: {  	s2 =	sld [smem:$0x3FFC];
	_ =	sdelay $0x3  }
0x94: {  	_ =	strace s2  }
0x95: {  	s2 =	sld [smem:$0x3FFD];
	_ =	sdelay $0x3  }
0x96: {  	_ =	strace s2  }
0x97: {  	_ =	strace $0x8FFFFFFF  }
0x98: {  	s20 =	sld [smem:$0x3FDB];
	_ =	sdelay $0x1  }
0x99: {  	s4 =	simm.s32 $_scs_section_size  }
0x9a: {  	s5 =	simm.s32 $_size__tile_overlayer_lowered;
	s6 =	simm.s32 $_tile_overlayer_lowered  }
0x9b: {  	s7 =	simm.s32 $0x1BFF;
	s21 =	sshll.u32 s6, $0x1;
	s4 =	sadd.s32 s4, s20  }
0x9c: {  	s22 =	simm.s32 $0x0;
	s5 =	sshll.u32 s5, $0x1;
	s6 =	sadd.s32 s21, s4  }
0x9d: {  	[timem:s22], [sflag:s7] =	dma.local [hbm:s6], s5  }
0x9e: {  	_ =	swait.ge [sflag:s7], s5  }
0x9f: {  	s5 =	ssub.s32 $0x0, s5;
	[sflag:s7] =	ssyncset.done $0x0  }
0xa0: {  	[sflag:s7] =	ssyncadd.s32 s5;
	_ =	sdelay $0x1  }
0xa1: {  	s23 =	simm.s32 $0x1B8B  }
0xa2: {  	_ =	swait.ge [sflag:s23], $0x1  }
0xa3: {  	[sflag:s23] =	ssyncset.done $0x0  }
0xa4: {  	[sflag:s23] =	ssyncadd.s32 $0xFFFFFFFF  }
0xa5: {  	s5 =	sld [smem:$0x0]  }
0xa6: {  	s6 =	sand.u32 $0xFFFFFFFE, s1  }
0xa7: {  	p0 =	sne.s32 s1, s6  }
0xa8: {  	s6 =	sshll.u32 @p0 s6, $0xE  }
0xa9: {  	s6 =	sadd.s32 @p0 $0x11B8D, s6;
	s7 =	sshll.u32 @p0 s5, $0x11  }
0xaa: {  	s6 =	sor.u32 @p0 s7, s6  }
0xab: {  	[sflag:s6] =	ssyncadd.remote.s32 @p0 $0x1;
	_ =	sdelay $0x1  }
0xac: {  	s6 =	simm.s32 @p0 $0x1B8D  }
0xad: {  	_ =	swait.eq @p0 [sflag:s6], $0x1  }
0xae: {  	[sflag:s6] =	ssyncadd.s32 @p0 $0xFFFFFFFF  }
0xaf: {  	s7 =	sshll.u32 @!p0 s1, $0xE  }
0xb0: {  	s7 =	sor.u32 @!p0 $0x4000, s7;
	s6 =	simm.s32 @!p0 $0x1B8D  }
0xb1: {  	s5 =	sshll.u32 @!p0 s5, $0x11;
	s7 =	sadd.s32 @!p0 $0x11B8D, s7;
	_ =	swait.eq @!p0 [sflag:s6], $0x1  }
0xb2: {  	s5 =	sor.u32 @!p0 s5, s7;
	[sflag:s6] =	ssyncadd.s32 @!p0 $0xFFFFFFFF  }
0xb3: {  	s25 =	simm.s32 $0x1B8E;
	s24 =	sld [smem:$0x3FFE];
	[sflag:s5] =	ssyncadd.remote.s32 @!p0 $0x1  }
0xb4: {  	s26 =	simm.s32 $execute0_lowered;
	[smem:$0x3FD2] =	sst s25  }
0xb5: {  	s6 =	sshll.u32 s26, $0x1;
	_ =	strace $0x80000049;
	[dreg:$0x1] =	wrdreg $0xFFFFFFFF  }
0xb6: {  	s28 =	simm.s32 $_size_execute0_lowered;
	s4 =	sadd.s32 s4, s6;
	[dreg:$0x0] =	wrdreg $0x0  }
0xb7: {  	s6 =	sshll.u32 s28, $0x1;
	[dreg:$0x2] =	wrdreg s4  }
0xb8: {  	[dreg:$0x3] =	wrdreg s6  }
0xb9: {  	[dreg:$0x4] =	wrdreg $0xC0  }
0xba: {  	_ =	task [dreg:s22], $0x5FFFF  }
0xbb: {  	[dreg:$0x1] =	wrdreg $0xFFFFFFFF  }
0xbc: {  	[dreg:$0x0] =	wrdreg $0x60  }
0xbd: {  	[dreg:$0x2] =	wrdreg s18  }
0xbe: {  	[dreg:$0x3] =	wrdreg s24  }
0xbf: {  	[dreg:$0x4] =	wrdreg $0xB  }
0xc0: {  	_ =	task.clear_ibuf [dreg:s22], $0x5FFFF;
	_ =	strace $0x90000049  }
0xc1: {  	s29 =	simm.s32 $0xB;
	_ =	strace $0x8000004B  }
0xc2: {  	_ =	swait.ge [sflag:s29], $0x1  }
0xc3: {  	[sflag:s29] =	ssyncadd.s32 $0xFFFFFFFF  }
0xc4: {  	_ =	strace $0x9000004B  }
0xc5: {  	_ =	sfence  }
0xc6: {  	s30 =	sld [smem:$0x0];
	_ =	sdelay $0x2  }
0xc7: {  	s31 =	sshll.u32 s1, $0xD;
	s1 =	sshrl.u32 s1, $0x2  }
0xc8: {  	s4 =	sand.u32 $0x4000, s31;
	s1 =	sadd.s32 s1, s30  }
0xc9: {  	s0 =	sor.u32 s4, s0;
	s1 =	sshll.u32 s1, $0x11  }
0xca: {  	s0 =	sor.u32 s1, s0  }
0xcb: {  	s0 =	sadd.s32 $0x8F2B, s0  }
0xcc: {  	[sflag:s0] =	ssyncadd.remote.s32 $0x1  }
0xcd: {  	_ =	sfence.sel $0xFFFF  }
0xce: {  	[dreg:$0x0] =	wrdreg $0xFFFFFFFF;
	(pc) =	sbr.abs _section_cstart, $3  }
0xcf: {  	[dreg:$0x1] =	wrdreg $0xFFFFFFFF  }
0xd0: {  	_ =	task.clear_ibuf [dreg:s22], $0x2FFFF;
	_ =	strace $0x9FFFFFFF  }
0xd1: {  	(tm) =	ssettm $0x7FFFFFFF  }
tec
execute0_lowered:
.L_overlay_start_1:
0x0: {  	(tag) =	ssettag $0x1  }
0x1: {  	s2 =	rddreg [dreg:$0x0]  }
0x2: {  	s4 =	rddreg [dreg:$0x1];
	s3 =	srdreg.scid  }
0x3: {  	s0 =	rddreg [dreg:$0x2];
	s1 =	stileid.u32;
	s11 =	simm.s32 $0x80  }
0x4: {  	s12 =	simm.s32 $0x4800;
	s13 =	simm.s32 $0x0;
	s5 =	sand.u32 $0x1, s3  }
0x5: {  	s3 =	simm.s32 $0x0;
	s6 =	sshll.u32 s1, $0x5;
	s10 =	sadd.s32 $0x10E200, s4  }
0x6: {  	s30 =	sshll.u32 s1, $0x10;
	s7 =	sshll.u32 s5, $0x4;
	[smem:$0x7FF] =	sst s3  }
0x7: {  	s29 =	ssub.s32 $0x2, s5;
	s31 =	sshll.u32 s5, $0xF;
	s6 =	sor.u32 s7, s6  }
0x8: {  	_ =	strace $0x8000004A;
	s9 =	sshrl.u32 s29, $0x1;
	s8 =	sshll.u32 s6, $0x4  }
0x9: {  	s7 =	ssub.s32 s29, s9;
	s6 =	sshll.u32 s6, $0xB;
	s9 =	simm.s32 $0x800  }
0xa: {  	s8 =	sadd.s32 s8, s4;
	s6 =	sadd.s32 s6, s10;
	s5 =	smax.u32 s7, $0x1  }
0xb: {  	s4 =	sadd.s32 $0xA200, s8;
	s8 =	sadd.s32 s30, s10;
	s6 =	sadd.s32 $0x7800, s6  }
0xc: {  	s10 =	simm.s32 $0x1;
	s7 =	sadd.s32 s31, s8;
	s8 =	simm.s32 $0x2  }
.LBB2_1:
0xd: {  	[tilespmem:s3], [sflag:$0x2] =	stream.linear.gather [hbm4b:s4+s3], $0x800, $0x38;
	[tilespmem:$0x10800] =	vst v63  }
0xe: {  	_ =	swait.ge [sflag:s8], $0x800  }
0xf: {  	[sflag:s8] =	ssyncset.done $0x0  }
0x10: {  	[sflag:s8] =	ssyncadd.s32 $0xFFFFF800  }
0x11: {  	[tilespmem:s9], [sflag:$0x1] =	stream.indirect.gather [hbm4b:s2+s11], $0x80, s3, s11, $0xb8;
	[tilespmem:$0x10800] =	vst v63  }
0x12: {  	s14 =	simm.s32 $0x0;
	_ =	swait.ge [sflag:s10], $0x4000  }
0x13: {  	s14 =	sand.u32 $0x4000, s14;
	[sflag:s10] =	ssyncset.done $0x0  }
0x14: {  	s15 =	sxor.u32 $0x4800, s14;
	[sflag:s10] =	ssyncadd.s32 $0xFFFFC000  }
0x15: {  	[tilespmem:s15], [sflag:$0x1] =	stream.indirect.gather [hbm4b:s2+s11], $0x80, s11, s11, $0xb8;
	[tilespmem:$0x10800] =	vst v63  }
0x16: {  	s14 =	sor.u32 $0x800, s14  }
0x17: {  	[hbm4b:s7+s3] =	stream.linear.scatter [tilespmem:s14], [sflag:$0x2], $0x4000, $0x38;
	[tilespmem:$0x10800] =	vst v63  }
0x18: {  	s16 =	smov.u32 s7;
	_ =	swait.ge [sflag:s8], $0x4000  }
0x19: {  	s15 =	simm.s32 $0x80;
	s14 =	simm.s32 $0x1;
	[sflag:s8] =	ssyncset.done $0x0  }
.LBB2_2:
0x1a: {  	[sflag:s8] =	ssyncadd.s32 $0xFFFFC000;
	s15 =	sadd.s32 $0x80, s15;
	s16 =	sadd.s32 $0x800, s16  }
0x1b: {  	p0 =	sne.s32 s14, $0xE;
	s17 =	smov.u32 s14;
	s14 =	sadd.s32 $0x1, s14  }
0x1c: {  	s17 =	sshll.u32 s17, $0xE;
	_ =	swait.ge [sflag:s10], $0x4000  }
0x1d: {  	s17 =	sand.u32 $0x4000, s17;
	[sflag:s10] =	ssyncset.done $0x0  }
0x1e: {  	s18 =	sxor.u32 $0x4800, s17;
	[sflag:s10] =	ssyncadd.s32 $0xFFFFC000  }
0x1f: {  	[tilespmem:s18], [sflag:$0x1] =	stream.indirect.gather [hbm4b:s2+s11], $0x80, s15, s11, $0xb8;
	[tilespmem:$0x10800] =	vst v63  }
.Ltmp0:
0x20: {  	_ = 	snop;
	(pc) =	sbr.rel @p0 .LBB2_2-.Ltmp0, $4  }
0x21: {  	s17 =	sor.u32 $0x800, s17  }
0x22: {  	[hbm4b:s16+s3] =	stream.linear.scatter [tilespmem:s17], [sflag:$0x2], $0x4000, $0x38;
	[tilespmem:$0x10800] =	vst v63  }
0x23: {  	_ =	swait.ge [sflag:s8], $0x4000  }
0x24: {  	[sflag:s8] =	ssyncset.done $0x0  }
0x25: {  	[sflag:s8] =	ssyncadd.s32 $0xFFFFC000  }
0x26: {  	s13 =	sadd.s32 $0x1, s13;
	_ =	swait.ge [sflag:s10], $0x4000  }
0x27: {  	p0 =	sne.s32 s13, s5;
	[sflag:s10] =	ssyncset.done $0x0  }
.Ltmp1:
0x28: {  	[sflag:s10] =	ssyncadd.s32 $0xFFFFC000;
	(pc) =	sbr.rel @p0 .LBB2_1-.Ltmp1, $4  }
0x29: {  	[hbm4b:s6+s3] =	stream.linear.scatter [tilespmem:s12], [sflag:$0x2], $0x4000, $0x38;
	[tilespmem:$0x10800] =	vst v63  }
0x2a: {  	_ =	swait.ge [sflag:s8], $0x4000  }
0x2b: {  	[sflag:s8] =	ssyncset.done $0x0  }
0x2c: {  	[sflag:s8] =	ssyncadd.s32 $0xFFFFC000  }
0x2d: {  	_ =	sfence.sel $0x180000  }
0x2e: {  	[bflag:$0x0] =	sbarrier.arrive $0xFFFF  }
0x2f: {  	p0 =	sne.s32 s1, $0x0;
	_ =	strace $0x9000004A  }
0x30: {  	s0 =	sadd.s32 @!p0 $0x100000, s0;
	[bflag:$0x2] =	sbarrier.arrive $0xFFFF  }
0x31: {  	[sflag:s0] =	ssyncadd.tile.s32 @!p0 $0x1;
	_ =	shalt  }
.Lfunc_end2:
_tile_overlayer_lowered:
.L_overlay_start_2:
0x32: {  	(tag) =	ssettag $0x2  }
0x33: {  	s0 =	rddreg [dreg:$0x0];
	s2 =	stileid.u32  }
0x34: {  	s1 =	rddreg [dreg:$0x1];
	p0 =	sne.s32 s2, $0x0  }
0x35: {  	s3 =	rddreg [dreg:$0x2];
	[bflag:$0x3] =	sbarrier.arrive $0xFFFF;
	s2 =	simm.s32 @!p0 $0x1C02  }
0x36: {  	[timem:s3], [sflag:s2] =	dma.local @!p0 [hbm:s0], s1  }
0x37: {  	s0 =	simm.s32 @!p0 $0x2  }
0x38: {  	_ =	swait.ge @!p0 [sflag:s0], s1  }
0x39: {  	s1 =	ssub.s32 @!p0 $0x0, s1;
	[sflag:s0] =	ssyncset.done @!p0 $0x0  }
0x3a: {  	[sflag:s0] =	ssyncadd.s32 @!p0 s1  }
0x3b: {  	[bflag:$0x3] =	sbarrier.arrive $0xFFFF  }
0x3c: {  	_ =	shalt  }

// kernel: kernel.21.cloned.1.call-start
scs
__scs_entry_jumppad:
0x0: {  	(pc) =	sbr.rel $0x88, $3  }
0x1: {  	(tag) =	ssettag $0x0;
	lr =	simm.s32 $0x1  }
0x2: {  	[smem:$0x3F99] =	sst lr;
	_ =	strace $0xD0000000  }
0x3: {  	_ = 	snop  }
0x4: {  	_ = 	snop  }
0x5: {  	_ = 	snop  }
0x6: {  	_ = 	snop  }
0x7: {  	_ = 	snop  }
__scs_overlays_trampoline_lowered:
0x8: {  	[smem:$0x3FA8] =	sst s0  }
0x9: {  	[smem:$0x3FA9] =	sst s1  }
0xa: {  	[smem:$0x3FAA] =	sst s2  }
0xb: {  	[smem:$0x3FAB] =	sst s3  }
0xc: {  	[smem:$0x3FAC] =	sst s4  }
0xd: {  	[smem:$0x3FAD] =	sst s5  }
0xe: {  	[smem:$0x3FAE] =	sst s6  }
0xf: {  	[smem:$0x3FAF] =	sst s7  }
0x10: {  	[smem:$0x3FB0] =	sst s8  }
0x11: {  	[smem:$0x3FB1] =	sst s9;
	s0 =	simm.s32 @!p0 $0x0  }
0x12: {  	s1 =	sld [smem:$0x3F97];
	s0 =	simm.s32 @p0 $0x1  }
0x13: {  	[smem:$0x3FB2] =	sst s0;
	s0 =	simm.s32 @!p1 $0x0  }
0x14: {  	s2 =	sld [smem:$0x3F96];
	s0 =	simm.s32 @p1 $0x1  }
0x15: {  	[smem:$0x3FB3] =	sst s0;
	s0 =	simm.s32 @!p2 $0x0  }
0x16: {  	s3 =	sld [smem:$0x3FDB];
	s0 =	simm.s32 @p2 $0x1  }
0x17: {  	s4 =	simm.s32 $0x1BF5;
	[smem:$0x3FB5] =	sst s0  }
0x18: {  	s0 =	sld [smem:$0x3F98];
	_ =	swait.ge [sflag:s4], $0x0  }
0x19: {  	s7 =	sld [smem:$0x3F99]  }
0x1a: {  	s8 =	sadd.s32 $0xFFFFE003, lr  }
0x1b: {  	s9 =	sadd.s32 $0xFFFFFEF7, lr;
	s5 =	simm.s32 $0xFFFFFFFF;
	p2 =	slt.u32 s8, $0xFFFFF086  }
0x1c: {  	p1 =	slt.u32 s9, $0xF7A;
	s5 =	simm.s32 @!p2 $0x0  }
0x1d: {  	s5 =	simm.s32 @p1 $0x1;
	p0 =	seq.s32 s7, s2  }
0x1e: {  	s7 =	smul.u32 @!p0 $0xF7A, s2;
	p2 =	seq.s32 @!p0 s5, $0x0  }
0x1f: {  	s9 =	smul.u32 $0xF7A, s1;
	s8 =	simm.s32 @!p0 $0x1BF5;
	p2 =	por !p2, p0  }
0x20: {  	[sflag:s8] =	ssyncset.s32 @!p0 $0xFFFFF086;
	s6 =	sadd.s32 @!p0 s3, s7;
	s7 =	simm.s32 @!p0 $0x108  }
0x21: {  	s3 =	sadd.s32 s3, s9;
	s6 =	sadd.s32 @!p0 $0x88, s6;
	s7 =	simm.s32 @p2 $0x1082  }
0x22: {  	[simem:s7], [sflag:s8] =	dma.local @!p0 [hbm:s6], $0xF7A  }
0x23: {  	s9 =	sor.u32 $0xD0000000, s2;
	s6 =	simm.s32 $0x108;
	_ =	swait.ge @!p0 [sflag:s8], $0x0  }
0x24: {  	s3 =	sadd.s32 $0x88, s3;
	s6 =	simm.s32 @!p1 $0x1082;
	[sflag:s4] =	ssyncset.s32 $0xFFFFF086  }
0x25: {  	[simem:s6], [sflag:s4] =	dma.local [hbm:s3], $0xF7A  }
0x26: {  	[smem:$0x3F99] =	sst s1;
	(tag) =	ssettag s2;
	_ =	strace s9  }
0x27: {  	s1 =	sld [smem:$0x3FA9]  }
0x28: {  	s2 =	sld [smem:$0x3FAA]  }
0x29: {  	s4 =	sld [smem:$0x3FAC]  }
0x2a: {  	p0 =	seq.s32 s5, $0x0;
	s5 =	sld [smem:$0x3FAD]  }
0x2b: {  	s6 =	sld [smem:$0x3FAE]  }
0x2c: {  	s7 =	sld [smem:$0x3FAF]  }
0x2d: {  	s3 =	simm.s32 $0x108;
	s8 =	sld [smem:$0x3FB0]  }
0x2e: {  	s3 =	simm.s32 @!p0 $0x1082;
	s9 =	sld [smem:$0x3FB1]  }
0x2f: {  	lr =	sadd.s32 s0, s3;
	s0 =	sld [smem:$0x3FA8]  }
0x30: {  	s3 =	sld [smem:$0x3FAB]  }
0x31: {  	[smem:$0x3FB4] =	sst s10  }
0x32: {  	s10 =	sld [smem:$0x3FB2];
	_ =	sdelay $0x3  }
0x33: {  	p0 =	seq.s32 s10, $0x1;
	s10 =	sld [smem:$0x3FB4];
	_ =	sdelay $0x3  }
0x34: {  	[smem:$0x3FB4] =	sst s10  }
0x35: {  	s10 =	sld [smem:$0x3FB3];
	_ =	sdelay $0x3  }
0x36: {  	p1 =	seq.s32 s10, $0x1;
	s10 =	sld [smem:$0x3FB4];
	_ =	sdelay $0x3  }
0x37: {  	[smem:$0x3FB4] =	sst s10  }
0x38: {  	s10 =	sld [smem:$0x3FB5]  }
0x39: {  	_ = 	snop;
	(pc) =	sbr.ind lr, $3  }
0x3a: {  	_ = 	snop  }
0x3b: {  	_ = 	snop  }
0x3c: {  	p2 =	seq.s32 s10, $0x1;
	s10 =	sld [smem:$0x3FB4]  }
0x3d: {  	_ =	shalt  }
0x3e: {  	_ =	shalt  }
0x3f: {  	_ =	shalt  }
0x40: {  	_ =	shalt  }
0x41: {  	_ =	shalt  }
0x42: {  	_ =	shalt  }
0x43: {  	_ =	shalt  }
0x44: {  	_ =	shalt  }
0x45: {  	_ =	shalt  }
0x46: {  	_ =	shalt  }
0x47: {  	_ =	shalt  }
0x48: {  	_ =	shalt  }
0x49: {  	_ =	shalt  }
0x4a: {  	_ =	shalt  }
0x4b: {  	_ =	shalt  }
0x4c: {  	_ =	shalt  }
0x4d: {  	_ =	shalt  }
0x4e: {  	_ =	shalt  }
0x4f: {  	_ =	shalt  }
0x50: {  	_ =	shalt  }
0x51: {  	_ =	shalt  }
0x52: {  	_ =	shalt  }
0x53: {  	_ =	shalt  }
0x54: {  	_ =	shalt  }
0x55: {  	_ =	shalt  }
0x56: {  	_ =	shalt  }
0x57: {  	_ =	shalt  }
0x58: {  	_ =	shalt  }
0x59: {  	_ =	shalt  }
0x5a: {  	_ =	shalt  }
0x5b: {  	_ =	shalt  }
0x5c: {  	_ =	shalt  }
0x5d: {  	_ =	shalt  }
0x5e: {  	_ =	shalt  }
0x5f: {  	_ =	shalt  }
0x60: {  	_ =	shalt  }
0x61: {  	_ =	shalt  }
0x62: {  	_ =	shalt  }
0x63: {  	_ =	shalt  }
0x64: {  	_ =	shalt  }
0x65: {  	_ =	shalt  }
0x66: {  	_ =	shalt  }
0x67: {  	_ =	shalt  }
0x68: {  	_ =	shalt  }
0x69: {  	_ =	shalt  }
0x6a: {  	_ =	shalt  }
0x6b: {  	_ =	shalt  }
0x6c: {  	_ =	shalt  }
0x6d: {  	_ =	shalt  }
0x6e: {  	_ =	shalt  }
0x6f: {  	_ =	shalt  }
0x70: {  	_ =	shalt  }
0x71: {  	_ =	shalt  }
0x72: {  	_ =	shalt  }
0x73: {  	_ =	shalt  }
0x74: {  	_ =	shalt  }
0x75: {  	_ =	shalt  }
0x76: {  	_ =	shalt  }
0x77: {  	_ =	shalt  }
0x78: {  	_ =	shalt  }
0x79: {  	_ =	shalt  }
0x7a: {  	_ =	shalt  }
0x7b: {  	_ =	shalt  }
0x7c: {  	_ =	shalt  }
0x7d: {  	_ =	shalt  }
0x7e: {  	_ =	shalt  }
0x7f: {  	_ =	shalt  }
0x80: {  	_ =	shalt  }
0x81: {  	_ =	shalt  }
0x82: {  	_ =	shalt  }
0x83: {  	_ =	shalt  }
0x84: {  	_ =	shalt  }
0x85: {  	_ =	shalt  }
0x86: {  	_ =	shalt  }
0x87: {  	_ =	shalt  }
.Lfunc_end0:
.L_simem_size_0:
called_computation.3_lowered:
.L_overlay_start_0:
0x88: {  	s2 =	sld [smem:$0x3FD9]  }
0x89: {  	s3 =	sld [smem:$0x3FFE];
	_ =	sdelay $0x1  }
0x8a: {  	s1 =	srdreg.scid  }
0x8b: {  	s0 =	sand.u32 $0x1, s1  }
0x8c: {  	s17 =	sshll.u32 s0, $0xA;
	s2 =	sadd.s32 s3, s2  }
0x8d: {  	s2 =	sadd.s32 s2, s17  }
0x8e: {  	[smem:$0x3FC0] =	sst s2  }
0x8f: {  	_ = 	snop  }
0x90: {  	s18 =	sld [smem:$0x3FC6];
	(tm) =	ssettm $0x1  }
0x91: {  	s19 =	sld [smem:$0x3FFB];
	_ =	sdelay $0x3  }
0x92: {  	_ =	strace s19  }
0x93: {  	s2 =	sld [smem:$0x3FFC];
	_ =	sdelay $0x3  }
0x94: {  	_ =	strace s2  }
0x95: {  	s2 =	sld [smem:$0x3FFD];
	_ =	sdelay $0x3  }
0x96: {  	_ =	strace s2  }
0x97: {  	_ =	strace $0x8FFFFFFF  }
0x98: {  	s20 =	sld [smem:$0x3FDB];
	_ =	sdelay $0x1  }
0x99: {  	s4 =	simm.s32 $_scs_section_size  }
0x9a: {  	s5 =	simm.s32 $_size__tile_overlayer_lowered;
	s6 =	simm.s32 $_tile_overlayer_lowered  }
0x9b: {  	s7 =	simm.s32 $0x1BFF;
	s21 =	sshll.u32 s6, $0x1;
	s4 =	sadd.s32 s4, s20  }
0x9c: {  	s22 =	simm.s32 $0x0;
	s5 =	sshll.u32 s5, $0x1;
	s6 =	sadd.s32 s21, s4  }
0x9d: {  	[timem:s22], [sflag:s7] =	dma.local [hbm:s6], s5  }
0x9e: {  	_ =	swait.ge [sflag:s7], s5  }
0x9f: {  	s5 =	ssub.s32 $0x0, s5;
	[sflag:s7] =	ssyncset.done $0x0  }
0xa0: {  	[sflag:s7] =	ssyncadd.s32 s5;
	_ =	sdelay $0x1  }
0xa1: {  	s23 =	simm.s32 $0x1B8B  }
0xa2: {  	_ =	swait.ge [sflag:s23], $0x1  }
0xa3: {  	[sflag:s23] =	ssyncset.done $0x0  }
0xa4: {  	[sflag:s23] =	ssyncadd.s32 $0xFFFFFFFF  }
0xa5: {  	s5 =	sld [smem:$0x0]  }
0xa6: {  	s6 =	sand.u32 $0xFFFFFFFE, s1  }
0xa7: {  	p0 =	sne.s32 s1, s6  }
0xa8: {  	s6 =	sshll.u32 @p0 s6, $0xE  }
0xa9: {  	s6 =	sadd.s32 @p0 $0x11B8D, s6;
	s7 =	sshll.u32 @p0 s5, $0x11  }
0xaa: {  	s6 =	sor.u32 @p0 s7, s6  }
0xab: {  	[sflag:s6] =	ssyncadd.remote.s32 @p0 $0x1;
	_ =	sdelay $0x1  }
0xac: {  	s6 =	simm.s32 @p0 $0x1B8D  }
0xad: {  	_ =	swait.eq @p0 [sflag:s6], $0x1  }
0xae: {  	[sflag:s6] =	ssyncadd.s32 @p0 $0xFFFFFFFF  }
0xaf: {  	s7 =	sshll.u32 @!p0 s1, $0xE  }
0xb0: {  	s7 =	sor.u32 @!p0 $0x4000, s7;
	s6 =	simm.s32 @!p0 $0x1B8D  }
0xb1: {  	s5 =	sshll.u32 @!p0 s5, $0x11;
	s7 =	sadd.s32 @!p0 $0x11B8D, s7;
	_ =	swait.eq @!p0 [sflag:s6], $0x1  }
0xb2: {  	s5 =	sor.u32 @!p0 s5, s7;
	[sflag:s6] =	ssyncadd.s32 @!p0 $0xFFFFFFFF  }
0xb3: {  	s25 =	simm.s32 $0x1B8E;
	s24 =	sld [smem:$0x3FFE];
	[sflag:s5] =	ssyncadd.remote.s32 @!p0 $0x1  }
0xb4: {  	s26 =	simm.s32 $execute0_lowered;
	[smem:$0x3FD2] =	sst s25  }
0xb5: {  	s6 =	sshll.u32 s26, $0x1;
	_ =	strace $0x8000004C;
	[dreg:$0x1] =	wrdreg $0xFFFFFFFF  }
0xb6: {  	s28 =	simm.s32 $_size_execute0_lowered;
	s4 =	sadd.s32 s4, s6;
	[dreg:$0x0] =	wrdreg $0x0  }
0xb7: {  	s6 =	sshll.u32 s28, $0x1;
	[dreg:$0x2] =	wrdreg s4  }
0xb8: {  	[dreg:$0x3] =	wrdreg s6  }
0xb9: {  	[dreg:$0x4] =	wrdreg $0xC0  }
0xba: {  	_ =	task [dreg:s22], $0x5FFFF  }
0xbb: {  	[dreg:$0x1] =	wrdreg $0xFFFFFFFF  }
0xbc: {  	[dreg:$0x0] =	wrdreg $0x60  }
0xbd: {  	[dreg:$0x2] =	wrdreg s18  }
0xbe: {  	[dreg:$0x3] =	wrdreg s24  }
0xbf: {  	[dreg:$0x4] =	wrdreg $0xC  }
0xc0: {  	_ =	task.clear_ibuf [dreg:s22], $0x5FFFF;
	_ =	strace $0x9000004C  }
0xc1: {  	s29 =	simm.s32 $0xC;
	_ =	strace $0x8000004E  }
0xc2: {  	_ =	swait.ge [sflag:s29], $0x1  }
0xc3: {  	[sflag:s29] =	ssyncadd.s32 $0xFFFFFFFF  }
0xc4: {  	_ =	strace $0x9000004E  }
0xc5: {  	_ =	sfence  }
0xc6: {  	s30 =	sld [smem:$0x0];
	_ =	sdelay $0x2  }
0xc7: {  	s31 =	sshll.u32 s1, $0xD;
	s1 =	sshrl.u32 s1, $0x2  }
0xc8: {  	s4 =	sand.u32 $0x4000, s31;
	s1 =	sadd.s32 s1, s30  }
0xc9: {  	s0 =	sor.u32 s4, s0;
	s1 =	sshll.u32 s1, $0x11  }
0xca: {  	s0 =	sor.u32 s1, s0  }
0xcb: {  	s0 =	sadd.s32 $0x8F2B, s0  }
0xcc: {  	[sflag:s0] =	ssyncadd.remote.s32 $0x1  }
0xcd: {  	_ =	sfence.sel $0xFFFF  }
0xce: {  	[dreg:$0x0] =	wrdreg $0xFFFFFFFF;
	(pc) =	sbr.abs _section_cstart, $3  }
0xcf: {  	[dreg:$0x1] =	wrdreg $0xFFFFFFFF  }
0xd0: {  	_ =	task.clear_ibuf [dreg:s22], $0x2FFFF;
	_ =	strace $0x9FFFFFFF  }
0xd1: {  	(tm) =	ssettm $0x7FFFFFFF  }
tec
execute0_lowered:
.L_overlay_start_1:
0x0: {  	(tag) =	ssettag $0x1  }
0x1: {  	s2 =	rddreg [dreg:$0x0]  }
0x2: {  	s4 =	rddreg [dreg:$0x1];
	s3 =	srdreg.scid  }
0x3: {  	s0 =	rddreg [dreg:$0x2];
	s1 =	stileid.u32;
	s11 =	simm.s32 $0x80  }
0x4: {  	s12 =	simm.s32 $0x4800;
	s13 =	simm.s32 $0x0;
	s5 =	sand.u32 $0x1, s3  }
0x5: {  	s3 =	simm.s32 $0x0;
	s6 =	sshll.u32 s1, $0x5;
	s10 =	sadd.s32 $0x20E200, s4  }
0x6: {  	s30 =	sshll.u32 s1, $0x10;
	s7 =	sshll.u32 s5, $0x4;
	[smem:$0x7FF] =	sst s3  }
0x7: {  	s29 =	ssub.s32 $0x2, s5;
	s31 =	sshll.u32 s5, $0xF;
	s6 =	sor.u32 s7, s6  }
0x8: {  	_ =	strace $0x8000004D;
	s9 =	sshrl.u32 s29, $0x1;
	s8 =	sshll.u32 s6, $0x4  }
0x9: {  	s7 =	ssub.s32 s29, s9;
	s6 =	sshll.u32 s6, $0xB;
	s9 =	simm.s32 $0x800  }
0xa: {  	s8 =	sadd.s32 s8, s4;
	s6 =	sadd.s32 s6, s10;
	s5 =	smax.u32 s7, $0x1  }
0xb: {  	s4 =	sadd.s32 $0xC200, s8;
	s8 =	sadd.s32 s30, s10;
	s6 =	sadd.s32 $0x7800, s6  }
0xc: {  	s10 =	simm.s32 $0x1;
	s7 =	sadd.s32 s31, s8;
	s8 =	simm.s32 $0x2  }
.LBB2_1:
0xd: {  	[tilespmem:s3], [sflag:$0x2] =	stream.linear.gather [hbm4b:s4+s3], $0x800, $0x38;
	[tilespmem:$0x10800] =	vst v63  }
0xe: {  	_ =	swait.ge [sflag:s8], $0x800  }
0xf: {  	[sflag:s8] =	ssyncset.done $0x0  }
0x10: {  	[sflag:s8] =	ssyncadd.s32 $0xFFFFF800  }
0x11: {  	[tilespmem:s9], [sflag:$0x1] =	stream.indirect.gather [hbm4b:s2+s11], $0x80, s3, s11, $0xb8;
	[tilespmem:$0x10800] =	vst v63  }
0x12: {  	s14 =	simm.s32 $0x0;
	_ =	swait.ge [sflag:s10], $0x4000  }
0x13: {  	s14 =	sand.u32 $0x4000, s14;
	[sflag:s10] =	ssyncset.done $0x0  }
0x14: {  	s15 =	sxor.u32 $0x4800, s14;
	[sflag:s10] =	ssyncadd.s32 $0xFFFFC000  }
0x15: {  	[tilespmem:s15], [sflag:$0x1] =	stream.indirect.gather [hbm4b:s2+s11], $0x80, s11, s11, $0xb8;
	[tilespmem:$0x10800] =	vst v63  }
0x16: {  	s14 =	sor.u32 $0x800, s14  }
0x17: {  	[hbm4b:s7+s3] =	stream.linear.scatter [tilespmem:s14], [sflag:$0x2], $0x4000, $0x38;
	[tilespmem:$0x10800] =	vst v63  }
0x18: {  	s16 =	smov.u32 s7;
	_ =	swait.ge [sflag:s8], $0x4000  }
0x19: {  	s15 =	simm.s32 $0x80;
	s14 =	simm.s32 $0x1;
	[sflag:s8] =	ssyncset.done $0x0  }
.LBB2_2:
0x1a: {  	[sflag:s8] =	ssyncadd.s32 $0xFFFFC000;
	s15 =	sadd.s32 $0x80, s15;
	s16 =	sadd.s32 $0x800, s16  }
0x1b: {  	p0 =	sne.s32 s14, $0xE;
	s17 =	smov.u32 s14;
	s14 =	sadd.s32 $0x1, s14  }
0x1c: {  	s17 =	sshll.u32 s17, $0xE;
	_ =	swait.ge [sflag:s10], $0x4000  }
0x1d: {  	s17 =	sand.u32 $0x4000, s17;
	[sflag:s10] =	ssyncset.done $0x0  }
0x1e: {  	s18 =	sxor.u32 $0x4800, s17;
	[sflag:s10] =	ssyncadd.s32 $0xFFFFC000  }
0x1f: {  	[tilespmem:s18], [sflag:$0x1] =	stream.indirect.gather [hbm4b:s2+s11], $0x80, s15, s11, $0xb8;
	[tilespmem:$0x10800] =	vst v63  }
.Ltmp0:
0x20: {  	_ = 	snop;
	(pc) =	sbr.rel @p0 .LBB2_2-.Ltmp0, $4  }
0x21: {  	s17 =	sor.u32 $0x800, s17  }
0x22: {  	[hbm4b:s16+s3] =	stream.linear.scatter [tilespmem:s17], [sflag:$0x2], $0x4000, $0x38;
	[tilespmem:$0x10800] =	vst v63  }
0x23: {  	_ =	swait.ge [sflag:s8], $0x4000  }
0x24: {  	[sflag:s8] =	ssyncset.done $0x0  }
0x25: {  	[sflag:s8] =	ssyncadd.s32 $0xFFFFC000  }
0x26: {  	s13 =	sadd.s32 $0x1, s13;
	_ =	swait.ge [sflag:s10], $0x4000  }
0x27: {  	p0 =	sne.s32 s13, s5;
	[sflag:s10] =	ssyncset.done $0x0  }
.Ltmp1:
0x28: {  	[sflag:s10] =	ssyncadd.s32 $0xFFFFC000;
	(pc) =	sbr.rel @p0 .LBB2_1-.Ltmp1, $4  }
0x29: {  	[hbm4b:s6+s3] =	stream.linear.scatter [tilespmem:s12], [sflag:$0x2], $0x4000, $0x38;
	[tilespmem:$0x10800] =	vst v63  }
0x2a: {  	_ =	swait.ge [sflag:s8], $0x4000  }
0x2b: {  	[sflag:s8] =	ssyncset.done $0x0  }
0x2c: {  	[sflag:s8] =	ssyncadd.s32 $0xFFFFC000  }
0x2d: {  	_ =	sfence.sel $0x180000  }
0x2e: {  	[bflag:$0x0] =	sbarrier.arrive $0xFFFF  }
0x2f: {  	p0 =	sne.s32 s1, $0x0;
	_ =	strace $0x9000004D  }
0x30: {  	s0 =	sadd.s32 @!p0 $0x100000, s0;
	[bflag:$0x2] =	sbarrier.arrive $0xFFFF  }
0x31: {  	[sflag:s0] =	ssyncadd.tile.s32 @!p0 $0x1;
	_ =	shalt  }
.Lfunc_end2:
_tile_overlayer_lowered:
.L_overlay_start_2:
0x32: {  	(tag) =	ssettag $0x2  }
0x33: {  	s0 =	rddreg [dreg:$0x0];
	s2 =	stileid.u32  }
0x34: {  	s1 =	rddreg [dreg:$0x1];
	p0 =	sne.s32 s2, $0x0  }
0x35: {  	s3 =	rddreg [dreg:$0x2];
	[bflag:$0x3] =	sbarrier.arrive $0xFFFF;
	s2 =	simm.s32 @!p0 $0x1C02  }
0x36: {  	[timem:s3], [sflag:s2] =	dma.local @!p0 [hbm:s0], s1  }
0x37: {  	s0 =	simm.s32 @!p0 $0x2  }
0x38: {  	_ =	swait.ge @!p0 [sflag:s0], s1  }
0x39: {  	s1 =	ssub.s32 @!p0 $0x0, s1;
	[sflag:s0] =	ssyncset.done @!p0 $0x0  }
0x3a: {  	[sflag:s0] =	ssyncadd.s32 @!p0 s1  }
0x3b: {  	[bflag:$0x3] =	sbarrier.arrive $0xFFFF  }
0x3c: {  	_ =	shalt  }

// kernel: kernel.24.cloned.1.call-start
scs
__scs_entry_jumppad:
0x0: {  	(pc) =	sbr.rel $0x88, $3  }
0x1: {  	(tag) =	ssettag $0x0;
	lr =	simm.s32 $0x1  }
0x2: {  	[smem:$0x3F99] =	sst lr;
	_ =	strace $0xD0000000  }
0x3: {  	_ = 	snop  }
0x4: {  	_ = 	snop  }
0x5: {  	_ = 	snop  }
0x6: {  	_ = 	snop  }
0x7: {  	_ = 	snop  }
__scs_overlays_trampoline_lowered:
0x8: {  	[smem:$0x3FA8] =	sst s0  }
0x9: {  	[smem:$0x3FA9] =	sst s1  }
0xa: {  	[smem:$0x3FAA] =	sst s2  }
0xb: {  	[smem:$0x3FAB] =	sst s3  }
0xc: {  	[smem:$0x3FAC] =	sst s4  }
0xd: {  	[smem:$0x3FAD] =	sst s5  }
0xe: {  	[smem:$0x3FAE] =	sst s6  }
0xf: {  	[smem:$0x3FAF] =	sst s7  }
0x10: {  	[smem:$0x3FB0] =	sst s8  }
0x11: {  	[smem:$0x3FB1] =	sst s9;
	s0 =	simm.s32 @!p0 $0x0  }
0x12: {  	s1 =	sld [smem:$0x3F97];
	s0 =	simm.s32 @p0 $0x1  }
0x13: {  	[smem:$0x3FB2] =	sst s0;
	s0 =	simm.s32 @!p1 $0x0  }
0x14: {  	s2 =	sld [smem:$0x3F96];
	s0 =	simm.s32 @p1 $0x1  }
0x15: {  	[smem:$0x3FB3] =	sst s0;
	s0 =	simm.s32 @!p2 $0x0  }
0x16: {  	s3 =	sld [smem:$0x3FDB];
	s0 =	simm.s32 @p2 $0x1  }
0x17: {  	s4 =	simm.s32 $0x1BF5;
	[smem:$0x3FB5] =	sst s0  }
0x18: {  	s0 =	sld [smem:$0x3F98];
	_ =	swait.ge [sflag:s4], $0x0  }
0x19: {  	s7 =	sld [smem:$0x3F99]  }
0x1a: {  	s8 =	sadd.s32 $0xFFFFE003, lr  }
0x1b: {  	s9 =	sadd.s32 $0xFFFFFEF7, lr;
	s5 =	simm.s32 $0xFFFFFFFF;
	p2 =	slt.u32 s8, $0xFFFFF086  }
0x1c: {  	p1 =	slt.u32 s9, $0xF7A;
	s5 =	simm.s32 @!p2 $0x0  }
0x1d: {  	s5 =	simm.s32 @p1 $0x1;
	p0 =	seq.s32 s7, s2  }
0x1e: {  	s7 =	smul.u32 @!p0 $0xF7A, s2;
	p2 =	seq.s32 @!p0 s5, $0x0  }
0x1f: {  	s9 =	smul.u32 $0xF7A, s1;
	s8 =	simm.s32 @!p0 $0x1BF5;
	p2 =	por !p2, p0  }
0x20: {  	[sflag:s8] =	ssyncset.s32 @!p0 $0xFFFFF086;
	s6 =	sadd.s32 @!p0 s3, s7;
	s7 =	simm.s32 @!p0 $0x108  }
0x21: {  	s3 =	sadd.s32 s3, s9;
	s6 =	sadd.s32 @!p0 $0x88, s6;
	s7 =	simm.s32 @p2 $0x1082  }
0x22: {  	[simem:s7], [sflag:s8] =	dma.local @!p0 [hbm:s6], $0xF7A  }
0x23: {  	s9 =	sor.u32 $0xD0000000, s2;
	s6 =	simm.s32 $0x108;
	_ =	swait.ge @!p0 [sflag:s8], $0x0  }
0x24: {  	s3 =	sadd.s32 $0x88, s3;
	s6 =	simm.s32 @!p1 $0x1082;
	[sflag:s4] =	ssyncset.s32 $0xFFFFF086  }
0x25: {  	[simem:s6], [sflag:s4] =	dma.local [hbm:s3], $0xF7A  }
0x26: {  	[smem:$0x3F99] =	sst s1;
	(tag) =	ssettag s2;
	_ =	strace s9  }
0x27: {  	s1 =	sld [smem:$0x3FA9]  }
0x28: {  	s2 =	sld [smem:$0x3FAA]  }
0x29: {  	s4 =	sld [smem:$0x3FAC]  }
0x2a: {  	p0 =	seq.s32 s5, $0x0;
	s5 =	sld [smem:$0x3FAD]  }
0x2b: {  	s6 =	sld [smem:$0x3FAE]  }
0x2c: {  	s7 =	sld [smem:$0x3FAF]  }
0x2d: {  	s3 =	simm.s32 $0x108;
	s8 =	sld [smem:$0x3FB0]  }
0x2e: {  	s3 =	simm.s32 @!p0 $0x1082;
	s9 =	sld [smem:$0x3FB1]  }
0x2f: {  	lr =	sadd.s32 s0, s3;
	s0 =	sld [smem:$0x3FA8]  }
0x30: {  	s3 =	sld [smem:$0x3FAB]  }
0x31: {  	[smem:$0x3FB4] =	sst s10  }
0x32: {  	s10 =	sld [smem:$0x3FB2];
	_ =	sdelay $0x3  }
0x33: {  	p0 =	seq.s32 s10, $0x1;
	s10 =	sld [smem:$0x3FB4];
	_ =	sdelay $0x3  }
0x34: {  	[smem:$0x3FB4] =	sst s10  }
0x35: {  	s10 =	sld [smem:$0x3FB3];
	_ =	sdelay $0x3  }
0x36: {  	p1 =	seq.s32 s10, $0x1;
	s10 =	sld [smem:$0x3FB4];
	_ =	sdelay $0x3  }
0x37: {  	[smem:$0x3FB4] =	sst s10  }
0x38: {  	s10 =	sld [smem:$0x3FB5]  }
0x39: {  	_ = 	snop;
	(pc) =	sbr.ind lr, $3  }
0x3a: {  	_ = 	snop  }
0x3b: {  	_ = 	snop  }
0x3c: {  	p2 =	seq.s32 s10, $0x1;
	s10 =	sld [smem:$0x3FB4]  }
0x3d: {  	_ =	shalt  }
0x3e: {  	_ =	shalt  }
0x3f: {  	_ =	shalt  }
0x40: {  	_ =	shalt  }
0x41: {  	_ =	shalt  }
0x42: {  	_ =	shalt  }
0x43: {  	_ =	shalt  }
0x44: {  	_ =	shalt  }
0x45: {  	_ =	shalt  }
0x46: {  	_ =	shalt  }
0x47: {  	_ =	shalt  }
0x48: {  	_ =	shalt  }
0x49: {  	_ =	shalt  }
0x4a: {  	_ =	shalt  }
0x4b: {  	_ =	shalt  }
0x4c: {  	_ =	shalt  }
0x4d: {  	_ =	shalt  }
0x4e: {  	_ =	shalt  }
0x4f: {  	_ =	shalt  }
0x50: {  	_ =	shalt  }
0x51: {  	_ =	shalt  }
0x52: {  	_ =	shalt  }
0x53: {  	_ =	shalt  }
0x54: {  	_ =	shalt  }
0x55: {  	_ =	shalt  }
0x56: {  	_ =	shalt  }
0x57: {  	_ =	shalt  }
0x58: {  	_ =	shalt  }
0x59: {  	_ =	shalt  }
0x5a: {  	_ =	shalt  }
0x5b: {  	_ =	shalt  }
0x5c: {  	_ =	shalt  }
0x5d: {  	_ =	shalt  }
0x5e: {  	_ =	shalt  }
0x5f: {  	_ =	shalt  }
0x60: {  	_ =	shalt  }
0x61: {  	_ =	shalt  }
0x62: {  	_ =	shalt  }
0x63: {  	_ =	shalt  }
0x64: {  	_ =	shalt  }
0x65: {  	_ =	shalt  }
0x66: {  	_ =	shalt  }
0x67: {  	_ =	shalt  }
0x68: {  	_ =	shalt  }
0x69: {  	_ =	shalt  }
0x6a: {  	_ =	shalt  }
0x6b: {  	_ =	shalt  }
0x6c: {  	_ =	shalt  }
0x6d: {  	_ =	shalt  }
0x6e: {  	_ =	shalt  }
0x6f: {  	_ =	shalt  }
0x70: {  	_ =	shalt  }
0x71: {  	_ =	shalt  }
0x72: {  	_ =	shalt  }
0x73: {  	_ =	shalt  }
0x74: {  	_ =	shalt  }
0x75: {  	_ =	shalt  }
0x76: {  	_ =	shalt  }
0x77: {  	_ =	shalt  }
0x78: {  	_ =	shalt  }
0x79: {  	_ =	shalt  }
0x7a: {  	_ =	shalt  }
0x7b: {  	_ =	shalt  }
0x7c: {  	_ =	shalt  }
0x7d: {  	_ =	shalt  }
0x7e: {  	_ =	shalt  }
0x7f: {  	_ =	shalt  }
0x80: {  	_ =	shalt  }
0x81: {  	_ =	shalt  }
0x82: {  	_ =	shalt  }
0x83: {  	_ =	shalt  }
0x84: {  	_ =	shalt  }
0x85: {  	_ =	shalt  }
0x86: {  	_ =	shalt  }
0x87: {  	_ =	shalt  }
.Lfunc_end0:
.L_simem_size_0:
called_computation.4_lowered:
.L_overlay_start_0:
0x88: {  	s2 =	sld [smem:$0x3FD9]  }
0x89: {  	s3 =	sld [smem:$0x3FFE];
	_ =	sdelay $0x1  }
0x8a: {  	s1 =	srdreg.scid  }
0x8b: {  	s0 =	sand.u32 $0x1, s1  }
0x8c: {  	s14 =	sshll.u32 s0, $0xA;
	s2 =	sadd.s32 s3, s2  }
0x8d: {  	s2 =	sadd.s32 s2, s14  }
0x8e: {  	[smem:$0x3FC0] =	sst s2  }
0x8f: {  	_ = 	snop  }
0x90: {  	s2 =	sld [smem:$0x3FD0];
	_ =	sdelay $0x2  }
0x91: {  	s15 =	simm.s32 $0xD;
	s4 =	simm.s32 $0x10  }
0x92: {  	[smem:s4], [sflag:s15] =	dma.local [hbm:s2], $0x1  }
0x93: {  	_ =	swait.eq [sflag:s15], $0x1  }
0x94: {  	[sflag:s15] =	ssyncset.done $0x0  }
0x95: {  	[sflag:s15] =	ssyncadd.s32 $0xFFFFFFFF  }
0x96: {  	s16 =	sld [smem:$0x12];
	(tm) =	ssettm $0x1  }
0x97: {  	s17 =	sld [smem:$0x3FFB];
	_ =	sdelay $0x3  }
0x98: {  	_ =	strace s17  }
0x99: {  	s3 =	sld [smem:$0x3FFC];
	_ =	sdelay $0x3  }
0x9a: {  	_ =	strace s3  }
0x9b: {  	s3 =	sld [smem:$0x3FFD];
	_ =	sdelay $0x3  }
0x9c: {  	_ =	strace s3  }
0x9d: {  	_ =	strace $0x8FFFFFFF  }
0x9e: {  	s18 =	sld [smem:$0x3FDB];
	_ =	sdelay $0x1  }
0x9f: {  	s19 =	simm.s32 $_scs_section_size  }
0xa0: {  	s5 =	simm.s32 $_size__tile_overlayer_lowered;
	s6 =	simm.s32 $_tile_overlayer_lowered  }
0xa1: {  	s22 =	simm.s32 $0x1BFF;
	s21 =	sshll.u32 s6, $0x1;
	s3 =	sadd.s32 s19, s18  }
0xa2: {  	s7 =	simm.s32 $0x0;
	s20 =	sshll.u32 s5, $0x1;
	s5 =	sadd.s32 s21, s3  }
0xa3: {  	[timem:s7], [sflag:s22] =	dma.local [hbm:s5], s20  }
0xa4: {  	_ =	swait.ge [sflag:s22], s20  }
0xa5: {  	s4 =	ssub.s32 $0x0, s20;
	[sflag:s22] =	ssyncset.done $0x0  }
0xa6: {  	[sflag:s22] =	ssyncadd.s32 s4;
	_ =	sdelay $0x1  }
0xa7: {  	s23 =	simm.s32 $0x1B8B  }
0xa8: {  	_ =	swait.ge [sflag:s23], $0x1  }
0xa9: {  	[sflag:s23] =	ssyncset.done $0x0  }
0xaa: {  	s25 =	simm.s32 $0x1B8E;
	s24 =	sld [smem:$0x3FFE];
	[sflag:s23] =	ssyncadd.s32 $0xFFFFFFFF  }
0xab: {  	s26 =	simm.s32 $execute0_lowered;
	[smem:$0x3FD2] =	sst s25  }
0xac: {  	s5 =	sshll.u32 s26, $0x1;
	_ =	strace $0x80000052;
	[dreg:$0x1] =	wrdreg $0xFFFFFFFF  }
0xad: {  	s28 =	simm.s32 $_size_execute0_lowered;
	s3 =	sadd.s32 s3, s5;
	[dreg:$0x0] =	wrdreg $0x0  }
0xae: {  	s5 =	sshll.u32 s28, $0x1;
	[dreg:$0x2] =	wrdreg s3  }
0xaf: {  	[dreg:$0x3] =	wrdreg s5  }
0xb0: {  	[dreg:$0x4] =	wrdreg $0xC0  }
0xb1: {  	_ =	task [dreg:s7], $0x5FFFF  }
0xb2: {  	[dreg:$0x1] =	wrdreg $0xFFFFFFFF  }
0xb3: {  	[dreg:$0x0] =	wrdreg $0x60  }
0xb4: {  	[dreg:$0x2] =	wrdreg s24  }
0xb5: {  	[dreg:$0x3] =	wrdreg s16  }
0xb6: {  	[dreg:$0x4] =	wrdreg $0x9  }
0xb7: {  	_ =	task.clear_ibuf [dreg:s7], $0x5FFFF;
	_ =	strace $0x90000052  }
0xb8: {  	s29 =	simm.s32 $0x9;
	_ =	strace $0x80000054  }
0xb9: {  	_ =	swait.ge [sflag:s29], $0x1  }
0xba: {  	[sflag:s29] =	ssyncadd.s32 $0xFFFFFFFF  }
0xbb: {  	_ =	strace $0x90000054  }
0xbc: {  	_ =	sfence  }
0xbd: {  	s30 =	sld [smem:$0x0];
	_ =	sdelay $0x2  }
0xbe: {  	s31 =	sshll.u32 s1, $0xD;
	s1 =	sshrl.u32 s1, $0x2  }
0xbf: {  	s3 =	sand.u32 $0x4000, s31;
	s1 =	sadd.s32 s1, s30  }
0xc0: {  	s0 =	sor.u32 s3, s0;
	s1 =	sshll.u32 s1, $0x11  }
0xc1: {  	s0 =	sor.u32 s1, s0  }
0xc2: {  	s0 =	sadd.s32 $0x8F2B, s0  }
0xc3: {  	[sflag:s0] =	ssyncadd.remote.s32 $0x1  }
0xc4: {  	_ =	sfence.sel $0xFFFF  }
0xc5: {  	[dreg:$0x0] =	wrdreg $0xFFFFFFFF;
	(pc) =	sbr.abs _section_cstart, $3  }
0xc6: {  	[dreg:$0x1] =	wrdreg $0xFFFFFFFF  }
0xc7: {  	_ =	task.clear_ibuf [dreg:s7], $0x2FFFF;
	_ =	strace $0x9FFFFFFF  }
0xc8: {  	(tm) =	ssettm $0x7FFFFFFF  }
0xc9: {  	_ =	shalt  }
tec
execute0_lowered:
.L_overlay_start_1:
0x0: {  	(tag) =	ssettag $0x1  }
0x1: {  	s0 =	rddreg [dreg:$0x0]  }
0x2: {  	s1 =	rddreg [dreg:$0x1]  }
0x3: {  	s22 =	rddreg [dreg:$0x2];
	s3 =	simm.s32 $0x0  }
0x4: {  	s18 =	simm.s32 $0x400;
	[smem:$0x7FF] =	sst s3  }
0x5: {  	s19 =	simm.s32 $0x600;
	_ =	strace $0x80000053;
	[dreg:$0x5] =	wrdreg s18  }
0x6: {  	s20 =	simm.s32 $0x800;
	[dreg:$0x6] =	wrdreg s19  }
0x7: {  	s21 =	simm.s32 $0xA00;
	[dreg:$0x7] =	wrdreg s20  }
0x8: {  	s23 =	simm.s32 $0xC00;
	[dreg:$0x8] =	wrdreg s21  }
0x9: {  	s24 =	simm.s32 $0xE00;
	[dreg:$0x9] =	wrdreg s23  }
0xa: {  	s25 =	simm.s32 $0x1000;
	[dreg:$0xa] =	wrdreg s24  }
0xb: {  	s26 =	simm.s32 $0x1200;
	[dreg:$0xb] =	wrdreg s25  }
0xc: {  	s6 =	simm.s32 $0x1800;
	[dreg:$0xc] =	wrdreg s26  }
0xd: {  	s7 =	simm.s32 $0x1A00;
	[dreg:$0xf] =	wrdreg s6  }
0xe: {  	s8 =	simm.s32 $0x1C00;
	[dreg:$0x10] =	wrdreg s7  }
0xf: {  	s9 =	simm.s32 $0x280;
	[dreg:$0x11] =	wrdreg s8  }
0x10: {  	s2 =	srdreg.scid;
	s10 =	simm.s32 $0x480;
	[dreg:$0x12] =	wrdreg s9  }
0x11: {  	s5 =	stileid.u32;
	s11 =	simm.s32 $0x680;
	[dreg:$0x13] =	wrdreg s10  }
0x12: {  	s12 =	simm.s32 $0x880;
	s13 =	simm.s32 $0xA80;
	[dreg:$0x14] =	wrdreg s11  }
0x13: {  	s14 =	simm.s32 $0xC80;
	s31 =	simm.s32 $0x100;
	[dreg:$0x15] =	wrdreg s12  }
0x14: {  	p0 =	por $0x0, $0x0;
	s28 =	simm.s32 $0x1780;
	[dreg:$0x16] =	wrdreg s13  }
0x15: {  	s29 =	simm.s32 $0x1980;
	[dreg:$0x17] =	wrdreg s14;
	s18 =	simm.s32 $0x1480  }
0x16: {  	s30 =	simm.s32 $0x1B80;
	s19 =	simm.s32 $0x1680;
	[dreg:$0x1b] =	wrdreg s18  }
0x17: {  	s4 =	sand.u32 $0x1, s2;
	s20 =	simm.s32 $0x1880;
	[dreg:$0x1c] =	wrdreg s19  }
0x18: {  	s15 =	sshll.u32 s5, $0x7;
	s21 =	simm.s32 $0x1A80;
	[dreg:$0x1d] =	wrdreg s20  }
0x19: {  	s16 =	sshll.u32 s4, $0x6;
	s23 =	simm.s32 $0x1C80;
	[dreg:$0x1e] =	wrdreg s21  }
0x1a: {  	s4 =	ssub.s32 $0x2, s4;
	s24 =	simm.s32 $0x300;
	[dreg:$0x1f] =	wrdreg s23  }
0x1b: {  	s26 =	simm.s32 $0x500;
	s6 =	simm.s32 $0x700;
	[smem:$0x7E9] =	sst s24  }
0x1c: {  	s7 =	simm.s32 $0x900;
	s8 =	simm.s32 $0xB00;
	[smem:$0x7EA] =	sst s26  }
0x1d: {  	s9 =	simm.s32 $0xD00;
	s10 =	simm.s32 $0xF00;
	[smem:$0x7EB] =	sst s6  }
0x1e: {  	s11 =	simm.s32 $0x1100;
	[smem:$0x7EC] =	sst s7;
	s6 =	sadd.s32 $0x493200, s0  }
0x1f: {  	s12 =	simm.s32 $0x1300;
	[smem:$0x7ED] =	sst s8;
	s7 =	sadd.s32 $0x494200, s0  }
0x20: {  	s13 =	simm.s32 $0x1500;
	[smem:$0x7EE] =	sst s9;
	s8 =	sadd.s32 $0x495200, s0  }
0x21: {  	s14 =	simm.s32 $0x1700;
	[smem:$0x7EF] =	sst s10;
	s9 =	sadd.s32 $0x496200, s0  }
0x22: {  	s2 =	sor.u32 s16, s15;
	[smem:$0x7F0] =	sst s11;
	s10 =	sadd.s32 $0x497200, s0  }
0x23: {  	s15 =	simm.s32 $0xE80;
	[smem:$0x7F1] =	sst s12;
	s11 =	sadd.s32 $0x498200, s0  }
0x24: {  	s16 =	simm.s32 $0x1080;
	[smem:$0x7F2] =	sst s13;
	s12 =	sadd.s32 $0x499200, s0  }
0x25: {  	s25 =	sshrl.u32 s4, $0x1;
	[smem:$0x7F3] =	sst s14;
	s13 =	sadd.s32 $0x49A200, s0  }
0x26: {  	s14 =	sadd.s32 $0x49B200, s0;
	s18 =	simm.s32 $0x1D00;
	[dreg:$0x18] =	wrdreg s15  }
0x27: {  	s19 =	simm.s32 $0x380;
	s20 =	simm.s32 $0x580;
	[dreg:$0x19] =	wrdreg s16  }
0x28: {  	s21 =	simm.s32 $0x780;
	s23 =	simm.s32 $0x980;
	[smem:$0x7F6] =	sst s18  }
0x29: {  	s24 =	simm.s32 $0xB80;
	s26 =	simm.s32 $0xF80;
	[smem:$0x7F7] =	sst s19  }
0x2a: {  	s5 =	sadd.s32 s2, s0;
	s1 =	sadd.s32 s1, s2;
	[smem:$0x7F8] =	sst s20  }
0x2b: {  	s2 =	simm.s32 $0x1400;
	s16 =	ssub.s32 s4, s25;
	[smem:$0x7F9] =	sst s21  }
0x2c: {  	s4 =	sadd.s32 $0x491200, s0;
	s15 =	simm.s32 $0x1900;
	[smem:$0x7FA] =	sst s23  }
0x2d: {  	s19 =	simm.s32 $0x80;
	s18 =	simm.s32 $0x200;
	[smem:$0x7FB] =	sst s24  }
0x2e: {  	s25 =	simm.s32 $0xD80;
	s20 =	simm.s32 $0x1;
	[smem:$0x7FD] =	sst s26  }
0x2f: {  	s21 =	simm.s32 $0x180;
	s26 =	simm.s32 $0x1580;
	[dreg:$0x3] =	wrdreg s1  }
0x30: {  	s24 =	simm.s32 $0x1D80;
	s23 =	simm.s32 $0x4000;
	[dreg:$0xd] =	wrdreg s2  }
0x31: {  	s17 =	sadd.s32 $0x2200, s5;
	[smem:$0x7F4] =	sst s15;
	s1 =	smax.u32 s16, $0x1  }
0x32: {  	s5 =	simm.s32 $0x1600;
	[smem:$0x7FC] =	sst s25;
	p1 =	sne.s32 s1, $0x1  }
.Ltmp0:
0x33: {  	s2 =	sadd.s32 $0x490200, s0;
	[dreg:$0x4] =	wrdreg s17;
	(pc) =	sbr.rel @!p1 .LBB2_1-.Ltmp0, $4  }
0x34: {  	s15 =	sadd.s32 $0x49C200, s0;
	[dreg:$0xe] =	wrdreg s5;
	s17 =	simm.s32 $0x1280  }
0x35: {  	s16 =	simm.s32 $0x2;
	[dreg:$0x1a] =	wrdreg s17;
	s17 =	simm.s32 $0x1B00  }
0x36: {  	s25 =	simm.s32 $0x1380;
	s5 =	sadd.s32 $0x492200, s0;
	[smem:$0x7F5] =	sst s17  }
0x37: {  	s17 =	sadd.s32 $0x49D200, s0;
	s0 =	sadd.s32 $0xFFFFFFFF, s1;
	s1 =	rddreg [dreg:$0x3]  }
0x38: {  	[tilespmem:s3], [sflag:$0x2] =	stream.linear.gather [hbm4b:s1+s3], $0x200, $0x38;
	[tilespmem:$0x1E00] =	vst v63  }
0x39: {  	_ =	swait.ge [sflag:s16], $0x200  }
0x3a: {  	[sflag:s16] =	ssyncset.done $0x0  }
0x3b: {  	[sflag:s16] =	ssyncadd.s32 $0xFFFFFE00  }
0x3c: {  	[tilespmem:s18], [sflag:$0x1] =	stream.indirect.gather [hbm4b:s2+s19], $0x1, s3, s19, $0xb8;
	[tilespmem:$0x1E00] =	vst v63  }
0x3d: {  	s1 =	rddreg [dreg:$0x5]  }
0x3e: {  	[tilespmem:s1], [sflag:$0x1] =	stream.indirect.gather [hbm4b:s4+s19], $0x1, s3, s19, $0xb8;
	[tilespmem:$0x1E00] =	vst v63  }
0x3f: {  	s22 =	smov.u32 s0;
	s0 =	rddreg [dreg:$0x6]  }
0x40: {  	[tilespmem:s0], [sflag:$0x1] =	stream.indirect.gather [hbm4b:s5+s19], $0x1, s3, s19, $0xb8;
	[tilespmem:$0x1E00] =	vst v63  }
0x41: {  	s1 =	rddreg [dreg:$0x7]  }
0x42: {  	[tilespmem:s1], [sflag:$0x1] =	stream.indirect.gather [hbm4b:s6+s19], $0x1, s3, s19, $0xb8;
	[tilespmem:$0x1E00] =	vst v63  }
0x43: {  	s0 =	rddreg [dreg:$0x8]  }
0x44: {  	[tilespmem:s0], [sflag:$0x1] =	stream.indirect.gather [hbm4b:s7+s19], $0x1, s3, s19, $0xb8;
	[tilespmem:$0x1E00] =	vst v63  }
0x45: {  	s1 =	rddreg [dreg:$0x9]  }
0x46: {  	[tilespmem:s1], [sflag:$0x1] =	stream.indirect.gather [hbm4b:s8+s19], $0x1, s3, s19, $0xb8;
	[tilespmem:$0x1E00] =	vst v63  }
0x47: {  	s0 =	rddreg [dreg:$0xa]  }
0x48: {  	[tilespmem:s0], [sflag:$0x1] =	stream.indirect.gather [hbm4b:s9+s19], $0x1, s3, s19, $0xb8;
	[tilespmem:$0x1E00] =	vst v63  }
0x49: {  	s1 =	rddreg [dreg:$0xb]  }
0x4a: {  	[tilespmem:s1], [sflag:$0x1] =	stream.indirect.gather [hbm4b:s10+s19], $0x1, s3, s19, $0xb8;
	[tilespmem:$0x1E00] =	vst v63  }
0x4b: {  	s0 =	rddreg [dreg:$0xc]  }
0x4c: {  	[tilespmem:s0], [sflag:$0x1] =	stream.indirect.gather [hbm4b:s11+s19], $0x1, s3, s19, $0xb8;
	[tilespmem:$0x1E00] =	vst v63  }
0x4d: {  	s1 =	rddreg [dreg:$0xd]  }
0x4e: {  	[tilespmem:s1], [sflag:$0x1] =	stream.indirect.gather [hbm4b:s12+s19], $0x1, s3, s19, $0xb8;
	[tilespmem:$0x1E00] =	vst v63  }
0x4f: {  	s0 =	rddreg [dreg:$0xe]  }
0x50: {  	[tilespmem:s0], [sflag:$0x1] =	stream.indirect.gather [hbm4b:s13+s19], $0x1, s3, s19, $0xb8;
	[tilespmem:$0x1E00] =	vst v63  }
0x51: {  	s1 =	rddreg [dreg:$0xf]  }
0x52: {  	[tilespmem:s1], [sflag:$0x1] =	stream.indirect.gather [hbm4b:s14+s19], $0x1, s3, s19, $0xb8;
	[tilespmem:$0x1E00] =	vst v63  }
0x53: {  	s0 =	rddreg [dreg:$0x10]  }
0x54: {  	[tilespmem:s0], [sflag:$0x1] =	stream.indirect.gather [hbm4b:s15+s19], $0x1, s3, s19, $0xb8;
	[tilespmem:$0x1E00] =	vst v63  }
0x55: {  	s1 =	rddreg [dreg:$0x11]  }
0x56: {  	[tilespmem:s1], [sflag:$0x1] =	stream.indirect.gather [hbm4b:s17+s19], $0x1, s3, s19, $0xb8;
	[tilespmem:$0x1E00] =	vst v63  }
0x57: {  	_ =	swait.ge [sflag:s20], $0x700  }
0x58: {  	[sflag:s20] =	ssyncset.done $0x0  }
0x59: {  	s0 =	rddreg [dreg:$0x12];
	[sflag:s20] =	ssyncadd.s32 $0xFFFFF900  }
0x5a: {  	[tilespmem:s0], [sflag:$0x1] =	stream.indirect.gather [hbm4b:s2+s19], $0x1, s19, s19, $0xb8;
	[tilespmem:$0x1E00] =	vst v63  }
0x5b: {  	s1 =	rddreg [dreg:$0x13]  }
0x5c: {  	[tilespmem:s1], [sflag:$0x1] =	stream.indirect.gather [hbm4b:s4+s19], $0x1, s19, s19, $0xb8;
	[tilespmem:$0x1E00] =	vst v63  }
0x5d: {  	s0 =	rddreg [dreg:$0x14]  }
0x5e: {  	[tilespmem:s0], [sflag:$0x1] =	stream.indirect.gather [hbm4b:s5+s19], $0x1, s19, s19, $0xb8;
	[tilespmem:$0x1E00] =	vst v63  }
0x5f: {  	s1 =	rddreg [dreg:$0x15]  }
0x60: {  	[tilespmem:s1], [sflag:$0x1] =	stream.indirect.gather [hbm4b:s6+s19], $0x1, s19, s19, $0xb8;
	[tilespmem:$0x1E00] =	vst v63  }
0x61: {  	s0 =	rddreg [dreg:$0x16]  }
0x62: {  	[tilespmem:s0], [sflag:$0x1] =	stream.indirect.gather [hbm4b:s7+s19], $0x1, s19, s19, $0xb8;
	[tilespmem:$0x1E00] =	vst v63  }
0x63: {  	s1 =	rddreg [dreg:$0x17]  }
0x64: {  	[tilespmem:s1], [sflag:$0x1] =	stream.indirect.gather [hbm4b:s8+s19], $0x1, s19, s19, $0xb8;
	[tilespmem:$0x1E00] =	vst v63  }
0x65: {  	s0 =	rddreg [dreg:$0x18]  }
0x66: {  	[tilespmem:s0], [sflag:$0x1] =	stream.indirect.gather [hbm4b:s9+s19], $0x1, s19, s19, $0xb8;
	[tilespmem:$0x1E00] =	vst v63  }
0x67: {  	s1 =	rddreg [dreg:$0x19]  }
0x68: {  	[tilespmem:s1], [sflag:$0x1] =	stream.indirect.gather [hbm4b:s10+s19], $0x1, s19, s19, $0xb8;
	[tilespmem:$0x1E00] =	vst v63  }
0x69: {  	s0 =	rddreg [dreg:$0x1a]  }
0x6a: {  	[tilespmem:s0], [sflag:$0x1] =	stream.indirect.gather [hbm4b:s11+s19], $0x1, s19, s19, $0xb8;
	[tilespmem:$0x1E00] =	vst v63  }
0x6b: {  	s1 =	rddreg [dreg:$0x1b]  }
0x6c: {  	[tilespmem:s1], [sflag:$0x1] =	stream.indirect.gather [hbm4b:s12+s19], $0x1, s19, s19, $0xb8;
	[tilespmem:$0x1E00] =	vst v63  }
0x6d: {  	s0 =	rddreg [dreg:$0x1c]  }
0x6e: {  	[tilespmem:s0], [sflag:$0x1] =	stream.indirect.gather [hbm4b:s13+s19], $0x1, s19, s19, $0xb8;
	[tilespmem:$0x1E00] =	vst v63  }
0x6f: {  	s1 =	rddreg [dreg:$0x1d]  }
0x70: {  	[tilespmem:s1], [sflag:$0x1] =	stream.indirect.gather [hbm4b:s14+s19], $0x1, s19, s19, $0xb8;
	[tilespmem:$0x1E00] =	vst v63  }
0x71: {  	s0 =	rddreg [dreg:$0x1e]  }
0x72: {  	[tilespmem:s0], [sflag:$0x1] =	stream.indirect.gather [hbm4b:s15+s19], $0x1, s19, s19, $0xb8;
	[tilespmem:$0x1E00] =	vst v63  }
0x73: {  	s1 =	rddreg [dreg:$0x1f]  }
0x74: {  	[tilespmem:s1], [sflag:$0x1] =	stream.indirect.gather [hbm4b:s17+s19], $0x1, s19, s19, $0xb8;
	[tilespmem:$0x1E00] =	vst v63  }
0x75: {  	_ =	swait.ge [sflag:s20], $0x700  }
0x76: {  	s0 =	sld [smem:$0x7E9]  }
0x77: {  	[sflag:s20] =	ssyncset.done $0x0  }
0x78: {  	s1 =	sld [smem:$0x7EA];
	[sflag:s20] =	ssyncadd.s32 $0xFFFFF900  }
0x79: {  	[tilespmem:s0], [sflag:$0x1] =	stream.indirect.gather [hbm4b:s2+s19], $0x1, s31, s19, $0xb8;
	[tilespmem:$0x1E00] =	vst v63  }
0x7a: {  	s0 =	sld [smem:$0x7EB]  }
0x7b: {  	[tilespmem:s1], [sflag:$0x1] =	stream.indirect.gather [hbm4b:s4+s19], $0x1, s31, s19, $0xb8;
	[tilespmem:$0x1E00] =	vst v63  }
0x7c: {  	s1 =	sld [smem:$0x7EC]  }
0x7d: {  	[tilespmem:s0], [sflag:$0x1] =	stream.indirect.gather [hbm4b:s5+s19], $0x1, s31, s19, $0xb8;
	[tilespmem:$0x1E00] =	vst v63  }
0x7e: {  	s0 =	sld [smem:$0x7ED]  }
0x7f: {  	[tilespmem:s1], [sflag:$0x1] =	stream.indirect.gather [hbm4b:s6+s19], $0x1, s31, s19, $0xb8;
	[tilespmem:$0x1E00] =	vst v63  }
0x80: {  	s1 =	sld [smem:$0x7EE]  }
0x81: {  	[tilespmem:s0], [sflag:$0x1] =	stream.indirect.gather [hbm4b:s7+s19], $0x1, s31, s19, $0xb8;
	[tilespmem:$0x1E00] =	vst v63  }
0x82: {  	s0 =	sld [smem:$0x7EF]  }
0x83: {  	[tilespmem:s1], [sflag:$0x1] =	stream.indirect.gather [hbm4b:s8+s19], $0x1, s31, s19, $0xb8;
	[tilespmem:$0x1E00] =	vst v63  }
0x84: {  	s1 =	sld [smem:$0x7F0]  }
0x85: {  	[tilespmem:s0], [sflag:$0x1] =	stream.indirect.gather [hbm4b:s9+s19], $0x1, s31, s19, $0xb8;
	[tilespmem:$0x1E00] =	vst v63  }
0x86: {  	s0 =	sld [smem:$0x7F1]  }
0x87: {  	[tilespmem:s1], [sflag:$0x1] =	stream.indirect.gather [hbm4b:s10+s19], $0x1, s31, s19, $0xb8;
	[tilespmem:$0x1E00] =	vst v63  }
0x88: {  	s1 =	sld [smem:$0x7F2]  }
0x89: {  	[tilespmem:s0], [sflag:$0x1] =	stream.indirect.gather [hbm4b:s11+s19], $0x1, s31, s19, $0xb8;
	[tilespmem:$0x1E00] =	vst v63  }
0x8a: {  	s0 =	sld [smem:$0x7F3]  }
0x8b: {  	[tilespmem:s1], [sflag:$0x1] =	stream.indirect.gather [hbm4b:s12+s19], $0x1, s31, s19, $0xb8;
	[tilespmem:$0x1E00] =	vst v63  }
0x8c: {  	s1 =	sld [smem:$0x7F4]  }
0x8d: {  	[tilespmem:s0], [sflag:$0x1] =	stream.indirect.gather [hbm4b:s13+s19], $0x1, s31, s19, $0xb8;
	[tilespmem:$0x1E00] =	vst v63  }
0x8e: {  	s0 =	sld [smem:$0x7F5]  }
0x8f: {  	[tilespmem:s1], [sflag:$0x1] =	stream.indirect.gather [hbm4b:s14+s19], $0x1, s31, s19, $0xb8;
	[tilespmem:$0x1E00] =	vst v63  }
0x90: {  	s1 =	sld [smem:$0x7F6]  }
0x91: {  	[tilespmem:s0], [sflag:$0x1] =	stream.indirect.gather [hbm4b:s15+s19], $0x1, s31, s19, $0xb8;
	[tilespmem:$0x1E00] =	vst v63  }
0x92: {  	_ = 	snop  }
0x93: {  	[tilespmem:s1], [sflag:$0x1] =	stream.indirect.gather [hbm4b:s17+s19], $0x1, s31, s19, $0xb8;
	[tilespmem:$0x1E00] =	vst v63  }
0x94: {  	_ =	swait.ge [sflag:s20], $0x700  }
0x95: {  	s0 =	sld [smem:$0x7F7]  }
0x96: {  	[sflag:s20] =	ssyncset.done $0x0  }
0x97: {  	s1 =	sld [smem:$0x7F8];
	[sflag:s20] =	ssyncadd.s32 $0xFFFFF900  }
0x98: {  	[tilespmem:s0], [sflag:$0x1] =	stream.indirect.gather [hbm4b:s2+s19], $0x1, s21, s19, $0xb8;
	[tilespmem:$0x1E00] =	vst v63  }
0x99: {  	s0 =	sld [smem:$0x7F9]  }
0x9a: {  	[tilespmem:s1], [sflag:$0x1] =	stream.indirect.gather [hbm4b:s4+s19], $0x1, s21, s19, $0xb8;
	[tilespmem:$0x1E00] =	vst v63  }
0x9b: {  	s1 =	sld [smem:$0x7FA]  }
0x9c: {  	[tilespmem:s0], [sflag:$0x1] =	stream.indirect.gather [hbm4b:s5+s19], $0x1, s21, s19, $0xb8;
	[tilespmem:$0x1E00] =	vst v63  }
0x9d: {  	s0 =	sld [smem:$0x7FB]  }
0x9e: {  	[tilespmem:s1], [sflag:$0x1] =	stream.indirect.gather [hbm4b:s6+s19], $0x1, s21, s19, $0xb8;
	[tilespmem:$0x1E00] =	vst v63  }
0x9f: {  	s1 =	sld [smem:$0x7FC]  }
0xa0: {  	[tilespmem:s0], [sflag:$0x1] =	stream.indirect.gather [hbm4b:s7+s19], $0x1, s21, s19, $0xb8;
	[tilespmem:$0x1E00] =	vst v63  }
0xa1: {  	s0 =	sld [smem:$0x7FD]  }
0xa2: {  	[tilespmem:s1], [sflag:$0x1] =	stream.indirect.gather [hbm4b:s8+s19], $0x1, s21, s19, $0xb8;
	[tilespmem:$0x1E00] =	vst v63  }
0xa3: {  	_ = 	snop  }
0xa4: {  	[tilespmem:s0], [sflag:$0x1] =	stream.indirect.gather [hbm4b:s9+s19], $0x1, s21, s19, $0xb8;
	[tilespmem:$0x1E00] =	vst v63  }
0xa5: {  	s1 =	simm.s32 $0x1180  }
0xa6: {  	[tilespmem:s1], [sflag:$0x1] =	stream.indirect.gather [hbm4b:s10+s19], $0x1, s21, s19, $0xb8;
	[tilespmem:$0x1E00] =	vst v63  }
0xa7: {  	_ = 	snop  }
0xa8: {  	[tilespmem:s25], [sflag:$0x1] =	stream.indirect.gather [hbm4b:s11+s19], $0x1, s21, s19, $0xb8;
	[tilespmem:$0x1E00] =	vst v63  }
0xa9: {  	_ = 	snop  }
0xaa: {  	[tilespmem:s26], [sflag:$0x1] =	stream.indirect.gather [hbm4b:s12+s19], $0x1, s21, s19, $0xb8;
	[tilespmem:$0x1E00] =	vst v63  }
0xab: {  	_ = 	snop  }
0xac: {  	[tilespmem:s28], [sflag:$0x1] =	stream.indirect.gather [hbm4b:s13+s19], $0x1, s21, s19, $0xb8;
	[tilespmem:$0x1E00] =	vst v63  }
0xad: {  	_ = 	snop  }
0xae: {  	[tilespmem:s29], [sflag:$0x1] =	stream.indirect.gather [hbm4b:s14+s19], $0x1, s21, s19, $0xb8;
	[tilespmem:$0x1E00] =	vst v63  }
0xaf: {  	_ = 	snop  }
0xb0: {  	[tilespmem:s30], [sflag:$0x1] =	stream.indirect.gather [hbm4b:s15+s19], $0x1, s21, s19, $0xb8;
	[tilespmem:$0x1E00] =	vst v63  }
0xb1: {  	_ = 	snop  }
0xb2: {  	[tilespmem:s24], [sflag:$0x1] =	stream.indirect.gather [hbm4b:s17+s19], $0x1, s21, s19, $0xb8;
	[tilespmem:$0x1E00] =	vst v63  }
0xb3: {  	p1 =	sne.s32 s22, $0x1;
	_ =	swait.ge [sflag:s20], $0x700  }
.Ltmp1:
0xb4: {  	[sflag:s20] =	ssyncset.done $0x0;
	(pc) =	sbr.rel @!p1 .LBB2_3-.Ltmp1, $4  }
0xb5: {  	s1 =	rddreg [dreg:$0x4];
	[sflag:s20] =	ssyncadd.s32 $0xFFFFF900  }
0xb6: {  	[hbm4b:s1+s18] =	stream.strided.scatter [tilespmem:s18], [sflag:$0x2], $0x1C00, s23, s18, $0x38;
	[tilespmem:$0x1E00] =	vst v63  }
0xb7: {  	p0 =	por $0x1, $0x1;
	_ =	swait.ge [sflag:s16], $0x1C00  }
0xb8: {  	s0 =	sadd.s32 $0xFFFFFFFF, s22;
	s1 =	rddreg [dreg:$0x3];
	[sflag:s16] =	ssyncset.done $0x0  }
.LBB2_4:
0xb9: {  	[sflag:s16] =	ssyncadd.s32 $0xFFFFE400  }
0xba: {  	[tilespmem:s3], [sflag:$0x2] =	stream.linear.gather [hbm4b:s1+s3], $0x200, $0x38;
	[tilespmem:$0x1E00] =	vst v63  }
0xbb: {  	_ =	swait.ge [sflag:s16], $0x200  }
0xbc: {  	[sflag:s16] =	ssyncset.done $0x0  }
0xbd: {  	[sflag:s16] =	ssyncadd.s32 $0xFFFFFE00  }
0xbe: {  	[tilespmem:s18], [sflag:$0x1] =	stream.indirect.gather [hbm4b:s2+s19], $0x1, s3, s19, $0xb8;
	[tilespmem:$0x1E00] =	vst v63  }
0xbf: {  	s1 =	rddreg [dreg:$0x5]  }
0xc0: {  	[tilespmem:s1], [sflag:$0x1] =	stream.indirect.gather [hbm4b:s4+s19], $0x1, s3, s19, $0xb8;
	[tilespmem:$0x1E00] =	vst v63  }
0xc1: {  	s22 =	rddreg [dreg:$0x6]  }
0xc2: {  	[tilespmem:s22], [sflag:$0x1] =	stream.indirect.gather [hbm4b:s5+s19], $0x1, s3, s19, $0xb8;
	[tilespmem:$0x1E00] =	vst v63  }
0xc3: {  	s1 =	rddreg [dreg:$0x7]  }
0xc4: {  	[tilespmem:s1], [sflag:$0x1] =	stream.indirect.gather [hbm4b:s6+s19], $0x1, s3, s19, $0xb8;
	[tilespmem:$0x1E00] =	vst v63  }
0xc5: {  	s22 =	rddreg [dreg:$0x8]  }
0xc6: {  	[tilespmem:s22], [sflag:$0x1] =	stream.indirect.gather [hbm4b:s7+s19], $0x1, s3, s19, $0xb8;
	[tilespmem:$0x1E00] =	vst v63  }
0xc7: {  	s1 =	rddreg [dreg:$0x9]  }
0xc8: {  	[tilespmem:s1], [sflag:$0x1] =	stream.indirect.gather [hbm4b:s8+s19], $0x1, s3, s19, $0xb8;
	[tilespmem:$0x1E00] =	vst v63  }
0xc9: {  	s22 =	rddreg [dreg:$0xa]  }
0xca: {  	[tilespmem:s22], [sflag:$0x1] =	stream.indirect.gather [hbm4b:s9+s19], $0x1, s3, s19, $0xb8;
	[tilespmem:$0x1E00] =	vst v63  }
0xcb: {  	s1 =	rddreg [dreg:$0xb]  }
0xcc: {  	[tilespmem:s1], [sflag:$0x1] =	stream.indirect.gather [hbm4b:s10+s19], $0x1, s3, s19, $0xb8;
	[tilespmem:$0x1E00] =	vst v63  }
0xcd: {  	s22 =	rddreg [dreg:$0xc]  }
0xce: {  	[tilespmem:s22], [sflag:$0x1] =	stream.indirect.gather [hbm4b:s11+s19], $0x1, s3, s19, $0xb8;
	[tilespmem:$0x1E00] =	vst v63  }
0xcf: {  	s1 =	rddreg [dreg:$0xd]  }
0xd0: {  	[tilespmem:s1], [sflag:$0x1] =	stream.indirect.gather [hbm4b:s12+s19], $0x1, s3, s19, $0xb8;
	[tilespmem:$0x1E00] =	vst v63  }
0xd1: {  	s22 =	rddreg [dreg:$0xe]  }
0xd2: {  	[tilespmem:s22], [sflag:$0x1] =	stream.indirect.gather [hbm4b:s13+s19], $0x1, s3, s19, $0xb8;
	[tilespmem:$0x1E00] =	vst v63  }
0xd3: {  	s1 =	rddreg [dreg:$0xf]  }
0xd4: {  	[tilespmem:s1], [sflag:$0x1] =	stream.indirect.gather [hbm4b:s14+s19], $0x1, s3, s19, $0xb8;
	[tilespmem:$0x1E00] =	vst v63  }
0xd5: {  	s22 =	rddreg [dreg:$0x10]  }
0xd6: {  	[tilespmem:s22], [sflag:$0x1] =	stream.indirect.gather [hbm4b:s15+s19], $0x1, s3, s19, $0xb8;
	[tilespmem:$0x1E00] =	vst v63  }
0xd7: {  	s1 =	rddreg [dreg:$0x11]  }
0xd8: {  	[tilespmem:s1], [sflag:$0x1] =	stream.indirect.gather [hbm4b:s17+s19], $0x1, s3, s19, $0xb8;
	[tilespmem:$0x1E00] =	vst v63  }
0xd9: {  	_ =	swait.ge [sflag:s20], $0x700  }
0xda: {  	[sflag:s20] =	ssyncset.done $0x0  }
0xdb: {  	s1 =	rddreg [dreg:$0x12];
	[sflag:s20] =	ssyncadd.s32 $0xFFFFF900  }
0xdc: {  	[tilespmem:s1], [sflag:$0x1] =	stream.indirect.gather [hbm4b:s2+s19], $0x1, s19, s19, $0xb8;
	[tilespmem:$0x1E00] =	vst v63  }
0xdd: {  	s22 =	rddreg [dreg:$0x13]  }
0xde: {  	[tilespmem:s22], [sflag:$0x1] =	stream.indirect.gather [hbm4b:s4+s19], $0x1, s19, s19, $0xb8;
	[tilespmem:$0x1E00] =	vst v63  }
0xdf: {  	s1 =	rddreg [dreg:$0x14]  }
0xe0: {  	[tilespmem:s1], [sflag:$0x1] =	stream.indirect.gather [hbm4b:s5+s19], $0x1, s19, s19, $0xb8;
	[tilespmem:$0x1E00] =	vst v63  }
0xe1: {  	s22 =	rddreg [dreg:$0x15]  }
0xe2: {  	[tilespmem:s22], [sflag:$0x1] =	stream.indirect.gather [hbm4b:s6+s19], $0x1, s19, s19, $0xb8;
	[tilespmem:$0x1E00] =	vst v63  }
0xe3: {  	s1 =	rddreg [dreg:$0x16]  }
0xe4: {  	[tilespmem:s1], [sflag:$0x1] =	stream.indirect.gather [hbm4b:s7+s19], $0x1, s19, s19, $0xb8;
	[tilespmem:$0x1E00] =	vst v63  }
0xe5: {  	s22 =	rddreg [dreg:$0x17]  }
0xe6: {  	[tilespmem:s22], [sflag:$0x1] =	stream.indirect.gather [hbm4b:s8+s19], $0x1, s19, s19, $0xb8;
	[tilespmem:$0x1E00] =	vst v63  }
0xe7: {  	s1 =	rddreg [dreg:$0x18]  }
0xe8: {  	[tilespmem:s1], [sflag:$0x1] =	stream.indirect.gather [hbm4b:s9+s19], $0x1, s19, s19, $0xb8;
	[tilespmem:$0x1E00] =	vst v63  }
0xe9: {  	s22 =	rddreg [dreg:$0x19]  }
0xea: {  	[tilespmem:s22], [sflag:$0x1] =	stream.indirect.gather [hbm4b:s10+s19], $0x1, s19, s19, $0xb8;
	[tilespmem:$0x1E00] =	vst v63  }
0xeb: {  	s1 =	rddreg [dreg:$0x1a]  }
0xec: {  	[tilespmem:s1], [sflag:$0x1] =	stream.indirect.gather [hbm4b:s11+s19], $0x1, s19, s19, $0xb8;
	[tilespmem:$0x1E00] =	vst v63  }
0xed: {  	s22 =	rddreg [dreg:$0x1b]  }
0xee: {  	[tilespmem:s22], [sflag:$0x1] =	stream.indirect.gather [hbm4b:s12+s19], $0x1, s19, s19, $0xb8;
	[tilespmem:$0x1E00] =	vst v63  }
0xef: {  	s1 =	rddreg [dreg:$0x1c]  }
0xf0: {  	[tilespmem:s1], [sflag:$0x1] =	stream.indirect.gather [hbm4b:s13+s19], $0x1, s19, s19, $0xb8;
	[tilespmem:$0x1E00] =	vst v63  }
0xf1: {  	s22 =	rddreg [dreg:$0x1d]  }
0xf2: {  	[tilespmem:s22], [sflag:$0x1] =	stream.indirect.gather [hbm4b:s14+s19], $0x1, s19, s19, $0xb8;
	[tilespmem:$0x1E00] =	vst v63  }
0xf3: {  	s1 =	rddreg [dreg:$0x1e]  }
0xf4: {  	[tilespmem:s1], [sflag:$0x1] =	stream.indirect.gather [hbm4b:s15+s19], $0x1, s19, s19, $0xb8;
	[tilespmem:$0x1E00] =	vst v63  }
0xf5: {  	s22 =	rddreg [dreg:$0x1f]  }
0xf6: {  	[tilespmem:s22], [sflag:$0x1] =	stream.indirect.gather [hbm4b:s17+s19], $0x1, s19, s19, $0xb8;
	[tilespmem:$0x1E00] =	vst v63  }
0xf7: {  	_ =	swait.ge [sflag:s20], $0x700  }
0xf8: {  	s1 =	sld [smem:$0x7E9]  }
0xf9: {  	[sflag:s20] =	ssyncset.done $0x0  }
0xfa: {  	s22 =	sld [smem:$0x7EA];
	[sflag:s20] =	ssyncadd.s32 $0xFFFFF900  }
0xfb: {  	[tilespmem:s1], [sflag:$0x1] =	stream.indirect.gather [hbm4b:s2+s19], $0x1, s31, s19, $0xb8;
	[tilespmem:$0x1E00] =	vst v63  }
0xfc: {  	s1 =	sld [smem:$0x7EB]  }
0xfd: {  	[tilespmem:s22], [sflag:$0x1] =	stream.indirect.gather [hbm4b:s4+s19], $0x1, s31, s19, $0xb8;
	[tilespmem:$0x1E00] =	vst v63  }
0xfe: {  	s22 =	sld [smem:$0x7EC]  }
0xff: {  	[tilespmem:s1], [sflag:$0x1] =	stream.indirect.gather [hbm4b:s5+s19], $0x1, s31, s19, $0xb8;
	[tilespmem:$0x1E00] =	vst v63  }
0x100: {  	s1 =	sld [smem:$0x7ED]  }
0x101: {  	[tilespmem:s22], [sflag:$0x1] =	stream.indirect.gather [hbm4b:s6+s19], $0x1, s31, s19, $0xb8;
	[tilespmem:$0x1E00] =	vst v63  }
0x102: {  	s22 =	sld [smem:$0x7EE]  }
0x103: {  	[tilespmem:s1], [sflag:$0x1] =	stream.indirect.gather [hbm4b:s7+s19], $0x1, s31, s19, $0xb8;
	[tilespmem:$0x1E00] =	vst v63  }
0x104: {  	s1 =	sld [smem:$0x7EF]  }
0x105: {  	[tilespmem:s22], [sflag:$0x1] =	stream.indirect.gather [hbm4b:s8+s19], $0x1, s31, s19, $0xb8;
	[tilespmem:$0x1E00] =	vst v63  }
0x106: {  	s22 =	sld [smem:$0x7F0]  }
0x107: {  	[tilespmem:s1], [sflag:$0x1] =	stream.indirect.gather [hbm4b:s9+s19], $0x1, s31, s19, $0xb8;
	[tilespmem:$0x1E00] =	vst v63  }
0x108: {  	s1 =	sld [smem:$0x7F1]  }
0x109: {  	[tilespmem:s22], [sflag:$0x1] =	stream.indirect.gather [hbm4b:s10+s19], $0x1, s31, s19, $0xb8;
	[tilespmem:$0x1E00] =	vst v63  }
0x10a: {  	s22 =	sld [smem:$0x7F2]  }
0x10b: {  	[tilespmem:s1], [sflag:$0x1] =	stream.indirect.gather [hbm4b:s11+s19], $0x1, s31, s19, $0xb8;
	[tilespmem:$0x1E00] =	vst v63  }
0x10c: {  	s1 =	sld [smem:$0x7F3]  }
0x10d: {  	[tilespmem:s22], [sflag:$0x1] =	stream.indirect.gather [hbm4b:s12+s19], $0x1, s31, s19, $0xb8;
	[tilespmem:$0x1E00] =	vst v63  }
0x10e: {  	s22 =	sld [smem:$0x7F4]  }
0x10f: {  	[tilespmem:s1], [sflag:$0x1] =	stream.indirect.gather [hbm4b:s13+s19], $0x1, s31, s19, $0xb8;
	[tilespmem:$0x1E00] =	vst v63  }
0x110: {  	s1 =	sld [smem:$0x7F5]  }
0x111: {  	[tilespmem:s22], [sflag:$0x1] =	stream.indirect.gather [hbm4b:s14+s19], $0x1, s31, s19, $0xb8;
	[tilespmem:$0x1E00] =	vst v63  }
0x112: {  	s22 =	sld [smem:$0x7F6]  }
0x113: {  	[tilespmem:s1], [sflag:$0x1] =	stream.indirect.gather [hbm4b:s15+s19], $0x1, s31, s19, $0xb8;
	[tilespmem:$0x1E00] =	vst v63  }
0x114: {  	_ = 	snop  }
0x115: {  	[tilespmem:s22], [sflag:$0x1] =	stream.indirect.gather [hbm4b:s17+s19], $0x1, s31, s19, $0xb8;
	[tilespmem:$0x1E00] =	vst v63  }
0x116: {  	_ =	swait.ge [sflag:s20], $0x700  }
0x117: {  	s1 =	sld [smem:$0x7F7]  }
0x118: {  	[sflag:s20] =	ssyncset.done $0x0  }
0x119: {  	s22 =	sld [smem:$0x7F8];
	[sflag:s20] =	ssyncadd.s32 $0xFFFFF900  }
0x11a: {  	[tilespmem:s1], [sflag:$0x1] =	stream.indirect.gather [hbm4b:s2+s19], $0x1, s21, s19, $0xb8;
	[tilespmem:$0x1E00] =	vst v63  }
0x11b: {  	s1 =	sld [smem:$0x7F9]  }
0x11c: {  	[tilespmem:s22], [sflag:$0x1] =	stream.indirect.gather [hbm4b:s4+s19], $0x1, s21, s19, $0xb8;
	[tilespmem:$0x1E00] =	vst v63  }
0x11d: {  	s22 =	sld [smem:$0x7FA]  }
0x11e: {  	[tilespmem:s1], [sflag:$0x1] =	stream.indirect.gather [hbm4b:s5+s19], $0x1, s21, s19, $0xb8;
	[tilespmem:$0x1E00] =	vst v63  }
0x11f: {  	s1 =	sld [smem:$0x7FB]  }
0x120: {  	[tilespmem:s22], [sflag:$0x1] =	stream.indirect.gather [hbm4b:s6+s19], $0x1, s21, s19, $0xb8;
	[tilespmem:$0x1E00] =	vst v63  }
0x121: {  	s22 =	sld [smem:$0x7FC]  }
0x122: {  	[tilespmem:s1], [sflag:$0x1] =	stream.indirect.gather [hbm4b:s7+s19], $0x1, s21, s19, $0xb8;
	[tilespmem:$0x1E00] =	vst v63  }
0x123: {  	s1 =	sld [smem:$0x7FD]  }
0x124: {  	[tilespmem:s22], [sflag:$0x1] =	stream.indirect.gather [hbm4b:s8+s19], $0x1, s21, s19, $0xb8;
	[tilespmem:$0x1E00] =	vst v63  }
0x125: {  	_ = 	snop  }
0x126: {  	[tilespmem:s1], [sflag:$0x1] =	stream.indirect.gather [hbm4b:s9+s19], $0x1, s21, s19, $0xb8;
	[tilespmem:$0x1E00] =	vst v63  }
0x127: {  	s22 =	simm.s32 $0x1180  }
0x128: {  	[tilespmem:s22], [sflag:$0x1] =	stream.indirect.gather [hbm4b:s10+s19], $0x1, s21, s19, $0xb8;
	[tilespmem:$0x1E00] =	vst v63  }
0x129: {  	_ = 	snop  }
0x12a: {  	[tilespmem:s25], [sflag:$0x1] =	stream.indirect.gather [hbm4b:s11+s19], $0x1, s21, s19, $0xb8;
	[tilespmem:$0x1E00] =	vst v63  }
0x12b: {  	_ = 	snop  }
0x12c: {  	[tilespmem:s26], [sflag:$0x1] =	stream.indirect.gather [hbm4b:s12+s19], $0x1, s21, s19, $0xb8;
	[tilespmem:$0x1E00] =	vst v63  }
0x12d: {  	_ = 	snop  }
0x12e: {  	[tilespmem:s28], [sflag:$0x1] =	stream.indirect.gather [hbm4b:s13+s19], $0x1, s21, s19, $0xb8;
	[tilespmem:$0x1E00] =	vst v63  }
0x12f: {  	_ = 	snop  }
0x130: {  	[tilespmem:s29], [sflag:$0x1] =	stream.indirect.gather [hbm4b:s14+s19], $0x1, s21, s19, $0xb8;
	[tilespmem:$0x1E00] =	vst v63  }
0x131: {  	_ = 	snop  }
0x132: {  	[tilespmem:s30], [sflag:$0x1] =	stream.indirect.gather [hbm4b:s15+s19], $0x1, s21, s19, $0xb8;
	[tilespmem:$0x1E00] =	vst v63  }
0x133: {  	_ = 	snop  }
0x134: {  	[tilespmem:s24], [sflag:$0x1] =	stream.indirect.gather [hbm4b:s17+s19], $0x1, s21, s19, $0xb8;
	[tilespmem:$0x1E00] =	vst v63  }
0x135: {  	p1 =	sne.s32 s0, $0x1;
	_ =	swait.ge [sflag:s20], $0x700  }
.Ltmp2:
0x136: {  	[sflag:s20] =	ssyncset.done $0x0;
	(pc) =	sbr.rel @p1 .LBB2_4-.Ltmp2, $4  }
0x137: {  	s22 =	rddreg [dreg:$0x4];
	[sflag:s20] =	ssyncadd.s32 $0xFFFFF900  }
0x138: {  	[hbm4b:s22+s18] =	stream.strided.scatter [tilespmem:s18], [sflag:$0x2], $0x1C00, s23, s18, $0x38;
	[tilespmem:$0x1E00] =	vst v63  }
0x139: {  	_ =	swait.ge [sflag:s16], $0x1C00  }
0x13a: {  	s0 =	sadd.s32 $0xFFFFFFFF, s0;
	s1 =	rddreg [dreg:$0x3];
	[sflag:s16] =	ssyncset.done $0x0  }
0x13b: {  	s30 =	simm.s32 $0x1B80;
	s29 =	simm.s32 $0x1980  }
0x13c: {  	s28 =	simm.s32 $0x1780;
	s26 =	simm.s32 $0x1580;
	s25 =	simm.s32 $0x1380  }
0x13d: {  	s24 =	simm.s32 $0x1180;
	s23 =	simm.s32 $0x4000;
	s22 =	rddreg [dreg:$0x2]  }
.LBB2_6:
0x13e: {  	[sflag:s16] =	ssyncadd.s32 @p0 $0xFFFFE400  }
0x13f: {  	[tilespmem:s3], [sflag:$0x2] =	stream.linear.gather [hbm4b:s1+s3], $0x200, $0x38;
	[tilespmem:$0x1E00] =	vst v63  }
0x140: {  	_ =	swait.ge [sflag:s16], $0x200  }
0x141: {  	[sflag:s16] =	ssyncset.done $0x0  }
0x142: {  	[sflag:s16] =	ssyncadd.s32 $0xFFFFFE00  }
0x143: {  	[tilespmem:s18], [sflag:$0x1] =	stream.indirect.gather [hbm4b:s2+s19], $0x1, s3, s19, $0xb8;
	[tilespmem:$0x1E00] =	vst v63  }
0x144: {  	s0 =	rddreg [dreg:$0x5]  }
0x145: {  	[tilespmem:s0], [sflag:$0x1] =	stream.indirect.gather [hbm4b:s4+s19], $0x1, s3, s19, $0xb8;
	[tilespmem:$0x1E00] =	vst v63  }
0x146: {  	s1 =	rddreg [dreg:$0x6]  }
0x147: {  	[tilespmem:s1], [sflag:$0x1] =	stream.indirect.gather [hbm4b:s5+s19], $0x1, s3, s19, $0xb8;
	[tilespmem:$0x1E00] =	vst v63  }
0x148: {  	s0 =	rddreg [dreg:$0x7]  }
0x149: {  	[tilespmem:s0], [sflag:$0x1] =	stream.indirect.gather [hbm4b:s6+s19], $0x1, s3, s19, $0xb8;
	[tilespmem:$0x1E00] =	vst v63  }
0x14a: {  	s1 =	rddreg [dreg:$0x8]  }
0x14b: {  	[tilespmem:s1], [sflag:$0x1] =	stream.indirect.gather [hbm4b:s7+s19], $0x1, s3, s19, $0xb8;
	[tilespmem:$0x1E00] =	vst v63  }
0x14c: {  	s0 =	rddreg [dreg:$0x9]  }
0x14d: {  	[tilespmem:s0], [sflag:$0x1] =	stream.indirect.gather [hbm4b:s8+s19], $0x1, s3, s19, $0xb8;
	[tilespmem:$0x1E00] =	vst v63  }
0x14e: {  	s1 =	rddreg [dreg:$0xa]  }
0x14f: {  	[tilespmem:s1], [sflag:$0x1] =	stream.indirect.gather [hbm4b:s9+s19], $0x1, s3, s19, $0xb8;
	[tilespmem:$0x1E00] =	vst v63  }
0x150: {  	s0 =	rddreg [dreg:$0xb]  }
0x151: {  	[tilespmem:s0], [sflag:$0x1] =	stream.indirect.gather [hbm4b:s10+s19], $0x1, s3, s19, $0xb8;
	[tilespmem:$0x1E00] =	vst v63  }
0x152: {  	s1 =	rddreg [dreg:$0xc]  }
0x153: {  	[tilespmem:s1], [sflag:$0x1] =	stream.indirect.gather [hbm4b:s11+s19], $0x1, s3, s19, $0xb8;
	[tilespmem:$0x1E00] =	vst v63  }
0x154: {  	s0 =	rddreg [dreg:$0xd]  }
0x155: {  	[tilespmem:s0], [sflag:$0x1] =	stream.indirect.gather [hbm4b:s12+s19], $0x1, s3, s19, $0xb8;
	[tilespmem:$0x1E00] =	vst v63  }
0x156: {  	s1 =	rddreg [dreg:$0xe]  }
0x157: {  	[tilespmem:s1], [sflag:$0x1] =	stream.indirect.gather [hbm4b:s13+s19], $0x1, s3, s19, $0xb8;
	[tilespmem:$0x1E00] =	vst v63  }
0x158: {  	s0 =	rddreg [dreg:$0xf]  }
0x159: {  	[tilespmem:s0], [sflag:$0x1] =	stream.indirect.gather [hbm4b:s14+s19], $0x1, s3, s19, $0xb8;
	[tilespmem:$0x1E00] =	vst v63  }
0x15a: {  	s1 =	rddreg [dreg:$0x10]  }
0x15b: {  	[tilespmem:s1], [sflag:$0x1] =	stream.indirect.gather [hbm4b:s15+s19], $0x1, s3, s19, $0xb8;
	[tilespmem:$0x1E00] =	vst v63  }
0x15c: {  	s0 =	rddreg [dreg:$0x11]  }
0x15d: {  	[tilespmem:s0], [sflag:$0x1] =	stream.indirect.gather [hbm4b:s17+s19], $0x1, s3, s19, $0xb8;
	[tilespmem:$0x1E00] =	vst v63  }
0x15e: {  	_ =	swait.ge [sflag:s20], $0x700  }
0x15f: {  	[sflag:s20] =	ssyncset.done $0x0  }
0x160: {  	s1 =	rddreg [dreg:$0x12];
	[sflag:s20] =	ssyncadd.s32 $0xFFFFF900  }
0x161: {  	[tilespmem:s1], [sflag:$0x1] =	stream.indirect.gather [hbm4b:s2+s19], $0x1, s19, s19, $0xb8;
	[tilespmem:$0x1E00] =	vst v63  }
0x162: {  	s3 =	rddreg [dreg:$0x13]  }
0x163: {  	[tilespmem:s3], [sflag:$0x1] =	stream.indirect.gather [hbm4b:s4+s19], $0x1, s19, s19, $0xb8;
	[tilespmem:$0x1E00] =	vst v63  }
0x164: {  	s0 =	rddreg [dreg:$0x14]  }
0x165: {  	[tilespmem:s0], [sflag:$0x1] =	stream.indirect.gather [hbm4b:s5+s19], $0x1, s19, s19, $0xb8;
	[tilespmem:$0x1E00] =	vst v63  }
0x166: {  	s3 =	rddreg [dreg:$0x15]  }
0x167: {  	[tilespmem:s3], [sflag:$0x1] =	stream.indirect.gather [hbm4b:s6+s19], $0x1, s19, s19, $0xb8;
	[tilespmem:$0x1E00] =	vst v63  }
0x168: {  	s0 =	rddreg [dreg:$0x16]  }
0x169: {  	[tilespmem:s0], [sflag:$0x1] =	stream.indirect.gather [hbm4b:s7+s19], $0x1, s19, s19, $0xb8;
	[tilespmem:$0x1E00] =	vst v63  }
0x16a: {  	s3 =	rddreg [dreg:$0x17]  }
0x16b: {  	[tilespmem:s3], [sflag:$0x1] =	stream.indirect.gather [hbm4b:s8+s19], $0x1, s19, s19, $0xb8;
	[tilespmem:$0x1E00] =	vst v63  }
0x16c: {  	s0 =	rddreg [dreg:$0x18]  }
0x16d: {  	[tilespmem:s0], [sflag:$0x1] =	stream.indirect.gather [hbm4b:s9+s19], $0x1, s19, s19, $0xb8;
	[tilespmem:$0x1E00] =	vst v63  }
0x16e: {  	s3 =	rddreg [dreg:$0x19]  }
0x16f: {  	[tilespmem:s3], [sflag:$0x1] =	stream.indirect.gather [hbm4b:s10+s19], $0x1, s19, s19, $0xb8;
	[tilespmem:$0x1E00] =	vst v63  }
0x170: {  	s0 =	rddreg [dreg:$0x1a]  }
0x171: {  	[tilespmem:s0], [sflag:$0x1] =	stream.indirect.gather [hbm4b:s11+s19], $0x1, s19, s19, $0xb8;
	[tilespmem:$0x1E00] =	vst v63  }
0x172: {  	s3 =	rddreg [dreg:$0x1b]  }
0x173: {  	[tilespmem:s3], [sflag:$0x1] =	stream.indirect.gather [hbm4b:s12+s19], $0x1, s19, s19, $0xb8;
	[tilespmem:$0x1E00] =	vst v63  }
0x174: {  	s0 =	rddreg [dreg:$0x1c]  }
0x175: {  	[tilespmem:s0], [sflag:$0x1] =	stream.indirect.gather [hbm4b:s13+s19], $0x1, s19, s19, $0xb8;
	[tilespmem:$0x1E00] =	vst v63  }
0x176: {  	s3 =	rddreg [dreg:$0x1d]  }
0x177: {  	[tilespmem:s3], [sflag:$0x1] =	stream.indirect.gather [hbm4b:s14+s19], $0x1, s19, s19, $0xb8;
	[tilespmem:$0x1E00] =	vst v63  }
0x178: {  	s0 =	rddreg [dreg:$0x1e]  }
0x179: {  	[tilespmem:s0], [sflag:$0x1] =	stream.indirect.gather [hbm4b:s15+s19], $0x1, s19, s19, $0xb8;
	[tilespmem:$0x1E00] =	vst v63  }
0x17a: {  	s3 =	rddreg [dreg:$0x1f]  }
0x17b: {  	[tilespmem:s3], [sflag:$0x1] =	stream.indirect.gather [hbm4b:s17+s19], $0x1, s19, s19, $0xb8;
	[tilespmem:$0x1E00] =	vst v63  }
0x17c: {  	_ =	swait.ge [sflag:s20], $0x700  }
0x17d: {  	s1 =	sld [smem:$0x7E9]  }
0x17e: {  	[sflag:s20] =	ssyncset.done $0x0  }
0x17f: {  	s3 =	sld [smem:$0x7EA];
	[sflag:s20] =	ssyncadd.s32 $0xFFFFF900  }
0x180: {  	[tilespmem:s1], [sflag:$0x1] =	stream.indirect.gather [hbm4b:s2+s19], $0x1, s31, s19, $0xb8;
	[tilespmem:$0x1E00] =	vst v63  }
0x181: {  	s0 =	sld [smem:$0x7EB]  }
0x182: {  	[tilespmem:s3], [sflag:$0x1] =	stream.indirect.gather [hbm4b:s4+s19], $0x1, s31, s19, $0xb8;
	[tilespmem:$0x1E00] =	vst v63  }
0x183: {  	s3 =	sld [smem:$0x7EC]  }
0x184: {  	[tilespmem:s0], [sflag:$0x1] =	stream.indirect.gather [hbm4b:s5+s19], $0x1, s31, s19, $0xb8;
	[tilespmem:$0x1E00] =	vst v63  }
0x185: {  	s0 =	sld [smem:$0x7ED]  }
0x186: {  	[tilespmem:s3], [sflag:$0x1] =	stream.indirect.gather [hbm4b:s6+s19], $0x1, s31, s19, $0xb8;
	[tilespmem:$0x1E00] =	vst v63  }
0x187: {  	s3 =	sld [smem:$0x7EE]  }
0x188: {  	[tilespmem:s0], [sflag:$0x1] =	stream.indirect.gather [hbm4b:s7+s19], $0x1, s31, s19, $0xb8;
	[tilespmem:$0x1E00] =	vst v63  }
0x189: {  	s0 =	sld [smem:$0x7EF]  }
0x18a: {  	[tilespmem:s3], [sflag:$0x1] =	stream.indirect.gather [hbm4b:s8+s19], $0x1, s31, s19, $0xb8;
	[tilespmem:$0x1E00] =	vst v63  }
0x18b: {  	s3 =	sld [smem:$0x7F0]  }
0x18c: {  	[tilespmem:s0], [sflag:$0x1] =	stream.indirect.gather [hbm4b:s9+s19], $0x1, s31, s19, $0xb8;
	[tilespmem:$0x1E00] =	vst v63  }
0x18d: {  	s0 =	sld [smem:$0x7F1]  }
0x18e: {  	[tilespmem:s3], [sflag:$0x1] =	stream.indirect.gather [hbm4b:s10+s19], $0x1, s31, s19, $0xb8;
	[tilespmem:$0x1E00] =	vst v63  }
0x18f: {  	s3 =	sld [smem:$0x7F2]  }
0x190: {  	[tilespmem:s0], [sflag:$0x1] =	stream.indirect.gather [hbm4b:s11+s19], $0x1, s31, s19, $0xb8;
	[tilespmem:$0x1E00] =	vst v63  }
0x191: {  	s0 =	sld [smem:$0x7F3]  }
0x192: {  	[tilespmem:s3], [sflag:$0x1] =	stream.indirect.gather [hbm4b:s12+s19], $0x1, s31, s19, $0xb8;
	[tilespmem:$0x1E00] =	vst v63  }
0x193: {  	s3 =	sld [smem:$0x7F4]  }
0x194: {  	[tilespmem:s0], [sflag:$0x1] =	stream.indirect.gather [hbm4b:s13+s19], $0x1, s31, s19, $0xb8;
	[tilespmem:$0x1E00] =	vst v63  }
0x195: {  	s0 =	sld [smem:$0x7F5]  }
0x196: {  	[tilespmem:s3], [sflag:$0x1] =	stream.indirect.gather [hbm4b:s14+s19], $0x1, s31, s19, $0xb8;
	[tilespmem:$0x1E00] =	vst v63  }
0x197: {  	s3 =	sld [smem:$0x7F6]  }
0x198: {  	[tilespmem:s0], [sflag:$0x1] =	stream.indirect.gather [hbm4b:s15+s19], $0x1, s31, s19, $0xb8;
	[tilespmem:$0x1E00] =	vst v63  }
0x199: {  	_ = 	snop  }
0x19a: {  	[tilespmem:s3], [sflag:$0x1] =	stream.indirect.gather [hbm4b:s17+s19], $0x1, s31, s19, $0xb8;
	[tilespmem:$0x1E00] =	vst v63  }
0x19b: {  	_ =	swait.ge [sflag:s20], $0x700  }
0x19c: {  	s3 =	sld [smem:$0x7F7]  }
0x19d: {  	[sflag:s20] =	ssyncset.done $0x0  }
0x19e: {  	s31 =	sld [smem:$0x7F8];
	[sflag:s20] =	ssyncadd.s32 $0xFFFFF900  }
0x19f: {  	[tilespmem:s3], [sflag:$0x1] =	stream.indirect.gather [hbm4b:s2+s19], $0x1, s21, s19, $0xb8;
	[tilespmem:$0x1E00] =	vst v63  }
0x1a0: {  	s3 =	sld [smem:$0x7F9]  }
0x1a1: {  	[tilespmem:s31], [sflag:$0x1] =	stream.indirect.gather [hbm4b:s4+s19], $0x1, s21, s19, $0xb8;
	[tilespmem:$0x1E00] =	vst v63  }
0x1a2: {  	s4 =	sld [smem:$0x7FA]  }
0x1a3: {  	[tilespmem:s3], [sflag:$0x1] =	stream.indirect.gather [hbm4b:s5+s19], $0x1, s21, s19, $0xb8;
	[tilespmem:$0x1E00] =	vst v63  }
0x1a4: {  	s5 =	sld [smem:$0x7FB]  }
0x1a5: {  	[tilespmem:s4], [sflag:$0x1] =	stream.indirect.gather [hbm4b:s6+s19], $0x1, s21, s19, $0xb8;
	[tilespmem:$0x1E00] =	vst v63  }
0x1a6: {  	s6 =	sld [smem:$0x7FC]  }
0x1a7: {  	[tilespmem:s5], [sflag:$0x1] =	stream.indirect.gather [hbm4b:s7+s19], $0x1, s21, s19, $0xb8;
	[tilespmem:$0x1E00] =	vst v63  }
0x1a8: {  	s7 =	sld [smem:$0x7FD]  }
0x1a9: {  	[tilespmem:s6], [sflag:$0x1] =	stream.indirect.gather [hbm4b:s8+s19], $0x1, s21, s19, $0xb8;
	[tilespmem:$0x1E00] =	vst v63  }
0x1aa: {  	_ = 	snop  }
0x1ab: {  	[tilespmem:s7], [sflag:$0x1] =	stream.indirect.gather [hbm4b:s9+s19], $0x1, s21, s19, $0xb8;
	[tilespmem:$0x1E00] =	vst v63  }
0x1ac: {  	_ = 	snop  }
0x1ad: {  	[tilespmem:s24], [sflag:$0x1] =	stream.indirect.gather [hbm4b:s10+s19], $0x1, s21, s19, $0xb8;
	[tilespmem:$0x1E00] =	vst v63  }
0x1ae: {  	_ = 	snop  }
0x1af: {  	[tilespmem:s25], [sflag:$0x1] =	stream.indirect.gather [hbm4b:s11+s19], $0x1, s21, s19, $0xb8;
	[tilespmem:$0x1E00] =	vst v63  }
0x1b0: {  	_ = 	snop  }
0x1b1: {  	[tilespmem:s26], [sflag:$0x1] =	stream.indirect.gather [hbm4b:s12+s19], $0x1, s21, s19, $0xb8;
	[tilespmem:$0x1E00] =	vst v63  }
0x1b2: {  	_ = 	snop  }
0x1b3: {  	[tilespmem:s28], [sflag:$0x1] =	stream.indirect.gather [hbm4b:s13+s19], $0x1, s21, s19, $0xb8;
	[tilespmem:$0x1E00] =	vst v63  }
0x1b4: {  	_ = 	snop  }
0x1b5: {  	[tilespmem:s29], [sflag:$0x1] =	stream.indirect.gather [hbm4b:s14+s19], $0x1, s21, s19, $0xb8;
	[tilespmem:$0x1E00] =	vst v63  }
0x1b6: {  	_ = 	snop  }
0x1b7: {  	[tilespmem:s30], [sflag:$0x1] =	stream.indirect.gather [hbm4b:s15+s19], $0x1, s21, s19, $0xb8;
	[tilespmem:$0x1E00] =	vst v63  }
0x1b8: {  	s29 =	simm.s32 $0x1D80  }
0x1b9: {  	[tilespmem:s29], [sflag:$0x1] =	stream.indirect.gather [hbm4b:s17+s19], $0x1, s21, s19, $0xb8;
	[tilespmem:$0x1E00] =	vst v63  }
0x1ba: {  	_ =	swait.ge [sflag:s20], $0x700  }
0x1bb: {  	[sflag:s20] =	ssyncset.done $0x0  }
0x1bc: {  	s30 =	rddreg [dreg:$0x4];
	[sflag:s20] =	ssyncadd.s32 $0xFFFFF900  }
0x1bd: {  	[hbm4b:s30+s18] =	stream.strided.scatter [tilespmem:s18], [sflag:$0x2], $0x1C00, s23, s18, $0x38;
	[tilespmem:$0x1E00] =	vst v63  }
0x1be: {  	_ =	swait.ge [sflag:s16], $0x1C00  }
0x1bf: {  	[sflag:s16] =	ssyncset.done $0x0  }
0x1c0: {  	[sflag:s16] =	ssyncadd.s32 $0xFFFFE400  }
0x1c1: {  	_ =	sfence.sel $0x180000  }
0x1c2: {  	s31 =	stileid.u32;
	[bflag:$0x0] =	sbarrier.arrive $0xFFFF  }
0x1c3: {  	p0 =	sne.s32 s31, $0x0;
	_ =	strace $0x90000053  }
0x1c4: {  	s0 =	sadd.s32 @!p0 $0x100000, s22;
	[bflag:$0x2] =	sbarrier.arrive $0xFFFF  }
0x1c5: {  	[sflag:s0] =	ssyncadd.tile.s32 @!p0 $0x1;
	_ =	shalt  }
.LBB2_1:
.Ltmp3:
0x1c6: {  	(pc) =	sbr.rel .LBB2_6-.Ltmp3, $4  }
0x1c7: {  	_ = 	snop  }
0x1c8: {  	s30 =	simm.s32 $0x1B80  }
0x1c9: {  	s29 =	simm.s32 $0x1980;
	s28 =	simm.s32 $0x1780;
	s26 =	simm.s32 $0x1580  }
0x1ca: {  	s25 =	simm.s32 $0x1380;
	s24 =	simm.s32 $0x1180;
	s23 =	simm.s32 $0x4000  }
.LBB2_3:
.Ltmp4:
0x1cb: {  	(pc) =	sbr.rel .LBB2_6-.Ltmp4, $4  }
0x1cc: {  	_ = 	snop  }
0x1cd: {  	s30 =	simm.s32 $0x1B80;
	s29 =	simm.s32 $0x1980  }
0x1ce: {  	s28 =	simm.s32 $0x1780;
	s26 =	simm.s32 $0x1580;
	s25 =	simm.s32 $0x1380  }
0x1cf: {  	s24 =	simm.s32 $0x1180;
	s23 =	simm.s32 $0x4000;
	s22 =	rddreg [dreg:$0x2]  }
.Lfunc_end2:
_tile_overlayer_lowered:
.L_overlay_start_2:
0x1d0: {  	(tag) =	ssettag $0x2  }
0x1d1: {  	s0 =	rddreg [dreg:$0x0];
	s2 =	stileid.u32  }
0x1d2: {  	s1 =	rddreg [dreg:$0x1];
	p0 =	sne.s32 s2, $0x0  }
0x1d3: {  	s3 =	rddreg [dreg:$0x2];
	[bflag:$0x3] =	sbarrier.arrive $0xFFFF;
	s2 =	simm.s32 @!p0 $0x1C02  }
0x1d4: {  	[timem:s3], [sflag:s2] =	dma.local @!p0 [hbm:s0], s1  }
0x1d5: {  	s0 =	simm.s32 @!p0 $0x2  }
0x1d6: {  	_ =	swait.ge @!p0 [sflag:s0], s1  }
0x1d7: {  	s1 =	ssub.s32 @!p0 $0x0, s1;
	[sflag:s0] =	ssyncset.done @!p0 $0x0  }
0x1d8: {  	[sflag:s0] =	ssyncadd.s32 @!p0 s1  }
0x1d9: {  	[bflag:$0x3] =	sbarrier.arrive $0xFFFF  }
0x1da: {  	_ =	shalt  }

</sc_bundles>
